<compile_context>
chip_gen: v7x
topology: tpu7x:2x2x1
jax: 0.10.2.dev20260603
libtpu: 0.0.44.dev20260713+nightly
codegen_flags: <defaults>
</compile_context>

<pallas_src>
import functools

import jax
import jax.numpy as jnp
from jax import lax
from jax.experimental import pallas as pl
from jax.experimental.pallas import tpu as pltpu
from jax.experimental.pallas import tpu_sc as plsc

M = 65664
K1 = 1025

NC = 2
NS = 16
NW = NC * NS
LT = 128
NT = M // LT
TPW = NT // NW
BN = 1024
GRID = pl.cdiv(M, BN)
IDX_ROWS = GRID * BN // LT

RC = ((0, 256), (256, 256), (512, 256), (768, 257))


def _tc_argmax_t(at, gt):

    def body(a_ref, g_ref, o_ref):
        x = a_ref[...] + g_ref[...]
        m = jnp.max(x, axis=0, keepdims=True)
        row = lax.broadcasted_iota(jnp.int32, x.shape, 0)
        o_ref[...] = jnp.min(jnp.where(x == m, row, K1), axis=0)[None, None, :]

    return pl.pallas_call(
        body,
        grid=(GRID,),
        in_specs=[
            pl.BlockSpec((K1, BN), lambda i: (0, i)),
            pl.BlockSpec((K1, BN), lambda i: (0, i)),
        ],
        out_specs=pl.BlockSpec((1, 1, BN), lambda i: (i, 0, 0)),
        out_shape=jax.ShapeDtypeStruct((GRID, 1, BN), jnp.int32),
    )(at, gt)


def _sc_onehot_t(idx2d):
    mesh = plsc.VectorSubcoreMesh(core_axis_name="c", subcore_axis_name="s")

    @functools.partial(
        pl.kernel,
        out_type=jax.ShapeDtypeStruct((K1, M), jnp.float32),
        mesh=mesh,
        scratch_types=(
            pltpu.VMEM((TPW + 8, LT), jnp.int32),
            pltpu.VMEM((RC[0][1], LT), jnp.float32),
            pltpu.VMEM((RC[3][1], LT), jnp.float32),
            pltpu.SemaphoreType.DMA,
            pltpu.SemaphoreType.DMA,
        ),
        compiler_params=pltpu.CompilerParams(
            use_tc_tiling_on_sc=True, needs_layout_passes=False
        ),
    )
    def run(idx_hbm, out_hbm, idx_v, buf0, buf1, sem0, sem1):
        wid = lax.axis_index("c") * NS + lax.axis_index("s")
        lanes = lax.iota(jnp.int32, 16)
        ones = jnp.ones((16,), jnp.float32)
        zeros = jnp.zeros((16,), jnp.float32)
        bufs = (buf0, buf1)
        sems = (sem0, sem1)

        pltpu.sync_copy(idx_hbm.at[pl.ds(wid * TPW, TPW)], idx_v.at[pl.ds(0, TPW)])

        @pl.when(wid == 0)
        def _():
            pltpu.sync_copy(
                idx_hbm.at[pl.ds(NW * TPW, 8)], idx_v.at[pl.ds(TPW, 8)]
            )

        for buf in bufs:
            def zero_row(r, _, buf=buf):
                for c in range(LT // 16):
                    buf[r, pl.ds(c * 16, 16)] = zeros
                return 0

            lax.fori_loop(0, buf.shape[0], zero_row, 0)

        def scat(b, jl, rc, value):
            r0, nr = RC[rc]
            for sub in range(LT // 16):
                iv = idx_v[jl, pl.ds(sub * 16, 16)]
                m = (iv >= r0) & (iv < r0 + nr)
                plsc.store_scatter(
                    bufs[b], [iv - r0, lanes + sub * 16], value, mask=m
                )

        def dma_refs(b, t, rc):
            r0, nr = RC[rc]
            src = bufs[b] if nr == bufs[b].shape[0] else bufs[b].at[pl.ds(0, nr)]
            dst = out_hbm.at[pl.ds(r0, nr), pl.ds(pl.multiple_of(t * LT, LT), LT)]
            return src, dst

        def fire(b, jl, t, rc):
            scat(b, jl, rc, ones)
            src, dst = dma_refs(b, t, rc)
            pltpu.async_copy(src, dst, sems[b])

        def drain(b, jl_prev, t_prev, rc_prev):
            src, dst = dma_refs(b, t_prev, rc_prev)
            pltpu.make_async_copy(src, dst, sems[b]).wait()
            scat(b, jl_prev, rc_prev, zeros)

        t0 = wid * TPW

        fire(0, 0, t0, 0)
        fire(1, 0, t0, 1)
        drain(0, 0, t0, 0)
        fire(0, 0, t0, 2)
        drain(1, 0, t0, 1)
        fire(1, 0, t0, 3)

        def tile_body(jl, _):
            t = t0 + jl
            drain(0, jl - 1, t - 1, 2)
            fire(0, jl, t, 0)
            drain(1, jl - 1, t - 1, 3)
            fire(1, jl, t, 1)
            drain(0, jl, t, 0)
            fire(0, jl, t, 2)
            drain(1, jl, t, 1)
            fire(1, jl, t, 3)
            return 0

        lax.fori_loop(1, TPW, tile_body, 0)

        @pl.when(wid == 0)
        def _():
            t = NW * TPW
            drain(0, TPW - 1, t0 + TPW - 1, 2)
            fire(0, TPW, t, 0)
            drain(1, TPW - 1, t0 + TPW - 1, 3)
            fire(1, TPW, t, 1)
            drain(0, TPW, t, 0)
            fire(0, TPW, t, 2)
            drain(1, TPW, t, 1)
            fire(1, TPW, t, 3)

        t_last = jnp.where(wid == 0, NW * TPW, t0 + TPW - 1)
        for b, rc in ((0, 2), (1, 3)):
            src, dst = dma_refs(b, t_last, rc)
            pltpu.make_async_copy(src, dst, sems[b]).wait()

    return run(idx2d)


def kernel(alpha, gumbels, tau):
    del tau
    idx3 = _tc_argmax_t(alpha.T, gumbels.T)
    idx2d = idx3.reshape(IDX_ROWS, LT)
    return _sc_onehot_t(idx2d).T

# --- scband reference (transcript-rebuilt; emitter-appended) ---
"""Pipeline reference for scband-occurrence-grid-15238543966363 (READ-ONLY COPY).

The authoritative reference and input builder live on the scoring server;
editing this copy changes nothing except your own understanding.
"""

import jax, jax.numpy as jnp
import numpy as np

F_DIM = 512
N_DIM = 512
K_DIM = 1024
# replicate torch default M with python operator precedence: (F+1)//2 * (N+1) // 2
M_DIM = (F_DIM + 1) // 2 * (N_DIM + 1) // 2  # = 65664


def setup_inputs(seed: int = 0) -> dict:
    key = jax.random.key(seed)
    k1, k2 = jax.random.split(key)
    alpha = jax.random.normal(k1, (M_DIM, K_DIM + 1), dtype=jnp.float32) * 0.01
    # gumbel noise materialized here for determinism (torch samples it inside F.gumbel_softmax)
    u = jax.random.uniform(k2, (M_DIM, K_DIM + 1), dtype=jnp.float32, minval=1e-9, maxval=1.0)
    gumbels = -jnp.log(-jnp.log(u))
    return {"alpha": alpha, "gumbels": gumbels, "tau": 1.0}


def reference(alpha, gumbels, tau):
    # gumbel-softmax (soft)
    logits = (alpha + gumbels) / tau
    soft = jax.nn.softmax(logits, axis=-1)
    # hard one-hot via argmax (scatter of 1.0 at argmax index)
    idx = jnp.argmax(soft, axis=-1)
    hard = jax.nn.one_hot(idx, soft.shape[-1], dtype=soft.dtype)
    # straight-through estimator: hard.detach() + soft - soft.detach()
    out = jax.lax.stop_gradient(hard) + soft - jax.lax.stop_gradient(soft)
    return out

if __name__ == "__main__":
    import jax
    _d = setup_inputs()
    print(jax.jit(kernel)(*tuple(_d.values())))

</pallas_src>

<mosaic_0001>
#map = affine_map<(d0, d1) -> (0, 0)>
module attributes {stable_mosaic.version = 14 : i64} {
  func.func @run(%arg0: i32, %arg1: i32, %arg2: memref<520x128xi32, #tpu.memory_space<hbm>>, %arg3: memref<1025x65664xf32, #tpu.memory_space<hbm>>, %arg4: memref<24x128xi32, #tpu.memory_space<vmem>>, %arg5: memref<256x128xf32, #tpu.memory_space<vmem>>, %arg6: memref<257x128xf32, #tpu.memory_space<vmem>>, %arg7: memref<!tpu.dma_semaphore, #tpu.memory_space<semaphore_mem>>, %arg8: memref<!tpu.dma_semaphore, #tpu.memory_space<semaphore_mem>>) attributes {dimension_semantics = [#tpu.dimension_semantics<core_parallel>, #tpu.dimension_semantics<subcore_parallel>], iteration_bounds = array<i64: 2, 16>, scalar_prefetch = 0 : i64, scratch_operands = 5 : i64, tpu.core_type = #tpu.core_type<sc_vector_subcore>, window_params = [{transform_indices = #map}, {transform_indices = #map}]} {
    %mul3A = arith.constant 16 : i32
    %mul3A_0 = arith.muli %arg0, %mul3A : i32
    %add3A = arith.addi %mul3A_0, %arg1 : i32
    %iota3A = tpu.iota {dimensions = array<i32: 0>} : vector<16xi32>
    %broadcast_in_dim3A = arith.constant 1.000000e+00 : f32
    %broadcast_in_dim3A_1 = vector.broadcast %broadcast_in_dim3A : f32 to vector<16xf32>
    %broadcast_in_dim3A_2 = arith.constant 0.000000e+00 : f32
    %broadcast_in_dim3A_3 = vector.broadcast %broadcast_in_dim3A_2 : f32 to vector<16xf32>
    %mul3A_4 = arith.constant 16 : i32
    %mul3A_5 = arith.muli %add3A, %mul3A_4 : i32
    "tpu.region"() ({
      %run_scoped3A = tpu.sem_alloc : memref<!tpu.dma_semaphore, #tpu.memory_space<semaphore_mem>>
      %dma_start3A_917 = arith.constant 0 : i32
      %dma_start3A_918 = arith.constant 0 : i32
      %dma_start3A_919 = tpu.memref_slice %arg4[%dma_start3A_917, %dma_start3A_918] : memref<24x128xi32, #tpu.memory_space<vmem>> -> memref<16x128xi32, #tpu.memory_space<vmem>>
      %dma_start3A_920 = arith.constant 0 : i32
      %dma_start3A_921 = tpu.memref_slice %arg2[%mul3A_5, %dma_start3A_920] : memref<520x128xi32, #tpu.memory_space<hbm>> -> memref<16x128xi32, #tpu.memory_space<hbm>>
      %dma_start3A_922 = arith.constant 0 : i32
      %dma_start3A_923 = arith.constant 0 : i32
      %dma_start3A_924 = tpu.memref_slice %arg4[%dma_start3A_922, %dma_start3A_923] : memref<24x128xi32, #tpu.memory_space<vmem>> -> memref<16x128xi32, #tpu.memory_space<vmem>>
      %dma_start3A_925 = arith.constant 0 : i32
      %dma_start3A_926 = tpu.memref_slice %arg2[%mul3A_5, %dma_start3A_925] : memref<520x128xi32, #tpu.memory_space<hbm>> -> memref<16x128xi32, #tpu.memory_space<hbm>>
      tpu.enqueue_dma source(%dma_start3A_926 : memref<16x128xi32, #tpu.memory_space<hbm>>) target(%dma_start3A_924 : memref<16x128xi32, #tpu.memory_space<vmem>>) target_semaphore(%run_scoped3A : memref<!tpu.dma_semaphore, #tpu.memory_space<semaphore_mem>>)
      %dma_wait3A_927 = arith.constant 0 : i32
      %dma_wait3A_928 = arith.constant 0 : i32
      %dma_wait3A_929 = tpu.memref_slice %arg4[%dma_wait3A_927, %dma_wait3A_928] : memref<24x128xi32, #tpu.memory_space<vmem>> -> memref<16x128xi32, #tpu.memory_space<vmem>>
      %dma_wait3A_930 = arith.constant 0 : i32
      %dma_wait3A_931 = tpu.memref_slice %arg2[%mul3A_5, %dma_wait3A_930] : memref<520x128xi32, #tpu.memory_space<hbm>> -> memref<16x128xi32, #tpu.memory_space<hbm>>
      %dma_wait3A_932 = arith.constant 0 : i32
      %dma_wait3A_933 = arith.constant 0 : i32
      %dma_wait3A_934 = tpu.memref_slice %arg4[%dma_wait3A_932, %dma_wait3A_933] : memref<24x128xi32, #tpu.memory_space<vmem>> -> memref<16x128xi32, #tpu.memory_space<vmem>>
      %dma_wait3A_935 = arith.constant 0 : i32
      %dma_wait3A_936 = tpu.memref_slice %arg2[%mul3A_5, %dma_wait3A_935] : memref<520x128xi32, #tpu.memory_space<hbm>> -> memref<16x128xi32, #tpu.memory_space<hbm>>
      tpu.wait_dma2 semaphore(%run_scoped3A : memref<!tpu.dma_semaphore, #tpu.memory_space<semaphore_mem>>) src(%dma_wait3A_936 : memref<16x128xi32, #tpu.memory_space<hbm>>) dst(%dma_wait3A_934 : memref<16x128xi32, #tpu.memory_space<vmem>>)
      tpu.yield
    }) : () -> ()
    %eq3A = arith.constant 0 : i32
    %eq3A_6 = arith.cmpi eq, %add3A, %eq3A : i32
    %convert_element_type3A = arith.extui %eq3A_6 : i1 to i32
    %cond3A = arith.constant 0 : i32
    %cond3A_7 = arith.cmpi ne, %convert_element_type3A, %cond3A : i32
    scf.if %cond3A_7 {
      "tpu.region"() ({
        %run_scoped3A = tpu.sem_alloc : memref<!tpu.dma_semaphore, #tpu.memory_space<semaphore_mem>>
        %dma_start3A_917 = arith.constant 16 : i32
        %dma_start3A_918 = arith.constant 0 : i32
        %dma_start3A_919 = tpu.memref_slice %arg4[%dma_start3A_917, %dma_start3A_918] : memref<24x128xi32, #tpu.memory_space<vmem>> -> memref<8x128xi32, #tpu.memory_space<vmem>>
        %dma_start3A_920 = arith.constant 512 : i32
        %dma_start3A_921 = arith.constant 0 : i32
        %dma_start3A_922 = tpu.memref_slice %arg2[%dma_start3A_920, %dma_start3A_921] : memref<520x128xi32, #tpu.memory_space<hbm>> -> memref<8x128xi32, #tpu.memory_space<hbm>>
        %dma_start3A_923 = arith.constant 16 : i32
        %dma_start3A_924 = arith.constant 0 : i32
        %dma_start3A_925 = tpu.memref_slice %arg4[%dma_start3A_923, %dma_start3A_924] : memref<24x128xi32, #tpu.memory_space<vmem>> -> memref<8x128xi32, #tpu.memory_space<vmem>>
        %dma_start3A_926 = arith.constant 512 : i32
        %dma_start3A_927 = arith.constant 0 : i32
        %dma_start3A_928 = tpu.memref_slice %arg2[%dma_start3A_926, %dma_start3A_927] : memref<520x128xi32, #tpu.memory_space<hbm>> -> memref<8x128xi32, #tpu.memory_space<hbm>>
        tpu.enqueue_dma source(%dma_start3A_928 : memref<8x128xi32, #tpu.memory_space<hbm>>) target(%dma_start3A_925 : memref<8x128xi32, #tpu.memory_space<vmem>>) target_semaphore(%run_scoped3A : memref<!tpu.dma_semaphore, #tpu.memory_space<semaphore_mem>>)
        %dma_wait3A_929 = arith.constant 16 : i32
        %dma_wait3A_930 = arith.constant 0 : i32
        %dma_wait3A_931 = tpu.memref_slice %arg4[%dma_wait3A_929, %dma_wait3A_930] : memref<24x128xi32, #tpu.memory_space<vmem>> -> memref<8x128xi32, #tpu.memory_space<vmem>>
        %dma_wait3A_932 = arith.constant 512 : i32
        %dma_wait3A_933 = arith.constant 0 : i32
        %dma_wait3A_934 = tpu.memref_slice %arg2[%dma_wait3A_932, %dma_wait3A_933] : memref<520x128xi32, #tpu.memory_space<hbm>> -> memref<8x128xi32, #tpu.memory_space<hbm>>
        %dma_wait3A_935 = arith.constant 16 : i32
        %dma_wait3A_936 = arith.constant 0 : i32
        %dma_wait3A_937 = tpu.memref_slice %arg4[%dma_wait3A_935, %dma_wait3A_936] : memref<24x128xi32, #tpu.memory_space<vmem>> -> memref<8x128xi32, #tpu.memory_space<vmem>>
        %dma_wait3A_938 = arith.constant 512 : i32
        %dma_wait3A_939 = arith.constant 0 : i32
        %dma_wait3A_940 = tpu.memref_slice %arg2[%dma_wait3A_938, %dma_wait3A_939] : memref<520x128xi32, #tpu.memory_space<hbm>> -> memref<8x128xi32, #tpu.memory_space<hbm>>
        tpu.wait_dma2 semaphore(%run_scoped3A : memref<!tpu.dma_semaphore, #tpu.memory_space<semaphore_mem>>) src(%dma_wait3A_940 : memref<8x128xi32, #tpu.memory_space<hbm>>) dst(%dma_wait3A_937 : memref<8x128xi32, #tpu.memory_space<vmem>>)
        tpu.yield
      }) : () -> ()
    } else {
    }
    %scan3A = arith.constant 0 : i32
    %scan3A_8 = arith.constant 0 : i32
    %scan3A_9 = arith.constant 256 : i32
    %scan3A_10 = arith.addi %scan3A_8, %scan3A_9 : i32
    %scan3A_11 = arith.constant 1 : i32
    %scan3A_12 = scf.for %scan3A_917 = %scan3A_8 to %scan3A_10 step %scan3A_11 iter_args(%scan3A_918 = %scan3A) -> (i32)  : i32 {
      %swap3A = arith.index_cast %scan3A_917 : i32 to index
      %swap3A_919 = arith.constant 0 : index
      %swap3A_920 = tpu.vector_load %arg5[%swap3A, %swap3A_919] {strides = array<i32>} : memref<256x128xf32, #tpu.memory_space<vmem>>, vector<16xf32>,
      tpu.vector_store %arg5[%swap3A, %swap3A_919], %broadcast_in_dim3A_3 {strides = array<i32>} : memref<256x128xf32, #tpu.memory_space<vmem>>, vector<16xf32>,
      %swap3A_921 = arith.index_cast %scan3A_917 : i32 to index
      %swap3A_922 = arith.constant 16 : index
      %swap3A_923 = tpu.vector_load %arg5[%swap3A_921, %swap3A_922] {strides = array<i32>} : memref<256x128xf32, #tpu.memory_space<vmem>>, vector<16xf32>,
      tpu.vector_store %arg5[%swap3A_921, %swap3A_922], %broadcast_in_dim3A_3 {strides = array<i32>} : memref<256x128xf32, #tpu.memory_space<vmem>>, vector<16xf32>,
      %swap3A_924 = arith.index_cast %scan3A_917 : i32 to index
      %swap3A_925 = arith.constant 32 : index
      %swap3A_926 = tpu.vector_load %arg5[%swap3A_924, %swap3A_925] {strides = array<i32>} : memref<256x128xf32, #tpu.memory_space<vmem>>, vector<16xf32>,
      tpu.vector_store %arg5[%swap3A_924, %swap3A_925], %broadcast_in_dim3A_3 {strides = array<i32>} : memref<256x128xf32, #tpu.memory_space<vmem>>, vector<16xf32>,
      %swap3A_927 = arith.index_cast %scan3A_917 : i32 to index
      %swap3A_928 = arith.constant 48 : index
      %swap3A_929 = tpu.vector_load %arg5[%swap3A_927, %swap3A_928] {strides = array<i32>} : memref<256x128xf32, #tpu.memory_space<vmem>>, vector<16xf32>,
      tpu.vector_store %arg5[%swap3A_927, %swap3A_928], %broadcast_in_dim3A_3 {strides = array<i32>} : memref<256x128xf32, #tpu.memory_space<vmem>>, vector<16xf32>,
      %swap3A_930 = arith.index_cast %scan3A_917 : i32 to index
      %swap3A_931 = arith.constant 64 : index
      %swap3A_932 = tpu.vector_load %arg5[%swap3A_930, %swap3A_931] {strides = array<i32>} : memref<256x128xf32, #tpu.memory_space<vmem>>, vector<16xf32>,
      tpu.vector_store %arg5[%swap3A_930, %swap3A_931], %broadcast_in_dim3A_3 {strides = array<i32>} : memref<256x128xf32, #tpu.memory_space<vmem>>, vector<16xf32>,
      %swap3A_933 = arith.index_cast %scan3A_917 : i32 to index
      %swap3A_934 = arith.constant 80 : index
      %swap3A_935 = tpu.vector_load %arg5[%swap3A_933, %swap3A_934] {strides = array<i32>} : memref<256x128xf32, #tpu.memory_space<vmem>>, vector<16xf32>,
      tpu.vector_store %arg5[%swap3A_933, %swap3A_934], %broadcast_in_dim3A_3 {strides = array<i32>} : memref<256x128xf32, #tpu.memory_space<vmem>>, vector<16xf32>,
      %swap3A_936 = arith.index_cast %scan3A_917 : i32 to index
      %swap3A_937 = arith.constant 96 : index
      %swap3A_938 = tpu.vector_load %arg5[%swap3A_936, %swap3A_937] {strides = array<i32>} : memref<256x128xf32, #tpu.memory_space<vmem>>, vector<16xf32>,
      tpu.vector_store %arg5[%swap3A_936, %swap3A_937], %broadcast_in_dim3A_3 {strides = array<i32>} : memref<256x128xf32, #tpu.memory_space<vmem>>, vector<16xf32>,
      %swap3A_939 = arith.index_cast %scan3A_917 : i32 to index
      %swap3A_940 = arith.constant 112 : index
      %swap3A_941 = tpu.vector_load %arg5[%swap3A_939, %swap3A_940] {strides = array<i32>} : memref<256x128xf32, #tpu.memory_space<vmem>>, vector<16xf32>,
      tpu.vector_store %arg5[%swap3A_939, %swap3A_940], %broadcast_in_dim3A_3 {strides = array<i32>} : memref<256x128xf32, #tpu.memory_space<vmem>>, vector<16xf32>,
      %scan3A_942 = arith.constant 0 : i32
      scf.yield %scan3A_942 : i32
    }
    %scan3A_13 = arith.constant 256 : i32
    %scan3A_14 = arith.constant 0 : i32
    %scan3A_15 = arith.constant 0 : i32
    %scan3A_16 = arith.constant 257 : i32
    %scan3A_17 = arith.addi %scan3A_15, %scan3A_16 : i32
    %scan3A_18 = arith.constant 1 : i32
    %scan3A_19 = scf.for %scan3A_917 = %scan3A_15 to %scan3A_17 step %scan3A_18 iter_args(%scan3A_918 = %scan3A_14) -> (i32)  : i32 {
      %swap3A = arith.index_cast %scan3A_917 : i32 to index
      %swap3A_919 = arith.constant 0 : index
      %swap3A_920 = tpu.vector_load %arg6[%swap3A, %swap3A_919] {strides = array<i32>} : memref<257x128xf32, #tpu.memory_space<vmem>>, vector<16xf32>,
      tpu.vector_store %arg6[%swap3A, %swap3A_919], %broadcast_in_dim3A_3 {strides = array<i32>} : memref<257x128xf32, #tpu.memory_space<vmem>>, vector<16xf32>,
      %swap3A_921 = arith.index_cast %scan3A_917 : i32 to index
      %swap3A_922 = arith.constant 16 : index
      %swap3A_923 = tpu.vector_load %arg6[%swap3A_921, %swap3A_922] {strides = array<i32>} : memref<257x128xf32, #tpu.memory_space<vmem>>, vector<16xf32>,
      tpu.vector_store %arg6[%swap3A_921, %swap3A_922], %broadcast_in_dim3A_3 {strides = array<i32>} : memref<257x128xf32, #tpu.memory_space<vmem>>, vector<16xf32>,
      %swap3A_924 = arith.index_cast %scan3A_917 : i32 to index
      %swap3A_925 = arith.constant 32 : index
      %swap3A_926 = tpu.vector_load %arg6[%swap3A_924, %swap3A_925] {strides = array<i32>} : memref<257x128xf32, #tpu.memory_space<vmem>>, vector<16xf32>,
      tpu.vector_store %arg6[%swap3A_924, %swap3A_925], %broadcast_in_dim3A_3 {strides = array<i32>} : memref<257x128xf32, #tpu.memory_space<vmem>>, vector<16xf32>,
      %swap3A_927 = arith.index_cast %scan3A_917 : i32 to index
      %swap3A_928 = arith.constant 48 : index
      %swap3A_929 = tpu.vector_load %arg6[%swap3A_927, %swap3A_928] {strides = array<i32>} : memref<257x128xf32, #tpu.memory_space<vmem>>, vector<16xf32>,
      tpu.vector_store %arg6[%swap3A_927, %swap3A_928], %broadcast_in_dim3A_3 {strides = array<i32>} : memref<257x128xf32, #tpu.memory_space<vmem>>, vector<16xf32>,
      %swap3A_930 = arith.index_cast %scan3A_917 : i32 to index
      %swap3A_931 = arith.constant 64 : index
      %swap3A_932 = tpu.vector_load %arg6[%swap3A_930, %swap3A_931] {strides = array<i32>} : memref<257x128xf32, #tpu.memory_space<vmem>>, vector<16xf32>,
      tpu.vector_store %arg6[%swap3A_930, %swap3A_931], %broadcast_in_dim3A_3 {strides = array<i32>} : memref<257x128xf32, #tpu.memory_space<vmem>>, vector<16xf32>,
      %swap3A_933 = arith.index_cast %scan3A_917 : i32 to index
      %swap3A_934 = arith.constant 80 : index
      %swap3A_935 = tpu.vector_load %arg6[%swap3A_933, %swap3A_934] {strides = array<i32>} : memref<257x128xf32, #tpu.memory_space<vmem>>, vector<16xf32>,
      tpu.vector_store %arg6[%swap3A_933, %swap3A_934], %broadcast_in_dim3A_3 {strides = array<i32>} : memref<257x128xf32, #tpu.memory_space<vmem>>, vector<16xf32>,
      %swap3A_936 = arith.index_cast %scan3A_917 : i32 to index
      %swap3A_937 = arith.constant 96 : index
      %swap3A_938 = tpu.vector_load %arg6[%swap3A_936, %swap3A_937] {strides = array<i32>} : memref<257x128xf32, #tpu.memory_space<vmem>>, vector<16xf32>,
      tpu.vector_store %arg6[%swap3A_936, %swap3A_937], %broadcast_in_dim3A_3 {strides = array<i32>} : memref<257x128xf32, #tpu.memory_space<vmem>>, vector<16xf32>,
      %swap3A_939 = arith.index_cast %scan3A_917 : i32 to index
      %swap3A_940 = arith.constant 112 : index
      %swap3A_941 = tpu.vector_load %arg6[%swap3A_939, %swap3A_940] {strides = array<i32>} : memref<257x128xf32, #tpu.memory_space<vmem>>, vector<16xf32>,
      tpu.vector_store %arg6[%swap3A_939, %swap3A_940], %broadcast_in_dim3A_3 {strides = array<i32>} : memref<257x128xf32, #tpu.memory_space<vmem>>, vector<16xf32>,
      %scan3A_942 = arith.constant 0 : i32
      scf.yield %scan3A_942 : i32
    }
    %scan3A_20 = arith.constant 257 : i32
    %mul3A_21 = arith.constant 16 : i32
    %mul3A_22 = arith.muli %add3A, %mul3A_21 : i32
    %get3A = arith.constant 0 : i32
    %get3A_23 = arith.index_cast %get3A : i32 to index
    %get3A_24 = arith.constant 0 : index
    %get3A_25 = tpu.vector_load %arg4[%get3A_23, %get3A_24] {strides = array<i32>} : memref<24x128xi32, #tpu.memory_space<vmem>>, vector<16xi32>,
    %ge3A = arith.constant 0 : i32
    %ge3A_26 = vector.broadcast %ge3A : i32 to vector<16xi32>
    %ge3A_27 = arith.cmpi sge, %get3A_25, %ge3A_26 : vector<16xi32>
    %lt3A = arith.constant 256 : i32
    %lt3A_28 = vector.broadcast %lt3A : i32 to vector<16xi32>
    %lt3A_29 = arith.cmpi slt, %get3A_25, %lt3A_28 : vector<16xi32>
    %and3A = arith.andi %ge3A_27, %lt3A_29 : vector<16xi1>
    %sub3A = arith.constant 0 : i32
    %sub3A_30 = vector.broadcast %sub3A : i32 to vector<16xi32>
    %sub3A_31 = arith.subi %get3A_25, %sub3A_30 : vector<16xi32>
    %add3A_32 = arith.constant 0 : i32
    %add3A_33 = vector.broadcast %add3A_32 : i32 to vector<16xi32>
    %add3A_34 = arith.addi %iota3A, %add3A_33 : vector<16xi32>
    tpu.vector_store_idx %arg5[%sub3A_31, %add3A_34], %broadcast_in_dim3A_1 masked %and3A : memref<256x128xf32, #tpu.memory_space<vmem>>[vector<16xi32>, vector<16xi32>], vector<16xf32>, vector<16xi1>
    %get3A_35 = arith.constant 0 : i32
    %get3A_36 = arith.index_cast %get3A_35 : i32 to index
    %get3A_37 = arith.constant 16 : index
    %get3A_38 = tpu.vector_load %arg4[%get3A_36, %get3A_37] {strides = array<i32>} : memref<24x128xi32, #tpu.memory_space<vmem>>, vector<16xi32>,
    %ge3A_39 = arith.constant 0 : i32
    %ge3A_40 = vector.broadcast %ge3A_39 : i32 to vector<16xi32>
    %ge3A_41 = arith.cmpi sge, %get3A_38, %ge3A_40 : vector<16xi32>
    %lt3A_42 = arith.constant 256 : i32
    %lt3A_43 = vector.broadcast %lt3A_42 : i32 to vector<16xi32>
    %lt3A_44 = arith.cmpi slt, %get3A_38, %lt3A_43 : vector<16xi32>
    %and3A_45 = arith.andi %ge3A_41, %lt3A_44 : vector<16xi1>
    %sub3A_46 = arith.constant 0 : i32
    %sub3A_47 = vector.broadcast %sub3A_46 : i32 to vector<16xi32>
    %sub3A_48 = arith.subi %get3A_38, %sub3A_47 : vector<16xi32>
    %add3A_49 = arith.constant 16 : i32
    %add3A_50 = vector.broadcast %add3A_49 : i32 to vector<16xi32>
    %add3A_51 = arith.addi %iota3A, %add3A_50 : vector<16xi32>
    tpu.vector_store_idx %arg5[%sub3A_48, %add3A_51], %broadcast_in_dim3A_1 masked %and3A_45 : memref<256x128xf32, #tpu.memory_space<vmem>>[vector<16xi32>, vector<16xi32>], vector<16xf32>, vector<16xi1>
    %get3A_52 = arith.constant 0 : i32
    %get3A_53 = arith.index_cast %get3A_52 : i32 to index
    %get3A_54 = arith.constant 32 : index
    %get3A_55 = tpu.vector_load %arg4[%get3A_53, %get3A_54] {strides = array<i32>} : memref<24x128xi32, #tpu.memory_space<vmem>>, vector<16xi32>,
    %ge3A_56 = arith.constant 0 : i32
    %ge3A_57 = vector.broadcast %ge3A_56 : i32 to vector<16xi32>
    %ge3A_58 = arith.cmpi sge, %get3A_55, %ge3A_57 : vector<16xi32>
    %lt3A_59 = arith.constant 256 : i32
    %lt3A_60 = vector.broadcast %lt3A_59 : i32 to vector<16xi32>
    %lt3A_61 = arith.cmpi slt, %get3A_55, %lt3A_60 : vector<16xi32>
    %and3A_62 = arith.andi %ge3A_58, %lt3A_61 : vector<16xi1>
    %sub3A_63 = arith.constant 0 : i32
    %sub3A_64 = vector.broadcast %sub3A_63 : i32 to vector<16xi32>
    %sub3A_65 = arith.subi %get3A_55, %sub3A_64 : vector<16xi32>
    %add3A_66 = arith.constant 32 : i32
    %add3A_67 = vector.broadcast %add3A_66 : i32 to vector<16xi32>
    %add3A_68 = arith.addi %iota3A, %add3A_67 : vector<16xi32>
    tpu.vector_store_idx %arg5[%sub3A_65, %add3A_68], %broadcast_in_dim3A_1 masked %and3A_62 : memref<256x128xf32, #tpu.memory_space<vmem>>[vector<16xi32>, vector<16xi32>], vector<16xf32>, vector<16xi1>
    %get3A_69 = arith.constant 0 : i32
    %get3A_70 = arith.index_cast %get3A_69 : i32 to index
    %get3A_71 = arith.constant 48 : index
    %get3A_72 = tpu.vector_load %arg4[%get3A_70, %get3A_71] {strides = array<i32>} : memref<24x128xi32, #tpu.memory_space<vmem>>, vector<16xi32>,
    %ge3A_73 = arith.constant 0 : i32
    %ge3A_74 = vector.broadcast %ge3A_73 : i32 to vector<16xi32>
    %ge3A_75 = arith.cmpi sge, %get3A_72, %ge3A_74 : vector<16xi32>
    %lt3A_76 = arith.constant 256 : i32
    %lt3A_77 = vector.broadcast %lt3A_76 : i32 to vector<16xi32>
    %lt3A_78 = arith.cmpi slt, %get3A_72, %lt3A_77 : vector<16xi32>
    %and3A_79 = arith.andi %ge3A_75, %lt3A_78 : vector<16xi1>
    %sub3A_80 = arith.constant 0 : i32
    %sub3A_81 = vector.broadcast %sub3A_80 : i32 to vector<16xi32>
    %sub3A_82 = arith.subi %get3A_72, %sub3A_81 : vector<16xi32>
    %add3A_83 = arith.constant 48 : i32
    %add3A_84 = vector.broadcast %add3A_83 : i32 to vector<16xi32>
    %add3A_85 = arith.addi %iota3A, %add3A_84 : vector<16xi32>
    tpu.vector_store_idx %arg5[%sub3A_82, %add3A_85], %broadcast_in_dim3A_1 masked %and3A_79 : memref<256x128xf32, #tpu.memory_space<vmem>>[vector<16xi32>, vector<16xi32>], vector<16xf32>, vector<16xi1>
    %get3A_86 = arith.constant 0 : i32
    %get3A_87 = arith.index_cast %get3A_86 : i32 to index
    %get3A_88 = arith.constant 64 : index
    %get3A_89 = tpu.vector_load %arg4[%get3A_87, %get3A_88] {strides = array<i32>} : memref<24x128xi32, #tpu.memory_space<vmem>>, vector<16xi32>,
    %ge3A_90 = arith.constant 0 : i32
    %ge3A_91 = vector.broadcast %ge3A_90 : i32 to vector<16xi32>
    %ge3A_92 = arith.cmpi sge, %get3A_89, %ge3A_91 : vector<16xi32>
    %lt3A_93 = arith.constant 256 : i32
    %lt3A_94 = vector.broadcast %lt3A_93 : i32 to vector<16xi32>
    %lt3A_95 = arith.cmpi slt, %get3A_89, %lt3A_94 : vector<16xi32>
    %and3A_96 = arith.andi %ge3A_92, %lt3A_95 : vector<16xi1>
    %sub3A_97 = arith.constant 0 : i32
    %sub3A_98 = vector.broadcast %sub3A_97 : i32 to vector<16xi32>
    %sub3A_99 = arith.subi %get3A_89, %sub3A_98 : vector<16xi32>
    %add3A_100 = arith.constant 64 : i32
    %add3A_101 = vector.broadcast %add3A_100 : i32 to vector<16xi32>
    %add3A_102 = arith.addi %iota3A, %add3A_101 : vector<16xi32>
    tpu.vector_store_idx %arg5[%sub3A_99, %add3A_102], %broadcast_in_dim3A_1 masked %and3A_96 : memref<256x128xf32, #tpu.memory_space<vmem>>[vector<16xi32>, vector<16xi32>], vector<16xf32>, vector<16xi1>
    %get3A_103 = arith.constant 0 : i32
    %get3A_104 = arith.index_cast %get3A_103 : i32 to index
    %get3A_105 = arith.constant 80 : index
    %get3A_106 = tpu.vector_load %arg4[%get3A_104, %get3A_105] {strides = array<i32>} : memref<24x128xi32, #tpu.memory_space<vmem>>, vector<16xi32>,
    %ge3A_107 = arith.constant 0 : i32
    %ge3A_108 = vector.broadcast %ge3A_107 : i32 to vector<16xi32>
    %ge3A_109 = arith.cmpi sge, %get3A_106, %ge3A_108 : vector<16xi32>
    %lt3A_110 = arith.constant 256 : i32
    %lt3A_111 = vector.broadcast %lt3A_110 : i32 to vector<16xi32>
    %lt3A_112 = arith.cmpi slt, %get3A_106, %lt3A_111 : vector<16xi32>
    %and3A_113 = arith.andi %ge3A_109, %lt3A_112 : vector<16xi1>
    %sub3A_114 = arith.constant 0 : i32
    %sub3A_115 = vector.broadcast %sub3A_114 : i32 to vector<16xi32>
    %sub3A_116 = arith.subi %get3A_106, %sub3A_115 : vector<16xi32>
    %add3A_117 = arith.constant 80 : i32
    %add3A_118 = vector.broadcast %add3A_117 : i32 to vector<16xi32>
    %add3A_119 = arith.addi %iota3A, %add3A_118 : vector<16xi32>
    tpu.vector_store_idx %arg5[%sub3A_116, %add3A_119], %broadcast_in_dim3A_1 masked %and3A_113 : memref<256x128xf32, #tpu.memory_space<vmem>>[vector<16xi32>, vector<16xi32>], vector<16xf32>, vector<16xi1>
    %get3A_120 = arith.constant 0 : i32
    %get3A_121 = arith.index_cast %get3A_120 : i32 to index
    %get3A_122 = arith.constant 96 : index
    %get3A_123 = tpu.vector_load %arg4[%get3A_121, %get3A_122] {strides = array<i32>} : memref<24x128xi32, #tpu.memory_space<vmem>>, vector<16xi32>,
    %ge3A_124 = arith.constant 0 : i32
    %ge3A_125 = vector.broadcast %ge3A_124 : i32 to vector<16xi32>
    %ge3A_126 = arith.cmpi sge, %get3A_123, %ge3A_125 : vector<16xi32>
    %lt3A_127 = arith.constant 256 : i32
    %lt3A_128 = vector.broadcast %lt3A_127 : i32 to vector<16xi32>
    %lt3A_129 = arith.cmpi slt, %get3A_123, %lt3A_128 : vector<16xi32>
    %and3A_130 = arith.andi %ge3A_126, %lt3A_129 : vector<16xi1>
    %sub3A_131 = arith.constant 0 : i32
    %sub3A_132 = vector.broadcast %sub3A_131 : i32 to vector<16xi32>
    %sub3A_133 = arith.subi %get3A_123, %sub3A_132 : vector<16xi32>
    %add3A_134 = arith.constant 96 : i32
    %add3A_135 = vector.broadcast %add3A_134 : i32 to vector<16xi32>
    %add3A_136 = arith.addi %iota3A, %add3A_135 : vector<16xi32>
    tpu.vector_store_idx %arg5[%sub3A_133, %add3A_136], %broadcast_in_dim3A_1 masked %and3A_130 : memref<256x128xf32, #tpu.memory_space<vmem>>[vector<16xi32>, vector<16xi32>], vector<16xf32>, vector<16xi1>
    %get3A_137 = arith.constant 0 : i32
    %get3A_138 = arith.index_cast %get3A_137 : i32 to index
    %get3A_139 = arith.constant 112 : index
    %get3A_140 = tpu.vector_load %arg4[%get3A_138, %get3A_139] {strides = array<i32>} : memref<24x128xi32, #tpu.memory_space<vmem>>, vector<16xi32>,
    %ge3A_141 = arith.constant 0 : i32
    %ge3A_142 = vector.broadcast %ge3A_141 : i32 to vector<16xi32>
    %ge3A_143 = arith.cmpi sge, %get3A_140, %ge3A_142 : vector<16xi32>
    %lt3A_144 = arith.constant 256 : i32
    %lt3A_145 = vector.broadcast %lt3A_144 : i32 to vector<16xi32>
    %lt3A_146 = arith.cmpi slt, %get3A_140, %lt3A_145 : vector<16xi32>
    %and3A_147 = arith.andi %ge3A_143, %lt3A_146 : vector<16xi1>
    %sub3A_148 = arith.constant 0 : i32
    %sub3A_149 = vector.broadcast %sub3A_148 : i32 to vector<16xi32>
    %sub3A_150 = arith.subi %get3A_140, %sub3A_149 : vector<16xi32>
    %add3A_151 = arith.constant 112 : i32
    %add3A_152 = vector.broadcast %add3A_151 : i32 to vector<16xi32>
    %add3A_153 = arith.addi %iota3A, %add3A_152 : vector<16xi32>
    tpu.vector_store_idx %arg5[%sub3A_150, %add3A_153], %broadcast_in_dim3A_1 masked %and3A_147 : memref<256x128xf32, #tpu.memory_space<vmem>>[vector<16xi32>, vector<16xi32>], vector<16xf32>, vector<16xi1>
    %mul3A_154 = arith.constant 128 : i32
    %mul3A_155 = arith.muli %mul3A_22, %mul3A_154 : i32
    %multiple_of3A = tpu.assume_multiple %mul3A_155, 128 : i32
    %dma_start3A = arith.constant 0 : i32
    %dma_start3A_156 = tpu.memref_slice %arg3[%dma_start3A, %multiple_of3A] : memref<1025x65664xf32, #tpu.memory_space<hbm>> -> memref<256x128xf32, #tpu.memory_space<hbm>>
    %dma_start3A_157 = arith.constant 0 : i32
    %dma_start3A_158 = tpu.memref_slice %arg3[%dma_start3A_157, %multiple_of3A] : memref<1025x65664xf32, #tpu.memory_space<hbm>> -> memref<256x128xf32, #tpu.memory_space<hbm>>
    tpu.enqueue_dma source(%arg5 : memref<256x128xf32, #tpu.memory_space<vmem>>) target(%dma_start3A_158 : memref<256x128xf32, #tpu.memory_space<hbm>>) target_semaphore(%arg7 : memref<!tpu.dma_semaphore, #tpu.memory_space<semaphore_mem>>)
    %get3A_159 = arith.constant 0 : i32
    %get3A_160 = arith.index_cast %get3A_159 : i32 to index
    %get3A_161 = arith.constant 0 : index
    %get3A_162 = tpu.vector_load %arg4[%get3A_160, %get3A_161] {strides = array<i32>} : memref<24x128xi32, #tpu.memory_space<vmem>>, vector<16xi32>,
    %ge3A_163 = arith.constant 256 : i32
    %ge3A_164 = vector.broadcast %ge3A_163 : i32 to vector<16xi32>
    %ge3A_165 = arith.cmpi sge, %get3A_162, %ge3A_164 : vector<16xi32>
    %lt3A_166 = arith.constant 512 : i32
    %lt3A_167 = vector.broadcast %lt3A_166 : i32 to vector<16xi32>
    %lt3A_168 = arith.cmpi slt, %get3A_162, %lt3A_167 : vector<16xi32>
    %and3A_169 = arith.andi %ge3A_165, %lt3A_168 : vector<16xi1>
    %sub3A_170 = arith.constant 256 : i32
    %sub3A_171 = vector.broadcast %sub3A_170 : i32 to vector<16xi32>
    %sub3A_172 = arith.subi %get3A_162, %sub3A_171 : vector<16xi32>
    %add3A_173 = arith.constant 0 : i32
    %add3A_174 = vector.broadcast %add3A_173 : i32 to vector<16xi32>
    %add3A_175 = arith.addi %iota3A, %add3A_174 : vector<16xi32>
    tpu.vector_store_idx %arg6[%sub3A_172, %add3A_175], %broadcast_in_dim3A_1 masked %and3A_169 : memref<257x128xf32, #tpu.memory_space<vmem>>[vector<16xi32>, vector<16xi32>], vector<16xf32>, vector<16xi1>
    %get3A_176 = arith.constant 0 : i32
    %get3A_177 = arith.index_cast %get3A_176 : i32 to index
    %get3A_178 = arith.constant 16 : index
    %get3A_179 = tpu.vector_load %arg4[%get3A_177, %get3A_178] {strides = array<i32>} : memref<24x128xi32, #tpu.memory_space<vmem>>, vector<16xi32>,
    %ge3A_180 = arith.constant 256 : i32
    %ge3A_181 = vector.broadcast %ge3A_180 : i32 to vector<16xi32>
    %ge3A_182 = arith.cmpi sge, %get3A_179, %ge3A_181 : vector<16xi32>
    %lt3A_183 = arith.constant 512 : i32
    %lt3A_184 = vector.broadcast %lt3A_183 : i32 to vector<16xi32>
    %lt3A_185 = arith.cmpi slt, %get3A_179, %lt3A_184 : vector<16xi32>
    %and3A_186 = arith.andi %ge3A_182, %lt3A_185 : vector<16xi1>
    %sub3A_187 = arith.constant 256 : i32
    %sub3A_188 = vector.broadcast %sub3A_187 : i32 to vector<16xi32>
    %sub3A_189 = arith.subi %get3A_179, %sub3A_188 : vector<16xi32>
    %add3A_190 = arith.constant 16 : i32
    %add3A_191 = vector.broadcast %add3A_190 : i32 to vector<16xi32>
    %add3A_192 = arith.addi %iota3A, %add3A_191 : vector<16xi32>
    tpu.vector_store_idx %arg6[%sub3A_189, %add3A_192], %broadcast_in_dim3A_1 masked %and3A_186 : memref<257x128xf32, #tpu.memory_space<vmem>>[vector<16xi32>, vector<16xi32>], vector<16xf32>, vector<16xi1>
    %get3A_193 = arith.constant 0 : i32
    %get3A_194 = arith.index_cast %get3A_193 : i32 to index
    %get3A_195 = arith.constant 32 : index
    %get3A_196 = tpu.vector_load %arg4[%get3A_194, %get3A_195] {strides = array<i32>} : memref<24x128xi32, #tpu.memory_space<vmem>>, vector<16xi32>,
    %ge3A_197 = arith.constant 256 : i32
    %ge3A_198 = vector.broadcast %ge3A_197 : i32 to vector<16xi32>
    %ge3A_199 = arith.cmpi sge, %get3A_196, %ge3A_198 : vector<16xi32>
    %lt3A_200 = arith.constant 512 : i32
    %lt3A_201 = vector.broadcast %lt3A_200 : i32 to vector<16xi32>
    %lt3A_202 = arith.cmpi slt, %get3A_196, %lt3A_201 : vector<16xi32>
    %and3A_203 = arith.andi %ge3A_199, %lt3A_202 : vector<16xi1>
    %sub3A_204 = arith.constant 256 : i32
    %sub3A_205 = vector.broadcast %sub3A_204 : i32 to vector<16xi32>
    %sub3A_206 = arith.subi %get3A_196, %sub3A_205 : vector<16xi32>
    %add3A_207 = arith.constant 32 : i32
    %add3A_208 = vector.broadcast %add3A_207 : i32 to vector<16xi32>
    %add3A_209 = arith.addi %iota3A, %add3A_208 : vector<16xi32>
    tpu.vector_store_idx %arg6[%sub3A_206, %add3A_209], %broadcast_in_dim3A_1 masked %and3A_203 : memref<257x128xf32, #tpu.memory_space<vmem>>[vector<16xi32>, vector<16xi32>], vector<16xf32>, vector<16xi1>
    %get3A_210 = arith.constant 0 : i32
    %get3A_211 = arith.index_cast %get3A_210 : i32 to index
    %get3A_212 = arith.constant 48 : index
    %get3A_213 = tpu.vector_load %arg4[%get3A_211, %get3A_212] {strides = array<i32>} : memref<24x128xi32, #tpu.memory_space<vmem>>, vector<16xi32>,
    %ge3A_214 = arith.constant 256 : i32
    %ge3A_215 = vector.broadcast %ge3A_214 : i32 to vector<16xi32>
    %ge3A_216 = arith.cmpi sge, %get3A_213, %ge3A_215 : vector<16xi32>
    %lt3A_217 = arith.constant 512 : i32
    %lt3A_218 = vector.broadcast %lt3A_217 : i32 to vector<16xi32>
    %lt3A_219 = arith.cmpi slt, %get3A_213, %lt3A_218 : vector<16xi32>
    %and3A_220 = arith.andi %ge3A_216, %lt3A_219 : vector<16xi1>
    %sub3A_221 = arith.constant 256 : i32
    %sub3A_222 = vector.broadcast %sub3A_221 : i32 to vector<16xi32>
    %sub3A_223 = arith.subi %get3A_213, %sub3A_222 : vector<16xi32>
    %add3A_224 = arith.constant 48 : i32
    %add3A_225 = vector.broadcast %add3A_224 : i32 to vector<16xi32>
    %add3A_226 = arith.addi %iota3A, %add3A_225 : vector<16xi32>
    tpu.vector_store_idx %arg6[%sub3A_223, %add3A_226], %broadcast_in_dim3A_1 masked %and3A_220 : memref<257x128xf32, #tpu.memory_space<vmem>>[vector<16xi32>, vector<16xi32>], vector<16xf32>, vector<16xi1>
    %get3A_227 = arith.constant 0 : i32
    %get3A_228 = arith.index_cast %get3A_227 : i32 to index
    %get3A_229 = arith.constant 64 : index
    %get3A_230 = tpu.vector_load %arg4[%get3A_228, %get3A_229] {strides = array<i32>} : memref<24x128xi32, #tpu.memory_space<vmem>>, vector<16xi32>,
    %ge3A_231 = arith.constant 256 : i32
    %ge3A_232 = vector.broadcast %ge3A_231 : i32 to vector<16xi32>
    %ge3A_233 = arith.cmpi sge, %get3A_230, %ge3A_232 : vector<16xi32>
    %lt3A_234 = arith.constant 512 : i32
    %lt3A_235 = vector.broadcast %lt3A_234 : i32 to vector<16xi32>
    %lt3A_236 = arith.cmpi slt, %get3A_230, %lt3A_235 : vector<16xi32>
    %and3A_237 = arith.andi %ge3A_233, %lt3A_236 : vector<16xi1>
    %sub3A_238 = arith.constant 256 : i32
    %sub3A_239 = vector.broadcast %sub3A_238 : i32 to vector<16xi32>
    %sub3A_240 = arith.subi %get3A_230, %sub3A_239 : vector<16xi32>
    %add3A_241 = arith.constant 64 : i32
    %add3A_242 = vector.broadcast %add3A_241 : i32 to vector<16xi32>
    %add3A_243 = arith.addi %iota3A, %add3A_242 : vector<16xi32>
    tpu.vector_store_idx %arg6[%sub3A_240, %add3A_243], %broadcast_in_dim3A_1 masked %and3A_237 : memref<257x128xf32, #tpu.memory_space<vmem>>[vector<16xi32>, vector<16xi32>], vector<16xf32>, vector<16xi1>
    %get3A_244 = arith.constant 0 : i32
    %get3A_245 = arith.index_cast %get3A_244 : i32 to index
    %get3A_246 = arith.constant 80 : index
    %get3A_247 = tpu.vector_load %arg4[%get3A_245, %get3A_246] {strides = array<i32>} : memref<24x128xi32, #tpu.memory_space<vmem>>, vector<16xi32>,
    %ge3A_248 = arith.constant 256 : i32
    %ge3A_249 = vector.broadcast %ge3A_248 : i32 to vector<16xi32>
    %ge3A_250 = arith.cmpi sge, %get3A_247, %ge3A_249 : vector<16xi32>
    %lt3A_251 = arith.constant 512 : i32
    %lt3A_252 = vector.broadcast %lt3A_251 : i32 to vector<16xi32>
    %lt3A_253 = arith.cmpi slt, %get3A_247, %lt3A_252 : vector<16xi32>
    %and3A_254 = arith.andi %ge3A_250, %lt3A_253 : vector<16xi1>
    %sub3A_255 = arith.constant 256 : i32
    %sub3A_256 = vector.broadcast %sub3A_255 : i32 to vector<16xi32>
    %sub3A_257 = arith.subi %get3A_247, %sub3A_256 : vector<16xi32>
    %add3A_258 = arith.constant 80 : i32
    %add3A_259 = vector.broadcast %add3A_258 : i32 to vector<16xi32>
    %add3A_260 = arith.addi %iota3A, %add3A_259 : vector<16xi32>
    tpu.vector_store_idx %arg6[%sub3A_257, %add3A_260], %broadcast_in_dim3A_1 masked %and3A_254 : memref<257x128xf32, #tpu.memory_space<vmem>>[vector<16xi32>, vector<16xi32>], vector<16xf32>, vector<16xi1>
    %get3A_261 = arith.constant 0 : i32
    %get3A_262 = arith.index_cast %get3A_261 : i32 to index
    %get3A_263 = arith.constant 96 : index
    %get3A_264 = tpu.vector_load %arg4[%get3A_262, %get3A_263] {strides = array<i32>} : memref<24x128xi32, #tpu.memory_space<vmem>>, vector<16xi32>,
    %ge3A_265 = arith.constant 256 : i32
    %ge3A_266 = vector.broadcast %ge3A_265 : i32 to vector<16xi32>
    %ge3A_267 = arith.cmpi sge, %get3A_264, %ge3A_266 : vector<16xi32>
    %lt3A_268 = arith.constant 512 : i32
    %lt3A_269 = vector.broadcast %lt3A_268 : i32 to vector<16xi32>
    %lt3A_270 = arith.cmpi slt, %get3A_264, %lt3A_269 : vector<16xi32>
    %and3A_271 = arith.andi %ge3A_267, %lt3A_270 : vector<16xi1>
    %sub3A_272 = arith.constant 256 : i32
    %sub3A_273 = vector.broadcast %sub3A_272 : i32 to vector<16xi32>
    %sub3A_274 = arith.subi %get3A_264, %sub3A_273 : vector<16xi32>
    %add3A_275 = arith.constant 96 : i32
    %add3A_276 = vector.broadcast %add3A_275 : i32 to vector<16xi32>
    %add3A_277 = arith.addi %iota3A, %add3A_276 : vector<16xi32>
    tpu.vector_store_idx %arg6[%sub3A_274, %add3A_277], %broadcast_in_dim3A_1 masked %and3A_271 : memref<257x128xf32, #tpu.memory_space<vmem>>[vector<16xi32>, vector<16xi32>], vector<16xf32>, vector<16xi1>
    %get3A_278 = arith.constant 0 : i32
    %get3A_279 = arith.index_cast %get3A_278 : i32 to index
    %get3A_280 = arith.constant 112 : index
    %get3A_281 = tpu.vector_load %arg4[%get3A_279, %get3A_280] {strides = array<i32>} : memref<24x128xi32, #tpu.memory_space<vmem>>, vector<16xi32>,
    %ge3A_282 = arith.constant 256 : i32
    %ge3A_283 = vector.broadcast %ge3A_282 : i32 to vector<16xi32>
    %ge3A_284 = arith.cmpi sge, %get3A_281, %ge3A_283 : vector<16xi32>
    %lt3A_285 = arith.constant 512 : i32
    %lt3A_286 = vector.broadcast %lt3A_285 : i32 to vector<16xi32>
    %lt3A_287 = arith.cmpi slt, %get3A_281, %lt3A_286 : vector<16xi32>
    %and3A_288 = arith.andi %ge3A_284, %lt3A_287 : vector<16xi1>
    %sub3A_289 = arith.constant 256 : i32
    %sub3A_290 = vector.broadcast %sub3A_289 : i32 to vector<16xi32>
    %sub3A_291 = arith.subi %get3A_281, %sub3A_290 : vector<16xi32>
    %add3A_292 = arith.constant 112 : i32
    %add3A_293 = vector.broadcast %add3A_292 : i32 to vector<16xi32>
    %add3A_294 = arith.addi %iota3A, %add3A_293 : vector<16xi32>
    tpu.vector_store_idx %arg6[%sub3A_291, %add3A_294], %broadcast_in_dim3A_1 masked %and3A_288 : memref<257x128xf32, #tpu.memory_space<vmem>>[vector<16xi32>, vector<16xi32>], vector<16xf32>, vector<16xi1>
    %mul3A_295 = arith.constant 128 : i32
    %mul3A_296 = arith.muli %mul3A_22, %mul3A_295 : i32
    %multiple_of3A_297 = tpu.assume_multiple %mul3A_296, 128 : i32
    %dma_start3A_298 = arith.constant 0 : i32
    %dma_start3A_299 = arith.constant 0 : i32
    %dma_start3A_300 = tpu.memref_slice %arg6[%dma_start3A_298, %dma_start3A_299] : memref<257x128xf32, #tpu.memory_space<vmem>> -> memref<256x128xf32, #tpu.memory_space<vmem>>
    %dma_start3A_301 = arith.constant 256 : i32
    %dma_start3A_302 = tpu.memref_slice %arg3[%dma_start3A_301, %multiple_of3A_297] : memref<1025x65664xf32, #tpu.memory_space<hbm>> -> memref<256x128xf32, #tpu.memory_space<hbm>>
    %dma_start3A_303 = arith.constant 256 : i32
    %dma_start3A_304 = tpu.memref_slice %arg3[%dma_start3A_303, %multiple_of3A_297] : memref<1025x65664xf32, #tpu.memory_space<hbm>> -> memref<256x128xf32, #tpu.memory_space<hbm>>
    %dma_start3A_305 = arith.constant 0 : i32
    %dma_start3A_306 = arith.constant 0 : i32
    %dma_start3A_307 = tpu.memref_slice %arg6[%dma_start3A_305, %dma_start3A_306] : memref<257x128xf32, #tpu.memory_space<vmem>> -> memref<256x128xf32, #tpu.memory_space<vmem>>
    tpu.enqueue_dma source(%dma_start3A_307 : memref<256x128xf32, #tpu.memory_space<vmem>>) target(%dma_start3A_304 : memref<256x128xf32, #tpu.memory_space<hbm>>) target_semaphore(%arg8 : memref<!tpu.dma_semaphore, #tpu.memory_space<semaphore_mem>>)
    %mul3A_308 = arith.constant 128 : i32
    %mul3A_309 = arith.muli %mul3A_22, %mul3A_308 : i32
    %multiple_of3A_310 = tpu.assume_multiple %mul3A_309, 128 : i32
    %dma_wait3A = arith.constant 0 : i32
    %dma_wait3A_311 = tpu.memref_slice %arg3[%dma_wait3A, %multiple_of3A_310] : memref<1025x65664xf32, #tpu.memory_space<hbm>> -> memref<256x128xf32, #tpu.memory_space<hbm>>
    %dma_wait3A_312 = arith.constant 0 : i32
    %dma_wait3A_313 = tpu.memref_slice %arg3[%dma_wait3A_312, %multiple_of3A_310] : memref<1025x65664xf32, #tpu.memory_space<hbm>> -> memref<256x128xf32, #tpu.memory_space<hbm>>
    tpu.wait_dma2 semaphore(%arg7 : memref<!tpu.dma_semaphore, #tpu.memory_space<semaphore_mem>>) src(%arg5 : memref<256x128xf32, #tpu.memory_space<vmem>>) dst(%dma_wait3A_313 : memref<256x128xf32, #tpu.memory_space<hbm>>)
    %get3A_314 = arith.constant 0 : i32
    %get3A_315 = arith.index_cast %get3A_314 : i32 to index
    %get3A_316 = arith.constant 0 : index
    %get3A_317 = tpu.vector_load %arg4[%get3A_315, %get3A_316] {strides = array<i32>} : memref<24x128xi32, #tpu.memory_space<vmem>>, vector<16xi32>,
    %ge3A_318 = arith.constant 0 : i32
    %ge3A_319 = vector.broadcast %ge3A_318 : i32 to vector<16xi32>
    %ge3A_320 = arith.cmpi sge, %get3A_317, %ge3A_319 : vector<16xi32>
    %lt3A_321 = arith.constant 256 : i32
    %lt3A_322 = vector.broadcast %lt3A_321 : i32 to vector<16xi32>
    %lt3A_323 = arith.cmpi slt, %get3A_317, %lt3A_322 : vector<16xi32>
    %and3A_324 = arith.andi %ge3A_320, %lt3A_323 : vector<16xi1>
    %sub3A_325 = arith.constant 0 : i32
    %sub3A_326 = vector.broadcast %sub3A_325 : i32 to vector<16xi32>
    %sub3A_327 = arith.subi %get3A_317, %sub3A_326 : vector<16xi32>
    %add3A_328 = arith.constant 0 : i32
    %add3A_329 = vector.broadcast %add3A_328 : i32 to vector<16xi32>
    %add3A_330 = arith.addi %iota3A, %add3A_329 : vector<16xi32>
    tpu.vector_store_idx %arg5[%sub3A_327, %add3A_330], %broadcast_in_dim3A_3 masked %and3A_324 : memref<256x128xf32, #tpu.memory_space<vmem>>[vector<16xi32>, vector<16xi32>], vector<16xf32>, vector<16xi1>
    %get3A_331 = arith.constant 0 : i32
    %get3A_332 = arith.index_cast %get3A_331 : i32 to index
    %get3A_333 = arith.constant 16 : index
    %get3A_334 = tpu.vector_load %arg4[%get3A_332, %get3A_333] {strides = array<i32>} : memref<24x128xi32, #tpu.memory_space<vmem>>, vector<16xi32>,
    %ge3A_335 = arith.constant 0 : i32
    %ge3A_336 = vector.broadcast %ge3A_335 : i32 to vector<16xi32>
    %ge3A_337 = arith.cmpi sge, %get3A_334, %ge3A_336 : vector<16xi32>
    %lt3A_338 = arith.constant 256 : i32
    %lt3A_339 = vector.broadcast %lt3A_338 : i32 to vector<16xi32>
    %lt3A_340 = arith.cmpi slt, %get3A_334, %lt3A_339 : vector<16xi32>
    %and3A_341 = arith.andi %ge3A_337, %lt3A_340 : vector<16xi1>
    %sub3A_342 = arith.constant 0 : i32
    %sub3A_343 = vector.broadcast %sub3A_342 : i32 to vector<16xi32>
    %sub3A_344 = arith.subi %get3A_334, %sub3A_343 : vector<16xi32>
    %add3A_345 = arith.constant 16 : i32
    %add3A_346 = vector.broadcast %add3A_345 : i32 to vector<16xi32>
    %add3A_347 = arith.addi %iota3A, %add3A_346 : vector<16xi32>
    tpu.vector_store_idx %arg5[%sub3A_344, %add3A_347], %broadcast_in_dim3A_3 masked %and3A_341 : memref<256x128xf32, #tpu.memory_space<vmem>>[vector<16xi32>, vector<16xi32>], vector<16xf32>, vector<16xi1>
    %get3A_348 = arith.constant 0 : i32
    %get3A_349 = arith.index_cast %get3A_348 : i32 to index
    %get3A_350 = arith.constant 32 : index
    %get3A_351 = tpu.vector_load %arg4[%get3A_349, %get3A_350] {strides = array<i32>} : memref<24x128xi32, #tpu.memory_space<vmem>>, vector<16xi32>,
    %ge3A_352 = arith.constant 0 : i32
    %ge3A_353 = vector.broadcast %ge3A_352 : i32 to vector<16xi32>
    %ge3A_354 = arith.cmpi sge, %get3A_351, %ge3A_353 : vector<16xi32>
    %lt3A_355 = arith.constant 256 : i32
    %lt3A_356 = vector.broadcast %lt3A_355 : i32 to vector<16xi32>
    %lt3A_357 = arith.cmpi slt, %get3A_351, %lt3A_356 : vector<16xi32>
    %and3A_358 = arith.andi %ge3A_354, %lt3A_357 : vector<16xi1>
    %sub3A_359 = arith.constant 0 : i32
    %sub3A_360 = vector.broadcast %sub3A_359 : i32 to vector<16xi32>
    %sub3A_361 = arith.subi %get3A_351, %sub3A_360 : vector<16xi32>
    %add3A_362 = arith.constant 32 : i32
    %add3A_363 = vector.broadcast %add3A_362 : i32 to vector<16xi32>
    %add3A_364 = arith.addi %iota3A, %add3A_363 : vector<16xi32>
    tpu.vector_store_idx %arg5[%sub3A_361, %add3A_364], %broadcast_in_dim3A_3 masked %and3A_358 : memref<256x128xf32, #tpu.memory_space<vmem>>[vector<16xi32>, vector<16xi32>], vector<16xf32>, vector<16xi1>
    %get3A_365 = arith.constant 0 : i32
    %get3A_366 = arith.index_cast %get3A_365 : i32 to index
    %get3A_367 = arith.constant 48 : index
    %get3A_368 = tpu.vector_load %arg4[%get3A_366, %get3A_367] {strides = array<i32>} : memref<24x128xi32, #tpu.memory_space<vmem>>, vector<16xi32>,
    %ge3A_369 = arith.constant 0 : i32
    %ge3A_370 = vector.broadcast %ge3A_369 : i32 to vector<16xi32>
    %ge3A_371 = arith.cmpi sge, %get3A_368, %ge3A_370 : vector<16xi32>
    %lt3A_372 = arith.constant 256 : i32
    %lt3A_373 = vector.broadcast %lt3A_372 : i32 to vector<16xi32>
    %lt3A_374 = arith.cmpi slt, %get3A_368, %lt3A_373 : vector<16xi32>
    %and3A_375 = arith.andi %ge3A_371, %lt3A_374 : vector<16xi1>
    %sub3A_376 = arith.constant 0 : i32
    %sub3A_377 = vector.broadcast %sub3A_376 : i32 to vector<16xi32>
    %sub3A_378 = arith.subi %get3A_368, %sub3A_377 : vector<16xi32>
    %add3A_379 = arith.constant 48 : i32
    %add3A_380 = vector.broadcast %add3A_379 : i32 to vector<16xi32>
    %add3A_381 = arith.addi %iota3A, %add3A_380 : vector<16xi32>
    tpu.vector_store_idx %arg5[%sub3A_378, %add3A_381], %broadcast_in_dim3A_3 masked %and3A_375 : memref<256x128xf32, #tpu.memory_space<vmem>>[vector<16xi32>, vector<16xi32>], vector<16xf32>, vector<16xi1>
    %get3A_382 = arith.constant 0 : i32
    %get3A_383 = arith.index_cast %get3A_382 : i32 to index
    %get3A_384 = arith.constant 64 : index
    %get3A_385 = tpu.vector_load %arg4[%get3A_383, %get3A_384] {strides = array<i32>} : memref<24x128xi32, #tpu.memory_space<vmem>>, vector<16xi32>,
    %ge3A_386 = arith.constant 0 : i32
    %ge3A_387 = vector.broadcast %ge3A_386 : i32 to vector<16xi32>
    %ge3A_388 = arith.cmpi sge, %get3A_385, %ge3A_387 : vector<16xi32>
    %lt3A_389 = arith.constant 256 : i32
    %lt3A_390 = vector.broadcast %lt3A_389 : i32 to vector<16xi32>
    %lt3A_391 = arith.cmpi slt, %get3A_385, %lt3A_390 : vector<16xi32>
    %and3A_392 = arith.andi %ge3A_388, %lt3A_391 : vector<16xi1>
    %sub3A_393 = arith.constant 0 : i32
    %sub3A_394 = vector.broadcast %sub3A_393 : i32 to vector<16xi32>
    %sub3A_395 = arith.subi %get3A_385, %sub3A_394 : vector<16xi32>
    %add3A_396 = arith.constant 64 : i32
    %add3A_397 = vector.broadcast %add3A_396 : i32 to vector<16xi32>
    %add3A_398 = arith.addi %iota3A, %add3A_397 : vector<16xi32>
    tpu.vector_store_idx %arg5[%sub3A_395, %add3A_398], %broadcast_in_dim3A_3 masked %and3A_392 : memref<256x128xf32, #tpu.memory_space<vmem>>[vector<16xi32>, vector<16xi32>], vector<16xf32>, vector<16xi1>
    %get3A_399 = arith.constant 0 : i32
    %get3A_400 = arith.index_cast %get3A_399 : i32 to index
    %get3A_401 = arith.constant 80 : index
    %get3A_402 = tpu.vector_load %arg4[%get3A_400, %get3A_401] {strides = array<i32>} : memref<24x128xi32, #tpu.memory_space<vmem>>, vector<16xi32>,
    %ge3A_403 = arith.constant 0 : i32
    %ge3A_404 = vector.broadcast %ge3A_403 : i32 to vector<16xi32>
    %ge3A_405 = arith.cmpi sge, %get3A_402, %ge3A_404 : vector<16xi32>
    %lt3A_406 = arith.constant 256 : i32
    %lt3A_407 = vector.broadcast %lt3A_406 : i32 to vector<16xi32>
    %lt3A_408 = arith.cmpi slt, %get3A_402, %lt3A_407 : vector<16xi32>
    %and3A_409 = arith.andi %ge3A_405, %lt3A_408 : vector<16xi1>
    %sub3A_410 = arith.constant 0 : i32
    %sub3A_411 = vector.broadcast %sub3A_410 : i32 to vector<16xi32>
    %sub3A_412 = arith.subi %get3A_402, %sub3A_411 : vector<16xi32>
    %add3A_413 = arith.constant 80 : i32
    %add3A_414 = vector.broadcast %add3A_413 : i32 to vector<16xi32>
    %add3A_415 = arith.addi %iota3A, %add3A_414 : vector<16xi32>
    tpu.vector_store_idx %arg5[%sub3A_412, %add3A_415], %broadcast_in_dim3A_3 masked %and3A_409 : memref<256x128xf32, #tpu.memory_space<vmem>>[vector<16xi32>, vector<16xi32>], vector<16xf32>, vector<16xi1>
    %get3A_416 = arith.constant 0 : i32
    %get3A_417 = arith.index_cast %get3A_416 : i32 to index
    %get3A_418 = arith.constant 96 : index
    %get3A_419 = tpu.vector_load %arg4[%get3A_417, %get3A_418] {strides = array<i32>} : memref<24x128xi32, #tpu.memory_space<vmem>>, vector<16xi32>,
    %ge3A_420 = arith.constant 0 : i32
    %ge3A_421 = vector.broadcast %ge3A_420 : i32 to vector<16xi32>
    %ge3A_422 = arith.cmpi sge, %get3A_419, %ge3A_421 : vector<16xi32>
    %lt3A_423 = arith.constant 256 : i32
    %lt3A_424 = vector.broadcast %lt3A_423 : i32 to vector<16xi32>
    %lt3A_425 = arith.cmpi slt, %get3A_419, %lt3A_424 : vector<16xi32>
    %and3A_426 = arith.andi %ge3A_422, %lt3A_425 : vector<16xi1>
    %sub3A_427 = arith.constant 0 : i32
    %sub3A_428 = vector.broadcast %sub3A_427 : i32 to vector<16xi32>
    %sub3A_429 = arith.subi %get3A_419, %sub3A_428 : vector<16xi32>
    %add3A_430 = arith.constant 96 : i32
    %add3A_431 = vector.broadcast %add3A_430 : i32 to vector<16xi32>
    %add3A_432 = arith.addi %iota3A, %add3A_431 : vector<16xi32>
    tpu.vector_store_idx %arg5[%sub3A_429, %add3A_432], %broadcast_in_dim3A_3 masked %and3A_426 : memref<256x128xf32, #tpu.memory_space<vmem>>[vector<16xi32>, vector<16xi32>], vector<16xf32>, vector<16xi1>
    %get3A_433 = arith.constant 0 : i32
    %get3A_434 = arith.index_cast %get3A_433 : i32 to index
    %get3A_435 = arith.constant 112 : index
    %get3A_436 = tpu.vector_load %arg4[%get3A_434, %get3A_435] {strides = array<i32>} : memref<24x128xi32, #tpu.memory_space<vmem>>, vector<16xi32>,
    %ge3A_437 = arith.constant 0 : i32
    %ge3A_438 = vector.broadcast %ge3A_437 : i32 to vector<16xi32>
    %ge3A_439 = arith.cmpi sge, %get3A_436, %ge3A_438 : vector<16xi32>
    %lt3A_440 = arith.constant 256 : i32
    %lt3A_441 = vector.broadcast %lt3A_440 : i32 to vector<16xi32>
    %lt3A_442 = arith.cmpi slt, %get3A_436, %lt3A_441 : vector<16xi32>
    %and3A_443 = arith.andi %ge3A_439, %lt3A_442 : vector<16xi1>
    %sub3A_444 = arith.constant 0 : i32
    %sub3A_445 = vector.broadcast %sub3A_444 : i32 to vector<16xi32>
    %sub3A_446 = arith.subi %get3A_436, %sub3A_445 : vector<16xi32>
    %add3A_447 = arith.constant 112 : i32
    %add3A_448 = vector.broadcast %add3A_447 : i32 to vector<16xi32>
    %add3A_449 = arith.addi %iota3A, %add3A_448 : vector<16xi32>
    tpu.vector_store_idx %arg5[%sub3A_446, %add3A_449], %broadcast_in_dim3A_3 masked %and3A_443 : memref<256x128xf32, #tpu.memory_space<vmem>>[vector<16xi32>, vector<16xi32>], vector<16xf32>, vector<16xi1>
    %get3A_450 = arith.constant 0 : i32
    %get3A_451 = arith.index_cast %get3A_450 : i32 to index
    %get3A_452 = arith.constant 0 : index
    %get3A_453 = tpu.vector_load %arg4[%get3A_451, %get3A_452] {strides = array<i32>} : memref<24x128xi32, #tpu.memory_space<vmem>>, vector<16xi32>,
    %ge3A_454 = arith.constant 512 : i32
    %ge3A_455 = vector.broadcast %ge3A_454 : i32 to vector<16xi32>
    %ge3A_456 = arith.cmpi sge, %get3A_453, %ge3A_455 : vector<16xi32>
    %lt3A_457 = arith.constant 768 : i32
    %lt3A_458 = vector.broadcast %lt3A_457 : i32 to vector<16xi32>
    %lt3A_459 = arith.cmpi slt, %get3A_453, %lt3A_458 : vector<16xi32>
    %and3A_460 = arith.andi %ge3A_456, %lt3A_459 : vector<16xi1>
    %sub3A_461 = arith.constant 512 : i32
    %sub3A_462 = vector.broadcast %sub3A_461 : i32 to vector<16xi32>
    %sub3A_463 = arith.subi %get3A_453, %sub3A_462 : vector<16xi32>
    %add3A_464 = arith.constant 0 : i32
    %add3A_465 = vector.broadcast %add3A_464 : i32 to vector<16xi32>
    %add3A_466 = arith.addi %iota3A, %add3A_465 : vector<16xi32>
    tpu.vector_store_idx %arg5[%sub3A_463, %add3A_466], %broadcast_in_dim3A_1 masked %and3A_460 : memref<256x128xf32, #tpu.memory_space<vmem>>[vector<16xi32>, vector<16xi32>], vector<16xf32>, vector<16xi1>
    %get3A_467 = arith.constant 0 : i32
    %get3A_468 = arith.index_cast %get3A_467 : i32 to index
    %get3A_469 = arith.constant 16 : index
    %get3A_470 = tpu.vector_load %arg4[%get3A_468, %get3A_469] {strides = array<i32>} : memref<24x128xi32, #tpu.memory_space<vmem>>, vector<16xi32>,
    %ge3A_471 = arith.constant 512 : i32
    %ge3A_472 = vector.broadcast %ge3A_471 : i32 to vector<16xi32>
    %ge3A_473 = arith.cmpi sge, %get3A_470, %ge3A_472 : vector<16xi32>
    %lt3A_474 = arith.constant 768 : i32
    %lt3A_475 = vector.broadcast %lt3A_474 : i32 to vector<16xi32>
    %lt3A_476 = arith.cmpi slt, %get3A_470, %lt3A_475 : vector<16xi32>
    %and3A_477 = arith.andi %ge3A_473, %lt3A_476 : vector<16xi1>
    %sub3A_478 = arith.constant 512 : i32
    %sub3A_479 = vector.broadcast %sub3A_478 : i32 to vector<16xi32>
    %sub3A_480 = arith.subi %get3A_470, %sub3A_479 : vector<16xi32>
    %add3A_481 = arith.constant 16 : i32
    %add3A_482 = vector.broadcast %add3A_481 : i32 to vector<16xi32>
    %add3A_483 = arith.addi %iota3A, %add3A_482 : vector<16xi32>
    tpu.vector_store_idx %arg5[%sub3A_480, %add3A_483], %broadcast_in_dim3A_1 masked %and3A_477 : memref<256x128xf32, #tpu.memory_space<vmem>>[vector<16xi32>, vector<16xi32>], vector<16xf32>, vector<16xi1>
    %get3A_484 = arith.constant 0 : i32
    %get3A_485 = arith.index_cast %get3A_484 : i32 to index
    %get3A_486 = arith.constant 32 : index
    %get3A_487 = tpu.vector_load %arg4[%get3A_485, %get3A_486] {strides = array<i32>} : memref<24x128xi32, #tpu.memory_space<vmem>>, vector<16xi32>,
    %ge3A_488 = arith.constant 512 : i32
    %ge3A_489 = vector.broadcast %ge3A_488 : i32 to vector<16xi32>
    %ge3A_490 = arith.cmpi sge, %get3A_487, %ge3A_489 : vector<16xi32>
    %lt3A_491 = arith.constant 768 : i32
    %lt3A_492 = vector.broadcast %lt3A_491 : i32 to vector<16xi32>
    %lt3A_493 = arith.cmpi slt, %get3A_487, %lt3A_492 : vector<16xi32>
    %and3A_494 = arith.andi %ge3A_490, %lt3A_493 : vector<16xi1>
    %sub3A_495 = arith.constant 512 : i32
    %sub3A_496 = vector.broadcast %sub3A_495 : i32 to vector<16xi32>
    %sub3A_497 = arith.subi %get3A_487, %sub3A_496 : vector<16xi32>
    %add3A_498 = arith.constant 32 : i32
    %add3A_499 = vector.broadcast %add3A_498 : i32 to vector<16xi32>
    %add3A_500 = arith.addi %iota3A, %add3A_499 : vector<16xi32>
    tpu.vector_store_idx %arg5[%sub3A_497, %add3A_500], %broadcast_in_dim3A_1 masked %and3A_494 : memref<256x128xf32, #tpu.memory_space<vmem>>[vector<16xi32>, vector<16xi32>], vector<16xf32>, vector<16xi1>
    %get3A_501 = arith.constant 0 : i32
    %get3A_502 = arith.index_cast %get3A_501 : i32 to index
    %get3A_503 = arith.constant 48 : index
    %get3A_504 = tpu.vector_load %arg4[%get3A_502, %get3A_503] {strides = array<i32>} : memref<24x128xi32, #tpu.memory_space<vmem>>, vector<16xi32>,
    %ge3A_505 = arith.constant 512 : i32
    %ge3A_506 = vector.broadcast %ge3A_505 : i32 to vector<16xi32>
    %ge3A_507 = arith.cmpi sge, %get3A_504, %ge3A_506 : vector<16xi32>
    %lt3A_508 = arith.constant 768 : i32
    %lt3A_509 = vector.broadcast %lt3A_508 : i32 to vector<16xi32>
    %lt3A_510 = arith.cmpi slt, %get3A_504, %lt3A_509 : vector<16xi32>
    %and3A_511 = arith.andi %ge3A_507, %lt3A_510 : vector<16xi1>
    %sub3A_512 = arith.constant 512 : i32
    %sub3A_513 = vector.broadcast %sub3A_512 : i32 to vector<16xi32>
    %sub3A_514 = arith.subi %get3A_504, %sub3A_513 : vector<16xi32>
    %add3A_515 = arith.constant 48 : i32
    %add3A_516 = vector.broadcast %add3A_515 : i32 to vector<16xi32>
    %add3A_517 = arith.addi %iota3A, %add3A_516 : vector<16xi32>
    tpu.vector_store_idx %arg5[%sub3A_514, %add3A_517], %broadcast_in_dim3A_1 masked %and3A_511 : memref<256x128xf32, #tpu.memory_space<vmem>>[vector<16xi32>, vector<16xi32>], vector<16xf32>, vector<16xi1>
    %get3A_518 = arith.constant 0 : i32
    %get3A_519 = arith.index_cast %get3A_518 : i32 to index
    %get3A_520 = arith.constant 64 : index
    %get3A_521 = tpu.vector_load %arg4[%get3A_519, %get3A_520] {strides = array<i32>} : memref<24x128xi32, #tpu.memory_space<vmem>>, vector<16xi32>,
    %ge3A_522 = arith.constant 512 : i32
    %ge3A_523 = vector.broadcast %ge3A_522 : i32 to vector<16xi32>
    %ge3A_524 = arith.cmpi sge, %get3A_521, %ge3A_523 : vector<16xi32>
    %lt3A_525 = arith.constant 768 : i32
    %lt3A_526 = vector.broadcast %lt3A_525 : i32 to vector<16xi32>
    %lt3A_527 = arith.cmpi slt, %get3A_521, %lt3A_526 : vector<16xi32>
    %and3A_528 = arith.andi %ge3A_524, %lt3A_527 : vector<16xi1>
    %sub3A_529 = arith.constant 512 : i32
    %sub3A_530 = vector.broadcast %sub3A_529 : i32 to vector<16xi32>
    %sub3A_531 = arith.subi %get3A_521, %sub3A_530 : vector<16xi32>
    %add3A_532 = arith.constant 64 : i32
    %add3A_533 = vector.broadcast %add3A_532 : i32 to vector<16xi32>
    %add3A_534 = arith.addi %iota3A, %add3A_533 : vector<16xi32>
    tpu.vector_store_idx %arg5[%sub3A_531, %add3A_534], %broadcast_in_dim3A_1 masked %and3A_528 : memref<256x128xf32, #tpu.memory_space<vmem>>[vector<16xi32>, vector<16xi32>], vector<16xf32>, vector<16xi1>
    %get3A_535 = arith.constant 0 : i32
    %get3A_536 = arith.index_cast %get3A_535 : i32 to index
    %get3A_537 = arith.constant 80 : index
    %get3A_538 = tpu.vector_load %arg4[%get3A_536, %get3A_537] {strides = array<i32>} : memref<24x128xi32, #tpu.memory_space<vmem>>, vector<16xi32>,
    %ge3A_539 = arith.constant 512 : i32
    %ge3A_540 = vector.broadcast %ge3A_539 : i32 to vector<16xi32>
    %ge3A_541 = arith.cmpi sge, %get3A_538, %ge3A_540 : vector<16xi32>
    %lt3A_542 = arith.constant 768 : i32
    %lt3A_543 = vector.broadcast %lt3A_542 : i32 to vector<16xi32>
    %lt3A_544 = arith.cmpi slt, %get3A_538, %lt3A_543 : vector<16xi32>
    %and3A_545 = arith.andi %ge3A_541, %lt3A_544 : vector<16xi1>
    %sub3A_546 = arith.constant 512 : i32
    %sub3A_547 = vector.broadcast %sub3A_546 : i32 to vector<16xi32>
    %sub3A_548 = arith.subi %get3A_538, %sub3A_547 : vector<16xi32>
    %add3A_549 = arith.constant 80 : i32
    %add3A_550 = vector.broadcast %add3A_549 : i32 to vector<16xi32>
    %add3A_551 = arith.addi %iota3A, %add3A_550 : vector<16xi32>
    tpu.vector_store_idx %arg5[%sub3A_548, %add3A_551], %broadcast_in_dim3A_1 masked %and3A_545 : memref<256x128xf32, #tpu.memory_space<vmem>>[vector<16xi32>, vector<16xi32>], vector<16xf32>, vector<16xi1>
    %get3A_552 = arith.constant 0 : i32
    %get3A_553 = arith.index_cast %get3A_552 : i32 to index
    %get3A_554 = arith.constant 96 : index
    %get3A_555 = tpu.vector_load %arg4[%get3A_553, %get3A_554] {strides = array<i32>} : memref<24x128xi32, #tpu.memory_space<vmem>>, vector<16xi32>,
    %ge3A_556 = arith.constant 512 : i32
    %ge3A_557 = vector.broadcast %ge3A_556 : i32 to vector<16xi32>
    %ge3A_558 = arith.cmpi sge, %get3A_555, %ge3A_557 : vector<16xi32>
    %lt3A_559 = arith.constant 768 : i32
    %lt3A_560 = vector.broadcast %lt3A_559 : i32 to vector<16xi32>
    %lt3A_561 = arith.cmpi slt, %get3A_555, %lt3A_560 : vector<16xi32>
    %and3A_562 = arith.andi %ge3A_558, %lt3A_561 : vector<16xi1>
    %sub3A_563 = arith.constant 512 : i32
    %sub3A_564 = vector.broadcast %sub3A_563 : i32 to vector<16xi32>
    %sub3A_565 = arith.subi %get3A_555, %sub3A_564 : vector<16xi32>
    %add3A_566 = arith.constant 96 : i32
    %add3A_567 = vector.broadcast %add3A_566 : i32 to vector<16xi32>
    %add3A_568 = arith.addi %iota3A, %add3A_567 : vector<16xi32>
    tpu.vector_store_idx %arg5[%sub3A_565, %add3A_568], %broadcast_in_dim3A_1 masked %and3A_562 : memref<256x128xf32, #tpu.memory_space<vmem>>[vector<16xi32>, vector<16xi32>], vector<16xf32>, vector<16xi1>
    %get3A_569 = arith.constant 0 : i32
    %get3A_570 = arith.index_cast %get3A_569 : i32 to index
    %get3A_571 = arith.constant 112 : index
    %get3A_572 = tpu.vector_load %arg4[%get3A_570, %get3A_571] {strides = array<i32>} : memref<24x128xi32, #tpu.memory_space<vmem>>, vector<16xi32>,
    %ge3A_573 = arith.constant 512 : i32
    %ge3A_574 = vector.broadcast %ge3A_573 : i32 to vector<16xi32>
    %ge3A_575 = arith.cmpi sge, %get3A_572, %ge3A_574 : vector<16xi32>
    %lt3A_576 = arith.constant 768 : i32
    %lt3A_577 = vector.broadcast %lt3A_576 : i32 to vector<16xi32>
    %lt3A_578 = arith.cmpi slt, %get3A_572, %lt3A_577 : vector<16xi32>
    %and3A_579 = arith.andi %ge3A_575, %lt3A_578 : vector<16xi1>
    %sub3A_580 = arith.constant 512 : i32
    %sub3A_581 = vector.broadcast %sub3A_580 : i32 to vector<16xi32>
    %sub3A_582 = arith.subi %get3A_572, %sub3A_581 : vector<16xi32>
    %add3A_583 = arith.constant 112 : i32
    %add3A_584 = vector.broadcast %add3A_583 : i32 to vector<16xi32>
    %add3A_585 = arith.addi %iota3A, %add3A_584 : vector<16xi32>
    tpu.vector_store_idx %arg5[%sub3A_582, %add3A_585], %broadcast_in_dim3A_1 masked %and3A_579 : memref<256x128xf32, #tpu.memory_space<vmem>>[vector<16xi32>, vector<16xi32>], vector<16xf32>, vector<16xi1>
    %mul3A_586 = arith.constant 128 : i32
    %mul3A_587 = arith.muli %mul3A_22, %mul3A_586 : i32
    %multiple_of3A_588 = tpu.assume_multiple %mul3A_587, 128 : i32
    %dma_start3A_589 = arith.constant 512 : i32
    %dma_start3A_590 = tpu.memref_slice %arg3[%dma_start3A_589, %multiple_of3A_588] : memref<1025x65664xf32, #tpu.memory_space<hbm>> -> memref<256x128xf32, #tpu.memory_space<hbm>>
    %dma_start3A_591 = arith.constant 512 : i32
    %dma_start3A_592 = tpu.memref_slice %arg3[%dma_start3A_591, %multiple_of3A_588] : memref<1025x65664xf32, #tpu.memory_space<hbm>> -> memref<256x128xf32, #tpu.memory_space<hbm>>
    tpu.enqueue_dma source(%arg5 : memref<256x128xf32, #tpu.memory_space<vmem>>) target(%dma_start3A_592 : memref<256x128xf32, #tpu.memory_space<hbm>>) target_semaphore(%arg7 : memref<!tpu.dma_semaphore, #tpu.memory_space<semaphore_mem>>)
    %mul3A_593 = arith.constant 128 : i32
    %mul3A_594 = arith.muli %mul3A_22, %mul3A_593 : i32
    %multiple_of3A_595 = tpu.assume_multiple %mul3A_594, 128 : i32
    %dma_wait3A_596 = arith.constant 0 : i32
    %dma_wait3A_597 = arith.constant 0 : i32
    %dma_wait3A_598 = tpu.memref_slice %arg6[%dma_wait3A_596, %dma_wait3A_597] : memref<257x128xf32, #tpu.memory_space<vmem>> -> memref<256x128xf32, #tpu.memory_space<vmem>>
    %dma_wait3A_599 = arith.constant 256 : i32
    %dma_wait3A_600 = tpu.memref_slice %arg3[%dma_wait3A_599, %multiple_of3A_595] : memref<1025x65664xf32, #tpu.memory_space<hbm>> -> memref<256x128xf32, #tpu.memory_space<hbm>>
    %dma_wait3A_601 = arith.constant 256 : i32
    %dma_wait3A_602 = tpu.memref_slice %arg3[%dma_wait3A_601, %multiple_of3A_595] : memref<1025x65664xf32, #tpu.memory_space<hbm>> -> memref<256x128xf32, #tpu.memory_space<hbm>>
    %dma_wait3A_603 = arith.constant 0 : i32
    %dma_wait3A_604 = arith.constant 0 : i32
    %dma_wait3A_605 = tpu.memref_slice %arg6[%dma_wait3A_603, %dma_wait3A_604] : memref<257x128xf32, #tpu.memory_space<vmem>> -> memref<256x128xf32, #tpu.memory_space<vmem>>
    tpu.wait_dma2 semaphore(%arg8 : memref<!tpu.dma_semaphore, #tpu.memory_space<semaphore_mem>>) src(%dma_wait3A_605 : memref<256x128xf32, #tpu.memory_space<vmem>>) dst(%dma_wait3A_602 : memref<256x128xf32, #tpu.memory_space<hbm>>)
    %get3A_606 = arith.constant 0 : i32
    %get3A_607 = arith.index_cast %get3A_606 : i32 to index
    %get3A_608 = arith.constant 0 : index
    %get3A_609 = tpu.vector_load %arg4[%get3A_607, %get3A_608] {strides = array<i32>} : memref<24x128xi32, #tpu.memory_space<vmem>>, vector<16xi32>,
    %ge3A_610 = arith.constant 256 : i32
    %ge3A_611 = vector.broadcast %ge3A_610 : i32 to vector<16xi32>
    %ge3A_612 = arith.cmpi sge, %get3A_609, %ge3A_611 : vector<16xi32>
    %lt3A_613 = arith.constant 512 : i32
    %lt3A_614 = vector.broadcast %lt3A_613 : i32 to vector<16xi32>
    %lt3A_615 = arith.cmpi slt, %get3A_609, %lt3A_614 : vector<16xi32>
    %and3A_616 = arith.andi %ge3A_612, %lt3A_615 : vector<16xi1>
    %sub3A_617 = arith.constant 256 : i32
    %sub3A_618 = vector.broadcast %sub3A_617 : i32 to vector<16xi32>
    %sub3A_619 = arith.subi %get3A_609, %sub3A_618 : vector<16xi32>
    %add3A_620 = arith.constant 0 : i32
    %add3A_621 = vector.broadcast %add3A_620 : i32 to vector<16xi32>
    %add3A_622 = arith.addi %iota3A, %add3A_621 : vector<16xi32>
    tpu.vector_store_idx %arg6[%sub3A_619, %add3A_622], %broadcast_in_dim3A_3 masked %and3A_616 : memref<257x128xf32, #tpu.memory_space<vmem>>[vector<16xi32>, vector<16xi32>], vector<16xf32>, vector<16xi1>
    %get3A_623 = arith.constant 0 : i32
    %get3A_624 = arith.index_cast %get3A_623 : i32 to index
    %get3A_625 = arith.constant 16 : index
    %get3A_626 = tpu.vector_load %arg4[%get3A_624, %get3A_625] {strides = array<i32>} : memref<24x128xi32, #tpu.memory_space<vmem>>, vector<16xi32>,
    %ge3A_627 = arith.constant 256 : i32
    %ge3A_628 = vector.broadcast %ge3A_627 : i32 to vector<16xi32>
    %ge3A_629 = arith.cmpi sge, %get3A_626, %ge3A_628 : vector<16xi32>
    %lt3A_630 = arith.constant 512 : i32
    %lt3A_631 = vector.broadcast %lt3A_630 : i32 to vector<16xi32>
    %lt3A_632 = arith.cmpi slt, %get3A_626, %lt3A_631 : vector<16xi32>
    %and3A_633 = arith.andi %ge3A_629, %lt3A_632 : vector<16xi1>
    %sub3A_634 = arith.constant 256 : i32
    %sub3A_635 = vector.broadcast %sub3A_634 : i32 to vector<16xi32>
    %sub3A_636 = arith.subi %get3A_626, %sub3A_635 : vector<16xi32>
    %add3A_637 = arith.constant 16 : i32
    %add3A_638 = vector.broadcast %add3A_637 : i32 to vector<16xi32>
    %add3A_639 = arith.addi %iota3A, %add3A_638 : vector<16xi32>
    tpu.vector_store_idx %arg6[%sub3A_636, %add3A_639], %broadcast_in_dim3A_3 masked %and3A_633 : memref<257x128xf32, #tpu.memory_space<vmem>>[vector<16xi32>, vector<16xi32>], vector<16xf32>, vector<16xi1>
    %get3A_640 = arith.constant 0 : i32
    %get3A_641 = arith.index_cast %get3A_640 : i32 to index
    %get3A_642 = arith.constant 32 : index
    %get3A_643 = tpu.vector_load %arg4[%get3A_641, %get3A_642] {strides = array<i32>} : memref<24x128xi32, #tpu.memory_space<vmem>>, vector<16xi32>,
    %ge3A_644 = arith.constant 256 : i32
    %ge3A_645 = vector.broadcast %ge3A_644 : i32 to vector<16xi32>
    %ge3A_646 = arith.cmpi sge, %get3A_643, %ge3A_645 : vector<16xi32>
    %lt3A_647 = arith.constant 512 : i32
    %lt3A_648 = vector.broadcast %lt3A_647 : i32 to vector<16xi32>
    %lt3A_649 = arith.cmpi slt, %get3A_643, %lt3A_648 : vector<16xi32>
    %and3A_650 = arith.andi %ge3A_646, %lt3A_649 : vector<16xi1>
    %sub3A_651 = arith.constant 256 : i32
    %sub3A_652 = vector.broadcast %sub3A_651 : i32 to vector<16xi32>
    %sub3A_653 = arith.subi %get3A_643, %sub3A_652 : vector<16xi32>
    %add3A_654 = arith.constant 32 : i32
    %add3A_655 = vector.broadcast %add3A_654 : i32 to vector<16xi32>
    %add3A_656 = arith.addi %iota3A, %add3A_655 : vector<16xi32>
    tpu.vector_store_idx %arg6[%sub3A_653, %add3A_656], %broadcast_in_dim3A_3 masked %and3A_650 : memref<257x128xf32, #tpu.memory_space<vmem>>[vector<16xi32>, vector<16xi32>], vector<16xf32>, vector<16xi1>
    %get3A_657 = arith.constant 0 : i32
    %get3A_658 = arith.index_cast %get3A_657 : i32 to index
    %get3A_659 = arith.constant 48 : index
    %get3A_660 = tpu.vector_load %arg4[%get3A_658, %get3A_659] {strides = array<i32>} : memref<24x128xi32, #tpu.memory_space<vmem>>, vector<16xi32>,
    %ge3A_661 = arith.constant 256 : i32
    %ge3A_662 = vector.broadcast %ge3A_661 : i32 to vector<16xi32>
    %ge3A_663 = arith.cmpi sge, %get3A_660, %ge3A_662 : vector<16xi32>
    %lt3A_664 = arith.constant 512 : i32
    %lt3A_665 = vector.broadcast %lt3A_664 : i32 to vector<16xi32>
    %lt3A_666 = arith.cmpi slt, %get3A_660, %lt3A_665 : vector<16xi32>
    %and3A_667 = arith.andi %ge3A_663, %lt3A_666 : vector<16xi1>
    %sub3A_668 = arith.constant 256 : i32
    %sub3A_669 = vector.broadcast %sub3A_668 : i32 to vector<16xi32>
    %sub3A_670 = arith.subi %get3A_660, %sub3A_669 : vector<16xi32>
    %add3A_671 = arith.constant 48 : i32
    %add3A_672 = vector.broadcast %add3A_671 : i32 to vector<16xi32>
    %add3A_673 = arith.addi %iota3A, %add3A_672 : vector<16xi32>
    tpu.vector_store_idx %arg6[%sub3A_670, %add3A_673], %broadcast_in_dim3A_3 masked %and3A_667 : memref<257x128xf32, #tpu.memory_space<vmem>>[vector<16xi32>, vector<16xi32>], vector<16xf32>, vector<16xi1>
    %get3A_674 = arith.constant 0 : i32
    %get3A_675 = arith.index_cast %get3A_674 : i32 to index
    %get3A_676 = arith.constant 64 : index
    %get3A_677 = tpu.vector_load %arg4[%get3A_675, %get3A_676] {strides = array<i32>} : memref<24x128xi32, #tpu.memory_space<vmem>>, vector<16xi32>,
    %ge3A_678 = arith.constant 256 : i32
    %ge3A_679 = vector.broadcast %ge3A_678 : i32 to vector<16xi32>
    %ge3A_680 = arith.cmpi sge, %get3A_677, %ge3A_679 : vector<16xi32>
    %lt3A_681 = arith.constant 512 : i32
    %lt3A_682 = vector.broadcast %lt3A_681 : i32 to vector<16xi32>
    %lt3A_683 = arith.cmpi slt, %get3A_677, %lt3A_682 : vector<16xi32>
    %and3A_684 = arith.andi %ge3A_680, %lt3A_683 : vector<16xi1>
    %sub3A_685 = arith.constant 256 : i32
    %sub3A_686 = vector.broadcast %sub3A_685 : i32 to vector<16xi32>
    %sub3A_687 = arith.subi %get3A_677, %sub3A_686 : vector<16xi32>
    %add3A_688 = arith.constant 64 : i32
    %add3A_689 = vector.broadcast %add3A_688 : i32 to vector<16xi32>
    %add3A_690 = arith.addi %iota3A, %add3A_689 : vector<16xi32>
    tpu.vector_store_idx %arg6[%sub3A_687, %add3A_690], %broadcast_in_dim3A_3 masked %and3A_684 : memref<257x128xf32, #tpu.memory_space<vmem>>[vector<16xi32>, vector<16xi32>], vector<16xf32>, vector<16xi1>
    %get3A_691 = arith.constant 0 : i32
    %get3A_692 = arith.index_cast %get3A_691 : i32 to index
    %get3A_693 = arith.constant 80 : index
    %get3A_694 = tpu.vector_load %arg4[%get3A_692, %get3A_693] {strides = array<i32>} : memref<24x128xi32, #tpu.memory_space<vmem>>, vector<16xi32>,
    %ge3A_695 = arith.constant 256 : i32
    %ge3A_696 = vector.broadcast %ge3A_695 : i32 to vector<16xi32>
    %ge3A_697 = arith.cmpi sge, %get3A_694, %ge3A_696 : vector<16xi32>
    %lt3A_698 = arith.constant 512 : i32
    %lt3A_699 = vector.broadcast %lt3A_698 : i32 to vector<16xi32>
    %lt3A_700 = arith.cmpi slt, %get3A_694, %lt3A_699 : vector<16xi32>
    %and3A_701 = arith.andi %ge3A_697, %lt3A_700 : vector<16xi1>
    %sub3A_702 = arith.constant 256 : i32
    %sub3A_703 = vector.broadcast %sub3A_702 : i32 to vector<16xi32>
    %sub3A_704 = arith.subi %get3A_694, %sub3A_703 : vector<16xi32>
    %add3A_705 = arith.constant 80 : i32
    %add3A_706 = vector.broadcast %add3A_705 : i32 to vector<16xi32>
    %add3A_707 = arith.addi %iota3A, %add3A_706 : vector<16xi32>
    tpu.vector_store_idx %arg6[%sub3A_704, %add3A_707], %broadcast_in_dim3A_3 masked %and3A_701 : memref<257x128xf32, #tpu.memory_space<vmem>>[vector<16xi32>, vector<16xi32>], vector<16xf32>, vector<16xi1>
    %get3A_708 = arith.constant 0 : i32
    %get3A_709 = arith.index_cast %get3A_708 : i32 to index
    %get3A_710 = arith.constant 96 : index
    %get3A_711 = tpu.vector_load %arg4[%get3A_709, %get3A_710] {strides = array<i32>} : memref<24x128xi32, #tpu.memory_space<vmem>>, vector<16xi32>,
    %ge3A_712 = arith.constant 256 : i32
    %ge3A_713 = vector.broadcast %ge3A_712 : i32 to vector<16xi32>
    %ge3A_714 = arith.cmpi sge, %get3A_711, %ge3A_713 : vector<16xi32>
    %lt3A_715 = arith.constant 512 : i32
    %lt3A_716 = vector.broadcast %lt3A_715 : i32 to vector<16xi32>
    %lt3A_717 = arith.cmpi slt, %get3A_711, %lt3A_716 : vector<16xi32>
    %and3A_718 = arith.andi %ge3A_714, %lt3A_717 : vector<16xi1>
    %sub3A_719 = arith.constant 256 : i32
    %sub3A_720 = vector.broadcast %sub3A_719 : i32 to vector<16xi32>
    %sub3A_721 = arith.subi %get3A_711, %sub3A_720 : vector<16xi32>
    %add3A_722 = arith.constant 96 : i32
    %add3A_723 = vector.broadcast %add3A_722 : i32 to vector<16xi32>
    %add3A_724 = arith.addi %iota3A, %add3A_723 : vector<16xi32>
    tpu.vector_store_idx %arg6[%sub3A_721, %add3A_724], %broadcast_in_dim3A_3 masked %and3A_718 : memref<257x128xf32, #tpu.memory_space<vmem>>[vector<16xi32>, vector<16xi32>], vector<16xf32>, vector<16xi1>
    %get3A_725 = arith.constant 0 : i32
    %get3A_726 = arith.index_cast %get3A_725 : i32 to index
    %get3A_727 = arith.constant 112 : index
    %get3A_728 = tpu.vector_load %arg4[%get3A_726, %get3A_727] {strides = array<i32>} : memref<24x128xi32, #tpu.memory_space<vmem>>, vector<16xi32>,
    %ge3A_729 = arith.constant 256 : i32
    %ge3A_730 = vector.broadcast %ge3A_729 : i32 to vector<16xi32>
    %ge3A_731 = arith.cmpi sge, %get3A_728, %ge3A_730 : vector<16xi32>
    %lt3A_732 = arith.constant 512 : i32
    %lt3A_733 = vector.broadcast %lt3A_732 : i32 to vector<16xi32>
    %lt3A_734 = arith.cmpi slt, %get3A_728, %lt3A_733 : vector<16xi32>
    %and3A_735 = arith.andi %ge3A_731, %lt3A_734 : vector<16xi1>
    %sub3A_736 = arith.constant 256 : i32
    %sub3A_737 = vector.broadcast %sub3A_736 : i32 to vector<16xi32>
    %sub3A_738 = arith.subi %get3A_728, %sub3A_737 : vector<16xi32>
    %add3A_739 = arith.constant 112 : i32
    %add3A_740 = vector.broadcast %add3A_739 : i32 to vector<16xi32>
    %add3A_741 = arith.addi %iota3A, %add3A_740 : vector<16xi32>
    tpu.vector_store_idx %arg6[%sub3A_738, %add3A_741], %broadcast_in_dim3A_3 masked %and3A_735 : memref<257x128xf32, #tpu.memory_space<vmem>>[vector<16xi32>, vector<16xi32>], vector<16xf32>, vector<16xi1>
    %get3A_742 = arith.constant 0 : i32
    %get3A_743 = arith.index_cast %get3A_742 : i32 to index
    %get3A_744 = arith.constant 0 : index
    %get3A_745 = tpu.vector_load %arg4[%get3A_743, %get3A_744] {strides = array<i32>} : memref<24x128xi32, #tpu.memory_space<vmem>>, vector<16xi32>,
    %ge3A_746 = arith.constant 768 : i32
    %ge3A_747 = vector.broadcast %ge3A_746 : i32 to vector<16xi32>
    %ge3A_748 = arith.cmpi sge, %get3A_745, %ge3A_747 : vector<16xi32>
    %lt3A_749 = arith.constant 1025 : i32
    %lt3A_750 = vector.broadcast %lt3A_749 : i32 to vector<16xi32>
    %lt3A_751 = arith.cmpi slt, %get3A_745, %lt3A_750 : vector<16xi32>
    %and3A_752 = arith.andi %ge3A_748, %lt3A_751 : vector<16xi1>
    %sub3A_753 = arith.constant 768 : i32
    %sub3A_754 = vector.broadcast %sub3A_753 : i32 to vector<16xi32>
    %sub3A_755 = arith.subi %get3A_745, %sub3A_754 : vector<16xi32>
    %add3A_756 = arith.constant 0 : i32
    %add3A_757 = vector.broadcast %add3A_756 : i32 to vector<16xi32>
    %add3A_758 = arith.addi %iota3A, %add3A_757 : vector<16xi32>
    tpu.vector_store_idx %arg6[%sub3A_755, %add3A_758], %broadcast_in_dim3A_1 masked %and3A_752 : memref<257x128xf32, #tpu.memory_space<vmem>>[vector<16xi32>, vector<16xi32>], vector<16xf32>, vector<16xi1>
    %get3A_759 = arith.constant 0 : i32
    %get3A_760 = arith.index_cast %get3A_759 : i32 to index
    %get3A_761 = arith.constant 16 : index
    %get3A_762 = tpu.vector_load %arg4[%get3A_760, %get3A_761] {strides = array<i32>} : memref<24x128xi32, #tpu.memory_space<vmem>>, vector<16xi32>,
    %ge3A_763 = arith.constant 768 : i32
    %ge3A_764 = vector.broadcast %ge3A_763 : i32 to vector<16xi32>
    %ge3A_765 = arith.cmpi sge, %get3A_762, %ge3A_764 : vector<16xi32>
    %lt3A_766 = arith.constant 1025 : i32
    %lt3A_767 = vector.broadcast %lt3A_766 : i32 to vector<16xi32>
    %lt3A_768 = arith.cmpi slt, %get3A_762, %lt3A_767 : vector<16xi32>
    %and3A_769 = arith.andi %ge3A_765, %lt3A_768 : vector<16xi1>
    %sub3A_770 = arith.constant 768 : i32
    %sub3A_771 = vector.broadcast %sub3A_770 : i32 to vector<16xi32>
    %sub3A_772 = arith.subi %get3A_762, %sub3A_771 : vector<16xi32>
    %add3A_773 = arith.constant 16 : i32
    %add3A_774 = vector.broadcast %add3A_773 : i32 to vector<16xi32>
    %add3A_775 = arith.addi %iota3A, %add3A_774 : vector<16xi32>
    tpu.vector_store_idx %arg6[%sub3A_772, %add3A_775], %broadcast_in_dim3A_1 masked %and3A_769 : memref<257x128xf32, #tpu.memory_space<vmem>>[vector<16xi32>, vector<16xi32>], vector<16xf32>, vector<16xi1>
    %get3A_776 = arith.constant 0 : i32
    %get3A_777 = arith.index_cast %get3A_776 : i32 to index
    %get3A_778 = arith.constant 32 : index
    %get3A_779 = tpu.vector_load %arg4[%get3A_777, %get3A_778] {strides = array<i32>} : memref<24x128xi32, #tpu.memory_space<vmem>>, vector<16xi32>,
    %ge3A_780 = arith.constant 768 : i32
    %ge3A_781 = vector.broadcast %ge3A_780 : i32 to vector<16xi32>
    %ge3A_782 = arith.cmpi sge, %get3A_779, %ge3A_781 : vector<16xi32>
    %lt3A_783 = arith.constant 1025 : i32
    %lt3A_784 = vector.broadcast %lt3A_783 : i32 to vector<16xi32>
    %lt3A_785 = arith.cmpi slt, %get3A_779, %lt3A_784 : vector<16xi32>
    %and3A_786 = arith.andi %ge3A_782, %lt3A_785 : vector<16xi1>
    %sub3A_787 = arith.constant 768 : i32
    %sub3A_788 = vector.broadcast %sub3A_787 : i32 to vector<16xi32>
    %sub3A_789 = arith.subi %get3A_779, %sub3A_788 : vector<16xi32>
    %add3A_790 = arith.constant 32 : i32
    %add3A_791 = vector.broadcast %add3A_790 : i32 to vector<16xi32>
    %add3A_792 = arith.addi %iota3A, %add3A_791 : vector<16xi32>
    tpu.vector_store_idx %arg6[%sub3A_789, %add3A_792], %broadcast_in_dim3A_1 masked %and3A_786 : memref<257x128xf32, #tpu.memory_space<vmem>>[vector<16xi32>, vector<16xi32>], vector<16xf32>, vector<16xi1>
    %get3A_793 = arith.constant 0 : i32
    %get3A_794 = arith.index_cast %get3A_793 : i32 to index
    %get3A_795 = arith.constant 48 : index
    %get3A_796 = tpu.vector_load %arg4[%get3A_794, %get3A_795] {strides = array<i32>} : memref<24x128xi32, #tpu.memory_space<vmem>>, vector<16xi32>,
    %ge3A_797 = arith.constant 768 : i32
    %ge3A_798 = vector.broadcast %ge3A_797 : i32 to vector<16xi32>
    %ge3A_799 = arith.cmpi sge, %get3A_796, %ge3A_798 : vector<16xi32>
    %lt3A_800 = arith.constant 1025 : i32
    %lt3A_801 = vector.broadcast %lt3A_800 : i32 to vector<16xi32>
    %lt3A_802 = arith.cmpi slt, %get3A_796, %lt3A_801 : vector<16xi32>
    %and3A_803 = arith.andi %ge3A_799, %lt3A_802 : vector<16xi1>
    %sub3A_804 = arith.constant 768 : i32
    %sub3A_805 = vector.broadcast %sub3A_804 : i32 to vector<16xi32>
    %sub3A_806 = arith.subi %get3A_796, %sub3A_805 : vector<16xi32>
    %add3A_807 = arith.constant 48 : i32
    %add3A_808 = vector.broadcast %add3A_807 : i32 to vector<16xi32>
    %add3A_809 = arith.addi %iota3A, %add3A_808 : vector<16xi32>
    tpu.vector_store_idx %arg6[%sub3A_806, %add3A_809], %broadcast_in_dim3A_1 masked %and3A_803 : memref<257x128xf32, #tpu.memory_space<vmem>>[vector<16xi32>, vector<16xi32>], vector<16xf32>, vector<16xi1>
    %get3A_810 = arith.constant 0 : i32
    %get3A_811 = arith.index_cast %get3A_810 : i32 to index
    %get3A_812 = arith.constant 64 : index
    %get3A_813 = tpu.vector_load %arg4[%get3A_811, %get3A_812] {strides = array<i32>} : memref<24x128xi32, #tpu.memory_space<vmem>>, vector<16xi32>,
    %ge3A_814 = arith.constant 768 : i32
    %ge3A_815 = vector.broadcast %ge3A_814 : i32 to vector<16xi32>
    %ge3A_816 = arith.cmpi sge, %get3A_813, %ge3A_815 : vector<16xi32>
    %lt3A_817 = arith.constant 1025 : i32
    %lt3A_818 = vector.broadcast %lt3A_817 : i32 to vector<16xi32>
    %lt3A_819 = arith.cmpi slt, %get3A_813, %lt3A_818 : vector<16xi32>
    %and3A_820 = arith.andi %ge3A_816, %lt3A_819 : vector<16xi1>
    %sub3A_821 = arith.constant 768 : i32
    %sub3A_822 = vector.broadcast %sub3A_821 : i32 to vector<16xi32>
    %sub3A_823 = arith.subi %get3A_813, %sub3A_822 : vector<16xi32>
    %add3A_824 = arith.constant 64 : i32
    %add3A_825 = vector.broadcast %add3A_824 : i32 to vector<16xi32>
    %add3A_826 = arith.addi %iota3A, %add3A_825 : vector<16xi32>
    tpu.vector_store_idx %arg6[%sub3A_823, %add3A_826], %broadcast_in_dim3A_1 masked %and3A_820 : memref<257x128xf32, #tpu.memory_space<vmem>>[vector<16xi32>, vector<16xi32>], vector<16xf32>, vector<16xi1>
    %get3A_827 = arith.constant 0 : i32
    %get3A_828 = arith.index_cast %get3A_827 : i32 to index
    %get3A_829 = arith.constant 80 : index
    %get3A_830 = tpu.vector_load %arg4[%get3A_828, %get3A_829] {strides = array<i32>} : memref<24x128xi32, #tpu.memory_space<vmem>>, vector<16xi32>,
    %ge3A_831 = arith.constant 768 : i32
    %ge3A_832 = vector.broadcast %ge3A_831 : i32 to vector<16xi32>
    %ge3A_833 = arith.cmpi sge, %get3A_830, %ge3A_832 : vector<16xi32>
    %lt3A_834 = arith.constant 1025 : i32
    %lt3A_835 = vector.broadcast %lt3A_834 : i32 to vector<16xi32>
    %lt3A_836 = arith.cmpi slt, %get3A_830, %lt3A_835 : vector<16xi32>
    %and3A_837 = arith.andi %ge3A_833, %lt3A_836 : vector<16xi1>
    %sub3A_838 = arith.constant 768 : i32
    %sub3A_839 = vector.broadcast %sub3A_838 : i32 to vector<16xi32>
    %sub3A_840 = arith.subi %get3A_830, %sub3A_839 : vector<16xi32>
    %add3A_841 = arith.constant 80 : i32
    %add3A_842 = vector.broadcast %add3A_841 : i32 to vector<16xi32>
    %add3A_843 = arith.addi %iota3A, %add3A_842 : vector<16xi32>
    tpu.vector_store_idx %arg6[%sub3A_840, %add3A_843], %broadcast_in_dim3A_1 masked %and3A_837 : memref<257x128xf32, #tpu.memory_space<vmem>>[vector<16xi32>, vector<16xi32>], vector<16xf32>, vector<16xi1>
    %get3A_844 = arith.constant 0 : i32
    %get3A_845 = arith.index_cast %get3A_844 : i32 to index
    %get3A_846 = arith.constant 96 : index
    %get3A_847 = tpu.vector_load %arg4[%get3A_845, %get3A_846] {strides = array<i32>} : memref<24x128xi32, #tpu.memory_space<vmem>>, vector<16xi32>,
    %ge3A_848 = arith.constant 768 : i32
    %ge3A_849 = vector.broadcast %ge3A_848 : i32 to vector<16xi32>
    %ge3A_850 = arith.cmpi sge, %get3A_847, %ge3A_849 : vector<16xi32>
    %lt3A_851 = arith.constant 1025 : i32
    %lt3A_852 = vector.broadcast %lt3A_851 : i32 to vector<16xi32>
    %lt3A_853 = arith.cmpi slt, %get3A_847, %lt3A_852 : vector<16xi32>
    %and3A_854 = arith.andi %ge3A_850, %lt3A_853 : vector<16xi1>
    %sub3A_855 = arith.constant 768 : i32
    %sub3A_856 = vector.broadcast %sub3A_855 : i32 to vector<16xi32>
    %sub3A_857 = arith.subi %get3A_847, %sub3A_856 : vector<16xi32>
    %add3A_858 = arith.constant 96 : i32
    %add3A_859 = vector.broadcast %add3A_858 : i32 to vector<16xi32>
    %add3A_860 = arith.addi %iota3A, %add3A_859 : vector<16xi32>
    tpu.vector_store_idx %arg6[%sub3A_857, %add3A_860], %broadcast_in_dim3A_1 masked %and3A_854 : memref<257x128xf32, #tpu.memory_space<vmem>>[vector<16xi32>, vector<16xi32>], vector<16xf32>, vector<16xi1>
    %get3A_861 = arith.constant 0 : i32
    %get3A_862 = arith.index_cast %get3A_861 : i32 to index
    %get3A_863 = arith.constant 112 : index
    %get3A_864 = tpu.vector_load %arg4[%get3A_862, %get3A_863] {strides = array<i32>} : memref<24x128xi32, #tpu.memory_space<vmem>>, vector<16xi32>,
    %ge3A_865 = arith.constant 768 : i32
    %ge3A_866 = vector.broadcast %ge3A_865 : i32 to vector<16xi32>
    %ge3A_867 = arith.cmpi sge, %get3A_864, %ge3A_866 : vector<16xi32>
    %lt3A_868 = arith.constant 1025 : i32
    %lt3A_869 = vector.broadcast %lt3A_868 : i32 to vector<16xi32>
    %lt3A_870 = arith.cmpi slt, %get3A_864, %lt3A_869 : vector<16xi32>
    %and3A_871 = arith.andi %ge3A_867, %lt3A_870 : vector<16xi1>
    %sub3A_872 = arith.constant 768 : i32
    %sub3A_873 = vector.broadcast %sub3A_872 : i32 to vector<16xi32>
    %sub3A_874 = arith.subi %get3A_864, %sub3A_873 : vector<16xi32>
    %add3A_875 = arith.constant 112 : i32
    %add3A_876 = vector.broadcast %add3A_875 : i32 to vector<16xi32>
    %add3A_877 = arith.addi %iota3A, %add3A_876 : vector<16xi32>
    tpu.vector_store_idx %arg6[%sub3A_874, %add3A_877], %broadcast_in_dim3A_1 masked %and3A_871 : memref<257x128xf32, #tpu.memory_space<vmem>>[vector<16xi32>, vector<16xi32>], vector<16xf32>, vector<16xi1>
    %mul3A_878 = arith.constant 128 : i32
    %mul3A_879 = arith.muli %mul3A_22, %mul3A_878 : i32
    %multiple_of3A_880 = tpu.assume_multiple %mul3A_879, 128 : i32
    %dma_start3A_881 = arith.constant 768 : i32
    %dma_start3A_882 = tpu.memref_slice %arg3[%dma_start3A_881, %multiple_of3A_880] : memref<1025x65664xf32, #tpu.memory_space<hbm>> -> memref<257x128xf32, #tpu.memory_space<hbm>>
    %dma_start3A_883 = arith.constant 768 : i32
    %dma_start3A_884 = tpu.memref_slice %arg3[%dma_start3A_883, %multiple_of3A_880] : memref<1025x65664xf32, #tpu.memory_space<hbm>> -> memref<257x128xf32, #tpu.memory_space<hbm>>
    tpu.enqueue_dma source(%arg6 : memref<257x128xf32, #tpu.memory_space<vmem>>) target(%dma_start3A_884 : memref<257x128xf32, #tpu.memory_space<hbm>>) target_semaphore(%arg8 : memref<!tpu.dma_semaphore, #tpu.memory_space<semaphore_mem>>)
    %scan3A_885 = arith.constant 0 : i32
    %scan3A_886 = arith.constant 1 : i32
    %scan3A_887 = arith.constant 15 : i32
    %scan3A_888 = arith.addi %scan3A_886, %scan3A_887 : i32
    %scan3A_889 = arith.constant 1 : i32
    %scan3A_890 = scf.for %scan3A_917 = %scan3A_886 to %scan3A_888 step %scan3A_889 iter_args(%scan3A_918 = %scan3A_885) -> (i32)  : i32 {
      %add3A_919 = arith.addi %mul3A_22, %scan3A_917 : i32
      %sub3A_920 = arith.constant 1 : i32
      %sub3A_921 = arith.subi %scan3A_917, %sub3A_920 : i32
      %sub3A_922 = arith.constant 1 : i32
      %sub3A_923 = arith.subi %add3A_919, %sub3A_922 : i32
      %mul3A_924 = arith.constant 128 : i32
      %mul3A_925 = arith.muli %sub3A_923, %mul3A_924 : i32
      %multiple_of3A_926 = tpu.assume_multiple %mul3A_925, 128 : i32
      %dma_wait3A_927 = arith.constant 512 : i32
      %dma_wait3A_928 = tpu.memref_slice %arg3[%dma_wait3A_927, %multiple_of3A_926] : memref<1025x65664xf32, #tpu.memory_space<hbm>> -> memref<256x128xf32, #tpu.memory_space<hbm>>
      %dma_wait3A_929 = arith.constant 512 : i32
      %dma_wait3A_930 = tpu.memref_slice %arg3[%dma_wait3A_929, %multiple_of3A_926] : memref<1025x65664xf32, #tpu.memory_space<hbm>> -> memref<256x128xf32, #tpu.memory_space<hbm>>
      tpu.wait_dma2 semaphore(%arg7 : memref<!tpu.dma_semaphore, #tpu.memory_space<semaphore_mem>>) src(%arg5 : memref<256x128xf32, #tpu.memory_space<vmem>>) dst(%dma_wait3A_930 : memref<256x128xf32, #tpu.memory_space<hbm>>)
      %get3A_931 = arith.index_cast %sub3A_921 : i32 to index
      %get3A_932 = arith.constant 0 : index
      %get3A_933 = tpu.vector_load %arg4[%get3A_931, %get3A_932] {strides = array<i32>} : memref<24x128xi32, #tpu.memory_space<vmem>>, vector<16xi32>,
      %ge3A_934 = arith.constant 512 : i32
      %ge3A_935 = vector.broadcast %ge3A_934 : i32 to vector<16xi32>
      %ge3A_936 = arith.cmpi sge, %get3A_933, %ge3A_935 : vector<16xi32>
      %lt3A_937 = arith.constant 768 : i32
      %lt3A_938 = vector.broadcast %lt3A_937 : i32 to vector<16xi32>
      %lt3A_939 = arith.cmpi slt, %get3A_933, %lt3A_938 : vector<16xi32>
      %and3A_940 = arith.andi %ge3A_936, %lt3A_939 : vector<16xi1>
      %sub3A_941 = arith.constant 512 : i32
      %sub3A_942 = vector.broadcast %sub3A_941 : i32 to vector<16xi32>
      %sub3A_943 = arith.subi %get3A_933, %sub3A_942 : vector<16xi32>
      %add3A_944 = arith.constant 0 : i32
      %add3A_945 = vector.broadcast %add3A_944 : i32 to vector<16xi32>
      %add3A_946 = arith.addi %iota3A, %add3A_945 : vector<16xi32>
      tpu.vector_store_idx %arg5[%sub3A_943, %add3A_946], %broadcast_in_dim3A_3 masked %and3A_940 : memref<256x128xf32, #tpu.memory_space<vmem>>[vector<16xi32>, vector<16xi32>], vector<16xf32>, vector<16xi1>
      %get3A_947 = arith.index_cast %sub3A_921 : i32 to index
      %get3A_948 = arith.constant 16 : index
      %get3A_949 = tpu.vector_load %arg4[%get3A_947, %get3A_948] {strides = array<i32>} : memref<24x128xi32, #tpu.memory_space<vmem>>, vector<16xi32>,
      %ge3A_950 = arith.constant 512 : i32
      %ge3A_951 = vector.broadcast %ge3A_950 : i32 to vector<16xi32>
      %ge3A_952 = arith.cmpi sge, %get3A_949, %ge3A_951 : vector<16xi32>
      %lt3A_953 = arith.constant 768 : i32
      %lt3A_954 = vector.broadcast %lt3A_953 : i32 to vector<16xi32>
      %lt3A_955 = arith.cmpi slt, %get3A_949, %lt3A_954 : vector<16xi32>
      %and3A_956 = arith.andi %ge3A_952, %lt3A_955 : vector<16xi1>
      %sub3A_957 = arith.constant 512 : i32
      %sub3A_958 = vector.broadcast %sub3A_957 : i32 to vector<16xi32>
      %sub3A_959 = arith.subi %get3A_949, %sub3A_958 : vector<16xi32>
      %add3A_960 = arith.constant 16 : i32
      %add3A_961 = vector.broadcast %add3A_960 : i32 to vector<16xi32>
      %add3A_962 = arith.addi %iota3A, %add3A_961 : vector<16xi32>
      tpu.vector_store_idx %arg5[%sub3A_959, %add3A_962], %broadcast_in_dim3A_3 masked %and3A_956 : memref<256x128xf32, #tpu.memory_space<vmem>>[vector<16xi32>, vector<16xi32>], vector<16xf32>, vector<16xi1>
      %get3A_963 = arith.index_cast %sub3A_921 : i32 to index
      %get3A_964 = arith.constant 32 : index
      %get3A_965 = tpu.vector_load %arg4[%get3A_963, %get3A_964] {strides = array<i32>} : memref<24x128xi32, #tpu.memory_space<vmem>>, vector<16xi32>,
      %ge3A_966 = arith.constant 512 : i32
      %ge3A_967 = vector.broadcast %ge3A_966 : i32 to vector<16xi32>
      %ge3A_968 = arith.cmpi sge, %get3A_965, %ge3A_967 : vector<16xi32>
      %lt3A_969 = arith.constant 768 : i32
      %lt3A_970 = vector.broadcast %lt3A_969 : i32 to vector<16xi32>
      %lt3A_971 = arith.cmpi slt, %get3A_965, %lt3A_970 : vector<16xi32>
      %and3A_972 = arith.andi %ge3A_968, %lt3A_971 : vector<16xi1>
      %sub3A_973 = arith.constant 512 : i32
      %sub3A_974 = vector.broadcast %sub3A_973 : i32 to vector<16xi32>
      %sub3A_975 = arith.subi %get3A_965, %sub3A_974 : vector<16xi32>
      %add3A_976 = arith.constant 32 : i32
      %add3A_977 = vector.broadcast %add3A_976 : i32 to vector<16xi32>
      %add3A_978 = arith.addi %iota3A, %add3A_977 : vector<16xi32>
      tpu.vector_store_idx %arg5[%sub3A_975, %add3A_978], %broadcast_in_dim3A_3 masked %and3A_972 : memref<256x128xf32, #tpu.memory_space<vmem>>[vector<16xi32>, vector<16xi32>], vector<16xf32>, vector<16xi1>
      %get3A_979 = arith.index_cast %sub3A_921 : i32 to index
      %get3A_980 = arith.constant 48 : index
      %get3A_981 = tpu.vector_load %arg4[%get3A_979, %get3A_980] {strides = array<i32>} : memref<24x128xi32, #tpu.memory_space<vmem>>, vector<16xi32>,
      %ge3A_982 = arith.constant 512 : i32
      %ge3A_983 = vector.broadcast %ge3A_982 : i32 to vector<16xi32>
      %ge3A_984 = arith.cmpi sge, %get3A_981, %ge3A_983 : vector<16xi32>
      %lt3A_985 = arith.constant 768 : i32
      %lt3A_986 = vector.broadcast %lt3A_985 : i32 to vector<16xi32>
      %lt3A_987 = arith.cmpi slt, %get3A_981, %lt3A_986 : vector<16xi32>
      %and3A_988 = arith.andi %ge3A_984, %lt3A_987 : vector<16xi1>
      %sub3A_989 = arith.constant 512 : i32
      %sub3A_990 = vector.broadcast %sub3A_989 : i32 to vector<16xi32>
      %sub3A_991 = arith.subi %get3A_981, %sub3A_990 : vector<16xi32>
      %add3A_992 = arith.constant 48 : i32
      %add3A_993 = vector.broadcast %add3A_992 : i32 to vector<16xi32>
      %add3A_994 = arith.addi %iota3A, %add3A_993 : vector<16xi32>
      tpu.vector_store_idx %arg5[%sub3A_991, %add3A_994], %broadcast_in_dim3A_3 masked %and3A_988 : memref<256x128xf32, #tpu.memory_space<vmem>>[vector<16xi32>, vector<16xi32>], vector<16xf32>, vector<16xi1>
      %get3A_995 = arith.index_cast %sub3A_921 : i32 to index
      %get3A_996 = arith.constant 64 : index
      %get3A_997 = tpu.vector_load %arg4[%get3A_995, %get3A_996] {strides = array<i32>} : memref<24x128xi32, #tpu.memory_space<vmem>>, vector<16xi32>,
      %ge3A_998 = arith.constant 512 : i32
      %ge3A_999 = vector.broadcast %ge3A_998 : i32 to vector<16xi32>
      %ge3A_1000 = arith.cmpi sge, %get3A_997, %ge3A_999 : vector<16xi32>
      %lt3A_1001 = arith.constant 768 : i32
      %lt3A_1002 = vector.broadcast %lt3A_1001 : i32 to vector<16xi32>
      %lt3A_1003 = arith.cmpi slt, %get3A_997, %lt3A_1002 : vector<16xi32>
      %and3A_1004 = arith.andi %ge3A_1000, %lt3A_1003 : vector<16xi1>
      %sub3A_1005 = arith.constant 512 : i32
      %sub3A_1006 = vector.broadcast %sub3A_1005 : i32 to vector<16xi32>
      %sub3A_1007 = arith.subi %get3A_997, %sub3A_1006 : vector<16xi32>
      %add3A_1008 = arith.constant 64 : i32
      %add3A_1009 = vector.broadcast %add3A_1008 : i32 to vector<16xi32>
      %add3A_1010 = arith.addi %iota3A, %add3A_1009 : vector<16xi32>
      tpu.vector_store_idx %arg5[%sub3A_1007, %add3A_1010], %broadcast_in_dim3A_3 masked %and3A_1004 : memref<256x128xf32, #tpu.memory_space<vmem>>[vector<16xi32>, vector<16xi32>], vector<16xf32>, vector<16xi1>
      %get3A_1011 = arith.index_cast %sub3A_921 : i32 to index
      %get3A_1012 = arith.constant 80 : index
      %get3A_1013 = tpu.vector_load %arg4[%get3A_1011, %get3A_1012] {strides = array<i32>} : memref<24x128xi32, #tpu.memory_space<vmem>>, vector<16xi32>,
      %ge3A_1014 = arith.constant 512 : i32
      %ge3A_1015 = vector.broadcast %ge3A_1014 : i32 to vector<16xi32>
      %ge3A_1016 = arith.cmpi sge, %get3A_1013, %ge3A_1015 : vector<16xi32>
      %lt3A_1017 = arith.constant 768 : i32
      %lt3A_1018 = vector.broadcast %lt3A_1017 : i32 to vector<16xi32>
      %lt3A_1019 = arith.cmpi slt, %get3A_1013, %lt3A_1018 : vector<16xi32>
      %and3A_1020 = arith.andi %ge3A_1016, %lt3A_1019 : vector<16xi1>
      %sub3A_1021 = arith.constant 512 : i32
      %sub3A_1022 = vector.broadcast %sub3A_1021 : i32 to vector<16xi32>
      %sub3A_1023 = arith.subi %get3A_1013, %sub3A_1022 : vector<16xi32>
      %add3A_1024 = arith.constant 80 : i32
      %add3A_1025 = vector.broadcast %add3A_1024 : i32 to vector<16xi32>
      %add3A_1026 = arith.addi %iota3A, %add3A_1025 : vector<16xi32>
      tpu.vector_store_idx %arg5[%sub3A_1023, %add3A_1026], %broadcast_in_dim3A_3 masked %and3A_1020 : memref<256x128xf32, #tpu.memory_space<vmem>>[vector<16xi32>, vector<16xi32>], vector<16xf32>, vector<16xi1>
      %get3A_1027 = arith.index_cast %sub3A_921 : i32 to index
      %get3A_1028 = arith.constant 96 : index
      %get3A_1029 = tpu.vector_load %arg4[%get3A_1027, %get3A_1028] {strides = array<i32>} : memref<24x128xi32, #tpu.memory_space<vmem>>, vector<16xi32>,
      %ge3A_1030 = arith.constant 512 : i32
      %ge3A_1031 = vector.broadcast %ge3A_1030 : i32 to vector<16xi32>
      %ge3A_1032 = arith.cmpi sge, %get3A_1029, %ge3A_1031 : vector<16xi32>
      %lt3A_1033 = arith.constant 768 : i32
      %lt3A_1034 = vector.broadcast %lt3A_1033 : i32 to vector<16xi32>
      %lt3A_1035 = arith.cmpi slt, %get3A_1029, %lt3A_1034 : vector<16xi32>
      %and3A_1036 = arith.andi %ge3A_1032, %lt3A_1035 : vector<16xi1>
      %sub3A_1037 = arith.constant 512 : i32
      %sub3A_1038 = vector.broadcast %sub3A_1037 : i32 to vector<16xi32>
      %sub3A_1039 = arith.subi %get3A_1029, %sub3A_1038 : vector<16xi32>
      %add3A_1040 = arith.constant 96 : i32
      %add3A_1041 = vector.broadcast %add3A_1040 : i32 to vector<16xi32>
      %add3A_1042 = arith.addi %iota3A, %add3A_1041 : vector<16xi32>
      tpu.vector_store_idx %arg5[%sub3A_1039, %add3A_1042], %broadcast_in_dim3A_3 masked %and3A_1036 : memref<256x128xf32, #tpu.memory_space<vmem>>[vector<16xi32>, vector<16xi32>], vector<16xf32>, vector<16xi1>
      %get3A_1043 = arith.index_cast %sub3A_921 : i32 to index
      %get3A_1044 = arith.constant 112 : index
      %get3A_1045 = tpu.vector_load %arg4[%get3A_1043, %get3A_1044] {strides = array<i32>} : memref<24x128xi32, #tpu.memory_space<vmem>>, vector<16xi32>,
      %ge3A_1046 = arith.constant 512 : i32
      %ge3A_1047 = vector.broadcast %ge3A_1046 : i32 to vector<16xi32>
      %ge3A_1048 = arith.cmpi sge, %get3A_1045, %ge3A_1047 : vector<16xi32>
      %lt3A_1049 = arith.constant 768 : i32
      %lt3A_1050 = vector.broadcast %lt3A_1049 : i32 to vector<16xi32>
      %lt3A_1051 = arith.cmpi slt, %get3A_1045, %lt3A_1050 : vector<16xi32>
      %and3A_1052 = arith.andi %ge3A_1048, %lt3A_1051 : vector<16xi1>
      %sub3A_1053 = arith.constant 512 : i32
      %sub3A_1054 = vector.broadcast %sub3A_1053 : i32 to vector<16xi32>
      %sub3A_1055 = arith.subi %get3A_1045, %sub3A_1054 : vector<16xi32>
      %add3A_1056 = arith.constant 112 : i32
      %add3A_1057 = vector.broadcast %add3A_1056 : i32 to vector<16xi32>
      %add3A_1058 = arith.addi %iota3A, %add3A_1057 : vector<16xi32>
      tpu.vector_store_idx %arg5[%sub3A_1055, %add3A_1058], %broadcast_in_dim3A_3 masked %and3A_1052 : memref<256x128xf32, #tpu.memory_space<vmem>>[vector<16xi32>, vector<16xi32>], vector<16xf32>, vector<16xi1>
      %get3A_1059 = arith.index_cast %scan3A_917 : i32 to index
      %get3A_1060 = arith.constant 0 : index
      %get3A_1061 = tpu.vector_load %arg4[%get3A_1059, %get3A_1060] {strides = array<i32>} : memref<24x128xi32, #tpu.memory_space<vmem>>, vector<16xi32>,
      %ge3A_1062 = arith.constant 0 : i32
      %ge3A_1063 = vector.broadcast %ge3A_1062 : i32 to vector<16xi32>
      %ge3A_1064 = arith.cmpi sge, %get3A_1061, %ge3A_1063 : vector<16xi32>
      %lt3A_1065 = arith.constant 256 : i32
      %lt3A_1066 = vector.broadcast %lt3A_1065 : i32 to vector<16xi32>
      %lt3A_1067 = arith.cmpi slt, %get3A_1061, %lt3A_1066 : vector<16xi32>
      %and3A_1068 = arith.andi %ge3A_1064, %lt3A_1067 : vector<16xi1>
      %sub3A_1069 = arith.constant 0 : i32
      %sub3A_1070 = vector.broadcast %sub3A_1069 : i32 to vector<16xi32>
      %sub3A_1071 = arith.subi %get3A_1061, %sub3A_1070 : vector<16xi32>
      %add3A_1072 = arith.constant 0 : i32
      %add3A_1073 = vector.broadcast %add3A_1072 : i32 to vector<16xi32>
      %add3A_1074 = arith.addi %iota3A, %add3A_1073 : vector<16xi32>
      tpu.vector_store_idx %arg5[%sub3A_1071, %add3A_1074], %broadcast_in_dim3A_1 masked %and3A_1068 : memref<256x128xf32, #tpu.memory_space<vmem>>[vector<16xi32>, vector<16xi32>], vector<16xf32>, vector<16xi1>
      %get3A_1075 = arith.index_cast %scan3A_917 : i32 to index
      %get3A_1076 = arith.constant 16 : index
      %get3A_1077 = tpu.vector_load %arg4[%get3A_1075, %get3A_1076] {strides = array<i32>} : memref<24x128xi32, #tpu.memory_space<vmem>>, vector<16xi32>,
      %ge3A_1078 = arith.constant 0 : i32
      %ge3A_1079 = vector.broadcast %ge3A_1078 : i32 to vector<16xi32>
      %ge3A_1080 = arith.cmpi sge, %get3A_1077, %ge3A_1079 : vector<16xi32>
      %lt3A_1081 = arith.constant 256 : i32
      %lt3A_1082 = vector.broadcast %lt3A_1081 : i32 to vector<16xi32>
      %lt3A_1083 = arith.cmpi slt, %get3A_1077, %lt3A_1082 : vector<16xi32>
      %and3A_1084 = arith.andi %ge3A_1080, %lt3A_1083 : vector<16xi1>
      %sub3A_1085 = arith.constant 0 : i32
      %sub3A_1086 = vector.broadcast %sub3A_1085 : i32 to vector<16xi32>
      %sub3A_1087 = arith.subi %get3A_1077, %sub3A_1086 : vector<16xi32>
      %add3A_1088 = arith.constant 16 : i32
      %add3A_1089 = vector.broadcast %add3A_1088 : i32 to vector<16xi32>
      %add3A_1090 = arith.addi %iota3A, %add3A_1089 : vector<16xi32>
      tpu.vector_store_idx %arg5[%sub3A_1087, %add3A_1090], %broadcast_in_dim3A_1 masked %and3A_1084 : memref<256x128xf32, #tpu.memory_space<vmem>>[vector<16xi32>, vector<16xi32>], vector<16xf32>, vector<16xi1>
      %get3A_1091 = arith.index_cast %scan3A_917 : i32 to index
      %get3A_1092 = arith.constant 32 : index
      %get3A_1093 = tpu.vector_load %arg4[%get3A_1091, %get3A_1092] {strides = array<i32>} : memref<24x128xi32, #tpu.memory_space<vmem>>, vector<16xi32>,
      %ge3A_1094 = arith.constant 0 : i32
      %ge3A_1095 = vector.broadcast %ge3A_1094 : i32 to vector<16xi32>
      %ge3A_1096 = arith.cmpi sge, %get3A_1093, %ge3A_1095 : vector<16xi32>
      %lt3A_1097 = arith.constant 256 : i32
      %lt3A_1098 = vector.broadcast %lt3A_1097 : i32 to vector<16xi32>
      %lt3A_1099 = arith.cmpi slt, %get3A_1093, %lt3A_1098 : vector<16xi32>
      %and3A_1100 = arith.andi %ge3A_1096, %lt3A_1099 : vector<16xi1>
      %sub3A_1101 = arith.constant 0 : i32
      %sub3A_1102 = vector.broadcast %sub3A_1101 : i32 to vector<16xi32>
      %sub3A_1103 = arith.subi %get3A_1093, %sub3A_1102 : vector<16xi32>
      %add3A_1104 = arith.constant 32 : i32
      %add3A_1105 = vector.broadcast %add3A_1104 : i32 to vector<16xi32>
      %add3A_1106 = arith.addi %iota3A, %add3A_1105 : vector<16xi32>
      tpu.vector_store_idx %arg5[%sub3A_1103, %add3A_1106], %broadcast_in_dim3A_1 masked %and3A_1100 : memref<256x128xf32, #tpu.memory_space<vmem>>[vector<16xi32>, vector<16xi32>], vector<16xf32>, vector<16xi1>
      %get3A_1107 = arith.index_cast %scan3A_917 : i32 to index
      %get3A_1108 = arith.constant 48 : index
      %get3A_1109 = tpu.vector_load %arg4[%get3A_1107, %get3A_1108] {strides = array<i32>} : memref<24x128xi32, #tpu.memory_space<vmem>>, vector<16xi32>,
      %ge3A_1110 = arith.constant 0 : i32
      %ge3A_1111 = vector.broadcast %ge3A_1110 : i32 to vector<16xi32>
      %ge3A_1112 = arith.cmpi sge, %get3A_1109, %ge3A_1111 : vector<16xi32>
      %lt3A_1113 = arith.constant 256 : i32
      %lt3A_1114 = vector.broadcast %lt3A_1113 : i32 to vector<16xi32>
      %lt3A_1115 = arith.cmpi slt, %get3A_1109, %lt3A_1114 : vector<16xi32>
      %and3A_1116 = arith.andi %ge3A_1112, %lt3A_1115 : vector<16xi1>
      %sub3A_1117 = arith.constant 0 : i32
      %sub3A_1118 = vector.broadcast %sub3A_1117 : i32 to vector<16xi32>
      %sub3A_1119 = arith.subi %get3A_1109, %sub3A_1118 : vector<16xi32>
      %add3A_1120 = arith.constant 48 : i32
      %add3A_1121 = vector.broadcast %add3A_1120 : i32 to vector<16xi32>
      %add3A_1122 = arith.addi %iota3A, %add3A_1121 : vector<16xi32>
      tpu.vector_store_idx %arg5[%sub3A_1119, %add3A_1122], %broadcast_in_dim3A_1 masked %and3A_1116 : memref<256x128xf32, #tpu.memory_space<vmem>>[vector<16xi32>, vector<16xi32>], vector<16xf32>, vector<16xi1>
      %get3A_1123 = arith.index_cast %scan3A_917 : i32 to index
      %get3A_1124 = arith.constant 64 : index
      %get3A_1125 = tpu.vector_load %arg4[%get3A_1123, %get3A_1124] {strides = array<i32>} : memref<24x128xi32, #tpu.memory_space<vmem>>, vector<16xi32>,
      %ge3A_1126 = arith.constant 0 : i32
      %ge3A_1127 = vector.broadcast %ge3A_1126 : i32 to vector<16xi32>
      %ge3A_1128 = arith.cmpi sge, %get3A_1125, %ge3A_1127 : vector<16xi32>
      %lt3A_1129 = arith.constant 256 : i32
      %lt3A_1130 = vector.broadcast %lt3A_1129 : i32 to vector<16xi32>
      %lt3A_1131 = arith.cmpi slt, %get3A_1125, %lt3A_1130 : vector<16xi32>
      %and3A_1132 = arith.andi %ge3A_1128, %lt3A_1131 : vector<16xi1>
      %sub3A_1133 = arith.constant 0 : i32
      %sub3A_1134 = vector.broadcast %sub3A_1133 : i32 to vector<16xi32>
      %sub3A_1135 = arith.subi %get3A_1125, %sub3A_1134 : vector<16xi32>
      %add3A_1136 = arith.constant 64 : i32
      %add3A_1137 = vector.broadcast %add3A_1136 : i32 to vector<16xi32>
      %add3A_1138 = arith.addi %iota3A, %add3A_1137 : vector<16xi32>
      tpu.vector_store_idx %arg5[%sub3A_1135, %add3A_1138], %broadcast_in_dim3A_1 masked %and3A_1132 : memref<256x128xf32, #tpu.memory_space<vmem>>[vector<16xi32>, vector<16xi32>], vector<16xf32>, vector<16xi1>
      %get3A_1139 = arith.index_cast %scan3A_917 : i32 to index
      %get3A_1140 = arith.constant 80 : index
      %get3A_1141 = tpu.vector_load %arg4[%get3A_1139, %get3A_1140] {strides = array<i32>} : memref<24x128xi32, #tpu.memory_space<vmem>>, vector<16xi32>,
      %ge3A_1142 = arith.constant 0 : i32
      %ge3A_1143 = vector.broadcast %ge3A_1142 : i32 to vector<16xi32>
      %ge3A_1144 = arith.cmpi sge, %get3A_1141, %ge3A_1143 : vector<16xi32>
      %lt3A_1145 = arith.constant 256 : i32
      %lt3A_1146 = vector.broadcast %lt3A_1145 : i32 to vector<16xi32>
      %lt3A_1147 = arith.cmpi slt, %get3A_1141, %lt3A_1146 : vector<16xi32>
      %and3A_1148 = arith.andi %ge3A_1144, %lt3A_1147 : vector<16xi1>
      %sub3A_1149 = arith.constant 0 : i32
      %sub3A_1150 = vector.broadcast %sub3A_1149 : i32 to vector<16xi32>
      %sub3A_1151 = arith.subi %get3A_1141, %sub3A_1150 : vector<16xi32>
      %add3A_1152 = arith.constant 80 : i32
      %add3A_1153 = vector.broadcast %add3A_1152 : i32 to vector<16xi32>
      %add3A_1154 = arith.addi %iota3A, %add3A_1153 : vector<16xi32>
      tpu.vector_store_idx %arg5[%sub3A_1151, %add3A_1154], %broadcast_in_dim3A_1 masked %and3A_1148 : memref<256x128xf32, #tpu.memory_space<vmem>>[vector<16xi32>, vector<16xi32>], vector<16xf32>, vector<16xi1>
      %get3A_1155 = arith.index_cast %scan3A_917 : i32 to index
      %get3A_1156 = arith.constant 96 : index
      %get3A_1157 = tpu.vector_load %arg4[%get3A_1155, %get3A_1156] {strides = array<i32>} : memref<24x128xi32, #tpu.memory_space<vmem>>, vector<16xi32>,
      %ge3A_1158 = arith.constant 0 : i32
      %ge3A_1159 = vector.broadcast %ge3A_1158 : i32 to vector<16xi32>
      %ge3A_1160 = arith.cmpi sge, %get3A_1157, %ge3A_1159 : vector<16xi32>
      %lt3A_1161 = arith.constant 256 : i32
      %lt3A_1162 = vector.broadcast %lt3A_1161 : i32 to vector<16xi32>
      %lt3A_1163 = arith.cmpi slt, %get3A_1157, %lt3A_1162 : vector<16xi32>
      %and3A_1164 = arith.andi %ge3A_1160, %lt3A_1163 : vector<16xi1>
      %sub3A_1165 = arith.constant 0 : i32
      %sub3A_1166 = vector.broadcast %sub3A_1165 : i32 to vector<16xi32>
      %sub3A_1167 = arith.subi %get3A_1157, %sub3A_1166 : vector<16xi32>
      %add3A_1168 = arith.constant 96 : i32
      %add3A_1169 = vector.broadcast %add3A_1168 : i32 to vector<16xi32>
      %add3A_1170 = arith.addi %iota3A, %add3A_1169 : vector<16xi32>
      tpu.vector_store_idx %arg5[%sub3A_1167, %add3A_1170], %broadcast_in_dim3A_1 masked %and3A_1164 : memref<256x128xf32, #tpu.memory_space<vmem>>[vector<16xi32>, vector<16xi32>], vector<16xf32>, vector<16xi1>
      %get3A_1171 = arith.index_cast %scan3A_917 : i32 to index
      %get3A_1172 = arith.constant 112 : index
      %get3A_1173 = tpu.vector_load %arg4[%get3A_1171, %get3A_1172] {strides = array<i32>} : memref<24x128xi32, #tpu.memory_space<vmem>>, vector<16xi32>,
      %ge3A_1174 = arith.constant 0 : i32
      %ge3A_1175 = vector.broadcast %ge3A_1174 : i32 to vector<16xi32>
      %ge3A_1176 = arith.cmpi sge, %get3A_1173, %ge3A_1175 : vector<16xi32>
      %lt3A_1177 = arith.constant 256 : i32
      %lt3A_1178 = vector.broadcast %lt3A_1177 : i32 to vector<16xi32>
      %lt3A_1179 = arith.cmpi slt, %get3A_1173, %lt3A_1178 : vector<16xi32>
      %and3A_1180 = arith.andi %ge3A_1176, %lt3A_1179 : vector<16xi1>
      %sub3A_1181 = arith.constant 0 : i32
      %sub3A_1182 = vector.broadcast %sub3A_1181 : i32 to vector<16xi32>
      %sub3A_1183 = arith.subi %get3A_1173, %sub3A_1182 : vector<16xi32>
      %add3A_1184 = arith.constant 112 : i32
      %add3A_1185 = vector.broadcast %add3A_1184 : i32 to vector<16xi32>
      %add3A_1186 = arith.addi %iota3A, %add3A_1185 : vector<16xi32>
      tpu.vector_store_idx %arg5[%sub3A_1183, %add3A_1186], %broadcast_in_dim3A_1 masked %and3A_1180 : memref<256x128xf32, #tpu.memory_space<vmem>>[vector<16xi32>, vector<16xi32>], vector<16xf32>, vector<16xi1>
      %mul3A_1187 = arith.constant 128 : i32
      %mul3A_1188 = arith.muli %add3A_919, %mul3A_1187 : i32
      %multiple_of3A_1189 = tpu.assume_multiple %mul3A_1188, 128 : i32
      %dma_start3A_1190 = arith.constant 0 : i32
      %dma_start3A_1191 = tpu.memref_slice %arg3[%dma_start3A_1190, %multiple_of3A_1189] : memref<1025x65664xf32, #tpu.memory_space<hbm>> -> memref<256x128xf32, #tpu.memory_space<hbm>>
      %dma_start3A_1192 = arith.constant 0 : i32
      %dma_start3A_1193 = tpu.memref_slice %arg3[%dma_start3A_1192, %multiple_of3A_1189] : memref<1025x65664xf32, #tpu.memory_space<hbm>> -> memref<256x128xf32, #tpu.memory_space<hbm>>
      tpu.enqueue_dma source(%arg5 : memref<256x128xf32, #tpu.memory_space<vmem>>) target(%dma_start3A_1193 : memref<256x128xf32, #tpu.memory_space<hbm>>) target_semaphore(%arg7 : memref<!tpu.dma_semaphore, #tpu.memory_space<semaphore_mem>>)
      %sub3A_1194 = arith.constant 1 : i32
      %sub3A_1195 = arith.subi %scan3A_917, %sub3A_1194 : i32
      %sub3A_1196 = arith.constant 1 : i32
      %sub3A_1197 = arith.subi %add3A_919, %sub3A_1196 : i32
      %mul3A_1198 = arith.constant 128 : i32
      %mul3A_1199 = arith.muli %sub3A_1197, %mul3A_1198 : i32
      %multiple_of3A_1200 = tpu.assume_multiple %mul3A_1199, 128 : i32
      %dma_wait3A_1201 = arith.constant 768 : i32
      %dma_wait3A_1202 = tpu.memref_slice %arg3[%dma_wait3A_1201, %multiple_of3A_1200] : memref<1025x65664xf32, #tpu.memory_space<hbm>> -> memref<257x128xf32, #tpu.memory_space<hbm>>
      %dma_wait3A_1203 = arith.constant 768 : i32
      %dma_wait3A_1204 = tpu.memref_slice %arg3[%dma_wait3A_1203, %multiple_of3A_1200] : memref<1025x65664xf32, #tpu.memory_space<hbm>> -> memref<257x128xf32, #tpu.memory_space<hbm>>
      tpu.wait_dma2 semaphore(%arg8 : memref<!tpu.dma_semaphore, #tpu.memory_space<semaphore_mem>>) src(%arg6 : memref<257x128xf32, #tpu.memory_space<vmem>>) dst(%dma_wait3A_1204 : memref<257x128xf32, #tpu.memory_space<hbm>>)
      %get3A_1205 = arith.index_cast %sub3A_1195 : i32 to index
      %get3A_1206 = arith.constant 0 : index
      %get3A_1207 = tpu.vector_load %arg4[%get3A_1205, %get3A_1206] {strides = array<i32>} : memref<24x128xi32, #tpu.memory_space<vmem>>, vector<16xi32>,
      %ge3A_1208 = arith.constant 768 : i32
      %ge3A_1209 = vector.broadcast %ge3A_1208 : i32 to vector<16xi32>
      %ge3A_1210 = arith.cmpi sge, %get3A_1207, %ge3A_1209 : vector<16xi32>
      %lt3A_1211 = arith.constant 1025 : i32
      %lt3A_1212 = vector.broadcast %lt3A_1211 : i32 to vector<16xi32>
      %lt3A_1213 = arith.cmpi slt, %get3A_1207, %lt3A_1212 : vector<16xi32>
      %and3A_1214 = arith.andi %ge3A_1210, %lt3A_1213 : vector<16xi1>
      %sub3A_1215 = arith.constant 768 : i32
      %sub3A_1216 = vector.broadcast %sub3A_1215 : i32 to vector<16xi32>
      %sub3A_1217 = arith.subi %get3A_1207, %sub3A_1216 : vector<16xi32>
      %add3A_1218 = arith.constant 0 : i32
      %add3A_1219 = vector.broadcast %add3A_1218 : i32 to vector<16xi32>
      %add3A_1220 = arith.addi %iota3A, %add3A_1219 : vector<16xi32>
      tpu.vector_store_idx %arg6[%sub3A_1217, %add3A_1220], %broadcast_in_dim3A_3 masked %and3A_1214 : memref<257x128xf32, #tpu.memory_space<vmem>>[vector<16xi32>, vector<16xi32>], vector<16xf32>, vector<16xi1>
      %get3A_1221 = arith.index_cast %sub3A_1195 : i32 to index
      %get3A_1222 = arith.constant 16 : index
      %get3A_1223 = tpu.vector_load %arg4[%get3A_1221, %get3A_1222] {strides = array<i32>} : memref<24x128xi32, #tpu.memory_space<vmem>>, vector<16xi32>,
      %ge3A_1224 = arith.constant 768 : i32
      %ge3A_1225 = vector.broadcast %ge3A_1224 : i32 to vector<16xi32>
      %ge3A_1226 = arith.cmpi sge, %get3A_1223, %ge3A_1225 : vector<16xi32>
      %lt3A_1227 = arith.constant 1025 : i32
      %lt3A_1228 = vector.broadcast %lt3A_1227 : i32 to vector<16xi32>
      %lt3A_1229 = arith.cmpi slt, %get3A_1223, %lt3A_1228 : vector<16xi32>
      %and3A_1230 = arith.andi %ge3A_1226, %lt3A_1229 : vector<16xi1>
      %sub3A_1231 = arith.constant 768 : i32
      %sub3A_1232 = vector.broadcast %sub3A_1231 : i32 to vector<16xi32>
      %sub3A_1233 = arith.subi %get3A_1223, %sub3A_1232 : vector<16xi32>
      %add3A_1234 = arith.constant 16 : i32
      %add3A_1235 = vector.broadcast %add3A_1234 : i32 to vector<16xi32>
      %add3A_1236 = arith.addi %iota3A, %add3A_1235 : vector<16xi32>
      tpu.vector_store_idx %arg6[%sub3A_1233, %add3A_1236], %broadcast_in_dim3A_3 masked %and3A_1230 : memref<257x128xf32, #tpu.memory_space<vmem>>[vector<16xi32>, vector<16xi32>], vector<16xf32>, vector<16xi1>
      %get3A_1237 = arith.index_cast %sub3A_1195 : i32 to index
      %get3A_1238 = arith.constant 32 : index
      %get3A_1239 = tpu.vector_load %arg4[%get3A_1237, %get3A_1238] {strides = array<i32>} : memref<24x128xi32, #tpu.memory_space<vmem>>, vector<16xi32>,
      %ge3A_1240 = arith.constant 768 : i32
      %ge3A_1241 = vector.broadcast %ge3A_1240 : i32 to vector<16xi32>
      %ge3A_1242 = arith.cmpi sge, %get3A_1239, %ge3A_1241 : vector<16xi32>
      %lt3A_1243 = arith.constant 1025 : i32
      %lt3A_1244 = vector.broadcast %lt3A_1243 : i32 to vector<16xi32>
      %lt3A_1245 = arith.cmpi slt, %get3A_1239, %lt3A_1244 : vector<16xi32>
      %and3A_1246 = arith.andi %ge3A_1242, %lt3A_1245 : vector<16xi1>
      %sub3A_1247 = arith.constant 768 : i32
      %sub3A_1248 = vector.broadcast %sub3A_1247 : i32 to vector<16xi32>
      %sub3A_1249 = arith.subi %get3A_1239, %sub3A_1248 : vector<16xi32>
      %add3A_1250 = arith.constant 32 : i32
      %add3A_1251 = vector.broadcast %add3A_1250 : i32 to vector<16xi32>
      %add3A_1252 = arith.addi %iota3A, %add3A_1251 : vector<16xi32>
      tpu.vector_store_idx %arg6[%sub3A_1249, %add3A_1252], %broadcast_in_dim3A_3 masked %and3A_1246 : memref<257x128xf32, #tpu.memory_space<vmem>>[vector<16xi32>, vector<16xi32>], vector<16xf32>, vector<16xi1>
      %get3A_1253 = arith.index_cast %sub3A_1195 : i32 to index
      %get3A_1254 = arith.constant 48 : index
      %get3A_1255 = tpu.vector_load %arg4[%get3A_1253, %get3A_1254] {strides = array<i32>} : memref<24x128xi32, #tpu.memory_space<vmem>>, vector<16xi32>,
      %ge3A_1256 = arith.constant 768 : i32
      %ge3A_1257 = vector.broadcast %ge3A_1256 : i32 to vector<16xi32>
      %ge3A_1258 = arith.cmpi sge, %get3A_1255, %ge3A_1257 : vector<16xi32>
      %lt3A_1259 = arith.constant 1025 : i32
      %lt3A_1260 = vector.broadcast %lt3A_1259 : i32 to vector<16xi32>
      %lt3A_1261 = arith.cmpi slt, %get3A_1255, %lt3A_1260 : vector<16xi32>
      %and3A_1262 = arith.andi %ge3A_1258, %lt3A_1261 : vector<16xi1>
      %sub3A_1263 = arith.constant 768 : i32
      %sub3A_1264 = vector.broadcast %sub3A_1263 : i32 to vector<16xi32>
      %sub3A_1265 = arith.subi %get3A_1255, %sub3A_1264 : vector<16xi32>
      %add3A_1266 = arith.constant 48 : i32
      %add3A_1267 = vector.broadcast %add3A_1266 : i32 to vector<16xi32>
      %add3A_1268 = arith.addi %iota3A, %add3A_1267 : vector<16xi32>
      tpu.vector_store_idx %arg6[%sub3A_1265, %add3A_1268], %broadcast_in_dim3A_3 masked %and3A_1262 : memref<257x128xf32, #tpu.memory_space<vmem>>[vector<16xi32>, vector<16xi32>], vector<16xf32>, vector<16xi1>
      %get3A_1269 = arith.index_cast %sub3A_1195 : i32 to index
      %get3A_1270 = arith.constant 64 : index
      %get3A_1271 = tpu.vector_load %arg4[%get3A_1269, %get3A_1270] {strides = array<i32>} : memref<24x128xi32, #tpu.memory_space<vmem>>, vector<16xi32>,
      %ge3A_1272 = arith.constant 768 : i32
      %ge3A_1273 = vector.broadcast %ge3A_1272 : i32 to vector<16xi32>
      %ge3A_1274 = arith.cmpi sge, %get3A_1271, %ge3A_1273 : vector<16xi32>
      %lt3A_1275 = arith.constant 1025 : i32
      %lt3A_1276 = vector.broadcast %lt3A_1275 : i32 to vector<16xi32>
      %lt3A_1277 = arith.cmpi slt, %get3A_1271, %lt3A_1276 : vector<16xi32>
      %and3A_1278 = arith.andi %ge3A_1274, %lt3A_1277 : vector<16xi1>
      %sub3A_1279 = arith.constant 768 : i32
      %sub3A_1280 = vector.broadcast %sub3A_1279 : i32 to vector<16xi32>
      %sub3A_1281 = arith.subi %get3A_1271, %sub3A_1280 : vector<16xi32>
      %add3A_1282 = arith.constant 64 : i32
      %add3A_1283 = vector.broadcast %add3A_1282 : i32 to vector<16xi32>
      %add3A_1284 = arith.addi %iota3A, %add3A_1283 : vector<16xi32>
      tpu.vector_store_idx %arg6[%sub3A_1281, %add3A_1284], %broadcast_in_dim3A_3 masked %and3A_1278 : memref<257x128xf32, #tpu.memory_space<vmem>>[vector<16xi32>, vector<16xi32>], vector<16xf32>, vector<16xi1>
      %get3A_1285 = arith.index_cast %sub3A_1195 : i32 to index
      %get3A_1286 = arith.constant 80 : index
      %get3A_1287 = tpu.vector_load %arg4[%get3A_1285, %get3A_1286] {strides = array<i32>} : memref<24x128xi32, #tpu.memory_space<vmem>>, vector<16xi32>,
      %ge3A_1288 = arith.constant 768 : i32
      %ge3A_1289 = vector.broadcast %ge3A_1288 : i32 to vector<16xi32>
      %ge3A_1290 = arith.cmpi sge, %get3A_1287, %ge3A_1289 : vector<16xi32>
      %lt3A_1291 = arith.constant 1025 : i32
      %lt3A_1292 = vector.broadcast %lt3A_1291 : i32 to vector<16xi32>
      %lt3A_1293 = arith.cmpi slt, %get3A_1287, %lt3A_1292 : vector<16xi32>
      %and3A_1294 = arith.andi %ge3A_1290, %lt3A_1293 : vector<16xi1>
      %sub3A_1295 = arith.constant 768 : i32
      %sub3A_1296 = vector.broadcast %sub3A_1295 : i32 to vector<16xi32>
      %sub3A_1297 = arith.subi %get3A_1287, %sub3A_1296 : vector<16xi32>
      %add3A_1298 = arith.constant 80 : i32
      %add3A_1299 = vector.broadcast %add3A_1298 : i32 to vector<16xi32>
      %add3A_1300 = arith.addi %iota3A, %add3A_1299 : vector<16xi32>
      tpu.vector_store_idx %arg6[%sub3A_1297, %add3A_1300], %broadcast_in_dim3A_3 masked %and3A_1294 : memref<257x128xf32, #tpu.memory_space<vmem>>[vector<16xi32>, vector<16xi32>], vector<16xf32>, vector<16xi1>
      %get3A_1301 = arith.index_cast %sub3A_1195 : i32 to index
      %get3A_1302 = arith.constant 96 : index
      %get3A_1303 = tpu.vector_load %arg4[%get3A_1301, %get3A_1302] {strides = array<i32>} : memref<24x128xi32, #tpu.memory_space<vmem>>, vector<16xi32>,
      %ge3A_1304 = arith.constant 768 : i32
      %ge3A_1305 = vector.broadcast %ge3A_1304 : i32 to vector<16xi32>
      %ge3A_1306 = arith.cmpi sge, %get3A_1303, %ge3A_1305 : vector<16xi32>
      %lt3A_1307 = arith.constant 1025 : i32
      %lt3A_1308 = vector.broadcast %lt3A_1307 : i32 to vector<16xi32>
      %lt3A_1309 = arith.cmpi slt, %get3A_1303, %lt3A_1308 : vector<16xi32>
      %and3A_1310 = arith.andi %ge3A_1306, %lt3A_1309 : vector<16xi1>
      %sub3A_1311 = arith.constant 768 : i32
      %sub3A_1312 = vector.broadcast %sub3A_1311 : i32 to vector<16xi32>
      %sub3A_1313 = arith.subi %get3A_1303, %sub3A_1312 : vector<16xi32>
      %add3A_1314 = arith.constant 96 : i32
      %add3A_1315 = vector.broadcast %add3A_1314 : i32 to vector<16xi32>
      %add3A_1316 = arith.addi %iota3A, %add3A_1315 : vector<16xi32>
      tpu.vector_store_idx %arg6[%sub3A_1313, %add3A_1316], %broadcast_in_dim3A_3 masked %and3A_1310 : memref<257x128xf32, #tpu.memory_space<vmem>>[vector<16xi32>, vector<16xi32>], vector<16xf32>, vector<16xi1>
      %get3A_1317 = arith.index_cast %sub3A_1195 : i32 to index
      %get3A_1318 = arith.constant 112 : index
      %get3A_1319 = tpu.vector_load %arg4[%get3A_1317, %get3A_1318] {strides = array<i32>} : memref<24x128xi32, #tpu.memory_space<vmem>>, vector<16xi32>,
      %ge3A_1320 = arith.constant 768 : i32
      %ge3A_1321 = vector.broadcast %ge3A_1320 : i32 to vector<16xi32>
      %ge3A_1322 = arith.cmpi sge, %get3A_1319, %ge3A_1321 : vector<16xi32>
      %lt3A_1323 = arith.constant 1025 : i32
      %lt3A_1324 = vector.broadcast %lt3A_1323 : i32 to vector<16xi32>
      %lt3A_1325 = arith.cmpi slt, %get3A_1319, %lt3A_1324 : vector<16xi32>
      %and3A_1326 = arith.andi %ge3A_1322, %lt3A_1325 : vector<16xi1>
      %sub3A_1327 = arith.constant 768 : i32
      %sub3A_1328 = vector.broadcast %sub3A_1327 : i32 to vector<16xi32>
      %sub3A_1329 = arith.subi %get3A_1319, %sub3A_1328 : vector<16xi32>
      %add3A_1330 = arith.constant 112 : i32
      %add3A_1331 = vector.broadcast %add3A_1330 : i32 to vector<16xi32>
      %add3A_1332 = arith.addi %iota3A, %add3A_1331 : vector<16xi32>
      tpu.vector_store_idx %arg6[%sub3A_1329, %add3A_1332], %broadcast_in_dim3A_3 masked %and3A_1326 : memref<257x128xf32, #tpu.memory_space<vmem>>[vector<16xi32>, vector<16xi32>], vector<16xf32>, vector<16xi1>
      %get3A_1333 = arith.index_cast %scan3A_917 : i32 to index
      %get3A_1334 = arith.constant 0 : index
      %get3A_1335 = tpu.vector_load %arg4[%get3A_1333, %get3A_1334] {strides = array<i32>} : memref<24x128xi32, #tpu.memory_space<vmem>>, vector<16xi32>,
      %ge3A_1336 = arith.constant 256 : i32
      %ge3A_1337 = vector.broadcast %ge3A_1336 : i32 to vector<16xi32>
      %ge3A_1338 = arith.cmpi sge, %get3A_1335, %ge3A_1337 : vector<16xi32>
      %lt3A_1339 = arith.constant 512 : i32
      %lt3A_1340 = vector.broadcast %lt3A_1339 : i32 to vector<16xi32>
      %lt3A_1341 = arith.cmpi slt, %get3A_1335, %lt3A_1340 : vector<16xi32>
      %and3A_1342 = arith.andi %ge3A_1338, %lt3A_1341 : vector<16xi1>
      %sub3A_1343 = arith.constant 256 : i32
      %sub3A_1344 = vector.broadcast %sub3A_1343 : i32 to vector<16xi32>
      %sub3A_1345 = arith.subi %get3A_1335, %sub3A_1344 : vector<16xi32>
      %add3A_1346 = arith.constant 0 : i32
      %add3A_1347 = vector.broadcast %add3A_1346 : i32 to vector<16xi32>
      %add3A_1348 = arith.addi %iota3A, %add3A_1347 : vector<16xi32>
      tpu.vector_store_idx %arg6[%sub3A_1345, %add3A_1348], %broadcast_in_dim3A_1 masked %and3A_1342 : memref<257x128xf32, #tpu.memory_space<vmem>>[vector<16xi32>, vector<16xi32>], vector<16xf32>, vector<16xi1>
      %get3A_1349 = arith.index_cast %scan3A_917 : i32 to index
      %get3A_1350 = arith.constant 16 : index
      %get3A_1351 = tpu.vector_load %arg4[%get3A_1349, %get3A_1350] {strides = array<i32>} : memref<24x128xi32, #tpu.memory_space<vmem>>, vector<16xi32>,
      %ge3A_1352 = arith.constant 256 : i32
      %ge3A_1353 = vector.broadcast %ge3A_1352 : i32 to vector<16xi32>
      %ge3A_1354 = arith.cmpi sge, %get3A_1351, %ge3A_1353 : vector<16xi32>
      %lt3A_1355 = arith.constant 512 : i32
      %lt3A_1356 = vector.broadcast %lt3A_1355 : i32 to vector<16xi32>
      %lt3A_1357 = arith.cmpi slt, %get3A_1351, %lt3A_1356 : vector<16xi32>
      %and3A_1358 = arith.andi %ge3A_1354, %lt3A_1357 : vector<16xi1>
      %sub3A_1359 = arith.constant 256 : i32
      %sub3A_1360 = vector.broadcast %sub3A_1359 : i32 to vector<16xi32>
      %sub3A_1361 = arith.subi %get3A_1351, %sub3A_1360 : vector<16xi32>
      %add3A_1362 = arith.constant 16 : i32
      %add3A_1363 = vector.broadcast %add3A_1362 : i32 to vector<16xi32>
      %add3A_1364 = arith.addi %iota3A, %add3A_1363 : vector<16xi32>
      tpu.vector_store_idx %arg6[%sub3A_1361, %add3A_1364], %broadcast_in_dim3A_1 masked %and3A_1358 : memref<257x128xf32, #tpu.memory_space<vmem>>[vector<16xi32>, vector<16xi32>], vector<16xf32>, vector<16xi1>
      %get3A_1365 = arith.index_cast %scan3A_917 : i32 to index
      %get3A_1366 = arith.constant 32 : index
      %get3A_1367 = tpu.vector_load %arg4[%get3A_1365, %get3A_1366] {strides = array<i32>} : memref<24x128xi32, #tpu.memory_space<vmem>>, vector<16xi32>,
      %ge3A_1368 = arith.constant 256 : i32
      %ge3A_1369 = vector.broadcast %ge3A_1368 : i32 to vector<16xi32>
      %ge3A_1370 = arith.cmpi sge, %get3A_1367, %ge3A_1369 : vector<16xi32>
      %lt3A_1371 = arith.constant 512 : i32
      %lt3A_1372 = vector.broadcast %lt3A_1371 : i32 to vector<16xi32>
      %lt3A_1373 = arith.cmpi slt, %get3A_1367, %lt3A_1372 : vector<16xi32>
      %and3A_1374 = arith.andi %ge3A_1370, %lt3A_1373 : vector<16xi1>
      %sub3A_1375 = arith.constant 256 : i32
      %sub3A_1376 = vector.broadcast %sub3A_1375 : i32 to vector<16xi32>
      %sub3A_1377 = arith.subi %get3A_1367, %sub3A_1376 : vector<16xi32>
      %add3A_1378 = arith.constant 32 : i32
      %add3A_1379 = vector.broadcast %add3A_1378 : i32 to vector<16xi32>
      %add3A_1380 = arith.addi %iota3A, %add3A_1379 : vector<16xi32>
      tpu.vector_store_idx %arg6[%sub3A_1377, %add3A_1380], %broadcast_in_dim3A_1 masked %and3A_1374 : memref<257x128xf32, #tpu.memory_space<vmem>>[vector<16xi32>, vector<16xi32>], vector<16xf32>, vector<16xi1>
      %get3A_1381 = arith.index_cast %scan3A_917 : i32 to index
      %get3A_1382 = arith.constant 48 : index
      %get3A_1383 = tpu.vector_load %arg4[%get3A_1381, %get3A_1382] {strides = array<i32>} : memref<24x128xi32, #tpu.memory_space<vmem>>, vector<16xi32>,
      %ge3A_1384 = arith.constant 256 : i32
      %ge3A_1385 = vector.broadcast %ge3A_1384 : i32 to vector<16xi32>
      %ge3A_1386 = arith.cmpi sge, %get3A_1383, %ge3A_1385 : vector<16xi32>
      %lt3A_1387 = arith.constant 512 : i32
      %lt3A_1388 = vector.broadcast %lt3A_1387 : i32 to vector<16xi32>
      %lt3A_1389 = arith.cmpi slt, %get3A_1383, %lt3A_1388 : vector<16xi32>
      %and3A_1390 = arith.andi %ge3A_1386, %lt3A_1389 : vector<16xi1>
      %sub3A_1391 = arith.constant 256 : i32
      %sub3A_1392 = vector.broadcast %sub3A_1391 : i32 to vector<16xi32>
      %sub3A_1393 = arith.subi %get3A_1383, %sub3A_1392 : vector<16xi32>
      %add3A_1394 = arith.constant 48 : i32
      %add3A_1395 = vector.broadcast %add3A_1394 : i32 to vector<16xi32>
      %add3A_1396 = arith.addi %iota3A, %add3A_1395 : vector<16xi32>
      tpu.vector_store_idx %arg6[%sub3A_1393, %add3A_1396], %broadcast_in_dim3A_1 masked %and3A_1390 : memref<257x128xf32, #tpu.memory_space<vmem>>[vector<16xi32>, vector<16xi32>], vector<16xf32>, vector<16xi1>
      %get3A_1397 = arith.index_cast %scan3A_917 : i32 to index
      %get3A_1398 = arith.constant 64 : index
      %get3A_1399 = tpu.vector_load %arg4[%get3A_1397, %get3A_1398] {strides = array<i32>} : memref<24x128xi32, #tpu.memory_space<vmem>>, vector<16xi32>,
      %ge3A_1400 = arith.constant 256 : i32
      %ge3A_1401 = vector.broadcast %ge3A_1400 : i32 to vector<16xi32>
      %ge3A_1402 = arith.cmpi sge, %get3A_1399, %ge3A_1401 : vector<16xi32>
      %lt3A_1403 = arith.constant 512 : i32
      %lt3A_1404 = vector.broadcast %lt3A_1403 : i32 to vector<16xi32>
      %lt3A_1405 = arith.cmpi slt, %get3A_1399, %lt3A_1404 : vector<16xi32>
      %and3A_1406 = arith.andi %ge3A_1402, %lt3A_1405 : vector<16xi1>
      %sub3A_1407 = arith.constant 256 : i32
      %sub3A_1408 = vector.broadcast %sub3A_1407 : i32 to vector<16xi32>
      %sub3A_1409 = arith.subi %get3A_1399, %sub3A_1408 : vector<16xi32>
      %add3A_1410 = arith.constant 64 : i32
      %add3A_1411 = vector.broadcast %add3A_1410 : i32 to vector<16xi32>
      %add3A_1412 = arith.addi %iota3A, %add3A_1411 : vector<16xi32>
      tpu.vector_store_idx %arg6[%sub3A_1409, %add3A_1412], %broadcast_in_dim3A_1 masked %and3A_1406 : memref<257x128xf32, #tpu.memory_space<vmem>>[vector<16xi32>, vector<16xi32>], vector<16xf32>, vector<16xi1>
      %get3A_1413 = arith.index_cast %scan3A_917 : i32 to index
      %get3A_1414 = arith.constant 80 : index
      %get3A_1415 = tpu.vector_load %arg4[%get3A_1413, %get3A_1414] {strides = array<i32>} : memref<24x128xi32, #tpu.memory_space<vmem>>, vector<16xi32>,
      %ge3A_1416 = arith.constant 256 : i32
      %ge3A_1417 = vector.broadcast %ge3A_1416 : i32 to vector<16xi32>
      %ge3A_1418 = arith.cmpi sge, %get3A_1415, %ge3A_1417 : vector<16xi32>
      %lt3A_1419 = arith.constant 512 : i32
      %lt3A_1420 = vector.broadcast %lt3A_1419 : i32 to vector<16xi32>
      %lt3A_1421 = arith.cmpi slt, %get3A_1415, %lt3A_1420 : vector<16xi32>
      %and3A_1422 = arith.andi %ge3A_1418, %lt3A_1421 : vector<16xi1>
      %sub3A_1423 = arith.constant 256 : i32
      %sub3A_1424 = vector.broadcast %sub3A_1423 : i32 to vector<16xi32>
      %sub3A_1425 = arith.subi %get3A_1415, %sub3A_1424 : vector<16xi32>
      %add3A_1426 = arith.constant 80 : i32
      %add3A_1427 = vector.broadcast %add3A_1426 : i32 to vector<16xi32>
      %add3A_1428 = arith.addi %iota3A, %add3A_1427 : vector<16xi32>
      tpu.vector_store_idx %arg6[%sub3A_1425, %add3A_1428], %broadcast_in_dim3A_1 masked %and3A_1422 : memref<257x128xf32, #tpu.memory_space<vmem>>[vector<16xi32>, vector<16xi32>], vector<16xf32>, vector<16xi1>
      %get3A_1429 = arith.index_cast %scan3A_917 : i32 to index
      %get3A_1430 = arith.constant 96 : index
      %get3A_1431 = tpu.vector_load %arg4[%get3A_1429, %get3A_1430] {strides = array<i32>} : memref<24x128xi32, #tpu.memory_space<vmem>>, vector<16xi32>,
      %ge3A_1432 = arith.constant 256 : i32
      %ge3A_1433 = vector.broadcast %ge3A_1432 : i32 to vector<16xi32>
      %ge3A_1434 = arith.cmpi sge, %get3A_1431, %ge3A_1433 : vector<16xi32>
      %lt3A_1435 = arith.constant 512 : i32
      %lt3A_1436 = vector.broadcast %lt3A_1435 : i32 to vector<16xi32>
      %lt3A_1437 = arith.cmpi slt, %get3A_1431, %lt3A_1436 : vector<16xi32>
      %and3A_1438 = arith.andi %ge3A_1434, %lt3A_1437 : vector<16xi1>
      %sub3A_1439 = arith.constant 256 : i32
      %sub3A_1440 = vector.broadcast %sub3A_1439 : i32 to vector<16xi32>
      %sub3A_1441 = arith.subi %get3A_1431, %sub3A_1440 : vector<16xi32>
      %add3A_1442 = arith.constant 96 : i32
      %add3A_1443 = vector.broadcast %add3A_1442 : i32 to vector<16xi32>
      %add3A_1444 = arith.addi %iota3A, %add3A_1443 : vector<16xi32>
      tpu.vector_store_idx %arg6[%sub3A_1441, %add3A_1444], %broadcast_in_dim3A_1 masked %and3A_1438 : memref<257x128xf32, #tpu.memory_space<vmem>>[vector<16xi32>, vector<16xi32>], vector<16xf32>, vector<16xi1>
      %get3A_1445 = arith.index_cast %scan3A_917 : i32 to index
      %get3A_1446 = arith.constant 112 : index
      %get3A_1447 = tpu.vector_load %arg4[%get3A_1445, %get3A_1446] {strides = array<i32>} : memref<24x128xi32, #tpu.memory_space<vmem>>, vector<16xi32>,
      %ge3A_1448 = arith.constant 256 : i32
      %ge3A_1449 = vector.broadcast %ge3A_1448 : i32 to vector<16xi32>
      %ge3A_1450 = arith.cmpi sge, %get3A_1447, %ge3A_1449 : vector<16xi32>
      %lt3A_1451 = arith.constant 512 : i32
      %lt3A_1452 = vector.broadcast %lt3A_1451 : i32 to vector<16xi32>
      %lt3A_1453 = arith.cmpi slt, %get3A_1447, %lt3A_1452 : vector<16xi32>
      %and3A_1454 = arith.andi %ge3A_1450, %lt3A_1453 : vector<16xi1>
      %sub3A_1455 = arith.constant 256 : i32
      %sub3A_1456 = vector.broadcast %sub3A_1455 : i32 to vector<16xi32>
      %sub3A_1457 = arith.subi %get3A_1447, %sub3A_1456 : vector<16xi32>
      %add3A_1458 = arith.constant 112 : i32
      %add3A_1459 = vector.broadcast %add3A_1458 : i32 to vector<16xi32>
      %add3A_1460 = arith.addi %iota3A, %add3A_1459 : vector<16xi32>
      tpu.vector_store_idx %arg6[%sub3A_1457, %add3A_1460], %broadcast_in_dim3A_1 masked %and3A_1454 : memref<257x128xf32, #tpu.memory_space<vmem>>[vector<16xi32>, vector<16xi32>], vector<16xf32>, vector<16xi1>
      %mul3A_1461 = arith.constant 128 : i32
      %mul3A_1462 = arith.muli %add3A_919, %mul3A_1461 : i32
      %multiple_of3A_1463 = tpu.assume_multiple %mul3A_1462, 128 : i32
      %dma_start3A_1464 = arith.constant 0 : i32
      %dma_start3A_1465 = arith.constant 0 : i32
      %dma_start3A_1466 = tpu.memref_slice %arg6[%dma_start3A_1464, %dma_start3A_1465] : memref<257x128xf32, #tpu.memory_space<vmem>> -> memref<256x128xf32, #tpu.memory_space<vmem>>
      %dma_start3A_1467 = arith.constant 256 : i32
      %dma_start3A_1468 = tpu.memref_slice %arg3[%dma_start3A_1467, %multiple_of3A_1463] : memref<1025x65664xf32, #tpu.memory_space<hbm>> -> memref<256x128xf32, #tpu.memory_space<hbm>>
      %dma_start3A_1469 = arith.constant 256 : i32
      %dma_start3A_1470 = tpu.memref_slice %arg3[%dma_start3A_1469, %multiple_of3A_1463] : memref<1025x65664xf32, #tpu.memory_space<hbm>> -> memref<256x128xf32, #tpu.memory_space<hbm>>
      %dma_start3A_1471 = arith.constant 0 : i32
      %dma_start3A_1472 = arith.constant 0 : i32
      %dma_start3A_1473 = tpu.memref_slice %arg6[%dma_start3A_1471, %dma_start3A_1472] : memref<257x128xf32, #tpu.memory_space<vmem>> -> memref<256x128xf32, #tpu.memory_space<vmem>>
      tpu.enqueue_dma source(%dma_start3A_1473 : memref<256x128xf32, #tpu.memory_space<vmem>>) target(%dma_start3A_1470 : memref<256x128xf32, #tpu.memory_space<hbm>>) target_semaphore(%arg8 : memref<!tpu.dma_semaphore, #tpu.memory_space<semaphore_mem>>)
      %mul3A_1474 = arith.constant 128 : i32
      %mul3A_1475 = arith.muli %add3A_919, %mul3A_1474 : i32
      %multiple_of3A_1476 = tpu.assume_multiple %mul3A_1475, 128 : i32
      %dma_wait3A_1477 = arith.constant 0 : i32
      %dma_wait3A_1478 = tpu.memref_slice %arg3[%dma_wait3A_1477, %multiple_of3A_1476] : memref<1025x65664xf32, #tpu.memory_space<hbm>> -> memref<256x128xf32, #tpu.memory_space<hbm>>
      %dma_wait3A_1479 = arith.constant 0 : i32
      %dma_wait3A_1480 = tpu.memref_slice %arg3[%dma_wait3A_1479, %multiple_of3A_1476] : memref<1025x65664xf32, #tpu.memory_space<hbm>> -> memref<256x128xf32, #tpu.memory_space<hbm>>
      tpu.wait_dma2 semaphore(%arg7 : memref<!tpu.dma_semaphore, #tpu.memory_space<semaphore_mem>>) src(%arg5 : memref<256x128xf32, #tpu.memory_space<vmem>>) dst(%dma_wait3A_1480 : memref<256x128xf32, #tpu.memory_space<hbm>>)
      %get3A_1481 = arith.index_cast %scan3A_917 : i32 to index
      %get3A_1482 = arith.constant 0 : index
      %get3A_1483 = tpu.vector_load %arg4[%get3A_1481, %get3A_1482] {strides = array<i32>} : memref<24x128xi32, #tpu.memory_space<vmem>>, vector<16xi32>,
      %ge3A_1484 = arith.constant 0 : i32
      %ge3A_1485 = vector.broadcast %ge3A_1484 : i32 to vector<16xi32>
      %ge3A_1486 = arith.cmpi sge, %get3A_1483, %ge3A_1485 : vector<16xi32>
      %lt3A_1487 = arith.constant 256 : i32
      %lt3A_1488 = vector.broadcast %lt3A_1487 : i32 to vector<16xi32>
      %lt3A_1489 = arith.cmpi slt, %get3A_1483, %lt3A_1488 : vector<16xi32>
      %and3A_1490 = arith.andi %ge3A_1486, %lt3A_1489 : vector<16xi1>
      %sub3A_1491 = arith.constant 0 : i32
      %sub3A_1492 = vector.broadcast %sub3A_1491 : i32 to vector<16xi32>
      %sub3A_1493 = arith.subi %get3A_1483, %sub3A_1492 : vector<16xi32>
      %add3A_1494 = arith.constant 0 : i32
      %add3A_1495 = vector.broadcast %add3A_1494 : i32 to vector<16xi32>
      %add3A_1496 = arith.addi %iota3A, %add3A_1495 : vector<16xi32>
      tpu.vector_store_idx %arg5[%sub3A_1493, %add3A_1496], %broadcast_in_dim3A_3 masked %and3A_1490 : memref<256x128xf32, #tpu.memory_space<vmem>>[vector<16xi32>, vector<16xi32>], vector<16xf32>, vector<16xi1>
      %get3A_1497 = arith.index_cast %scan3A_917 : i32 to index
      %get3A_1498 = arith.constant 16 : index
      %get3A_1499 = tpu.vector_load %arg4[%get3A_1497, %get3A_1498] {strides = array<i32>} : memref<24x128xi32, #tpu.memory_space<vmem>>, vector<16xi32>,
      %ge3A_1500 = arith.constant 0 : i32
      %ge3A_1501 = vector.broadcast %ge3A_1500 : i32 to vector<16xi32>
      %ge3A_1502 = arith.cmpi sge, %get3A_1499, %ge3A_1501 : vector<16xi32>
      %lt3A_1503 = arith.constant 256 : i32
      %lt3A_1504 = vector.broadcast %lt3A_1503 : i32 to vector<16xi32>
      %lt3A_1505 = arith.cmpi slt, %get3A_1499, %lt3A_1504 : vector<16xi32>
      %and3A_1506 = arith.andi %ge3A_1502, %lt3A_1505 : vector<16xi1>
      %sub3A_1507 = arith.constant 0 : i32
      %sub3A_1508 = vector.broadcast %sub3A_1507 : i32 to vector<16xi32>
      %sub3A_1509 = arith.subi %get3A_1499, %sub3A_1508 : vector<16xi32>
      %add3A_1510 = arith.constant 16 : i32
      %add3A_1511 = vector.broadcast %add3A_1510 : i32 to vector<16xi32>
      %add3A_1512 = arith.addi %iota3A, %add3A_1511 : vector<16xi32>
      tpu.vector_store_idx %arg5[%sub3A_1509, %add3A_1512], %broadcast_in_dim3A_3 masked %and3A_1506 : memref<256x128xf32, #tpu.memory_space<vmem>>[vector<16xi32>, vector<16xi32>], vector<16xf32>, vector<16xi1>
      %get3A_1513 = arith.index_cast %scan3A_917 : i32 to index
      %get3A_1514 = arith.constant 32 : index
      %get3A_1515 = tpu.vector_load %arg4[%get3A_1513, %get3A_1514] {strides = array<i32>} : memref<24x128xi32, #tpu.memory_space<vmem>>, vector<16xi32>,
      %ge3A_1516 = arith.constant 0 : i32
      %ge3A_1517 = vector.broadcast %ge3A_1516 : i32 to vector<16xi32>
      %ge3A_1518 = arith.cmpi sge, %get3A_1515, %ge3A_1517 : vector<16xi32>
      %lt3A_1519 = arith.constant 256 : i32
      %lt3A_1520 = vector.broadcast %lt3A_1519 : i32 to vector<16xi32>
      %lt3A_1521 = arith.cmpi slt, %get3A_1515, %lt3A_1520 : vector<16xi32>
      %and3A_1522 = arith.andi %ge3A_1518, %lt3A_1521 : vector<16xi1>
      %sub3A_1523 = arith.constant 0 : i32
      %sub3A_1524 = vector.broadcast %sub3A_1523 : i32 to vector<16xi32>
      %sub3A_1525 = arith.subi %get3A_1515, %sub3A_1524 : vector<16xi32>
      %add3A_1526 = arith.constant 32 : i32
      %add3A_1527 = vector.broadcast %add3A_1526 : i32 to vector<16xi32>
      %add3A_1528 = arith.addi %iota3A, %add3A_1527 : vector<16xi32>
      tpu.vector_store_idx %arg5[%sub3A_1525, %add3A_1528], %broadcast_in_dim3A_3 masked %and3A_1522 : memref<256x128xf32, #tpu.memory_space<vmem>>[vector<16xi32>, vector<16xi32>], vector<16xf32>, vector<16xi1>
      %get3A_1529 = arith.index_cast %scan3A_917 : i32 to index
      %get3A_1530 = arith.constant 48 : index
      %get3A_1531 = tpu.vector_load %arg4[%get3A_1529, %get3A_1530] {strides = array<i32>} : memref<24x128xi32, #tpu.memory_space<vmem>>, vector<16xi32>,
      %ge3A_1532 = arith.constant 0 : i32
      %ge3A_1533 = vector.broadcast %ge3A_1532 : i32 to vector<16xi32>
      %ge3A_1534 = arith.cmpi sge, %get3A_1531, %ge3A_1533 : vector<16xi32>
      %lt3A_1535 = arith.constant 256 : i32
      %lt3A_1536 = vector.broadcast %lt3A_1535 : i32 to vector<16xi32>
      %lt3A_1537 = arith.cmpi slt, %get3A_1531, %lt3A_1536 : vector<16xi32>
      %and3A_1538 = arith.andi %ge3A_1534, %lt3A_1537 : vector<16xi1>
      %sub3A_1539 = arith.constant 0 : i32
      %sub3A_1540 = vector.broadcast %sub3A_1539 : i32 to vector<16xi32>
      %sub3A_1541 = arith.subi %get3A_1531, %sub3A_1540 : vector<16xi32>
      %add3A_1542 = arith.constant 48 : i32
      %add3A_1543 = vector.broadcast %add3A_1542 : i32 to vector<16xi32>
      %add3A_1544 = arith.addi %iota3A, %add3A_1543 : vector<16xi32>
      tpu.vector_store_idx %arg5[%sub3A_1541, %add3A_1544], %broadcast_in_dim3A_3 masked %and3A_1538 : memref<256x128xf32, #tpu.memory_space<vmem>>[vector<16xi32>, vector<16xi32>], vector<16xf32>, vector<16xi1>
      %get3A_1545 = arith.index_cast %scan3A_917 : i32 to index
      %get3A_1546 = arith.constant 64 : index
      %get3A_1547 = tpu.vector_load %arg4[%get3A_1545, %get3A_1546] {strides = array<i32>} : memref<24x128xi32, #tpu.memory_space<vmem>>, vector<16xi32>,
      %ge3A_1548 = arith.constant 0 : i32
      %ge3A_1549 = vector.broadcast %ge3A_1548 : i32 to vector<16xi32>
      %ge3A_1550 = arith.cmpi sge, %get3A_1547, %ge3A_1549 : vector<16xi32>
      %lt3A_1551 = arith.constant 256 : i32
      %lt3A_1552 = vector.broadcast %lt3A_1551 : i32 to vector<16xi32>
      %lt3A_1553 = arith.cmpi slt, %get3A_1547, %lt3A_1552 : vector<16xi32>
      %and3A_1554 = arith.andi %ge3A_1550, %lt3A_1553 : vector<16xi1>
      %sub3A_1555 = arith.constant 0 : i32
      %sub3A_1556 = vector.broadcast %sub3A_1555 : i32 to vector<16xi32>
      %sub3A_1557 = arith.subi %get3A_1547, %sub3A_1556 : vector<16xi32>
      %add3A_1558 = arith.constant 64 : i32
      %add3A_1559 = vector.broadcast %add3A_1558 : i32 to vector<16xi32>
      %add3A_1560 = arith.addi %iota3A, %add3A_1559 : vector<16xi32>
      tpu.vector_store_idx %arg5[%sub3A_1557, %add3A_1560], %broadcast_in_dim3A_3 masked %and3A_1554 : memref<256x128xf32, #tpu.memory_space<vmem>>[vector<16xi32>, vector<16xi32>], vector<16xf32>, vector<16xi1>
      %get3A_1561 = arith.index_cast %scan3A_917 : i32 to index
      %get3A_1562 = arith.constant 80 : index
      %get3A_1563 = tpu.vector_load %arg4[%get3A_1561, %get3A_1562] {strides = array<i32>} : memref<24x128xi32, #tpu.memory_space<vmem>>, vector<16xi32>,
      %ge3A_1564 = arith.constant 0 : i32
      %ge3A_1565 = vector.broadcast %ge3A_1564 : i32 to vector<16xi32>
      %ge3A_1566 = arith.cmpi sge, %get3A_1563, %ge3A_1565 : vector<16xi32>
      %lt3A_1567 = arith.constant 256 : i32
      %lt3A_1568 = vector.broadcast %lt3A_1567 : i32 to vector<16xi32>
      %lt3A_1569 = arith.cmpi slt, %get3A_1563, %lt3A_1568 : vector<16xi32>
      %and3A_1570 = arith.andi %ge3A_1566, %lt3A_1569 : vector<16xi1>
      %sub3A_1571 = arith.constant 0 : i32
      %sub3A_1572 = vector.broadcast %sub3A_1571 : i32 to vector<16xi32>
      %sub3A_1573 = arith.subi %get3A_1563, %sub3A_1572 : vector<16xi32>
      %add3A_1574 = arith.constant 80 : i32
      %add3A_1575 = vector.broadcast %add3A_1574 : i32 to vector<16xi32>
      %add3A_1576 = arith.addi %iota3A, %add3A_1575 : vector<16xi32>
      tpu.vector_store_idx %arg5[%sub3A_1573, %add3A_1576], %broadcast_in_dim3A_3 masked %and3A_1570 : memref<256x128xf32, #tpu.memory_space<vmem>>[vector<16xi32>, vector<16xi32>], vector<16xf32>, vector<16xi1>
      %get3A_1577 = arith.index_cast %scan3A_917 : i32 to index
      %get3A_1578 = arith.constant 96 : index
      %get3A_1579 = tpu.vector_load %arg4[%get3A_1577, %get3A_1578] {strides = array<i32>} : memref<24x128xi32, #tpu.memory_space<vmem>>, vector<16xi32>,
      %ge3A_1580 = arith.constant 0 : i32
      %ge3A_1581 = vector.broadcast %ge3A_1580 : i32 to vector<16xi32>
      %ge3A_1582 = arith.cmpi sge, %get3A_1579, %ge3A_1581 : vector<16xi32>
      %lt3A_1583 = arith.constant 256 : i32
      %lt3A_1584 = vector.broadcast %lt3A_1583 : i32 to vector<16xi32>
      %lt3A_1585 = arith.cmpi slt, %get3A_1579, %lt3A_1584 : vector<16xi32>
      %and3A_1586 = arith.andi %ge3A_1582, %lt3A_1585 : vector<16xi1>
      %sub3A_1587 = arith.constant 0 : i32
      %sub3A_1588 = vector.broadcast %sub3A_1587 : i32 to vector<16xi32>
      %sub3A_1589 = arith.subi %get3A_1579, %sub3A_1588 : vector<16xi32>
      %add3A_1590 = arith.constant 96 : i32
      %add3A_1591 = vector.broadcast %add3A_1590 : i32 to vector<16xi32>
      %add3A_1592 = arith.addi %iota3A, %add3A_1591 : vector<16xi32>
      tpu.vector_store_idx %arg5[%sub3A_1589, %add3A_1592], %broadcast_in_dim3A_3 masked %and3A_1586 : memref<256x128xf32, #tpu.memory_space<vmem>>[vector<16xi32>, vector<16xi32>], vector<16xf32>, vector<16xi1>
      %get3A_1593 = arith.index_cast %scan3A_917 : i32 to index
      %get3A_1594 = arith.constant 112 : index
      %get3A_1595 = tpu.vector_load %arg4[%get3A_1593, %get3A_1594] {strides = array<i32>} : memref<24x128xi32, #tpu.memory_space<vmem>>, vector<16xi32>,
      %ge3A_1596 = arith.constant 0 : i32
      %ge3A_1597 = vector.broadcast %ge3A_1596 : i32 to vector<16xi32>
      %ge3A_1598 = arith.cmpi sge, %get3A_1595, %ge3A_1597 : vector<16xi32>
      %lt3A_1599 = arith.constant 256 : i32
      %lt3A_1600 = vector.broadcast %lt3A_1599 : i32 to vector<16xi32>
      %lt3A_1601 = arith.cmpi slt, %get3A_1595, %lt3A_1600 : vector<16xi32>
      %and3A_1602 = arith.andi %ge3A_1598, %lt3A_1601 : vector<16xi1>
      %sub3A_1603 = arith.constant 0 : i32
      %sub3A_1604 = vector.broadcast %sub3A_1603 : i32 to vector<16xi32>
      %sub3A_1605 = arith.subi %get3A_1595, %sub3A_1604 : vector<16xi32>
      %add3A_1606 = arith.constant 112 : i32
      %add3A_1607 = vector.broadcast %add3A_1606 : i32 to vector<16xi32>
      %add3A_1608 = arith.addi %iota3A, %add3A_1607 : vector<16xi32>
      tpu.vector_store_idx %arg5[%sub3A_1605, %add3A_1608], %broadcast_in_dim3A_3 masked %and3A_1602 : memref<256x128xf32, #tpu.memory_space<vmem>>[vector<16xi32>, vector<16xi32>], vector<16xf32>, vector<16xi1>
      %get3A_1609 = arith.index_cast %scan3A_917 : i32 to index
      %get3A_1610 = arith.constant 0 : index
      %get3A_1611 = tpu.vector_load %arg4[%get3A_1609, %get3A_1610] {strides = array<i32>} : memref<24x128xi32, #tpu.memory_space<vmem>>, vector<16xi32>,
      %ge3A_1612 = arith.constant 512 : i32
      %ge3A_1613 = vector.broadcast %ge3A_1612 : i32 to vector<16xi32>
      %ge3A_1614 = arith.cmpi sge, %get3A_1611, %ge3A_1613 : vector<16xi32>
      %lt3A_1615 = arith.constant 768 : i32
      %lt3A_1616 = vector.broadcast %lt3A_1615 : i32 to vector<16xi32>
      %lt3A_1617 = arith.cmpi slt, %get3A_1611, %lt3A_1616 : vector<16xi32>
      %and3A_1618 = arith.andi %ge3A_1614, %lt3A_1617 : vector<16xi1>
      %sub3A_1619 = arith.constant 512 : i32
      %sub3A_1620 = vector.broadcast %sub3A_1619 : i32 to vector<16xi32>
      %sub3A_1621 = arith.subi %get3A_1611, %sub3A_1620 : vector<16xi32>
      %add3A_1622 = arith.constant 0 : i32
      %add3A_1623 = vector.broadcast %add3A_1622 : i32 to vector<16xi32>
      %add3A_1624 = arith.addi %iota3A, %add3A_1623 : vector<16xi32>
      tpu.vector_store_idx %arg5[%sub3A_1621, %add3A_1624], %broadcast_in_dim3A_1 masked %and3A_1618 : memref<256x128xf32, #tpu.memory_space<vmem>>[vector<16xi32>, vector<16xi32>], vector<16xf32>, vector<16xi1>
      %get3A_1625 = arith.index_cast %scan3A_917 : i32 to index
      %get3A_1626 = arith.constant 16 : index
      %get3A_1627 = tpu.vector_load %arg4[%get3A_1625, %get3A_1626] {strides = array<i32>} : memref<24x128xi32, #tpu.memory_space<vmem>>, vector<16xi32>,
      %ge3A_1628 = arith.constant 512 : i32
      %ge3A_1629 = vector.broadcast %ge3A_1628 : i32 to vector<16xi32>
      %ge3A_1630 = arith.cmpi sge, %get3A_1627, %ge3A_1629 : vector<16xi32>
      %lt3A_1631 = arith.constant 768 : i32
      %lt3A_1632 = vector.broadcast %lt3A_1631 : i32 to vector<16xi32>
      %lt3A_1633 = arith.cmpi slt, %get3A_1627, %lt3A_1632 : vector<16xi32>
      %and3A_1634 = arith.andi %ge3A_1630, %lt3A_1633 : vector<16xi1>
      %sub3A_1635 = arith.constant 512 : i32
      %sub3A_1636 = vector.broadcast %sub3A_1635 : i32 to vector<16xi32>
      %sub3A_1637 = arith.subi %get3A_1627, %sub3A_1636 : vector<16xi32>
      %add3A_1638 = arith.constant 16 : i32
      %add3A_1639 = vector.broadcast %add3A_1638 : i32 to vector<16xi32>
      %add3A_1640 = arith.addi %iota3A, %add3A_1639 : vector<16xi32>
      tpu.vector_store_idx %arg5[%sub3A_1637, %add3A_1640], %broadcast_in_dim3A_1 masked %and3A_1634 : memref<256x128xf32, #tpu.memory_space<vmem>>[vector<16xi32>, vector<16xi32>], vector<16xf32>, vector<16xi1>
      %get3A_1641 = arith.index_cast %scan3A_917 : i32 to index
      %get3A_1642 = arith.constant 32 : index
      %get3A_1643 = tpu.vector_load %arg4[%get3A_1641, %get3A_1642] {strides = array<i32>} : memref<24x128xi32, #tpu.memory_space<vmem>>, vector<16xi32>,
      %ge3A_1644 = arith.constant 512 : i32
      %ge3A_1645 = vector.broadcast %ge3A_1644 : i32 to vector<16xi32>
      %ge3A_1646 = arith.cmpi sge, %get3A_1643, %ge3A_1645 : vector<16xi32>
      %lt3A_1647 = arith.constant 768 : i32
      %lt3A_1648 = vector.broadcast %lt3A_1647 : i32 to vector<16xi32>
      %lt3A_1649 = arith.cmpi slt, %get3A_1643, %lt3A_1648 : vector<16xi32>
      %and3A_1650 = arith.andi %ge3A_1646, %lt3A_1649 : vector<16xi1>
      %sub3A_1651 = arith.constant 512 : i32
      %sub3A_1652 = vector.broadcast %sub3A_1651 : i32 to vector<16xi32>
      %sub3A_1653 = arith.subi %get3A_1643, %sub3A_1652 : vector<16xi32>
      %add3A_1654 = arith.constant 32 : i32
      %add3A_1655 = vector.broadcast %add3A_1654 : i32 to vector<16xi32>
      %add3A_1656 = arith.addi %iota3A, %add3A_1655 : vector<16xi32>
      tpu.vector_store_idx %arg5[%sub3A_1653, %add3A_1656], %broadcast_in_dim3A_1 masked %and3A_1650 : memref<256x128xf32, #tpu.memory_space<vmem>>[vector<16xi32>, vector<16xi32>], vector<16xf32>, vector<16xi1>
      %get3A_1657 = arith.index_cast %scan3A_917 : i32 to index
      %get3A_1658 = arith.constant 48 : index
      %get3A_1659 = tpu.vector_load %arg4[%get3A_1657, %get3A_1658] {strides = array<i32>} : memref<24x128xi32, #tpu.memory_space<vmem>>, vector<16xi32>,
      %ge3A_1660 = arith.constant 512 : i32
      %ge3A_1661 = vector.broadcast %ge3A_1660 : i32 to vector<16xi32>
      %ge3A_1662 = arith.cmpi sge, %get3A_1659, %ge3A_1661 : vector<16xi32>
      %lt3A_1663 = arith.constant 768 : i32
      %lt3A_1664 = vector.broadcast %lt3A_1663 : i32 to vector<16xi32>
      %lt3A_1665 = arith.cmpi slt, %get3A_1659, %lt3A_1664 : vector<16xi32>
      %and3A_1666 = arith.andi %ge3A_1662, %lt3A_1665 : vector<16xi1>
      %sub3A_1667 = arith.constant 512 : i32
      %sub3A_1668 = vector.broadcast %sub3A_1667 : i32 to vector<16xi32>
      %sub3A_1669 = arith.subi %get3A_1659, %sub3A_1668 : vector<16xi32>
      %add3A_1670 = arith.constant 48 : i32
      %add3A_1671 = vector.broadcast %add3A_1670 : i32 to vector<16xi32>
      %add3A_1672 = arith.addi %iota3A, %add3A_1671 : vector<16xi32>
      tpu.vector_store_idx %arg5[%sub3A_1669, %add3A_1672], %broadcast_in_dim3A_1 masked %and3A_1666 : memref<256x128xf32, #tpu.memory_space<vmem>>[vector<16xi32>, vector<16xi32>], vector<16xf32>, vector<16xi1>
      %get3A_1673 = arith.index_cast %scan3A_917 : i32 to index
      %get3A_1674 = arith.constant 64 : index
      %get3A_1675 = tpu.vector_load %arg4[%get3A_1673, %get3A_1674] {strides = array<i32>} : memref<24x128xi32, #tpu.memory_space<vmem>>, vector<16xi32>,
      %ge3A_1676 = arith.constant 512 : i32
      %ge3A_1677 = vector.broadcast %ge3A_1676 : i32 to vector<16xi32>
      %ge3A_1678 = arith.cmpi sge, %get3A_1675, %ge3A_1677 : vector<16xi32>
      %lt3A_1679 = arith.constant 768 : i32
      %lt3A_1680 = vector.broadcast %lt3A_1679 : i32 to vector<16xi32>
      %lt3A_1681 = arith.cmpi slt, %get3A_1675, %lt3A_1680 : vector<16xi32>
      %and3A_1682 = arith.andi %ge3A_1678, %lt3A_1681 : vector<16xi1>
      %sub3A_1683 = arith.constant 512 : i32
      %sub3A_1684 = vector.broadcast %sub3A_1683 : i32 to vector<16xi32>
      %sub3A_1685 = arith.subi %get3A_1675, %sub3A_1684 : vector<16xi32>
      %add3A_1686 = arith.constant 64 : i32
      %add3A_1687 = vector.broadcast %add3A_1686 : i32 to vector<16xi32>
      %add3A_1688 = arith.addi %iota3A, %add3A_1687 : vector<16xi32>
      tpu.vector_store_idx %arg5[%sub3A_1685, %add3A_1688], %broadcast_in_dim3A_1 masked %and3A_1682 : memref<256x128xf32, #tpu.memory_space<vmem>>[vector<16xi32>, vector<16xi32>], vector<16xf32>, vector<16xi1>
      %get3A_1689 = arith.index_cast %scan3A_917 : i32 to index
      %get3A_1690 = arith.constant 80 : index
      %get3A_1691 = tpu.vector_load %arg4[%get3A_1689, %get3A_1690] {strides = array<i32>} : memref<24x128xi32, #tpu.memory_space<vmem>>, vector<16xi32>,
      %ge3A_1692 = arith.constant 512 : i32
      %ge3A_1693 = vector.broadcast %ge3A_1692 : i32 to vector<16xi32>
      %ge3A_1694 = arith.cmpi sge, %get3A_1691, %ge3A_1693 : vector<16xi32>
      %lt3A_1695 = arith.constant 768 : i32
      %lt3A_1696 = vector.broadcast %lt3A_1695 : i32 to vector<16xi32>
      %lt3A_1697 = arith.cmpi slt, %get3A_1691, %lt3A_1696 : vector<16xi32>
      %and3A_1698 = arith.andi %ge3A_1694, %lt3A_1697 : vector<16xi1>
      %sub3A_1699 = arith.constant 512 : i32
      %sub3A_1700 = vector.broadcast %sub3A_1699 : i32 to vector<16xi32>
      %sub3A_1701 = arith.subi %get3A_1691, %sub3A_1700 : vector<16xi32>
      %add3A_1702 = arith.constant 80 : i32
      %add3A_1703 = vector.broadcast %add3A_1702 : i32 to vector<16xi32>
      %add3A_1704 = arith.addi %iota3A, %add3A_1703 : vector<16xi32>
      tpu.vector_store_idx %arg5[%sub3A_1701, %add3A_1704], %broadcast_in_dim3A_1 masked %and3A_1698 : memref<256x128xf32, #tpu.memory_space<vmem>>[vector<16xi32>, vector<16xi32>], vector<16xf32>, vector<16xi1>
      %get3A_1705 = arith.index_cast %scan3A_917 : i32 to index
      %get3A_1706 = arith.constant 96 : index
      %get3A_1707 = tpu.vector_load %arg4[%get3A_1705, %get3A_1706] {strides = array<i32>} : memref<24x128xi32, #tpu.memory_space<vmem>>, vector<16xi32>,
      %ge3A_1708 = arith.constant 512 : i32
      %ge3A_1709 = vector.broadcast %ge3A_1708 : i32 to vector<16xi32>
      %ge3A_1710 = arith.cmpi sge, %get3A_1707, %ge3A_1709 : vector<16xi32>
      %lt3A_1711 = arith.constant 768 : i32
      %lt3A_1712 = vector.broadcast %lt3A_1711 : i32 to vector<16xi32>
      %lt3A_1713 = arith.cmpi slt, %get3A_1707, %lt3A_1712 : vector<16xi32>
      %and3A_1714 = arith.andi %ge3A_1710, %lt3A_1713 : vector<16xi1>
      %sub3A_1715 = arith.constant 512 : i32
      %sub3A_1716 = vector.broadcast %sub3A_1715 : i32 to vector<16xi32>
      %sub3A_1717 = arith.subi %get3A_1707, %sub3A_1716 : vector<16xi32>
      %add3A_1718 = arith.constant 96 : i32
      %add3A_1719 = vector.broadcast %add3A_1718 : i32 to vector<16xi32>
      %add3A_1720 = arith.addi %iota3A, %add3A_1719 : vector<16xi32>
      tpu.vector_store_idx %arg5[%sub3A_1717, %add3A_1720], %broadcast_in_dim3A_1 masked %and3A_1714 : memref<256x128xf32, #tpu.memory_space<vmem>>[vector<16xi32>, vector<16xi32>], vector<16xf32>, vector<16xi1>
      %get3A_1721 = arith.index_cast %scan3A_917 : i32 to index
      %get3A_1722 = arith.constant 112 : index
      %get3A_1723 = tpu.vector_load %arg4[%get3A_1721, %get3A_1722] {strides = array<i32>} : memref<24x128xi32, #tpu.memory_space<vmem>>, vector<16xi32>,
      %ge3A_1724 = arith.constant 512 : i32
      %ge3A_1725 = vector.broadcast %ge3A_1724 : i32 to vector<16xi32>
      %ge3A_1726 = arith.cmpi sge, %get3A_1723, %ge3A_1725 : vector<16xi32>
      %lt3A_1727 = arith.constant 768 : i32
      %lt3A_1728 = vector.broadcast %lt3A_1727 : i32 to vector<16xi32>
      %lt3A_1729 = arith.cmpi slt, %get3A_1723, %lt3A_1728 : vector<16xi32>
      %and3A_1730 = arith.andi %ge3A_1726, %lt3A_1729 : vector<16xi1>
      %sub3A_1731 = arith.constant 512 : i32
      %sub3A_1732 = vector.broadcast %sub3A_1731 : i32 to vector<16xi32>
      %sub3A_1733 = arith.subi %get3A_1723, %sub3A_1732 : vector<16xi32>
      %add3A_1734 = arith.constant 112 : i32
      %add3A_1735 = vector.broadcast %add3A_1734 : i32 to vector<16xi32>
      %add3A_1736 = arith.addi %iota3A, %add3A_1735 : vector<16xi32>
      tpu.vector_store_idx %arg5[%sub3A_1733, %add3A_1736], %broadcast_in_dim3A_1 masked %and3A_1730 : memref<256x128xf32, #tpu.memory_space<vmem>>[vector<16xi32>, vector<16xi32>], vector<16xf32>, vector<16xi1>
      %mul3A_1737 = arith.constant 128 : i32
      %mul3A_1738 = arith.muli %add3A_919, %mul3A_1737 : i32
      %multiple_of3A_1739 = tpu.assume_multiple %mul3A_1738, 128 : i32
      %dma_start3A_1740 = arith.constant 512 : i32
      %dma_start3A_1741 = tpu.memref_slice %arg3[%dma_start3A_1740, %multiple_of3A_1739] : memref<1025x65664xf32, #tpu.memory_space<hbm>> -> memref<256x128xf32, #tpu.memory_space<hbm>>
      %dma_start3A_1742 = arith.constant 512 : i32
      %dma_start3A_1743 = tpu.memref_slice %arg3[%dma_start3A_1742, %multiple_of3A_1739] : memref<1025x65664xf32, #tpu.memory_space<hbm>> -> memref<256x128xf32, #tpu.memory_space<hbm>>
      tpu.enqueue_dma source(%arg5 : memref<256x128xf32, #tpu.memory_space<vmem>>) target(%dma_start3A_1743 : memref<256x128xf32, #tpu.memory_space<hbm>>) target_semaphore(%arg7 : memref<!tpu.dma_semaphore, #tpu.memory_space<semaphore_mem>>)
      %mul3A_1744 = arith.constant 128 : i32
      %mul3A_1745 = arith.muli %add3A_919, %mul3A_1744 : i32
      %multiple_of3A_1746 = tpu.assume_multiple %mul3A_1745, 128 : i32
      %dma_wait3A_1747 = arith.constant 0 : i32
      %dma_wait3A_1748 = arith.constant 0 : i32
      %dma_wait3A_1749 = tpu.memref_slice %arg6[%dma_wait3A_1747, %dma_wait3A_1748] : memref<257x128xf32, #tpu.memory_space<vmem>> -> memref<256x128xf32, #tpu.memory_space<vmem>>
      %dma_wait3A_1750 = arith.constant 256 : i32
      %dma_wait3A_1751 = tpu.memref_slice %arg3[%dma_wait3A_1750, %multiple_of3A_1746] : memref<1025x65664xf32, #tpu.memory_space<hbm>> -> memref<256x128xf32, #tpu.memory_space<hbm>>
      %dma_wait3A_1752 = arith.constant 256 : i32
      %dma_wait3A_1753 = tpu.memref_slice %arg3[%dma_wait3A_1752, %multiple_of3A_1746] : memref<1025x65664xf32, #tpu.memory_space<hbm>> -> memref<256x128xf32, #tpu.memory_space<hbm>>
      %dma_wait3A_1754 = arith.constant 0 : i32
      %dma_wait3A_1755 = arith.constant 0 : i32
      %dma_wait3A_1756 = tpu.memref_slice %arg6[%dma_wait3A_1754, %dma_wait3A_1755] : memref<257x128xf32, #tpu.memory_space<vmem>> -> memref<256x128xf32, #tpu.memory_space<vmem>>
      tpu.wait_dma2 semaphore(%arg8 : memref<!tpu.dma_semaphore, #tpu.memory_space<semaphore_mem>>) src(%dma_wait3A_1756 : memref<256x128xf32, #tpu.memory_space<vmem>>) dst(%dma_wait3A_1753 : memref<256x128xf32, #tpu.memory_space<hbm>>)
      %get3A_1757 = arith.index_cast %scan3A_917 : i32 to index
      %get3A_1758 = arith.constant 0 : index
      %get3A_1759 = tpu.vector_load %arg4[%get3A_1757, %get3A_1758] {strides = array<i32>} : memref<24x128xi32, #tpu.memory_space<vmem>>, vector<16xi32>,
      %ge3A_1760 = arith.constant 256 : i32
      %ge3A_1761 = vector.broadcast %ge3A_1760 : i32 to vector<16xi32>
      %ge3A_1762 = arith.cmpi sge, %get3A_1759, %ge3A_1761 : vector<16xi32>
      %lt3A_1763 = arith.constant 512 : i32
      %lt3A_1764 = vector.broadcast %lt3A_1763 : i32 to vector<16xi32>
      %lt3A_1765 = arith.cmpi slt, %get3A_1759, %lt3A_1764 : vector<16xi32>
      %and3A_1766 = arith.andi %ge3A_1762, %lt3A_1765 : vector<16xi1>
      %sub3A_1767 = arith.constant 256 : i32
      %sub3A_1768 = vector.broadcast %sub3A_1767 : i32 to vector<16xi32>
      %sub3A_1769 = arith.subi %get3A_1759, %sub3A_1768 : vector<16xi32>
      %add3A_1770 = arith.constant 0 : i32
      %add3A_1771 = vector.broadcast %add3A_1770 : i32 to vector<16xi32>
      %add3A_1772 = arith.addi %iota3A, %add3A_1771 : vector<16xi32>
      tpu.vector_store_idx %arg6[%sub3A_1769, %add3A_1772], %broadcast_in_dim3A_3 masked %and3A_1766 : memref<257x128xf32, #tpu.memory_space<vmem>>[vector<16xi32>, vector<16xi32>], vector<16xf32>, vector<16xi1>
      %get3A_1773 = arith.index_cast %scan3A_917 : i32 to index
      %get3A_1774 = arith.constant 16 : index
      %get3A_1775 = tpu.vector_load %arg4[%get3A_1773, %get3A_1774] {strides = array<i32>} : memref<24x128xi32, #tpu.memory_space<vmem>>, vector<16xi32>,
      %ge3A_1776 = arith.constant 256 : i32
      %ge3A_1777 = vector.broadcast %ge3A_1776 : i32 to vector<16xi32>
      %ge3A_1778 = arith.cmpi sge, %get3A_1775, %ge3A_1777 : vector<16xi32>
      %lt3A_1779 = arith.constant 512 : i32
      %lt3A_1780 = vector.broadcast %lt3A_1779 : i32 to vector<16xi32>
      %lt3A_1781 = arith.cmpi slt, %get3A_1775, %lt3A_1780 : vector<16xi32>
      %and3A_1782 = arith.andi %ge3A_1778, %lt3A_1781 : vector<16xi1>
      %sub3A_1783 = arith.constant 256 : i32
      %sub3A_1784 = vector.broadcast %sub3A_1783 : i32 to vector<16xi32>
      %sub3A_1785 = arith.subi %get3A_1775, %sub3A_1784 : vector<16xi32>
      %add3A_1786 = arith.constant 16 : i32
      %add3A_1787 = vector.broadcast %add3A_1786 : i32 to vector<16xi32>
      %add3A_1788 = arith.addi %iota3A, %add3A_1787 : vector<16xi32>
      tpu.vector_store_idx %arg6[%sub3A_1785, %add3A_1788], %broadcast_in_dim3A_3 masked %and3A_1782 : memref<257x128xf32, #tpu.memory_space<vmem>>[vector<16xi32>, vector<16xi32>], vector<16xf32>, vector<16xi1>
      %get3A_1789 = arith.index_cast %scan3A_917 : i32 to index
      %get3A_1790 = arith.constant 32 : index
      %get3A_1791 = tpu.vector_load %arg4[%get3A_1789, %get3A_1790] {strides = array<i32>} : memref<24x128xi32, #tpu.memory_space<vmem>>, vector<16xi32>,
      %ge3A_1792 = arith.constant 256 : i32
      %ge3A_1793 = vector.broadcast %ge3A_1792 : i32 to vector<16xi32>
      %ge3A_1794 = arith.cmpi sge, %get3A_1791, %ge3A_1793 : vector<16xi32>
      %lt3A_1795 = arith.constant 512 : i32
      %lt3A_1796 = vector.broadcast %lt3A_1795 : i32 to vector<16xi32>
      %lt3A_1797 = arith.cmpi slt, %get3A_1791, %lt3A_1796 : vector<16xi32>
      %and3A_1798 = arith.andi %ge3A_1794, %lt3A_1797 : vector<16xi1>
      %sub3A_1799 = arith.constant 256 : i32
      %sub3A_1800 = vector.broadcast %sub3A_1799 : i32 to vector<16xi32>
      %sub3A_1801 = arith.subi %get3A_1791, %sub3A_1800 : vector<16xi32>
      %add3A_1802 = arith.constant 32 : i32
      %add3A_1803 = vector.broadcast %add3A_1802 : i32 to vector<16xi32>
      %add3A_1804 = arith.addi %iota3A, %add3A_1803 : vector<16xi32>
      tpu.vector_store_idx %arg6[%sub3A_1801, %add3A_1804], %broadcast_in_dim3A_3 masked %and3A_1798 : memref<257x128xf32, #tpu.memory_space<vmem>>[vector<16xi32>, vector<16xi32>], vector<16xf32>, vector<16xi1>
      %get3A_1805 = arith.index_cast %scan3A_917 : i32 to index
      %get3A_1806 = arith.constant 48 : index
      %get3A_1807 = tpu.vector_load %arg4[%get3A_1805, %get3A_1806] {strides = array<i32>} : memref<24x128xi32, #tpu.memory_space<vmem>>, vector<16xi32>,
      %ge3A_1808 = arith.constant 256 : i32
      %ge3A_1809 = vector.broadcast %ge3A_1808 : i32 to vector<16xi32>
      %ge3A_1810 = arith.cmpi sge, %get3A_1807, %ge3A_1809 : vector<16xi32>
      %lt3A_1811 = arith.constant 512 : i32
      %lt3A_1812 = vector.broadcast %lt3A_1811 : i32 to vector<16xi32>
      %lt3A_1813 = arith.cmpi slt, %get3A_1807, %lt3A_1812 : vector<16xi32>
      %and3A_1814 = arith.andi %ge3A_1810, %lt3A_1813 : vector<16xi1>
      %sub3A_1815 = arith.constant 256 : i32
      %sub3A_1816 = vector.broadcast %sub3A_1815 : i32 to vector<16xi32>
      %sub3A_1817 = arith.subi %get3A_1807, %sub3A_1816 : vector<16xi32>
      %add3A_1818 = arith.constant 48 : i32
      %add3A_1819 = vector.broadcast %add3A_1818 : i32 to vector<16xi32>
      %add3A_1820 = arith.addi %iota3A, %add3A_1819 : vector<16xi32>
      tpu.vector_store_idx %arg6[%sub3A_1817, %add3A_1820], %broadcast_in_dim3A_3 masked %and3A_1814 : memref<257x128xf32, #tpu.memory_space<vmem>>[vector<16xi32>, vector<16xi32>], vector<16xf32>, vector<16xi1>
      %get3A_1821 = arith.index_cast %scan3A_917 : i32 to index
      %get3A_1822 = arith.constant 64 : index
      %get3A_1823 = tpu.vector_load %arg4[%get3A_1821, %get3A_1822] {strides = array<i32>} : memref<24x128xi32, #tpu.memory_space<vmem>>, vector<16xi32>,
      %ge3A_1824 = arith.constant 256 : i32
      %ge3A_1825 = vector.broadcast %ge3A_1824 : i32 to vector<16xi32>
      %ge3A_1826 = arith.cmpi sge, %get3A_1823, %ge3A_1825 : vector<16xi32>
      %lt3A_1827 = arith.constant 512 : i32
      %lt3A_1828 = vector.broadcast %lt3A_1827 : i32 to vector<16xi32>
      %lt3A_1829 = arith.cmpi slt, %get3A_1823, %lt3A_1828 : vector<16xi32>
      %and3A_1830 = arith.andi %ge3A_1826, %lt3A_1829 : vector<16xi1>
      %sub3A_1831 = arith.constant 256 : i32
      %sub3A_1832 = vector.broadcast %sub3A_1831 : i32 to vector<16xi32>
      %sub3A_1833 = arith.subi %get3A_1823, %sub3A_1832 : vector<16xi32>
      %add3A_1834 = arith.constant 64 : i32
      %add3A_1835 = vector.broadcast %add3A_1834 : i32 to vector<16xi32>
      %add3A_1836 = arith.addi %iota3A, %add3A_1835 : vector<16xi32>
      tpu.vector_store_idx %arg6[%sub3A_1833, %add3A_1836], %broadcast_in_dim3A_3 masked %and3A_1830 : memref<257x128xf32, #tpu.memory_space<vmem>>[vector<16xi32>, vector<16xi32>], vector<16xf32>, vector<16xi1>
      %get3A_1837 = arith.index_cast %scan3A_917 : i32 to index
      %get3A_1838 = arith.constant 80 : index
      %get3A_1839 = tpu.vector_load %arg4[%get3A_1837, %get3A_1838] {strides = array<i32>} : memref<24x128xi32, #tpu.memory_space<vmem>>, vector<16xi32>,
      %ge3A_1840 = arith.constant 256 : i32
      %ge3A_1841 = vector.broadcast %ge3A_1840 : i32 to vector<16xi32>
      %ge3A_1842 = arith.cmpi sge, %get3A_1839, %ge3A_1841 : vector<16xi32>
      %lt3A_1843 = arith.constant 512 : i32
      %lt3A_1844 = vector.broadcast %lt3A_1843 : i32 to vector<16xi32>
      %lt3A_1845 = arith.cmpi slt, %get3A_1839, %lt3A_1844 : vector<16xi32>
      %and3A_1846 = arith.andi %ge3A_1842, %lt3A_1845 : vector<16xi1>
      %sub3A_1847 = arith.constant 256 : i32
      %sub3A_1848 = vector.broadcast %sub3A_1847 : i32 to vector<16xi32>
      %sub3A_1849 = arith.subi %get3A_1839, %sub3A_1848 : vector<16xi32>
      %add3A_1850 = arith.constant 80 : i32
      %add3A_1851 = vector.broadcast %add3A_1850 : i32 to vector<16xi32>
      %add3A_1852 = arith.addi %iota3A, %add3A_1851 : vector<16xi32>
      tpu.vector_store_idx %arg6[%sub3A_1849, %add3A_1852], %broadcast_in_dim3A_3 masked %and3A_1846 : memref<257x128xf32, #tpu.memory_space<vmem>>[vector<16xi32>, vector<16xi32>], vector<16xf32>, vector<16xi1>
      %get3A_1853 = arith.index_cast %scan3A_917 : i32 to index
      %get3A_1854 = arith.constant 96 : index
      %get3A_1855 = tpu.vector_load %arg4[%get3A_1853, %get3A_1854] {strides = array<i32>} : memref<24x128xi32, #tpu.memory_space<vmem>>, vector<16xi32>,
      %ge3A_1856 = arith.constant 256 : i32
      %ge3A_1857 = vector.broadcast %ge3A_1856 : i32 to vector<16xi32>
      %ge3A_1858 = arith.cmpi sge, %get3A_1855, %ge3A_1857 : vector<16xi32>
      %lt3A_1859 = arith.constant 512 : i32
      %lt3A_1860 = vector.broadcast %lt3A_1859 : i32 to vector<16xi32>
      %lt3A_1861 = arith.cmpi slt, %get3A_1855, %lt3A_1860 : vector<16xi32>
      %and3A_1862 = arith.andi %ge3A_1858, %lt3A_1861 : vector<16xi1>
      %sub3A_1863 = arith.constant 256 : i32
      %sub3A_1864 = vector.broadcast %sub3A_1863 : i32 to vector<16xi32>
      %sub3A_1865 = arith.subi %get3A_1855, %sub3A_1864 : vector<16xi32>
      %add3A_1866 = arith.constant 96 : i32
      %add3A_1867 = vector.broadcast %add3A_1866 : i32 to vector<16xi32>
      %add3A_1868 = arith.addi %iota3A, %add3A_1867 : vector<16xi32>
      tpu.vector_store_idx %arg6[%sub3A_1865, %add3A_1868], %broadcast_in_dim3A_3 masked %and3A_1862 : memref<257x128xf32, #tpu.memory_space<vmem>>[vector<16xi32>, vector<16xi32>], vector<16xf32>, vector<16xi1>
      %get3A_1869 = arith.index_cast %scan3A_917 : i32 to index
      %get3A_1870 = arith.constant 112 : index
      %get3A_1871 = tpu.vector_load %arg4[%get3A_1869, %get3A_1870] {strides = array<i32>} : memref<24x128xi32, #tpu.memory_space<vmem>>, vector<16xi32>,
      %ge3A_1872 = arith.constant 256 : i32
      %ge3A_1873 = vector.broadcast %ge3A_1872 : i32 to vector<16xi32>
      %ge3A_1874 = arith.cmpi sge, %get3A_1871, %ge3A_1873 : vector<16xi32>
      %lt3A_1875 = arith.constant 512 : i32
      %lt3A_1876 = vector.broadcast %lt3A_1875 : i32 to vector<16xi32>
      %lt3A_1877 = arith.cmpi slt, %get3A_1871, %lt3A_1876 : vector<16xi32>
      %and3A_1878 = arith.andi %ge3A_1874, %lt3A_1877 : vector<16xi1>
      %sub3A_1879 = arith.constant 256 : i32
      %sub3A_1880 = vector.broadcast %sub3A_1879 : i32 to vector<16xi32>
      %sub3A_1881 = arith.subi %get3A_1871, %sub3A_1880 : vector<16xi32>
      %add3A_1882 = arith.constant 112 : i32
      %add3A_1883 = vector.broadcast %add3A_1882 : i32 to vector<16xi32>
      %add3A_1884 = arith.addi %iota3A, %add3A_1883 : vector<16xi32>
      tpu.vector_store_idx %arg6[%sub3A_1881, %add3A_1884], %broadcast_in_dim3A_3 masked %and3A_1878 : memref<257x128xf32, #tpu.memory_space<vmem>>[vector<16xi32>, vector<16xi32>], vector<16xf32>, vector<16xi1>
      %get3A_1885 = arith.index_cast %scan3A_917 : i32 to index
      %get3A_1886 = arith.constant 0 : index
      %get3A_1887 = tpu.vector_load %arg4[%get3A_1885, %get3A_1886] {strides = array<i32>} : memref<24x128xi32, #tpu.memory_space<vmem>>, vector<16xi32>,
      %ge3A_1888 = arith.constant 768 : i32
      %ge3A_1889 = vector.broadcast %ge3A_1888 : i32 to vector<16xi32>
      %ge3A_1890 = arith.cmpi sge, %get3A_1887, %ge3A_1889 : vector<16xi32>
      %lt3A_1891 = arith.constant 1025 : i32
      %lt3A_1892 = vector.broadcast %lt3A_1891 : i32 to vector<16xi32>
      %lt3A_1893 = arith.cmpi slt, %get3A_1887, %lt3A_1892 : vector<16xi32>
      %and3A_1894 = arith.andi %ge3A_1890, %lt3A_1893 : vector<16xi1>
      %sub3A_1895 = arith.constant 768 : i32
      %sub3A_1896 = vector.broadcast %sub3A_1895 : i32 to vector<16xi32>
      %sub3A_1897 = arith.subi %get3A_1887, %sub3A_1896 : vector<16xi32>
      %add3A_1898 = arith.constant 0 : i32
      %add3A_1899 = vector.broadcast %add3A_1898 : i32 to vector<16xi32>
      %add3A_1900 = arith.addi %iota3A, %add3A_1899 : vector<16xi32>
      tpu.vector_store_idx %arg6[%sub3A_1897, %add3A_1900], %broadcast_in_dim3A_1 masked %and3A_1894 : memref<257x128xf32, #tpu.memory_space<vmem>>[vector<16xi32>, vector<16xi32>], vector<16xf32>, vector<16xi1>
      %get3A_1901 = arith.index_cast %scan3A_917 : i32 to index
      %get3A_1902 = arith.constant 16 : index
      %get3A_1903 = tpu.vector_load %arg4[%get3A_1901, %get3A_1902] {strides = array<i32>} : memref<24x128xi32, #tpu.memory_space<vmem>>, vector<16xi32>,
      %ge3A_1904 = arith.constant 768 : i32
      %ge3A_1905 = vector.broadcast %ge3A_1904 : i32 to vector<16xi32>
      %ge3A_1906 = arith.cmpi sge, %get3A_1903, %ge3A_1905 : vector<16xi32>
      %lt3A_1907 = arith.constant 1025 : i32
      %lt3A_1908 = vector.broadcast %lt3A_1907 : i32 to vector<16xi32>
      %lt3A_1909 = arith.cmpi slt, %get3A_1903, %lt3A_1908 : vector<16xi32>
      %and3A_1910 = arith.andi %ge3A_1906, %lt3A_1909 : vector<16xi1>
      %sub3A_1911 = arith.constant 768 : i32
      %sub3A_1912 = vector.broadcast %sub3A_1911 : i32 to vector<16xi32>
      %sub3A_1913 = arith.subi %get3A_1903, %sub3A_1912 : vector<16xi32>
      %add3A_1914 = arith.constant 16 : i32
      %add3A_1915 = vector.broadcast %add3A_1914 : i32 to vector<16xi32>
      %add3A_1916 = arith.addi %iota3A, %add3A_1915 : vector<16xi32>
      tpu.vector_store_idx %arg6[%sub3A_1913, %add3A_1916], %broadcast_in_dim3A_1 masked %and3A_1910 : memref<257x128xf32, #tpu.memory_space<vmem>>[vector<16xi32>, vector<16xi32>], vector<16xf32>, vector<16xi1>
      %get3A_1917 = arith.index_cast %scan3A_917 : i32 to index
      %get3A_1918 = arith.constant 32 : index
      %get3A_1919 = tpu.vector_load %arg4[%get3A_1917, %get3A_1918] {strides = array<i32>} : memref<24x128xi32, #tpu.memory_space<vmem>>, vector<16xi32>,
      %ge3A_1920 = arith.constant 768 : i32
      %ge3A_1921 = vector.broadcast %ge3A_1920 : i32 to vector<16xi32>
      %ge3A_1922 = arith.cmpi sge, %get3A_1919, %ge3A_1921 : vector<16xi32>
      %lt3A_1923 = arith.constant 1025 : i32
      %lt3A_1924 = vector.broadcast %lt3A_1923 : i32 to vector<16xi32>
      %lt3A_1925 = arith.cmpi slt, %get3A_1919, %lt3A_1924 : vector<16xi32>
      %and3A_1926 = arith.andi %ge3A_1922, %lt3A_1925 : vector<16xi1>
      %sub3A_1927 = arith.constant 768 : i32
      %sub3A_1928 = vector.broadcast %sub3A_1927 : i32 to vector<16xi32>
      %sub3A_1929 = arith.subi %get3A_1919, %sub3A_1928 : vector<16xi32>
      %add3A_1930 = arith.constant 32 : i32
      %add3A_1931 = vector.broadcast %add3A_1930 : i32 to vector<16xi32>
      %add3A_1932 = arith.addi %iota3A, %add3A_1931 : vector<16xi32>
      tpu.vector_store_idx %arg6[%sub3A_1929, %add3A_1932], %broadcast_in_dim3A_1 masked %and3A_1926 : memref<257x128xf32, #tpu.memory_space<vmem>>[vector<16xi32>, vector<16xi32>], vector<16xf32>, vector<16xi1>
      %get3A_1933 = arith.index_cast %scan3A_917 : i32 to index
      %get3A_1934 = arith.constant 48 : index
      %get3A_1935 = tpu.vector_load %arg4[%get3A_1933, %get3A_1934] {strides = array<i32>} : memref<24x128xi32, #tpu.memory_space<vmem>>, vector<16xi32>,
      %ge3A_1936 = arith.constant 768 : i32
      %ge3A_1937 = vector.broadcast %ge3A_1936 : i32 to vector<16xi32>
      %ge3A_1938 = arith.cmpi sge, %get3A_1935, %ge3A_1937 : vector<16xi32>
      %lt3A_1939 = arith.constant 1025 : i32
      %lt3A_1940 = vector.broadcast %lt3A_1939 : i32 to vector<16xi32>
      %lt3A_1941 = arith.cmpi slt, %get3A_1935, %lt3A_1940 : vector<16xi32>
      %and3A_1942 = arith.andi %ge3A_1938, %lt3A_1941 : vector<16xi1>
      %sub3A_1943 = arith.constant 768 : i32
      %sub3A_1944 = vector.broadcast %sub3A_1943 : i32 to vector<16xi32>
      %sub3A_1945 = arith.subi %get3A_1935, %sub3A_1944 : vector<16xi32>
      %add3A_1946 = arith.constant 48 : i32
      %add3A_1947 = vector.broadcast %add3A_1946 : i32 to vector<16xi32>
      %add3A_1948 = arith.addi %iota3A, %add3A_1947 : vector<16xi32>
      tpu.vector_store_idx %arg6[%sub3A_1945, %add3A_1948], %broadcast_in_dim3A_1 masked %and3A_1942 : memref<257x128xf32, #tpu.memory_space<vmem>>[vector<16xi32>, vector<16xi32>], vector<16xf32>, vector<16xi1>
      %get3A_1949 = arith.index_cast %scan3A_917 : i32 to index
      %get3A_1950 = arith.constant 64 : index
      %get3A_1951 = tpu.vector_load %arg4[%get3A_1949, %get3A_1950] {strides = array<i32>} : memref<24x128xi32, #tpu.memory_space<vmem>>, vector<16xi32>,
      %ge3A_1952 = arith.constant 768 : i32
      %ge3A_1953 = vector.broadcast %ge3A_1952 : i32 to vector<16xi32>
      %ge3A_1954 = arith.cmpi sge, %get3A_1951, %ge3A_1953 : vector<16xi32>
      %lt3A_1955 = arith.constant 1025 : i32
      %lt3A_1956 = vector.broadcast %lt3A_1955 : i32 to vector<16xi32>
      %lt3A_1957 = arith.cmpi slt, %get3A_1951, %lt3A_1956 : vector<16xi32>
      %and3A_1958 = arith.andi %ge3A_1954, %lt3A_1957 : vector<16xi1>
      %sub3A_1959 = arith.constant 768 : i32
      %sub3A_1960 = vector.broadcast %sub3A_1959 : i32 to vector<16xi32>
      %sub3A_1961 = arith.subi %get3A_1951, %sub3A_1960 : vector<16xi32>
      %add3A_1962 = arith.constant 64 : i32
      %add3A_1963 = vector.broadcast %add3A_1962 : i32 to vector<16xi32>
      %add3A_1964 = arith.addi %iota3A, %add3A_1963 : vector<16xi32>
      tpu.vector_store_idx %arg6[%sub3A_1961, %add3A_1964], %broadcast_in_dim3A_1 masked %and3A_1958 : memref<257x128xf32, #tpu.memory_space<vmem>>[vector<16xi32>, vector<16xi32>], vector<16xf32>, vector<16xi1>
      %get3A_1965 = arith.index_cast %scan3A_917 : i32 to index
      %get3A_1966 = arith.constant 80 : index
      %get3A_1967 = tpu.vector_load %arg4[%get3A_1965, %get3A_1966] {strides = array<i32>} : memref<24x128xi32, #tpu.memory_space<vmem>>, vector<16xi32>,
      %ge3A_1968 = arith.constant 768 : i32
      %ge3A_1969 = vector.broadcast %ge3A_1968 : i32 to vector<16xi32>
      %ge3A_1970 = arith.cmpi sge, %get3A_1967, %ge3A_1969 : vector<16xi32>
      %lt3A_1971 = arith.constant 1025 : i32
      %lt3A_1972 = vector.broadcast %lt3A_1971 : i32 to vector<16xi32>
      %lt3A_1973 = arith.cmpi slt, %get3A_1967, %lt3A_1972 : vector<16xi32>
      %and3A_1974 = arith.andi %ge3A_1970, %lt3A_1973 : vector<16xi1>
      %sub3A_1975 = arith.constant 768 : i32
      %sub3A_1976 = vector.broadcast %sub3A_1975 : i32 to vector<16xi32>
      %sub3A_1977 = arith.subi %get3A_1967, %sub3A_1976 : vector<16xi32>
      %add3A_1978 = arith.constant 80 : i32
      %add3A_1979 = vector.broadcast %add3A_1978 : i32 to vector<16xi32>
      %add3A_1980 = arith.addi %iota3A, %add3A_1979 : vector<16xi32>
      tpu.vector_store_idx %arg6[%sub3A_1977, %add3A_1980], %broadcast_in_dim3A_1 masked %and3A_1974 : memref<257x128xf32, #tpu.memory_space<vmem>>[vector<16xi32>, vector<16xi32>], vector<16xf32>, vector<16xi1>
      %get3A_1981 = arith.index_cast %scan3A_917 : i32 to index
      %get3A_1982 = arith.constant 96 : index
      %get3A_1983 = tpu.vector_load %arg4[%get3A_1981, %get3A_1982] {strides = array<i32>} : memref<24x128xi32, #tpu.memory_space<vmem>>, vector<16xi32>,
      %ge3A_1984 = arith.constant 768 : i32
      %ge3A_1985 = vector.broadcast %ge3A_1984 : i32 to vector<16xi32>
      %ge3A_1986 = arith.cmpi sge, %get3A_1983, %ge3A_1985 : vector<16xi32>
      %lt3A_1987 = arith.constant 1025 : i32
      %lt3A_1988 = vector.broadcast %lt3A_1987 : i32 to vector<16xi32>
      %lt3A_1989 = arith.cmpi slt, %get3A_1983, %lt3A_1988 : vector<16xi32>
      %and3A_1990 = arith.andi %ge3A_1986, %lt3A_1989 : vector<16xi1>
      %sub3A_1991 = arith.constant 768 : i32
      %sub3A_1992 = vector.broadcast %sub3A_1991 : i32 to vector<16xi32>
      %sub3A_1993 = arith.subi %get3A_1983, %sub3A_1992 : vector<16xi32>
      %add3A_1994 = arith.constant 96 : i32
      %add3A_1995 = vector.broadcast %add3A_1994 : i32 to vector<16xi32>
      %add3A_1996 = arith.addi %iota3A, %add3A_1995 : vector<16xi32>
      tpu.vector_store_idx %arg6[%sub3A_1993, %add3A_1996], %broadcast_in_dim3A_1 masked %and3A_1990 : memref<257x128xf32, #tpu.memory_space<vmem>>[vector<16xi32>, vector<16xi32>], vector<16xf32>, vector<16xi1>
      %get3A_1997 = arith.index_cast %scan3A_917 : i32 to index
      %get3A_1998 = arith.constant 112 : index
      %get3A_1999 = tpu.vector_load %arg4[%get3A_1997, %get3A_1998] {strides = array<i32>} : memref<24x128xi32, #tpu.memory_space<vmem>>, vector<16xi32>,
      %ge3A_2000 = arith.constant 768 : i32
      %ge3A_2001 = vector.broadcast %ge3A_2000 : i32 to vector<16xi32>
      %ge3A_2002 = arith.cmpi sge, %get3A_1999, %ge3A_2001 : vector<16xi32>
      %lt3A_2003 = arith.constant 1025 : i32
      %lt3A_2004 = vector.broadcast %lt3A_2003 : i32 to vector<16xi32>
      %lt3A_2005 = arith.cmpi slt, %get3A_1999, %lt3A_2004 : vector<16xi32>
      %and3A_2006 = arith.andi %ge3A_2002, %lt3A_2005 : vector<16xi1>
      %sub3A_2007 = arith.constant 768 : i32
      %sub3A_2008 = vector.broadcast %sub3A_2007 : i32 to vector<16xi32>
      %sub3A_2009 = arith.subi %get3A_1999, %sub3A_2008 : vector<16xi32>
      %add3A_2010 = arith.constant 112 : i32
      %add3A_2011 = vector.broadcast %add3A_2010 : i32 to vector<16xi32>
      %add3A_2012 = arith.addi %iota3A, %add3A_2011 : vector<16xi32>
      tpu.vector_store_idx %arg6[%sub3A_2009, %add3A_2012], %broadcast_in_dim3A_1 masked %and3A_2006 : memref<257x128xf32, #tpu.memory_space<vmem>>[vector<16xi32>, vector<16xi32>], vector<16xf32>, vector<16xi1>
      %mul3A_2013 = arith.constant 128 : i32
      %mul3A_2014 = arith.muli %add3A_919, %mul3A_2013 : i32
      %multiple_of3A_2015 = tpu.assume_multiple %mul3A_2014, 128 : i32
      %dma_start3A_2016 = arith.constant 768 : i32
      %dma_start3A_2017 = tpu.memref_slice %arg3[%dma_start3A_2016, %multiple_of3A_2015] : memref<1025x65664xf32, #tpu.memory_space<hbm>> -> memref<257x128xf32, #tpu.memory_space<hbm>>
      %dma_start3A_2018 = arith.constant 768 : i32
      %dma_start3A_2019 = tpu.memref_slice %arg3[%dma_start3A_2018, %multiple_of3A_2015] : memref<1025x65664xf32, #tpu.memory_space<hbm>> -> memref<257x128xf32, #tpu.memory_space<hbm>>
      tpu.enqueue_dma source(%arg6 : memref<257x128xf32, #tpu.memory_space<vmem>>) target(%dma_start3A_2019 : memref<257x128xf32, #tpu.memory_space<hbm>>) target_semaphore(%arg8 : memref<!tpu.dma_semaphore, #tpu.memory_space<semaphore_mem>>)
      %scan3A_2020 = arith.constant 0 : i32
      scf.yield %scan3A_2020 : i32
    }
    %scan3A_891 = arith.constant 15 : i32
    %eq3A_892 = arith.constant 0 : i32
    %eq3A_893 = arith.cmpi eq, %add3A, %eq3A_892 : i32
    %convert_element_type3A_894 = arith.extui %eq3A_893 : i1 to i32
    %cond3A_895 = arith.constant 0 : i32
    %cond3A_896 = arith.cmpi ne, %convert_element_type3A_894, %cond3A_895 : i32
    scf.if %cond3A_896 {
      %add3A_917 = arith.constant 16 : i32
      %add3A_918 = arith.addi %mul3A_22, %add3A_917 : i32
      %sub3A_919 = arith.constant 1 : i32
      %sub3A_920 = arith.subi %add3A_918, %sub3A_919 : i32
      %mul3A_921 = arith.constant 128 : i32
      %mul3A_922 = arith.muli %sub3A_920, %mul3A_921 : i32
      %multiple_of3A_923 = tpu.assume_multiple %mul3A_922, 128 : i32
      %dma_wait3A_924 = arith.constant 512 : i32
      %dma_wait3A_925 = tpu.memref_slice %arg3[%dma_wait3A_924, %multiple_of3A_923] : memref<1025x65664xf32, #tpu.memory_space<hbm>> -> memref<256x128xf32, #tpu.memory_space<hbm>>
      %dma_wait3A_926 = arith.constant 512 : i32
      %dma_wait3A_927 = tpu.memref_slice %arg3[%dma_wait3A_926, %multiple_of3A_923] : memref<1025x65664xf32, #tpu.memory_space<hbm>> -> memref<256x128xf32, #tpu.memory_space<hbm>>
      tpu.wait_dma2 semaphore(%arg7 : memref<!tpu.dma_semaphore, #tpu.memory_space<semaphore_mem>>) src(%arg5 : memref<256x128xf32, #tpu.memory_space<vmem>>) dst(%dma_wait3A_927 : memref<256x128xf32, #tpu.memory_space<hbm>>)
      %get3A_928 = arith.constant 15 : i32
      %get3A_929 = arith.index_cast %get3A_928 : i32 to index
      %get3A_930 = arith.constant 0 : index
      %get3A_931 = tpu.vector_load %arg4[%get3A_929, %get3A_930] {strides = array<i32>} : memref<24x128xi32, #tpu.memory_space<vmem>>, vector<16xi32>,
      %ge3A_932 = arith.constant 512 : i32
      %ge3A_933 = vector.broadcast %ge3A_932 : i32 to vector<16xi32>
      %ge3A_934 = arith.cmpi sge, %get3A_931, %ge3A_933 : vector<16xi32>
      %lt3A_935 = arith.constant 768 : i32
      %lt3A_936 = vector.broadcast %lt3A_935 : i32 to vector<16xi32>
      %lt3A_937 = arith.cmpi slt, %get3A_931, %lt3A_936 : vector<16xi32>
      %and3A_938 = arith.andi %ge3A_934, %lt3A_937 : vector<16xi1>
      %sub3A_939 = arith.constant 512 : i32
      %sub3A_940 = vector.broadcast %sub3A_939 : i32 to vector<16xi32>
      %sub3A_941 = arith.subi %get3A_931, %sub3A_940 : vector<16xi32>
      %add3A_942 = arith.constant 0 : i32
      %add3A_943 = vector.broadcast %add3A_942 : i32 to vector<16xi32>
      %add3A_944 = arith.addi %iota3A, %add3A_943 : vector<16xi32>
      tpu.vector_store_idx %arg5[%sub3A_941, %add3A_944], %broadcast_in_dim3A_3 masked %and3A_938 : memref<256x128xf32, #tpu.memory_space<vmem>>[vector<16xi32>, vector<16xi32>], vector<16xf32>, vector<16xi1>
      %get3A_945 = arith.constant 15 : i32
      %get3A_946 = arith.index_cast %get3A_945 : i32 to index
      %get3A_947 = arith.constant 16 : index
      %get3A_948 = tpu.vector_load %arg4[%get3A_946, %get3A_947] {strides = array<i32>} : memref<24x128xi32, #tpu.memory_space<vmem>>, vector<16xi32>,
      %ge3A_949 = arith.constant 512 : i32
      %ge3A_950 = vector.broadcast %ge3A_949 : i32 to vector<16xi32>
      %ge3A_951 = arith.cmpi sge, %get3A_948, %ge3A_950 : vector<16xi32>
      %lt3A_952 = arith.constant 768 : i32
      %lt3A_953 = vector.broadcast %lt3A_952 : i32 to vector<16xi32>
      %lt3A_954 = arith.cmpi slt, %get3A_948, %lt3A_953 : vector<16xi32>
      %and3A_955 = arith.andi %ge3A_951, %lt3A_954 : vector<16xi1>
      %sub3A_956 = arith.constant 512 : i32
      %sub3A_957 = vector.broadcast %sub3A_956 : i32 to vector<16xi32>
      %sub3A_958 = arith.subi %get3A_948, %sub3A_957 : vector<16xi32>
      %add3A_959 = arith.constant 16 : i32
      %add3A_960 = vector.broadcast %add3A_959 : i32 to vector<16xi32>
      %add3A_961 = arith.addi %iota3A, %add3A_960 : vector<16xi32>
      tpu.vector_store_idx %arg5[%sub3A_958, %add3A_961], %broadcast_in_dim3A_3 masked %and3A_955 : memref<256x128xf32, #tpu.memory_space<vmem>>[vector<16xi32>, vector<16xi32>], vector<16xf32>, vector<16xi1>
      %get3A_962 = arith.constant 15 : i32
      %get3A_963 = arith.index_cast %get3A_962 : i32 to index
      %get3A_964 = arith.constant 32 : index
      %get3A_965 = tpu.vector_load %arg4[%get3A_963, %get3A_964] {strides = array<i32>} : memref<24x128xi32, #tpu.memory_space<vmem>>, vector<16xi32>,
      %ge3A_966 = arith.constant 512 : i32
      %ge3A_967 = vector.broadcast %ge3A_966 : i32 to vector<16xi32>
      %ge3A_968 = arith.cmpi sge, %get3A_965, %ge3A_967 : vector<16xi32>
      %lt3A_969 = arith.constant 768 : i32
      %lt3A_970 = vector.broadcast %lt3A_969 : i32 to vector<16xi32>
      %lt3A_971 = arith.cmpi slt, %get3A_965, %lt3A_970 : vector<16xi32>
      %and3A_972 = arith.andi %ge3A_968, %lt3A_971 : vector<16xi1>
      %sub3A_973 = arith.constant 512 : i32
      %sub3A_974 = vector.broadcast %sub3A_973 : i32 to vector<16xi32>
      %sub3A_975 = arith.subi %get3A_965, %sub3A_974 : vector<16xi32>
      %add3A_976 = arith.constant 32 : i32
      %add3A_977 = vector.broadcast %add3A_976 : i32 to vector<16xi32>
      %add3A_978 = arith.addi %iota3A, %add3A_977 : vector<16xi32>
      tpu.vector_store_idx %arg5[%sub3A_975, %add3A_978], %broadcast_in_dim3A_3 masked %and3A_972 : memref<256x128xf32, #tpu.memory_space<vmem>>[vector<16xi32>, vector<16xi32>], vector<16xf32>, vector<16xi1>
      %get3A_979 = arith.constant 15 : i32
      %get3A_980 = arith.index_cast %get3A_979 : i32 to index
      %get3A_981 = arith.constant 48 : index
      %get3A_982 = tpu.vector_load %arg4[%get3A_980, %get3A_981] {strides = array<i32>} : memref<24x128xi32, #tpu.memory_space<vmem>>, vector<16xi32>,
      %ge3A_983 = arith.constant 512 : i32
      %ge3A_984 = vector.broadcast %ge3A_983 : i32 to vector<16xi32>
      %ge3A_985 = arith.cmpi sge, %get3A_982, %ge3A_984 : vector<16xi32>
      %lt3A_986 = arith.constant 768 : i32
      %lt3A_987 = vector.broadcast %lt3A_986 : i32 to vector<16xi32>
      %lt3A_988 = arith.cmpi slt, %get3A_982, %lt3A_987 : vector<16xi32>
      %and3A_989 = arith.andi %ge3A_985, %lt3A_988 : vector<16xi1>
      %sub3A_990 = arith.constant 512 : i32
      %sub3A_991 = vector.broadcast %sub3A_990 : i32 to vector<16xi32>
      %sub3A_992 = arith.subi %get3A_982, %sub3A_991 : vector<16xi32>
      %add3A_993 = arith.constant 48 : i32
      %add3A_994 = vector.broadcast %add3A_993 : i32 to vector<16xi32>
      %add3A_995 = arith.addi %iota3A, %add3A_994 : vector<16xi32>
      tpu.vector_store_idx %arg5[%sub3A_992, %add3A_995], %broadcast_in_dim3A_3 masked %and3A_989 : memref<256x128xf32, #tpu.memory_space<vmem>>[vector<16xi32>, vector<16xi32>], vector<16xf32>, vector<16xi1>
      %get3A_996 = arith.constant 15 : i32
      %get3A_997 = arith.index_cast %get3A_996 : i32 to index
      %get3A_998 = arith.constant 64 : index
      %get3A_999 = tpu.vector_load %arg4[%get3A_997, %get3A_998] {strides = array<i32>} : memref<24x128xi32, #tpu.memory_space<vmem>>, vector<16xi32>,
      %ge3A_1000 = arith.constant 512 : i32
      %ge3A_1001 = vector.broadcast %ge3A_1000 : i32 to vector<16xi32>
      %ge3A_1002 = arith.cmpi sge, %get3A_999, %ge3A_1001 : vector<16xi32>
      %lt3A_1003 = arith.constant 768 : i32
      %lt3A_1004 = vector.broadcast %lt3A_1003 : i32 to vector<16xi32>
      %lt3A_1005 = arith.cmpi slt, %get3A_999, %lt3A_1004 : vector<16xi32>
      %and3A_1006 = arith.andi %ge3A_1002, %lt3A_1005 : vector<16xi1>
      %sub3A_1007 = arith.constant 512 : i32
      %sub3A_1008 = vector.broadcast %sub3A_1007 : i32 to vector<16xi32>
      %sub3A_1009 = arith.subi %get3A_999, %sub3A_1008 : vector<16xi32>
      %add3A_1010 = arith.constant 64 : i32
      %add3A_1011 = vector.broadcast %add3A_1010 : i32 to vector<16xi32>
      %add3A_1012 = arith.addi %iota3A, %add3A_1011 : vector<16xi32>
      tpu.vector_store_idx %arg5[%sub3A_1009, %add3A_1012], %broadcast_in_dim3A_3 masked %and3A_1006 : memref<256x128xf32, #tpu.memory_space<vmem>>[vector<16xi32>, vector<16xi32>], vector<16xf32>, vector<16xi1>
      %get3A_1013 = arith.constant 15 : i32
      %get3A_1014 = arith.index_cast %get3A_1013 : i32 to index
      %get3A_1015 = arith.constant 80 : index
      %get3A_1016 = tpu.vector_load %arg4[%get3A_1014, %get3A_1015] {strides = array<i32>} : memref<24x128xi32, #tpu.memory_space<vmem>>, vector<16xi32>,
      %ge3A_1017 = arith.constant 512 : i32
      %ge3A_1018 = vector.broadcast %ge3A_1017 : i32 to vector<16xi32>
      %ge3A_1019 = arith.cmpi sge, %get3A_1016, %ge3A_1018 : vector<16xi32>
      %lt3A_1020 = arith.constant 768 : i32
      %lt3A_1021 = vector.broadcast %lt3A_1020 : i32 to vector<16xi32>
      %lt3A_1022 = arith.cmpi slt, %get3A_1016, %lt3A_1021 : vector<16xi32>
      %and3A_1023 = arith.andi %ge3A_1019, %lt3A_1022 : vector<16xi1>
      %sub3A_1024 = arith.constant 512 : i32
      %sub3A_1025 = vector.broadcast %sub3A_1024 : i32 to vector<16xi32>
      %sub3A_1026 = arith.subi %get3A_1016, %sub3A_1025 : vector<16xi32>
      %add3A_1027 = arith.constant 80 : i32
      %add3A_1028 = vector.broadcast %add3A_1027 : i32 to vector<16xi32>
      %add3A_1029 = arith.addi %iota3A, %add3A_1028 : vector<16xi32>
      tpu.vector_store_idx %arg5[%sub3A_1026, %add3A_1029], %broadcast_in_dim3A_3 masked %and3A_1023 : memref<256x128xf32, #tpu.memory_space<vmem>>[vector<16xi32>, vector<16xi32>], vector<16xf32>, vector<16xi1>
      %get3A_1030 = arith.constant 15 : i32
      %get3A_1031 = arith.index_cast %get3A_1030 : i32 to index
      %get3A_1032 = arith.constant 96 : index
      %get3A_1033 = tpu.vector_load %arg4[%get3A_1031, %get3A_1032] {strides = array<i32>} : memref<24x128xi32, #tpu.memory_space<vmem>>, vector<16xi32>,
      %ge3A_1034 = arith.constant 512 : i32
      %ge3A_1035 = vector.broadcast %ge3A_1034 : i32 to vector<16xi32>
      %ge3A_1036 = arith.cmpi sge, %get3A_1033, %ge3A_1035 : vector<16xi32>
      %lt3A_1037 = arith.constant 768 : i32
      %lt3A_1038 = vector.broadcast %lt3A_1037 : i32 to vector<16xi32>
      %lt3A_1039 = arith.cmpi slt, %get3A_1033, %lt3A_1038 : vector<16xi32>
      %and3A_1040 = arith.andi %ge3A_1036, %lt3A_1039 : vector<16xi1>
      %sub3A_1041 = arith.constant 512 : i32
      %sub3A_1042 = vector.broadcast %sub3A_1041 : i32 to vector<16xi32>
      %sub3A_1043 = arith.subi %get3A_1033, %sub3A_1042 : vector<16xi32>
      %add3A_1044 = arith.constant 96 : i32
      %add3A_1045 = vector.broadcast %add3A_1044 : i32 to vector<16xi32>
      %add3A_1046 = arith.addi %iota3A, %add3A_1045 : vector<16xi32>
      tpu.vector_store_idx %arg5[%sub3A_1043, %add3A_1046], %broadcast_in_dim3A_3 masked %and3A_1040 : memref<256x128xf32, #tpu.memory_space<vmem>>[vector<16xi32>, vector<16xi32>], vector<16xf32>, vector<16xi1>
      %get3A_1047 = arith.constant 15 : i32
      %get3A_1048 = arith.index_cast %get3A_1047 : i32 to index
      %get3A_1049 = arith.constant 112 : index
      %get3A_1050 = tpu.vector_load %arg4[%get3A_1048, %get3A_1049] {strides = array<i32>} : memref<24x128xi32, #tpu.memory_space<vmem>>, vector<16xi32>,
      %ge3A_1051 = arith.constant 512 : i32
      %ge3A_1052 = vector.broadcast %ge3A_1051 : i32 to vector<16xi32>
      %ge3A_1053 = arith.cmpi sge, %get3A_1050, %ge3A_1052 : vector<16xi32>
      %lt3A_1054 = arith.constant 768 : i32
      %lt3A_1055 = vector.broadcast %lt3A_1054 : i32 to vector<16xi32>
      %lt3A_1056 = arith.cmpi slt, %get3A_1050, %lt3A_1055 : vector<16xi32>
      %and3A_1057 = arith.andi %ge3A_1053, %lt3A_1056 : vector<16xi1>
      %sub3A_1058 = arith.constant 512 : i32
      %sub3A_1059 = vector.broadcast %sub3A_1058 : i32 to vector<16xi32>
      %sub3A_1060 = arith.subi %get3A_1050, %sub3A_1059 : vector<16xi32>
      %add3A_1061 = arith.constant 112 : i32
      %add3A_1062 = vector.broadcast %add3A_1061 : i32 to vector<16xi32>
      %add3A_1063 = arith.addi %iota3A, %add3A_1062 : vector<16xi32>
      tpu.vector_store_idx %arg5[%sub3A_1060, %add3A_1063], %broadcast_in_dim3A_3 masked %and3A_1057 : memref<256x128xf32, #tpu.memory_space<vmem>>[vector<16xi32>, vector<16xi32>], vector<16xf32>, vector<16xi1>
      %get3A_1064 = arith.constant 16 : i32
      %get3A_1065 = arith.index_cast %get3A_1064 : i32 to index
      %get3A_1066 = arith.constant 0 : index
      %get3A_1067 = tpu.vector_load %arg4[%get3A_1065, %get3A_1066] {strides = array<i32>} : memref<24x128xi32, #tpu.memory_space<vmem>>, vector<16xi32>,
      %ge3A_1068 = arith.constant 0 : i32
      %ge3A_1069 = vector.broadcast %ge3A_1068 : i32 to vector<16xi32>
      %ge3A_1070 = arith.cmpi sge, %get3A_1067, %ge3A_1069 : vector<16xi32>
      %lt3A_1071 = arith.constant 256 : i32
      %lt3A_1072 = vector.broadcast %lt3A_1071 : i32 to vector<16xi32>
      %lt3A_1073 = arith.cmpi slt, %get3A_1067, %lt3A_1072 : vector<16xi32>
      %and3A_1074 = arith.andi %ge3A_1070, %lt3A_1073 : vector<16xi1>
      %sub3A_1075 = arith.constant 0 : i32
      %sub3A_1076 = vector.broadcast %sub3A_1075 : i32 to vector<16xi32>
      %sub3A_1077 = arith.subi %get3A_1067, %sub3A_1076 : vector<16xi32>
      %add3A_1078 = arith.constant 0 : i32
      %add3A_1079 = vector.broadcast %add3A_1078 : i32 to vector<16xi32>
      %add3A_1080 = arith.addi %iota3A, %add3A_1079 : vector<16xi32>
      tpu.vector_store_idx %arg5[%sub3A_1077, %add3A_1080], %broadcast_in_dim3A_1 masked %and3A_1074 : memref<256x128xf32, #tpu.memory_space<vmem>>[vector<16xi32>, vector<16xi32>], vector<16xf32>, vector<16xi1>
      %get3A_1081 = arith.constant 16 : i32
      %get3A_1082 = arith.index_cast %get3A_1081 : i32 to index
      %get3A_1083 = arith.constant 16 : index
      %get3A_1084 = tpu.vector_load %arg4[%get3A_1082, %get3A_1083] {strides = array<i32>} : memref<24x128xi32, #tpu.memory_space<vmem>>, vector<16xi32>,
      %ge3A_1085 = arith.constant 0 : i32
      %ge3A_1086 = vector.broadcast %ge3A_1085 : i32 to vector<16xi32>
      %ge3A_1087 = arith.cmpi sge, %get3A_1084, %ge3A_1086 : vector<16xi32>
      %lt3A_1088 = arith.constant 256 : i32
      %lt3A_1089 = vector.broadcast %lt3A_1088 : i32 to vector<16xi32>
      %lt3A_1090 = arith.cmpi slt, %get3A_1084, %lt3A_1089 : vector<16xi32>
      %and3A_1091 = arith.andi %ge3A_1087, %lt3A_1090 : vector<16xi1>
      %sub3A_1092 = arith.constant 0 : i32
      %sub3A_1093 = vector.broadcast %sub3A_1092 : i32 to vector<16xi32>
      %sub3A_1094 = arith.subi %get3A_1084, %sub3A_1093 : vector<16xi32>
      %add3A_1095 = arith.constant 16 : i32
      %add3A_1096 = vector.broadcast %add3A_1095 : i32 to vector<16xi32>
      %add3A_1097 = arith.addi %iota3A, %add3A_1096 : vector<16xi32>
      tpu.vector_store_idx %arg5[%sub3A_1094, %add3A_1097], %broadcast_in_dim3A_1 masked %and3A_1091 : memref<256x128xf32, #tpu.memory_space<vmem>>[vector<16xi32>, vector<16xi32>], vector<16xf32>, vector<16xi1>
      %get3A_1098 = arith.constant 16 : i32
      %get3A_1099 = arith.index_cast %get3A_1098 : i32 to index
      %get3A_1100 = arith.constant 32 : index
      %get3A_1101 = tpu.vector_load %arg4[%get3A_1099, %get3A_1100] {strides = array<i32>} : memref<24x128xi32, #tpu.memory_space<vmem>>, vector<16xi32>,
      %ge3A_1102 = arith.constant 0 : i32
      %ge3A_1103 = vector.broadcast %ge3A_1102 : i32 to vector<16xi32>
      %ge3A_1104 = arith.cmpi sge, %get3A_1101, %ge3A_1103 : vector<16xi32>
      %lt3A_1105 = arith.constant 256 : i32
      %lt3A_1106 = vector.broadcast %lt3A_1105 : i32 to vector<16xi32>
      %lt3A_1107 = arith.cmpi slt, %get3A_1101, %lt3A_1106 : vector<16xi32>
      %and3A_1108 = arith.andi %ge3A_1104, %lt3A_1107 : vector<16xi1>
      %sub3A_1109 = arith.constant 0 : i32
      %sub3A_1110 = vector.broadcast %sub3A_1109 : i32 to vector<16xi32>
      %sub3A_1111 = arith.subi %get3A_1101, %sub3A_1110 : vector<16xi32>
      %add3A_1112 = arith.constant 32 : i32
      %add3A_1113 = vector.broadcast %add3A_1112 : i32 to vector<16xi32>
      %add3A_1114 = arith.addi %iota3A, %add3A_1113 : vector<16xi32>
      tpu.vector_store_idx %arg5[%sub3A_1111, %add3A_1114], %broadcast_in_dim3A_1 masked %and3A_1108 : memref<256x128xf32, #tpu.memory_space<vmem>>[vector<16xi32>, vector<16xi32>], vector<16xf32>, vector<16xi1>
      %get3A_1115 = arith.constant 16 : i32
      %get3A_1116 = arith.index_cast %get3A_1115 : i32 to index
      %get3A_1117 = arith.constant 48 : index
      %get3A_1118 = tpu.vector_load %arg4[%get3A_1116, %get3A_1117] {strides = array<i32>} : memref<24x128xi32, #tpu.memory_space<vmem>>, vector<16xi32>,
      %ge3A_1119 = arith.constant 0 : i32
      %ge3A_1120 = vector.broadcast %ge3A_1119 : i32 to vector<16xi32>
      %ge3A_1121 = arith.cmpi sge, %get3A_1118, %ge3A_1120 : vector<16xi32>
      %lt3A_1122 = arith.constant 256 : i32
      %lt3A_1123 = vector.broadcast %lt3A_1122 : i32 to vector<16xi32>
      %lt3A_1124 = arith.cmpi slt, %get3A_1118, %lt3A_1123 : vector<16xi32>
      %and3A_1125 = arith.andi %ge3A_1121, %lt3A_1124 : vector<16xi1>
      %sub3A_1126 = arith.constant 0 : i32
      %sub3A_1127 = vector.broadcast %sub3A_1126 : i32 to vector<16xi32>
      %sub3A_1128 = arith.subi %get3A_1118, %sub3A_1127 : vector<16xi32>
      %add3A_1129 = arith.constant 48 : i32
      %add3A_1130 = vector.broadcast %add3A_1129 : i32 to vector<16xi32>
      %add3A_1131 = arith.addi %iota3A, %add3A_1130 : vector<16xi32>
      tpu.vector_store_idx %arg5[%sub3A_1128, %add3A_1131], %broadcast_in_dim3A_1 masked %and3A_1125 : memref<256x128xf32, #tpu.memory_space<vmem>>[vector<16xi32>, vector<16xi32>], vector<16xf32>, vector<16xi1>
      %get3A_1132 = arith.constant 16 : i32
      %get3A_1133 = arith.index_cast %get3A_1132 : i32 to index
      %get3A_1134 = arith.constant 64 : index
      %get3A_1135 = tpu.vector_load %arg4[%get3A_1133, %get3A_1134] {strides = array<i32>} : memref<24x128xi32, #tpu.memory_space<vmem>>, vector<16xi32>,
      %ge3A_1136 = arith.constant 0 : i32
      %ge3A_1137 = vector.broadcast %ge3A_1136 : i32 to vector<16xi32>
      %ge3A_1138 = arith.cmpi sge, %get3A_1135, %ge3A_1137 : vector<16xi32>
      %lt3A_1139 = arith.constant 256 : i32
      %lt3A_1140 = vector.broadcast %lt3A_1139 : i32 to vector<16xi32>
      %lt3A_1141 = arith.cmpi slt, %get3A_1135, %lt3A_1140 : vector<16xi32>
      %and3A_1142 = arith.andi %ge3A_1138, %lt3A_1141 : vector<16xi1>
      %sub3A_1143 = arith.constant 0 : i32
      %sub3A_1144 = vector.broadcast %sub3A_1143 : i32 to vector<16xi32>
      %sub3A_1145 = arith.subi %get3A_1135, %sub3A_1144 : vector<16xi32>
      %add3A_1146 = arith.constant 64 : i32
      %add3A_1147 = vector.broadcast %add3A_1146 : i32 to vector<16xi32>
      %add3A_1148 = arith.addi %iota3A, %add3A_1147 : vector<16xi32>
      tpu.vector_store_idx %arg5[%sub3A_1145, %add3A_1148], %broadcast_in_dim3A_1 masked %and3A_1142 : memref<256x128xf32, #tpu.memory_space<vmem>>[vector<16xi32>, vector<16xi32>], vector<16xf32>, vector<16xi1>
      %get3A_1149 = arith.constant 16 : i32
      %get3A_1150 = arith.index_cast %get3A_1149 : i32 to index
      %get3A_1151 = arith.constant 80 : index
      %get3A_1152 = tpu.vector_load %arg4[%get3A_1150, %get3A_1151] {strides = array<i32>} : memref<24x128xi32, #tpu.memory_space<vmem>>, vector<16xi32>,
      %ge3A_1153 = arith.constant 0 : i32
      %ge3A_1154 = vector.broadcast %ge3A_1153 : i32 to vector<16xi32>
      %ge3A_1155 = arith.cmpi sge, %get3A_1152, %ge3A_1154 : vector<16xi32>
      %lt3A_1156 = arith.constant 256 : i32
      %lt3A_1157 = vector.broadcast %lt3A_1156 : i32 to vector<16xi32>
      %lt3A_1158 = arith.cmpi slt, %get3A_1152, %lt3A_1157 : vector<16xi32>
      %and3A_1159 = arith.andi %ge3A_1155, %lt3A_1158 : vector<16xi1>
      %sub3A_1160 = arith.constant 0 : i32
      %sub3A_1161 = vector.broadcast %sub3A_1160 : i32 to vector<16xi32>
      %sub3A_1162 = arith.subi %get3A_1152, %sub3A_1161 : vector<16xi32>
      %add3A_1163 = arith.constant 80 : i32
      %add3A_1164 = vector.broadcast %add3A_1163 : i32 to vector<16xi32>
      %add3A_1165 = arith.addi %iota3A, %add3A_1164 : vector<16xi32>
      tpu.vector_store_idx %arg5[%sub3A_1162, %add3A_1165], %broadcast_in_dim3A_1 masked %and3A_1159 : memref<256x128xf32, #tpu.memory_space<vmem>>[vector<16xi32>, vector<16xi32>], vector<16xf32>, vector<16xi1>
      %get3A_1166 = arith.constant 16 : i32
      %get3A_1167 = arith.index_cast %get3A_1166 : i32 to index
      %get3A_1168 = arith.constant 96 : index
      %get3A_1169 = tpu.vector_load %arg4[%get3A_1167, %get3A_1168] {strides = array<i32>} : memref<24x128xi32, #tpu.memory_space<vmem>>, vector<16xi32>,
      %ge3A_1170 = arith.constant 0 : i32
      %ge3A_1171 = vector.broadcast %ge3A_1170 : i32 to vector<16xi32>
      %ge3A_1172 = arith.cmpi sge, %get3A_1169, %ge3A_1171 : vector<16xi32>
      %lt3A_1173 = arith.constant 256 : i32
      %lt3A_1174 = vector.broadcast %lt3A_1173 : i32 to vector<16xi32>
      %lt3A_1175 = arith.cmpi slt, %get3A_1169, %lt3A_1174 : vector<16xi32>
      %and3A_1176 = arith.andi %ge3A_1172, %lt3A_1175 : vector<16xi1>
      %sub3A_1177 = arith.constant 0 : i32
      %sub3A_1178 = vector.broadcast %sub3A_1177 : i32 to vector<16xi32>
      %sub3A_1179 = arith.subi %get3A_1169, %sub3A_1178 : vector<16xi32>
      %add3A_1180 = arith.constant 96 : i32
      %add3A_1181 = vector.broadcast %add3A_1180 : i32 to vector<16xi32>
      %add3A_1182 = arith.addi %iota3A, %add3A_1181 : vector<16xi32>
      tpu.vector_store_idx %arg5[%sub3A_1179, %add3A_1182], %broadcast_in_dim3A_1 masked %and3A_1176 : memref<256x128xf32, #tpu.memory_space<vmem>>[vector<16xi32>, vector<16xi32>], vector<16xf32>, vector<16xi1>
      %get3A_1183 = arith.constant 16 : i32
      %get3A_1184 = arith.index_cast %get3A_1183 : i32 to index
      %get3A_1185 = arith.constant 112 : index
      %get3A_1186 = tpu.vector_load %arg4[%get3A_1184, %get3A_1185] {strides = array<i32>} : memref<24x128xi32, #tpu.memory_space<vmem>>, vector<16xi32>,
      %ge3A_1187 = arith.constant 0 : i32
      %ge3A_1188 = vector.broadcast %ge3A_1187 : i32 to vector<16xi32>
      %ge3A_1189 = arith.cmpi sge, %get3A_1186, %ge3A_1188 : vector<16xi32>
      %lt3A_1190 = arith.constant 256 : i32
      %lt3A_1191 = vector.broadcast %lt3A_1190 : i32 to vector<16xi32>
      %lt3A_1192 = arith.cmpi slt, %get3A_1186, %lt3A_1191 : vector<16xi32>
      %and3A_1193 = arith.andi %ge3A_1189, %lt3A_1192 : vector<16xi1>
      %sub3A_1194 = arith.constant 0 : i32
      %sub3A_1195 = vector.broadcast %sub3A_1194 : i32 to vector<16xi32>
      %sub3A_1196 = arith.subi %get3A_1186, %sub3A_1195 : vector<16xi32>
      %add3A_1197 = arith.constant 112 : i32
      %add3A_1198 = vector.broadcast %add3A_1197 : i32 to vector<16xi32>
      %add3A_1199 = arith.addi %iota3A, %add3A_1198 : vector<16xi32>
      tpu.vector_store_idx %arg5[%sub3A_1196, %add3A_1199], %broadcast_in_dim3A_1 masked %and3A_1193 : memref<256x128xf32, #tpu.memory_space<vmem>>[vector<16xi32>, vector<16xi32>], vector<16xf32>, vector<16xi1>
      %multiple_of3A_1200 = arith.constant 65536 : i32
      %multiple_of3A_1201 = tpu.assume_multiple %multiple_of3A_1200, 128 : i32
      %dma_start3A_1202 = arith.constant 0 : i32
      %dma_start3A_1203 = tpu.memref_slice %arg3[%dma_start3A_1202, %multiple_of3A_1201] : memref<1025x65664xf32, #tpu.memory_space<hbm>> -> memref<256x128xf32, #tpu.memory_space<hbm>>
      %dma_start3A_1204 = arith.constant 0 : i32
      %dma_start3A_1205 = tpu.memref_slice %arg3[%dma_start3A_1204, %multiple_of3A_1201] : memref<1025x65664xf32, #tpu.memory_space<hbm>> -> memref<256x128xf32, #tpu.memory_space<hbm>>
      tpu.enqueue_dma source(%arg5 : memref<256x128xf32, #tpu.memory_space<vmem>>) target(%dma_start3A_1205 : memref<256x128xf32, #tpu.memory_space<hbm>>) target_semaphore(%arg7 : memref<!tpu.dma_semaphore, #tpu.memory_space<semaphore_mem>>)
      %add3A_1206 = arith.constant 16 : i32
      %add3A_1207 = arith.addi %mul3A_22, %add3A_1206 : i32
      %sub3A_1208 = arith.constant 1 : i32
      %sub3A_1209 = arith.subi %add3A_1207, %sub3A_1208 : i32
      %mul3A_1210 = arith.constant 128 : i32
      %mul3A_1211 = arith.muli %sub3A_1209, %mul3A_1210 : i32
      %multiple_of3A_1212 = tpu.assume_multiple %mul3A_1211, 128 : i32
      %dma_wait3A_1213 = arith.constant 768 : i32
      %dma_wait3A_1214 = tpu.memref_slice %arg3[%dma_wait3A_1213, %multiple_of3A_1212] : memref<1025x65664xf32, #tpu.memory_space<hbm>> -> memref<257x128xf32, #tpu.memory_space<hbm>>
      %dma_wait3A_1215 = arith.constant 768 : i32
      %dma_wait3A_1216 = tpu.memref_slice %arg3[%dma_wait3A_1215, %multiple_of3A_1212] : memref<1025x65664xf32, #tpu.memory_space<hbm>> -> memref<257x128xf32, #tpu.memory_space<hbm>>
      tpu.wait_dma2 semaphore(%arg8 : memref<!tpu.dma_semaphore, #tpu.memory_space<semaphore_mem>>) src(%arg6 : memref<257x128xf32, #tpu.memory_space<vmem>>) dst(%dma_wait3A_1216 : memref<257x128xf32, #tpu.memory_space<hbm>>)
      %get3A_1217 = arith.constant 15 : i32
      %get3A_1218 = arith.index_cast %get3A_1217 : i32 to index
      %get3A_1219 = arith.constant 0 : index
      %get3A_1220 = tpu.vector_load %arg4[%get3A_1218, %get3A_1219] {strides = array<i32>} : memref<24x128xi32, #tpu.memory_space<vmem>>, vector<16xi32>,
      %ge3A_1221 = arith.constant 768 : i32
      %ge3A_1222 = vector.broadcast %ge3A_1221 : i32 to vector<16xi32>
      %ge3A_1223 = arith.cmpi sge, %get3A_1220, %ge3A_1222 : vector<16xi32>
      %lt3A_1224 = arith.constant 1025 : i32
      %lt3A_1225 = vector.broadcast %lt3A_1224 : i32 to vector<16xi32>
      %lt3A_1226 = arith.cmpi slt, %get3A_1220, %lt3A_1225 : vector<16xi32>
      %and3A_1227 = arith.andi %ge3A_1223, %lt3A_1226 : vector<16xi1>
      %sub3A_1228 = arith.constant 768 : i32
      %sub3A_1229 = vector.broadcast %sub3A_1228 : i32 to vector<16xi32>
      %sub3A_1230 = arith.subi %get3A_1220, %sub3A_1229 : vector<16xi32>
      %add3A_1231 = arith.constant 0 : i32
      %add3A_1232 = vector.broadcast %add3A_1231 : i32 to vector<16xi32>
      %add3A_1233 = arith.addi %iota3A, %add3A_1232 : vector<16xi32>
      tpu.vector_store_idx %arg6[%sub3A_1230, %add3A_1233], %broadcast_in_dim3A_3 masked %and3A_1227 : memref<257x128xf32, #tpu.memory_space<vmem>>[vector<16xi32>, vector<16xi32>], vector<16xf32>, vector<16xi1>
      %get3A_1234 = arith.constant 15 : i32
      %get3A_1235 = arith.index_cast %get3A_1234 : i32 to index
      %get3A_1236 = arith.constant 16 : index
      %get3A_1237 = tpu.vector_load %arg4[%get3A_1235, %get3A_1236] {strides = array<i32>} : memref<24x128xi32, #tpu.memory_space<vmem>>, vector<16xi32>,
      %ge3A_1238 = arith.constant 768 : i32
      %ge3A_1239 = vector.broadcast %ge3A_1238 : i32 to vector<16xi32>
      %ge3A_1240 = arith.cmpi sge, %get3A_1237, %ge3A_1239 : vector<16xi32>
      %lt3A_1241 = arith.constant 1025 : i32
      %lt3A_1242 = vector.broadcast %lt3A_1241 : i32 to vector<16xi32>
      %lt3A_1243 = arith.cmpi slt, %get3A_1237, %lt3A_1242 : vector<16xi32>
      %and3A_1244 = arith.andi %ge3A_1240, %lt3A_1243 : vector<16xi1>
      %sub3A_1245 = arith.constant 768 : i32
      %sub3A_1246 = vector.broadcast %sub3A_1245 : i32 to vector<16xi32>
      %sub3A_1247 = arith.subi %get3A_1237, %sub3A_1246 : vector<16xi32>
      %add3A_1248 = arith.constant 16 : i32
      %add3A_1249 = vector.broadcast %add3A_1248 : i32 to vector<16xi32>
      %add3A_1250 = arith.addi %iota3A, %add3A_1249 : vector<16xi32>
      tpu.vector_store_idx %arg6[%sub3A_1247, %add3A_1250], %broadcast_in_dim3A_3 masked %and3A_1244 : memref<257x128xf32, #tpu.memory_space<vmem>>[vector<16xi32>, vector<16xi32>], vector<16xf32>, vector<16xi1>
      %get3A_1251 = arith.constant 15 : i32
      %get3A_1252 = arith.index_cast %get3A_1251 : i32 to index
      %get3A_1253 = arith.constant 32 : index
      %get3A_1254 = tpu.vector_load %arg4[%get3A_1252, %get3A_1253] {strides = array<i32>} : memref<24x128xi32, #tpu.memory_space<vmem>>, vector<16xi32>,
      %ge3A_1255 = arith.constant 768 : i32
      %ge3A_1256 = vector.broadcast %ge3A_1255 : i32 to vector<16xi32>
      %ge3A_1257 = arith.cmpi sge, %get3A_1254, %ge3A_1256 : vector<16xi32>
      %lt3A_1258 = arith.constant 1025 : i32
      %lt3A_1259 = vector.broadcast %lt3A_1258 : i32 to vector<16xi32>
      %lt3A_1260 = arith.cmpi slt, %get3A_1254, %lt3A_1259 : vector<16xi32>
      %and3A_1261 = arith.andi %ge3A_1257, %lt3A_1260 : vector<16xi1>
      %sub3A_1262 = arith.constant 768 : i32
      %sub3A_1263 = vector.broadcast %sub3A_1262 : i32 to vector<16xi32>
      %sub3A_1264 = arith.subi %get3A_1254, %sub3A_1263 : vector<16xi32>
      %add3A_1265 = arith.constant 32 : i32
      %add3A_1266 = vector.broadcast %add3A_1265 : i32 to vector<16xi32>
      %add3A_1267 = arith.addi %iota3A, %add3A_1266 : vector<16xi32>
      tpu.vector_store_idx %arg6[%sub3A_1264, %add3A_1267], %broadcast_in_dim3A_3 masked %and3A_1261 : memref<257x128xf32, #tpu.memory_space<vmem>>[vector<16xi32>, vector<16xi32>], vector<16xf32>, vector<16xi1>
      %get3A_1268 = arith.constant 15 : i32
      %get3A_1269 = arith.index_cast %get3A_1268 : i32 to index
      %get3A_1270 = arith.constant 48 : index
      %get3A_1271 = tpu.vector_load %arg4[%get3A_1269, %get3A_1270] {strides = array<i32>} : memref<24x128xi32, #tpu.memory_space<vmem>>, vector<16xi32>,
      %ge3A_1272 = arith.constant 768 : i32
      %ge3A_1273 = vector.broadcast %ge3A_1272 : i32 to vector<16xi32>
      %ge3A_1274 = arith.cmpi sge, %get3A_1271, %ge3A_1273 : vector<16xi32>
      %lt3A_1275 = arith.constant 1025 : i32
      %lt3A_1276 = vector.broadcast %lt3A_1275 : i32 to vector<16xi32>
      %lt3A_1277 = arith.cmpi slt, %get3A_1271, %lt3A_1276 : vector<16xi32>
      %and3A_1278 = arith.andi %ge3A_1274, %lt3A_1277 : vector<16xi1>
      %sub3A_1279 = arith.constant 768 : i32
      %sub3A_1280 = vector.broadcast %sub3A_1279 : i32 to vector<16xi32>
      %sub3A_1281 = arith.subi %get3A_1271, %sub3A_1280 : vector<16xi32>
      %add3A_1282 = arith.constant 48 : i32
      %add3A_1283 = vector.broadcast %add3A_1282 : i32 to vector<16xi32>
      %add3A_1284 = arith.addi %iota3A, %add3A_1283 : vector<16xi32>
      tpu.vector_store_idx %arg6[%sub3A_1281, %add3A_1284], %broadcast_in_dim3A_3 masked %and3A_1278 : memref<257x128xf32, #tpu.memory_space<vmem>>[vector<16xi32>, vector<16xi32>], vector<16xf32>, vector<16xi1>
      %get3A_1285 = arith.constant 15 : i32
      %get3A_1286 = arith.index_cast %get3A_1285 : i32 to index
      %get3A_1287 = arith.constant 64 : index
      %get3A_1288 = tpu.vector_load %arg4[%get3A_1286, %get3A_1287] {strides = array<i32>} : memref<24x128xi32, #tpu.memory_space<vmem>>, vector<16xi32>,
      %ge3A_1289 = arith.constant 768 : i32
      %ge3A_1290 = vector.broadcast %ge3A_1289 : i32 to vector<16xi32>
      %ge3A_1291 = arith.cmpi sge, %get3A_1288, %ge3A_1290 : vector<16xi32>
      %lt3A_1292 = arith.constant 1025 : i32
      %lt3A_1293 = vector.broadcast %lt3A_1292 : i32 to vector<16xi32>
      %lt3A_1294 = arith.cmpi slt, %get3A_1288, %lt3A_1293 : vector<16xi32>
      %and3A_1295 = arith.andi %ge3A_1291, %lt3A_1294 : vector<16xi1>
      %sub3A_1296 = arith.constant 768 : i32
      %sub3A_1297 = vector.broadcast %sub3A_1296 : i32 to vector<16xi32>
      %sub3A_1298 = arith.subi %get3A_1288, %sub3A_1297 : vector<16xi32>
      %add3A_1299 = arith.constant 64 : i32
      %add3A_1300 = vector.broadcast %add3A_1299 : i32 to vector<16xi32>
      %add3A_1301 = arith.addi %iota3A, %add3A_1300 : vector<16xi32>
      tpu.vector_store_idx %arg6[%sub3A_1298, %add3A_1301], %broadcast_in_dim3A_3 masked %and3A_1295 : memref<257x128xf32, #tpu.memory_space<vmem>>[vector<16xi32>, vector<16xi32>], vector<16xf32>, vector<16xi1>
      %get3A_1302 = arith.constant 15 : i32
      %get3A_1303 = arith.index_cast %get3A_1302 : i32 to index
      %get3A_1304 = arith.constant 80 : index
      %get3A_1305 = tpu.vector_load %arg4[%get3A_1303, %get3A_1304] {strides = array<i32>} : memref<24x128xi32, #tpu.memory_space<vmem>>, vector<16xi32>,
      %ge3A_1306 = arith.constant 768 : i32
      %ge3A_1307 = vector.broadcast %ge3A_1306 : i32 to vector<16xi32>
      %ge3A_1308 = arith.cmpi sge, %get3A_1305, %ge3A_1307 : vector<16xi32>
      %lt3A_1309 = arith.constant 1025 : i32
      %lt3A_1310 = vector.broadcast %lt3A_1309 : i32 to vector<16xi32>
      %lt3A_1311 = arith.cmpi slt, %get3A_1305, %lt3A_1310 : vector<16xi32>
      %and3A_1312 = arith.andi %ge3A_1308, %lt3A_1311 : vector<16xi1>
      %sub3A_1313 = arith.constant 768 : i32
      %sub3A_1314 = vector.broadcast %sub3A_1313 : i32 to vector<16xi32>
      %sub3A_1315 = arith.subi %get3A_1305, %sub3A_1314 : vector<16xi32>
      %add3A_1316 = arith.constant 80 : i32
      %add3A_1317 = vector.broadcast %add3A_1316 : i32 to vector<16xi32>
      %add3A_1318 = arith.addi %iota3A, %add3A_1317 : vector<16xi32>
      tpu.vector_store_idx %arg6[%sub3A_1315, %add3A_1318], %broadcast_in_dim3A_3 masked %and3A_1312 : memref<257x128xf32, #tpu.memory_space<vmem>>[vector<16xi32>, vector<16xi32>], vector<16xf32>, vector<16xi1>
      %get3A_1319 = arith.constant 15 : i32
      %get3A_1320 = arith.index_cast %get3A_1319 : i32 to index
      %get3A_1321 = arith.constant 96 : index
      %get3A_1322 = tpu.vector_load %arg4[%get3A_1320, %get3A_1321] {strides = array<i32>} : memref<24x128xi32, #tpu.memory_space<vmem>>, vector<16xi32>,
      %ge3A_1323 = arith.constant 768 : i32
      %ge3A_1324 = vector.broadcast %ge3A_1323 : i32 to vector<16xi32>
      %ge3A_1325 = arith.cmpi sge, %get3A_1322, %ge3A_1324 : vector<16xi32>
      %lt3A_1326 = arith.constant 1025 : i32
      %lt3A_1327 = vector.broadcast %lt3A_1326 : i32 to vector<16xi32>
      %lt3A_1328 = arith.cmpi slt, %get3A_1322, %lt3A_1327 : vector<16xi32>
      %and3A_1329 = arith.andi %ge3A_1325, %lt3A_1328 : vector<16xi1>
      %sub3A_1330 = arith.constant 768 : i32
      %sub3A_1331 = vector.broadcast %sub3A_1330 : i32 to vector<16xi32>
      %sub3A_1332 = arith.subi %get3A_1322, %sub3A_1331 : vector<16xi32>
      %add3A_1333 = arith.constant 96 : i32
      %add3A_1334 = vector.broadcast %add3A_1333 : i32 to vector<16xi32>
      %add3A_1335 = arith.addi %iota3A, %add3A_1334 : vector<16xi32>
      tpu.vector_store_idx %arg6[%sub3A_1332, %add3A_1335], %broadcast_in_dim3A_3 masked %and3A_1329 : memref<257x128xf32, #tpu.memory_space<vmem>>[vector<16xi32>, vector<16xi32>], vector<16xf32>, vector<16xi1>
      %get3A_1336 = arith.constant 15 : i32
      %get3A_1337 = arith.index_cast %get3A_1336 : i32 to index
      %get3A_1338 = arith.constant 112 : index
      %get3A_1339 = tpu.vector_load %arg4[%get3A_1337, %get3A_1338] {strides = array<i32>} : memref<24x128xi32, #tpu.memory_space<vmem>>, vector<16xi32>,
      %ge3A_1340 = arith.constant 768 : i32
      %ge3A_1341 = vector.broadcast %ge3A_1340 : i32 to vector<16xi32>
      %ge3A_1342 = arith.cmpi sge, %get3A_1339, %ge3A_1341 : vector<16xi32>
      %lt3A_1343 = arith.constant 1025 : i32
      %lt3A_1344 = vector.broadcast %lt3A_1343 : i32 to vector<16xi32>
      %lt3A_1345 = arith.cmpi slt, %get3A_1339, %lt3A_1344 : vector<16xi32>
      %and3A_1346 = arith.andi %ge3A_1342, %lt3A_1345 : vector<16xi1>
      %sub3A_1347 = arith.constant 768 : i32
      %sub3A_1348 = vector.broadcast %sub3A_1347 : i32 to vector<16xi32>
      %sub3A_1349 = arith.subi %get3A_1339, %sub3A_1348 : vector<16xi32>
      %add3A_1350 = arith.constant 112 : i32
      %add3A_1351 = vector.broadcast %add3A_1350 : i32 to vector<16xi32>
      %add3A_1352 = arith.addi %iota3A, %add3A_1351 : vector<16xi32>
      tpu.vector_store_idx %arg6[%sub3A_1349, %add3A_1352], %broadcast_in_dim3A_3 masked %and3A_1346 : memref<257x128xf32, #tpu.memory_space<vmem>>[vector<16xi32>, vector<16xi32>], vector<16xf32>, vector<16xi1>
      %get3A_1353 = arith.constant 16 : i32
      %get3A_1354 = arith.index_cast %get3A_1353 : i32 to index
      %get3A_1355 = arith.constant 0 : index
      %get3A_1356 = tpu.vector_load %arg4[%get3A_1354, %get3A_1355] {strides = array<i32>} : memref<24x128xi32, #tpu.memory_space<vmem>>, vector<16xi32>,
      %ge3A_1357 = arith.constant 256 : i32
      %ge3A_1358 = vector.broadcast %ge3A_1357 : i32 to vector<16xi32>
      %ge3A_1359 = arith.cmpi sge, %get3A_1356, %ge3A_1358 : vector<16xi32>
      %lt3A_1360 = arith.constant 512 : i32
      %lt3A_1361 = vector.broadcast %lt3A_1360 : i32 to vector<16xi32>
      %lt3A_1362 = arith.cmpi slt, %get3A_1356, %lt3A_1361 : vector<16xi32>
      %and3A_1363 = arith.andi %ge3A_1359, %lt3A_1362 : vector<16xi1>
      %sub3A_1364 = arith.constant 256 : i32
      %sub3A_1365 = vector.broadcast %sub3A_1364 : i32 to vector<16xi32>
      %sub3A_1366 = arith.subi %get3A_1356, %sub3A_1365 : vector<16xi32>
      %add3A_1367 = arith.constant 0 : i32
      %add3A_1368 = vector.broadcast %add3A_1367 : i32 to vector<16xi32>
      %add3A_1369 = arith.addi %iota3A, %add3A_1368 : vector<16xi32>
      tpu.vector_store_idx %arg6[%sub3A_1366, %add3A_1369], %broadcast_in_dim3A_1 masked %and3A_1363 : memref<257x128xf32, #tpu.memory_space<vmem>>[vector<16xi32>, vector<16xi32>], vector<16xf32>, vector<16xi1>
      %get3A_1370 = arith.constant 16 : i32
      %get3A_1371 = arith.index_cast %get3A_1370 : i32 to index
      %get3A_1372 = arith.constant 16 : index
      %get3A_1373 = tpu.vector_load %arg4[%get3A_1371, %get3A_1372] {strides = array<i32>} : memref<24x128xi32, #tpu.memory_space<vmem>>, vector<16xi32>,
      %ge3A_1374 = arith.constant 256 : i32
      %ge3A_1375 = vector.broadcast %ge3A_1374 : i32 to vector<16xi32>
      %ge3A_1376 = arith.cmpi sge, %get3A_1373, %ge3A_1375 : vector<16xi32>
      %lt3A_1377 = arith.constant 512 : i32
      %lt3A_1378 = vector.broadcast %lt3A_1377 : i32 to vector<16xi32>
      %lt3A_1379 = arith.cmpi slt, %get3A_1373, %lt3A_1378 : vector<16xi32>
      %and3A_1380 = arith.andi %ge3A_1376, %lt3A_1379 : vector<16xi1>
      %sub3A_1381 = arith.constant 256 : i32
      %sub3A_1382 = vector.broadcast %sub3A_1381 : i32 to vector<16xi32>
      %sub3A_1383 = arith.subi %get3A_1373, %sub3A_1382 : vector<16xi32>
      %add3A_1384 = arith.constant 16 : i32
      %add3A_1385 = vector.broadcast %add3A_1384 : i32 to vector<16xi32>
      %add3A_1386 = arith.addi %iota3A, %add3A_1385 : vector<16xi32>
      tpu.vector_store_idx %arg6[%sub3A_1383, %add3A_1386], %broadcast_in_dim3A_1 masked %and3A_1380 : memref<257x128xf32, #tpu.memory_space<vmem>>[vector<16xi32>, vector<16xi32>], vector<16xf32>, vector<16xi1>
      %get3A_1387 = arith.constant 16 : i32
      %get3A_1388 = arith.index_cast %get3A_1387 : i32 to index
      %get3A_1389 = arith.constant 32 : index
      %get3A_1390 = tpu.vector_load %arg4[%get3A_1388, %get3A_1389] {strides = array<i32>} : memref<24x128xi32, #tpu.memory_space<vmem>>, vector<16xi32>,
      %ge3A_1391 = arith.constant 256 : i32
      %ge3A_1392 = vector.broadcast %ge3A_1391 : i32 to vector<16xi32>
      %ge3A_1393 = arith.cmpi sge, %get3A_1390, %ge3A_1392 : vector<16xi32>
      %lt3A_1394 = arith.constant 512 : i32
      %lt3A_1395 = vector.broadcast %lt3A_1394 : i32 to vector<16xi32>
      %lt3A_1396 = arith.cmpi slt, %get3A_1390, %lt3A_1395 : vector<16xi32>
      %and3A_1397 = arith.andi %ge3A_1393, %lt3A_1396 : vector<16xi1>
      %sub3A_1398 = arith.constant 256 : i32
      %sub3A_1399 = vector.broadcast %sub3A_1398 : i32 to vector<16xi32>
      %sub3A_1400 = arith.subi %get3A_1390, %sub3A_1399 : vector<16xi32>
      %add3A_1401 = arith.constant 32 : i32
      %add3A_1402 = vector.broadcast %add3A_1401 : i32 to vector<16xi32>
      %add3A_1403 = arith.addi %iota3A, %add3A_1402 : vector<16xi32>
      tpu.vector_store_idx %arg6[%sub3A_1400, %add3A_1403], %broadcast_in_dim3A_1 masked %and3A_1397 : memref<257x128xf32, #tpu.memory_space<vmem>>[vector<16xi32>, vector<16xi32>], vector<16xf32>, vector<16xi1>
      %get3A_1404 = arith.constant 16 : i32
      %get3A_1405 = arith.index_cast %get3A_1404 : i32 to index
      %get3A_1406 = arith.constant 48 : index
      %get3A_1407 = tpu.vector_load %arg4[%get3A_1405, %get3A_1406] {strides = array<i32>} : memref<24x128xi32, #tpu.memory_space<vmem>>, vector<16xi32>,
      %ge3A_1408 = arith.constant 256 : i32
      %ge3A_1409 = vector.broadcast %ge3A_1408 : i32 to vector<16xi32>
      %ge3A_1410 = arith.cmpi sge, %get3A_1407, %ge3A_1409 : vector<16xi32>
      %lt3A_1411 = arith.constant 512 : i32
      %lt3A_1412 = vector.broadcast %lt3A_1411 : i32 to vector<16xi32>
      %lt3A_1413 = arith.cmpi slt, %get3A_1407, %lt3A_1412 : vector<16xi32>
      %and3A_1414 = arith.andi %ge3A_1410, %lt3A_1413 : vector<16xi1>
      %sub3A_1415 = arith.constant 256 : i32
      %sub3A_1416 = vector.broadcast %sub3A_1415 : i32 to vector<16xi32>
      %sub3A_1417 = arith.subi %get3A_1407, %sub3A_1416 : vector<16xi32>
      %add3A_1418 = arith.constant 48 : i32
      %add3A_1419 = vector.broadcast %add3A_1418 : i32 to vector<16xi32>
      %add3A_1420 = arith.addi %iota3A, %add3A_1419 : vector<16xi32>
      tpu.vector_store_idx %arg6[%sub3A_1417, %add3A_1420], %broadcast_in_dim3A_1 masked %and3A_1414 : memref<257x128xf32, #tpu.memory_space<vmem>>[vector<16xi32>, vector<16xi32>], vector<16xf32>, vector<16xi1>
      %get3A_1421 = arith.constant 16 : i32
      %get3A_1422 = arith.index_cast %get3A_1421 : i32 to index
      %get3A_1423 = arith.constant 64 : index
      %get3A_1424 = tpu.vector_load %arg4[%get3A_1422, %get3A_1423] {strides = array<i32>} : memref<24x128xi32, #tpu.memory_space<vmem>>, vector<16xi32>,
      %ge3A_1425 = arith.constant 256 : i32
      %ge3A_1426 = vector.broadcast %ge3A_1425 : i32 to vector<16xi32>
      %ge3A_1427 = arith.cmpi sge, %get3A_1424, %ge3A_1426 : vector<16xi32>
      %lt3A_1428 = arith.constant 512 : i32
      %lt3A_1429 = vector.broadcast %lt3A_1428 : i32 to vector<16xi32>
      %lt3A_1430 = arith.cmpi slt, %get3A_1424, %lt3A_1429 : vector<16xi32>
      %and3A_1431 = arith.andi %ge3A_1427, %lt3A_1430 : vector<16xi1>
      %sub3A_1432 = arith.constant 256 : i32
      %sub3A_1433 = vector.broadcast %sub3A_1432 : i32 to vector<16xi32>
      %sub3A_1434 = arith.subi %get3A_1424, %sub3A_1433 : vector<16xi32>
      %add3A_1435 = arith.constant 64 : i32
      %add3A_1436 = vector.broadcast %add3A_1435 : i32 to vector<16xi32>
      %add3A_1437 = arith.addi %iota3A, %add3A_1436 : vector<16xi32>
      tpu.vector_store_idx %arg6[%sub3A_1434, %add3A_1437], %broadcast_in_dim3A_1 masked %and3A_1431 : memref<257x128xf32, #tpu.memory_space<vmem>>[vector<16xi32>, vector<16xi32>], vector<16xf32>, vector<16xi1>
      %get3A_1438 = arith.constant 16 : i32
      %get3A_1439 = arith.index_cast %get3A_1438 : i32 to index
      %get3A_1440 = arith.constant 80 : index
      %get3A_1441 = tpu.vector_load %arg4[%get3A_1439, %get3A_1440] {strides = array<i32>} : memref<24x128xi32, #tpu.memory_space<vmem>>, vector<16xi32>,
      %ge3A_1442 = arith.constant 256 : i32
      %ge3A_1443 = vector.broadcast %ge3A_1442 : i32 to vector<16xi32>
      %ge3A_1444 = arith.cmpi sge, %get3A_1441, %ge3A_1443 : vector<16xi32>
      %lt3A_1445 = arith.constant 512 : i32
      %lt3A_1446 = vector.broadcast %lt3A_1445 : i32 to vector<16xi32>
      %lt3A_1447 = arith.cmpi slt, %get3A_1441, %lt3A_1446 : vector<16xi32>
      %and3A_1448 = arith.andi %ge3A_1444, %lt3A_1447 : vector<16xi1>
      %sub3A_1449 = arith.constant 256 : i32
      %sub3A_1450 = vector.broadcast %sub3A_1449 : i32 to vector<16xi32>
      %sub3A_1451 = arith.subi %get3A_1441, %sub3A_1450 : vector<16xi32>
      %add3A_1452 = arith.constant 80 : i32
      %add3A_1453 = vector.broadcast %add3A_1452 : i32 to vector<16xi32>
      %add3A_1454 = arith.addi %iota3A, %add3A_1453 : vector<16xi32>
      tpu.vector_store_idx %arg6[%sub3A_1451, %add3A_1454], %broadcast_in_dim3A_1 masked %and3A_1448 : memref<257x128xf32, #tpu.memory_space<vmem>>[vector<16xi32>, vector<16xi32>], vector<16xf32>, vector<16xi1>
      %get3A_1455 = arith.constant 16 : i32
      %get3A_1456 = arith.index_cast %get3A_1455 : i32 to index
      %get3A_1457 = arith.constant 96 : index
      %get3A_1458 = tpu.vector_load %arg4[%get3A_1456, %get3A_1457] {strides = array<i32>} : memref<24x128xi32, #tpu.memory_space<vmem>>, vector<16xi32>,
      %ge3A_1459 = arith.constant 256 : i32
      %ge3A_1460 = vector.broadcast %ge3A_1459 : i32 to vector<16xi32>
      %ge3A_1461 = arith.cmpi sge, %get3A_1458, %ge3A_1460 : vector<16xi32>
      %lt3A_1462 = arith.constant 512 : i32
      %lt3A_1463 = vector.broadcast %lt3A_1462 : i32 to vector<16xi32>
      %lt3A_1464 = arith.cmpi slt, %get3A_1458, %lt3A_1463 : vector<16xi32>
      %and3A_1465 = arith.andi %ge3A_1461, %lt3A_1464 : vector<16xi1>
      %sub3A_1466 = arith.constant 256 : i32
      %sub3A_1467 = vector.broadcast %sub3A_1466 : i32 to vector<16xi32>
      %sub3A_1468 = arith.subi %get3A_1458, %sub3A_1467 : vector<16xi32>
      %add3A_1469 = arith.constant 96 : i32
      %add3A_1470 = vector.broadcast %add3A_1469 : i32 to vector<16xi32>
      %add3A_1471 = arith.addi %iota3A, %add3A_1470 : vector<16xi32>
      tpu.vector_store_idx %arg6[%sub3A_1468, %add3A_1471], %broadcast_in_dim3A_1 masked %and3A_1465 : memref<257x128xf32, #tpu.memory_space<vmem>>[vector<16xi32>, vector<16xi32>], vector<16xf32>, vector<16xi1>
      %get3A_1472 = arith.constant 16 : i32
      %get3A_1473 = arith.index_cast %get3A_1472 : i32 to index
      %get3A_1474 = arith.constant 112 : index
      %get3A_1475 = tpu.vector_load %arg4[%get3A_1473, %get3A_1474] {strides = array<i32>} : memref<24x128xi32, #tpu.memory_space<vmem>>, vector<16xi32>,
      %ge3A_1476 = arith.constant 256 : i32
      %ge3A_1477 = vector.broadcast %ge3A_1476 : i32 to vector<16xi32>
      %ge3A_1478 = arith.cmpi sge, %get3A_1475, %ge3A_1477 : vector<16xi32>
      %lt3A_1479 = arith.constant 512 : i32
      %lt3A_1480 = vector.broadcast %lt3A_1479 : i32 to vector<16xi32>
      %lt3A_1481 = arith.cmpi slt, %get3A_1475, %lt3A_1480 : vector<16xi32>
      %and3A_1482 = arith.andi %ge3A_1478, %lt3A_1481 : vector<16xi1>
      %sub3A_1483 = arith.constant 256 : i32
      %sub3A_1484 = vector.broadcast %sub3A_1483 : i32 to vector<16xi32>
      %sub3A_1485 = arith.subi %get3A_1475, %sub3A_1484 : vector<16xi32>
      %add3A_1486 = arith.constant 112 : i32
      %add3A_1487 = vector.broadcast %add3A_1486 : i32 to vector<16xi32>
      %add3A_1488 = arith.addi %iota3A, %add3A_1487 : vector<16xi32>
      tpu.vector_store_idx %arg6[%sub3A_1485, %add3A_1488], %broadcast_in_dim3A_1 masked %and3A_1482 : memref<257x128xf32, #tpu.memory_space<vmem>>[vector<16xi32>, vector<16xi32>], vector<16xf32>, vector<16xi1>
      %multiple_of3A_1489 = arith.constant 65536 : i32
      %multiple_of3A_1490 = tpu.assume_multiple %multiple_of3A_1489, 128 : i32
      %dma_start3A_1491 = arith.constant 0 : i32
      %dma_start3A_1492 = arith.constant 0 : i32
      %dma_start3A_1493 = tpu.memref_slice %arg6[%dma_start3A_1491, %dma_start3A_1492] : memref<257x128xf32, #tpu.memory_space<vmem>> -> memref<256x128xf32, #tpu.memory_space<vmem>>
      %dma_start3A_1494 = arith.constant 256 : i32
      %dma_start3A_1495 = tpu.memref_slice %arg3[%dma_start3A_1494, %multiple_of3A_1490] : memref<1025x65664xf32, #tpu.memory_space<hbm>> -> memref<256x128xf32, #tpu.memory_space<hbm>>
      %dma_start3A_1496 = arith.constant 256 : i32
      %dma_start3A_1497 = tpu.memref_slice %arg3[%dma_start3A_1496, %multiple_of3A_1490] : memref<1025x65664xf32, #tpu.memory_space<hbm>> -> memref<256x128xf32, #tpu.memory_space<hbm>>
      %dma_start3A_1498 = arith.constant 0 : i32
      %dma_start3A_1499 = arith.constant 0 : i32
      %dma_start3A_1500 = tpu.memref_slice %arg6[%dma_start3A_1498, %dma_start3A_1499] : memref<257x128xf32, #tpu.memory_space<vmem>> -> memref<256x128xf32, #tpu.memory_space<vmem>>
      tpu.enqueue_dma source(%dma_start3A_1500 : memref<256x128xf32, #tpu.memory_space<vmem>>) target(%dma_start3A_1497 : memref<256x128xf32, #tpu.memory_space<hbm>>) target_semaphore(%arg8 : memref<!tpu.dma_semaphore, #tpu.memory_space<semaphore_mem>>)
      %multiple_of3A_1501 = arith.constant 65536 : i32
      %multiple_of3A_1502 = tpu.assume_multiple %multiple_of3A_1501, 128 : i32
      %dma_wait3A_1503 = arith.constant 0 : i32
      %dma_wait3A_1504 = tpu.memref_slice %arg3[%dma_wait3A_1503, %multiple_of3A_1502] : memref<1025x65664xf32, #tpu.memory_space<hbm>> -> memref<256x128xf32, #tpu.memory_space<hbm>>
      %dma_wait3A_1505 = arith.constant 0 : i32
      %dma_wait3A_1506 = tpu.memref_slice %arg3[%dma_wait3A_1505, %multiple_of3A_1502] : memref<1025x65664xf32, #tpu.memory_space<hbm>> -> memref<256x128xf32, #tpu.memory_space<hbm>>
      tpu.wait_dma2 semaphore(%arg7 : memref<!tpu.dma_semaphore, #tpu.memory_space<semaphore_mem>>) src(%arg5 : memref<256x128xf32, #tpu.memory_space<vmem>>) dst(%dma_wait3A_1506 : memref<256x128xf32, #tpu.memory_space<hbm>>)
      %get3A_1507 = arith.constant 16 : i32
      %get3A_1508 = arith.index_cast %get3A_1507 : i32 to index
      %get3A_1509 = arith.constant 0 : index
      %get3A_1510 = tpu.vector_load %arg4[%get3A_1508, %get3A_1509] {strides = array<i32>} : memref<24x128xi32, #tpu.memory_space<vmem>>, vector<16xi32>,
      %ge3A_1511 = arith.constant 0 : i32
      %ge3A_1512 = vector.broadcast %ge3A_1511 : i32 to vector<16xi32>
      %ge3A_1513 = arith.cmpi sge, %get3A_1510, %ge3A_1512 : vector<16xi32>
      %lt3A_1514 = arith.constant 256 : i32
      %lt3A_1515 = vector.broadcast %lt3A_1514 : i32 to vector<16xi32>
      %lt3A_1516 = arith.cmpi slt, %get3A_1510, %lt3A_1515 : vector<16xi32>
      %and3A_1517 = arith.andi %ge3A_1513, %lt3A_1516 : vector<16xi1>
      %sub3A_1518 = arith.constant 0 : i32
      %sub3A_1519 = vector.broadcast %sub3A_1518 : i32 to vector<16xi32>
      %sub3A_1520 = arith.subi %get3A_1510, %sub3A_1519 : vector<16xi32>
      %add3A_1521 = arith.constant 0 : i32
      %add3A_1522 = vector.broadcast %add3A_1521 : i32 to vector<16xi32>
      %add3A_1523 = arith.addi %iota3A, %add3A_1522 : vector<16xi32>
      tpu.vector_store_idx %arg5[%sub3A_1520, %add3A_1523], %broadcast_in_dim3A_3 masked %and3A_1517 : memref<256x128xf32, #tpu.memory_space<vmem>>[vector<16xi32>, vector<16xi32>], vector<16xf32>, vector<16xi1>
      %get3A_1524 = arith.constant 16 : i32
      %get3A_1525 = arith.index_cast %get3A_1524 : i32 to index
      %get3A_1526 = arith.constant 16 : index
      %get3A_1527 = tpu.vector_load %arg4[%get3A_1525, %get3A_1526] {strides = array<i32>} : memref<24x128xi32, #tpu.memory_space<vmem>>, vector<16xi32>,
      %ge3A_1528 = arith.constant 0 : i32
      %ge3A_1529 = vector.broadcast %ge3A_1528 : i32 to vector<16xi32>
      %ge3A_1530 = arith.cmpi sge, %get3A_1527, %ge3A_1529 : vector<16xi32>
      %lt3A_1531 = arith.constant 256 : i32
      %lt3A_1532 = vector.broadcast %lt3A_1531 : i32 to vector<16xi32>
      %lt3A_1533 = arith.cmpi slt, %get3A_1527, %lt3A_1532 : vector<16xi32>
      %and3A_1534 = arith.andi %ge3A_1530, %lt3A_1533 : vector<16xi1>
      %sub3A_1535 = arith.constant 0 : i32
      %sub3A_1536 = vector.broadcast %sub3A_1535 : i32 to vector<16xi32>
      %sub3A_1537 = arith.subi %get3A_1527, %sub3A_1536 : vector<16xi32>
      %add3A_1538 = arith.constant 16 : i32
      %add3A_1539 = vector.broadcast %add3A_1538 : i32 to vector<16xi32>
      %add3A_1540 = arith.addi %iota3A, %add3A_1539 : vector<16xi32>
      tpu.vector_store_idx %arg5[%sub3A_1537, %add3A_1540], %broadcast_in_dim3A_3 masked %and3A_1534 : memref<256x128xf32, #tpu.memory_space<vmem>>[vector<16xi32>, vector<16xi32>], vector<16xf32>, vector<16xi1>
      %get3A_1541 = arith.constant 16 : i32
      %get3A_1542 = arith.index_cast %get3A_1541 : i32 to index
      %get3A_1543 = arith.constant 32 : index
      %get3A_1544 = tpu.vector_load %arg4[%get3A_1542, %get3A_1543] {strides = array<i32>} : memref<24x128xi32, #tpu.memory_space<vmem>>, vector<16xi32>,
      %ge3A_1545 = arith.constant 0 : i32
      %ge3A_1546 = vector.broadcast %ge3A_1545 : i32 to vector<16xi32>
      %ge3A_1547 = arith.cmpi sge, %get3A_1544, %ge3A_1546 : vector<16xi32>
      %lt3A_1548 = arith.constant 256 : i32
      %lt3A_1549 = vector.broadcast %lt3A_1548 : i32 to vector<16xi32>
      %lt3A_1550 = arith.cmpi slt, %get3A_1544, %lt3A_1549 : vector<16xi32>
      %and3A_1551 = arith.andi %ge3A_1547, %lt3A_1550 : vector<16xi1>
      %sub3A_1552 = arith.constant 0 : i32
      %sub3A_1553 = vector.broadcast %sub3A_1552 : i32 to vector<16xi32>
      %sub3A_1554 = arith.subi %get3A_1544, %sub3A_1553 : vector<16xi32>
      %add3A_1555 = arith.constant 32 : i32
      %add3A_1556 = vector.broadcast %add3A_1555 : i32 to vector<16xi32>
      %add3A_1557 = arith.addi %iota3A, %add3A_1556 : vector<16xi32>
      tpu.vector_store_idx %arg5[%sub3A_1554, %add3A_1557], %broadcast_in_dim3A_3 masked %and3A_1551 : memref<256x128xf32, #tpu.memory_space<vmem>>[vector<16xi32>, vector<16xi32>], vector<16xf32>, vector<16xi1>
      %get3A_1558 = arith.constant 16 : i32
      %get3A_1559 = arith.index_cast %get3A_1558 : i32 to index
      %get3A_1560 = arith.constant 48 : index
      %get3A_1561 = tpu.vector_load %arg4[%get3A_1559, %get3A_1560] {strides = array<i32>} : memref<24x128xi32, #tpu.memory_space<vmem>>, vector<16xi32>,
      %ge3A_1562 = arith.constant 0 : i32
      %ge3A_1563 = vector.broadcast %ge3A_1562 : i32 to vector<16xi32>
      %ge3A_1564 = arith.cmpi sge, %get3A_1561, %ge3A_1563 : vector<16xi32>
      %lt3A_1565 = arith.constant 256 : i32
      %lt3A_1566 = vector.broadcast %lt3A_1565 : i32 to vector<16xi32>
      %lt3A_1567 = arith.cmpi slt, %get3A_1561, %lt3A_1566 : vector<16xi32>
      %and3A_1568 = arith.andi %ge3A_1564, %lt3A_1567 : vector<16xi1>
      %sub3A_1569 = arith.constant 0 : i32
      %sub3A_1570 = vector.broadcast %sub3A_1569 : i32 to vector<16xi32>
      %sub3A_1571 = arith.subi %get3A_1561, %sub3A_1570 : vector<16xi32>
      %add3A_1572 = arith.constant 48 : i32
      %add3A_1573 = vector.broadcast %add3A_1572 : i32 to vector<16xi32>
      %add3A_1574 = arith.addi %iota3A, %add3A_1573 : vector<16xi32>
      tpu.vector_store_idx %arg5[%sub3A_1571, %add3A_1574], %broadcast_in_dim3A_3 masked %and3A_1568 : memref<256x128xf32, #tpu.memory_space<vmem>>[vector<16xi32>, vector<16xi32>], vector<16xf32>, vector<16xi1>
      %get3A_1575 = arith.constant 16 : i32
      %get3A_1576 = arith.index_cast %get3A_1575 : i32 to index
      %get3A_1577 = arith.constant 64 : index
      %get3A_1578 = tpu.vector_load %arg4[%get3A_1576, %get3A_1577] {strides = array<i32>} : memref<24x128xi32, #tpu.memory_space<vmem>>, vector<16xi32>,
      %ge3A_1579 = arith.constant 0 : i32
      %ge3A_1580 = vector.broadcast %ge3A_1579 : i32 to vector<16xi32>
      %ge3A_1581 = arith.cmpi sge, %get3A_1578, %ge3A_1580 : vector<16xi32>
      %lt3A_1582 = arith.constant 256 : i32
      %lt3A_1583 = vector.broadcast %lt3A_1582 : i32 to vector<16xi32>
      %lt3A_1584 = arith.cmpi slt, %get3A_1578, %lt3A_1583 : vector<16xi32>
      %and3A_1585 = arith.andi %ge3A_1581, %lt3A_1584 : vector<16xi1>
      %sub3A_1586 = arith.constant 0 : i32
      %sub3A_1587 = vector.broadcast %sub3A_1586 : i32 to vector<16xi32>
      %sub3A_1588 = arith.subi %get3A_1578, %sub3A_1587 : vector<16xi32>
      %add3A_1589 = arith.constant 64 : i32
      %add3A_1590 = vector.broadcast %add3A_1589 : i32 to vector<16xi32>
      %add3A_1591 = arith.addi %iota3A, %add3A_1590 : vector<16xi32>
      tpu.vector_store_idx %arg5[%sub3A_1588, %add3A_1591], %broadcast_in_dim3A_3 masked %and3A_1585 : memref<256x128xf32, #tpu.memory_space<vmem>>[vector<16xi32>, vector<16xi32>], vector<16xf32>, vector<16xi1>
      %get3A_1592 = arith.constant 16 : i32
      %get3A_1593 = arith.index_cast %get3A_1592 : i32 to index
      %get3A_1594 = arith.constant 80 : index
      %get3A_1595 = tpu.vector_load %arg4[%get3A_1593, %get3A_1594] {strides = array<i32>} : memref<24x128xi32, #tpu.memory_space<vmem>>, vector<16xi32>,
      %ge3A_1596 = arith.constant 0 : i32
      %ge3A_1597 = vector.broadcast %ge3A_1596 : i32 to vector<16xi32>
      %ge3A_1598 = arith.cmpi sge, %get3A_1595, %ge3A_1597 : vector<16xi32>
      %lt3A_1599 = arith.constant 256 : i32
      %lt3A_1600 = vector.broadcast %lt3A_1599 : i32 to vector<16xi32>
      %lt3A_1601 = arith.cmpi slt, %get3A_1595, %lt3A_1600 : vector<16xi32>
      %and3A_1602 = arith.andi %ge3A_1598, %lt3A_1601 : vector<16xi1>
      %sub3A_1603 = arith.constant 0 : i32
      %sub3A_1604 = vector.broadcast %sub3A_1603 : i32 to vector<16xi32>
      %sub3A_1605 = arith.subi %get3A_1595, %sub3A_1604 : vector<16xi32>
      %add3A_1606 = arith.constant 80 : i32
      %add3A_1607 = vector.broadcast %add3A_1606 : i32 to vector<16xi32>
      %add3A_1608 = arith.addi %iota3A, %add3A_1607 : vector<16xi32>
      tpu.vector_store_idx %arg5[%sub3A_1605, %add3A_1608], %broadcast_in_dim3A_3 masked %and3A_1602 : memref<256x128xf32, #tpu.memory_space<vmem>>[vector<16xi32>, vector<16xi32>], vector<16xf32>, vector<16xi1>
      %get3A_1609 = arith.constant 16 : i32
      %get3A_1610 = arith.index_cast %get3A_1609 : i32 to index
      %get3A_1611 = arith.constant 96 : index
      %get3A_1612 = tpu.vector_load %arg4[%get3A_1610, %get3A_1611] {strides = array<i32>} : memref<24x128xi32, #tpu.memory_space<vmem>>, vector<16xi32>,
      %ge3A_1613 = arith.constant 0 : i32
      %ge3A_1614 = vector.broadcast %ge3A_1613 : i32 to vector<16xi32>
      %ge3A_1615 = arith.cmpi sge, %get3A_1612, %ge3A_1614 : vector<16xi32>
      %lt3A_1616 = arith.constant 256 : i32
      %lt3A_1617 = vector.broadcast %lt3A_1616 : i32 to vector<16xi32>
      %lt3A_1618 = arith.cmpi slt, %get3A_1612, %lt3A_1617 : vector<16xi32>
      %and3A_1619 = arith.andi %ge3A_1615, %lt3A_1618 : vector<16xi1>
      %sub3A_1620 = arith.constant 0 : i32
      %sub3A_1621 = vector.broadcast %sub3A_1620 : i32 to vector<16xi32>
      %sub3A_1622 = arith.subi %get3A_1612, %sub3A_1621 : vector<16xi32>
      %add3A_1623 = arith.constant 96 : i32
      %add3A_1624 = vector.broadcast %add3A_1623 : i32 to vector<16xi32>
      %add3A_1625 = arith.addi %iota3A, %add3A_1624 : vector<16xi32>
      tpu.vector_store_idx %arg5[%sub3A_1622, %add3A_1625], %broadcast_in_dim3A_3 masked %and3A_1619 : memref<256x128xf32, #tpu.memory_space<vmem>>[vector<16xi32>, vector<16xi32>], vector<16xf32>, vector<16xi1>
      %get3A_1626 = arith.constant 16 : i32
      %get3A_1627 = arith.index_cast %get3A_1626 : i32 to index
      %get3A_1628 = arith.constant 112 : index
      %get3A_1629 = tpu.vector_load %arg4[%get3A_1627, %get3A_1628] {strides = array<i32>} : memref<24x128xi32, #tpu.memory_space<vmem>>, vector<16xi32>,
      %ge3A_1630 = arith.constant 0 : i32
      %ge3A_1631 = vector.broadcast %ge3A_1630 : i32 to vector<16xi32>
      %ge3A_1632 = arith.cmpi sge, %get3A_1629, %ge3A_1631 : vector<16xi32>
      %lt3A_1633 = arith.constant 256 : i32
      %lt3A_1634 = vector.broadcast %lt3A_1633 : i32 to vector<16xi32>
      %lt3A_1635 = arith.cmpi slt, %get3A_1629, %lt3A_1634 : vector<16xi32>
      %and3A_1636 = arith.andi %ge3A_1632, %lt3A_1635 : vector<16xi1>
      %sub3A_1637 = arith.constant 0 : i32
      %sub3A_1638 = vector.broadcast %sub3A_1637 : i32 to vector<16xi32>
      %sub3A_1639 = arith.subi %get3A_1629, %sub3A_1638 : vector<16xi32>
      %add3A_1640 = arith.constant 112 : i32
      %add3A_1641 = vector.broadcast %add3A_1640 : i32 to vector<16xi32>
      %add3A_1642 = arith.addi %iota3A, %add3A_1641 : vector<16xi32>
      tpu.vector_store_idx %arg5[%sub3A_1639, %add3A_1642], %broadcast_in_dim3A_3 masked %and3A_1636 : memref<256x128xf32, #tpu.memory_space<vmem>>[vector<16xi32>, vector<16xi32>], vector<16xf32>, vector<16xi1>
      %get3A_1643 = arith.constant 16 : i32
      %get3A_1644 = arith.index_cast %get3A_1643 : i32 to index
      %get3A_1645 = arith.constant 0 : index
      %get3A_1646 = tpu.vector_load %arg4[%get3A_1644, %get3A_1645] {strides = array<i32>} : memref<24x128xi32, #tpu.memory_space<vmem>>, vector<16xi32>,
      %ge3A_1647 = arith.constant 512 : i32
      %ge3A_1648 = vector.broadcast %ge3A_1647 : i32 to vector<16xi32>
      %ge3A_1649 = arith.cmpi sge, %get3A_1646, %ge3A_1648 : vector<16xi32>
      %lt3A_1650 = arith.constant 768 : i32
      %lt3A_1651 = vector.broadcast %lt3A_1650 : i32 to vector<16xi32>
      %lt3A_1652 = arith.cmpi slt, %get3A_1646, %lt3A_1651 : vector<16xi32>
      %and3A_1653 = arith.andi %ge3A_1649, %lt3A_1652 : vector<16xi1>
      %sub3A_1654 = arith.constant 512 : i32
      %sub3A_1655 = vector.broadcast %sub3A_1654 : i32 to vector<16xi32>
      %sub3A_1656 = arith.subi %get3A_1646, %sub3A_1655 : vector<16xi32>
      %add3A_1657 = arith.constant 0 : i32
      %add3A_1658 = vector.broadcast %add3A_1657 : i32 to vector<16xi32>
      %add3A_1659 = arith.addi %iota3A, %add3A_1658 : vector<16xi32>
      tpu.vector_store_idx %arg5[%sub3A_1656, %add3A_1659], %broadcast_in_dim3A_1 masked %and3A_1653 : memref<256x128xf32, #tpu.memory_space<vmem>>[vector<16xi32>, vector<16xi32>], vector<16xf32>, vector<16xi1>
      %get3A_1660 = arith.constant 16 : i32
      %get3A_1661 = arith.index_cast %get3A_1660 : i32 to index
      %get3A_1662 = arith.constant 16 : index
      %get3A_1663 = tpu.vector_load %arg4[%get3A_1661, %get3A_1662] {strides = array<i32>} : memref<24x128xi32, #tpu.memory_space<vmem>>, vector<16xi32>,
      %ge3A_1664 = arith.constant 512 : i32
      %ge3A_1665 = vector.broadcast %ge3A_1664 : i32 to vector<16xi32>
      %ge3A_1666 = arith.cmpi sge, %get3A_1663, %ge3A_1665 : vector<16xi32>
      %lt3A_1667 = arith.constant 768 : i32
      %lt3A_1668 = vector.broadcast %lt3A_1667 : i32 to vector<16xi32>
      %lt3A_1669 = arith.cmpi slt, %get3A_1663, %lt3A_1668 : vector<16xi32>
      %and3A_1670 = arith.andi %ge3A_1666, %lt3A_1669 : vector<16xi1>
      %sub3A_1671 = arith.constant 512 : i32
      %sub3A_1672 = vector.broadcast %sub3A_1671 : i32 to vector<16xi32>
      %sub3A_1673 = arith.subi %get3A_1663, %sub3A_1672 : vector<16xi32>
      %add3A_1674 = arith.constant 16 : i32
      %add3A_1675 = vector.broadcast %add3A_1674 : i32 to vector<16xi32>
      %add3A_1676 = arith.addi %iota3A, %add3A_1675 : vector<16xi32>
      tpu.vector_store_idx %arg5[%sub3A_1673, %add3A_1676], %broadcast_in_dim3A_1 masked %and3A_1670 : memref<256x128xf32, #tpu.memory_space<vmem>>[vector<16xi32>, vector<16xi32>], vector<16xf32>, vector<16xi1>
      %get3A_1677 = arith.constant 16 : i32
      %get3A_1678 = arith.index_cast %get3A_1677 : i32 to index
      %get3A_1679 = arith.constant 32 : index
      %get3A_1680 = tpu.vector_load %arg4[%get3A_1678, %get3A_1679] {strides = array<i32>} : memref<24x128xi32, #tpu.memory_space<vmem>>, vector<16xi32>,
      %ge3A_1681 = arith.constant 512 : i32
      %ge3A_1682 = vector.broadcast %ge3A_1681 : i32 to vector<16xi32>
      %ge3A_1683 = arith.cmpi sge, %get3A_1680, %ge3A_1682 : vector<16xi32>
      %lt3A_1684 = arith.constant 768 : i32
      %lt3A_1685 = vector.broadcast %lt3A_1684 : i32 to vector<16xi32>
      %lt3A_1686 = arith.cmpi slt, %get3A_1680, %lt3A_1685 : vector<16xi32>
      %and3A_1687 = arith.andi %ge3A_1683, %lt3A_1686 : vector<16xi1>
      %sub3A_1688 = arith.constant 512 : i32
      %sub3A_1689 = vector.broadcast %sub3A_1688 : i32 to vector<16xi32>
      %sub3A_1690 = arith.subi %get3A_1680, %sub3A_1689 : vector<16xi32>
      %add3A_1691 = arith.constant 32 : i32
      %add3A_1692 = vector.broadcast %add3A_1691 : i32 to vector<16xi32>
      %add3A_1693 = arith.addi %iota3A, %add3A_1692 : vector<16xi32>
      tpu.vector_store_idx %arg5[%sub3A_1690, %add3A_1693], %broadcast_in_dim3A_1 masked %and3A_1687 : memref<256x128xf32, #tpu.memory_space<vmem>>[vector<16xi32>, vector<16xi32>], vector<16xf32>, vector<16xi1>
      %get3A_1694 = arith.constant 16 : i32
      %get3A_1695 = arith.index_cast %get3A_1694 : i32 to index
      %get3A_1696 = arith.constant 48 : index
      %get3A_1697 = tpu.vector_load %arg4[%get3A_1695, %get3A_1696] {strides = array<i32>} : memref<24x128xi32, #tpu.memory_space<vmem>>, vector<16xi32>,
      %ge3A_1698 = arith.constant 512 : i32
      %ge3A_1699 = vector.broadcast %ge3A_1698 : i32 to vector<16xi32>
      %ge3A_1700 = arith.cmpi sge, %get3A_1697, %ge3A_1699 : vector<16xi32>
      %lt3A_1701 = arith.constant 768 : i32
      %lt3A_1702 = vector.broadcast %lt3A_1701 : i32 to vector<16xi32>
      %lt3A_1703 = arith.cmpi slt, %get3A_1697, %lt3A_1702 : vector<16xi32>
      %and3A_1704 = arith.andi %ge3A_1700, %lt3A_1703 : vector<16xi1>
      %sub3A_1705 = arith.constant 512 : i32
      %sub3A_1706 = vector.broadcast %sub3A_1705 : i32 to vector<16xi32>
      %sub3A_1707 = arith.subi %get3A_1697, %sub3A_1706 : vector<16xi32>
      %add3A_1708 = arith.constant 48 : i32
      %add3A_1709 = vector.broadcast %add3A_1708 : i32 to vector<16xi32>
      %add3A_1710 = arith.addi %iota3A, %add3A_1709 : vector<16xi32>
      tpu.vector_store_idx %arg5[%sub3A_1707, %add3A_1710], %broadcast_in_dim3A_1 masked %and3A_1704 : memref<256x128xf32, #tpu.memory_space<vmem>>[vector<16xi32>, vector<16xi32>], vector<16xf32>, vector<16xi1>
      %get3A_1711 = arith.constant 16 : i32
      %get3A_1712 = arith.index_cast %get3A_1711 : i32 to index
      %get3A_1713 = arith.constant 64 : index
      %get3A_1714 = tpu.vector_load %arg4[%get3A_1712, %get3A_1713] {strides = array<i32>} : memref<24x128xi32, #tpu.memory_space<vmem>>, vector<16xi32>,
      %ge3A_1715 = arith.constant 512 : i32
      %ge3A_1716 = vector.broadcast %ge3A_1715 : i32 to vector<16xi32>
      %ge3A_1717 = arith.cmpi sge, %get3A_1714, %ge3A_1716 : vector<16xi32>
      %lt3A_1718 = arith.constant 768 : i32
      %lt3A_1719 = vector.broadcast %lt3A_1718 : i32 to vector<16xi32>
      %lt3A_1720 = arith.cmpi slt, %get3A_1714, %lt3A_1719 : vector<16xi32>
      %and3A_1721 = arith.andi %ge3A_1717, %lt3A_1720 : vector<16xi1>
      %sub3A_1722 = arith.constant 512 : i32
      %sub3A_1723 = vector.broadcast %sub3A_1722 : i32 to vector<16xi32>
      %sub3A_1724 = arith.subi %get3A_1714, %sub3A_1723 : vector<16xi32>
      %add3A_1725 = arith.constant 64 : i32
      %add3A_1726 = vector.broadcast %add3A_1725 : i32 to vector<16xi32>
      %add3A_1727 = arith.addi %iota3A, %add3A_1726 : vector<16xi32>
      tpu.vector_store_idx %arg5[%sub3A_1724, %add3A_1727], %broadcast_in_dim3A_1 masked %and3A_1721 : memref<256x128xf32, #tpu.memory_space<vmem>>[vector<16xi32>, vector<16xi32>], vector<16xf32>, vector<16xi1>
      %get3A_1728 = arith.constant 16 : i32
      %get3A_1729 = arith.index_cast %get3A_1728 : i32 to index
      %get3A_1730 = arith.constant 80 : index
      %get3A_1731 = tpu.vector_load %arg4[%get3A_1729, %get3A_1730] {strides = array<i32>} : memref<24x128xi32, #tpu.memory_space<vmem>>, vector<16xi32>,
      %ge3A_1732 = arith.constant 512 : i32
      %ge3A_1733 = vector.broadcast %ge3A_1732 : i32 to vector<16xi32>
      %ge3A_1734 = arith.cmpi sge, %get3A_1731, %ge3A_1733 : vector<16xi32>
      %lt3A_1735 = arith.constant 768 : i32
      %lt3A_1736 = vector.broadcast %lt3A_1735 : i32 to vector<16xi32>
      %lt3A_1737 = arith.cmpi slt, %get3A_1731, %lt3A_1736 : vector<16xi32>
      %and3A_1738 = arith.andi %ge3A_1734, %lt3A_1737 : vector<16xi1>
      %sub3A_1739 = arith.constant 512 : i32
      %sub3A_1740 = vector.broadcast %sub3A_1739 : i32 to vector<16xi32>
      %sub3A_1741 = arith.subi %get3A_1731, %sub3A_1740 : vector<16xi32>
      %add3A_1742 = arith.constant 80 : i32
      %add3A_1743 = vector.broadcast %add3A_1742 : i32 to vector<16xi32>
      %add3A_1744 = arith.addi %iota3A, %add3A_1743 : vector<16xi32>
      tpu.vector_store_idx %arg5[%sub3A_1741, %add3A_1744], %broadcast_in_dim3A_1 masked %and3A_1738 : memref<256x128xf32, #tpu.memory_space<vmem>>[vector<16xi32>, vector<16xi32>], vector<16xf32>, vector<16xi1>
      %get3A_1745 = arith.constant 16 : i32
      %get3A_1746 = arith.index_cast %get3A_1745 : i32 to index
      %get3A_1747 = arith.constant 96 : index
      %get3A_1748 = tpu.vector_load %arg4[%get3A_1746, %get3A_1747] {strides = array<i32>} : memref<24x128xi32, #tpu.memory_space<vmem>>, vector<16xi32>,
      %ge3A_1749 = arith.constant 512 : i32
      %ge3A_1750 = vector.broadcast %ge3A_1749 : i32 to vector<16xi32>
      %ge3A_1751 = arith.cmpi sge, %get3A_1748, %ge3A_1750 : vector<16xi32>
      %lt3A_1752 = arith.constant 768 : i32
      %lt3A_1753 = vector.broadcast %lt3A_1752 : i32 to vector<16xi32>
      %lt3A_1754 = arith.cmpi slt, %get3A_1748, %lt3A_1753 : vector<16xi32>
      %and3A_1755 = arith.andi %ge3A_1751, %lt3A_1754 : vector<16xi1>
      %sub3A_1756 = arith.constant 512 : i32
      %sub3A_1757 = vector.broadcast %sub3A_1756 : i32 to vector<16xi32>
      %sub3A_1758 = arith.subi %get3A_1748, %sub3A_1757 : vector<16xi32>
      %add3A_1759 = arith.constant 96 : i32
      %add3A_1760 = vector.broadcast %add3A_1759 : i32 to vector<16xi32>
      %add3A_1761 = arith.addi %iota3A, %add3A_1760 : vector<16xi32>
      tpu.vector_store_idx %arg5[%sub3A_1758, %add3A_1761], %broadcast_in_dim3A_1 masked %and3A_1755 : memref<256x128xf32, #tpu.memory_space<vmem>>[vector<16xi32>, vector<16xi32>], vector<16xf32>, vector<16xi1>
      %get3A_1762 = arith.constant 16 : i32
      %get3A_1763 = arith.index_cast %get3A_1762 : i32 to index
      %get3A_1764 = arith.constant 112 : index
      %get3A_1765 = tpu.vector_load %arg4[%get3A_1763, %get3A_1764] {strides = array<i32>} : memref<24x128xi32, #tpu.memory_space<vmem>>, vector<16xi32>,
      %ge3A_1766 = arith.constant 512 : i32
      %ge3A_1767 = vector.broadcast %ge3A_1766 : i32 to vector<16xi32>
      %ge3A_1768 = arith.cmpi sge, %get3A_1765, %ge3A_1767 : vector<16xi32>
      %lt3A_1769 = arith.constant 768 : i32
      %lt3A_1770 = vector.broadcast %lt3A_1769 : i32 to vector<16xi32>
      %lt3A_1771 = arith.cmpi slt, %get3A_1765, %lt3A_1770 : vector<16xi32>
      %and3A_1772 = arith.andi %ge3A_1768, %lt3A_1771 : vector<16xi1>
      %sub3A_1773 = arith.constant 512 : i32
      %sub3A_1774 = vector.broadcast %sub3A_1773 : i32 to vector<16xi32>
      %sub3A_1775 = arith.subi %get3A_1765, %sub3A_1774 : vector<16xi32>
      %add3A_1776 = arith.constant 112 : i32
      %add3A_1777 = vector.broadcast %add3A_1776 : i32 to vector<16xi32>
      %add3A_1778 = arith.addi %iota3A, %add3A_1777 : vector<16xi32>
      tpu.vector_store_idx %arg5[%sub3A_1775, %add3A_1778], %broadcast_in_dim3A_1 masked %and3A_1772 : memref<256x128xf32, #tpu.memory_space<vmem>>[vector<16xi32>, vector<16xi32>], vector<16xf32>, vector<16xi1>
      %multiple_of3A_1779 = arith.constant 65536 : i32
      %multiple_of3A_1780 = tpu.assume_multiple %multiple_of3A_1779, 128 : i32
      %dma_start3A_1781 = arith.constant 512 : i32
      %dma_start3A_1782 = tpu.memref_slice %arg3[%dma_start3A_1781, %multiple_of3A_1780] : memref<1025x65664xf32, #tpu.memory_space<hbm>> -> memref<256x128xf32, #tpu.memory_space<hbm>>
      %dma_start3A_1783 = arith.constant 512 : i32
      %dma_start3A_1784 = tpu.memref_slice %arg3[%dma_start3A_1783, %multiple_of3A_1780] : memref<1025x65664xf32, #tpu.memory_space<hbm>> -> memref<256x128xf32, #tpu.memory_space<hbm>>
      tpu.enqueue_dma source(%arg5 : memref<256x128xf32, #tpu.memory_space<vmem>>) target(%dma_start3A_1784 : memref<256x128xf32, #tpu.memory_space<hbm>>) target_semaphore(%arg7 : memref<!tpu.dma_semaphore, #tpu.memory_space<semaphore_mem>>)
      %multiple_of3A_1785 = arith.constant 65536 : i32
      %multiple_of3A_1786 = tpu.assume_multiple %multiple_of3A_1785, 128 : i32
      %dma_wait3A_1787 = arith.constant 0 : i32
      %dma_wait3A_1788 = arith.constant 0 : i32
      %dma_wait3A_1789 = tpu.memref_slice %arg6[%dma_wait3A_1787, %dma_wait3A_1788] : memref<257x128xf32, #tpu.memory_space<vmem>> -> memref<256x128xf32, #tpu.memory_space<vmem>>
      %dma_wait3A_1790 = arith.constant 256 : i32
      %dma_wait3A_1791 = tpu.memref_slice %arg3[%dma_wait3A_1790, %multiple_of3A_1786] : memref<1025x65664xf32, #tpu.memory_space<hbm>> -> memref<256x128xf32, #tpu.memory_space<hbm>>
      %dma_wait3A_1792 = arith.constant 256 : i32
      %dma_wait3A_1793 = tpu.memref_slice %arg3[%dma_wait3A_1792, %multiple_of3A_1786] : memref<1025x65664xf32, #tpu.memory_space<hbm>> -> memref<256x128xf32, #tpu.memory_space<hbm>>
      %dma_wait3A_1794 = arith.constant 0 : i32
      %dma_wait3A_1795 = arith.constant 0 : i32
      %dma_wait3A_1796 = tpu.memref_slice %arg6[%dma_wait3A_1794, %dma_wait3A_1795] : memref<257x128xf32, #tpu.memory_space<vmem>> -> memref<256x128xf32, #tpu.memory_space<vmem>>
      tpu.wait_dma2 semaphore(%arg8 : memref<!tpu.dma_semaphore, #tpu.memory_space<semaphore_mem>>) src(%dma_wait3A_1796 : memref<256x128xf32, #tpu.memory_space<vmem>>) dst(%dma_wait3A_1793 : memref<256x128xf32, #tpu.memory_space<hbm>>)
      %get3A_1797 = arith.constant 16 : i32
      %get3A_1798 = arith.index_cast %get3A_1797 : i32 to index
      %get3A_1799 = arith.constant 0 : index
      %get3A_1800 = tpu.vector_load %arg4[%get3A_1798, %get3A_1799] {strides = array<i32>} : memref<24x128xi32, #tpu.memory_space<vmem>>, vector<16xi32>,
      %ge3A_1801 = arith.constant 256 : i32
      %ge3A_1802 = vector.broadcast %ge3A_1801 : i32 to vector<16xi32>
      %ge3A_1803 = arith.cmpi sge, %get3A_1800, %ge3A_1802 : vector<16xi32>
      %lt3A_1804 = arith.constant 512 : i32
      %lt3A_1805 = vector.broadcast %lt3A_1804 : i32 to vector<16xi32>
      %lt3A_1806 = arith.cmpi slt, %get3A_1800, %lt3A_1805 : vector<16xi32>
      %and3A_1807 = arith.andi %ge3A_1803, %lt3A_1806 : vector<16xi1>
      %sub3A_1808 = arith.constant 256 : i32
      %sub3A_1809 = vector.broadcast %sub3A_1808 : i32 to vector<16xi32>
      %sub3A_1810 = arith.subi %get3A_1800, %sub3A_1809 : vector<16xi32>
      %add3A_1811 = arith.constant 0 : i32
      %add3A_1812 = vector.broadcast %add3A_1811 : i32 to vector<16xi32>
      %add3A_1813 = arith.addi %iota3A, %add3A_1812 : vector<16xi32>
      tpu.vector_store_idx %arg6[%sub3A_1810, %add3A_1813], %broadcast_in_dim3A_3 masked %and3A_1807 : memref<257x128xf32, #tpu.memory_space<vmem>>[vector<16xi32>, vector<16xi32>], vector<16xf32>, vector<16xi1>
      %get3A_1814 = arith.constant 16 : i32
      %get3A_1815 = arith.index_cast %get3A_1814 : i32 to index
      %get3A_1816 = arith.constant 16 : index
      %get3A_1817 = tpu.vector_load %arg4[%get3A_1815, %get3A_1816] {strides = array<i32>} : memref<24x128xi32, #tpu.memory_space<vmem>>, vector<16xi32>,
      %ge3A_1818 = arith.constant 256 : i32
      %ge3A_1819 = vector.broadcast %ge3A_1818 : i32 to vector<16xi32>
      %ge3A_1820 = arith.cmpi sge, %get3A_1817, %ge3A_1819 : vector<16xi32>
      %lt3A_1821 = arith.constant 512 : i32
      %lt3A_1822 = vector.broadcast %lt3A_1821 : i32 to vector<16xi32>
      %lt3A_1823 = arith.cmpi slt, %get3A_1817, %lt3A_1822 : vector<16xi32>
      %and3A_1824 = arith.andi %ge3A_1820, %lt3A_1823 : vector<16xi1>
      %sub3A_1825 = arith.constant 256 : i32
      %sub3A_1826 = vector.broadcast %sub3A_1825 : i32 to vector<16xi32>
      %sub3A_1827 = arith.subi %get3A_1817, %sub3A_1826 : vector<16xi32>
      %add3A_1828 = arith.constant 16 : i32
      %add3A_1829 = vector.broadcast %add3A_1828 : i32 to vector<16xi32>
      %add3A_1830 = arith.addi %iota3A, %add3A_1829 : vector<16xi32>
      tpu.vector_store_idx %arg6[%sub3A_1827, %add3A_1830], %broadcast_in_dim3A_3 masked %and3A_1824 : memref<257x128xf32, #tpu.memory_space<vmem>>[vector<16xi32>, vector<16xi32>], vector<16xf32>, vector<16xi1>
      %get3A_1831 = arith.constant 16 : i32
      %get3A_1832 = arith.index_cast %get3A_1831 : i32 to index
      %get3A_1833 = arith.constant 32 : index
      %get3A_1834 = tpu.vector_load %arg4[%get3A_1832, %get3A_1833] {strides = array<i32>} : memref<24x128xi32, #tpu.memory_space<vmem>>, vector<16xi32>,
      %ge3A_1835 = arith.constant 256 : i32
      %ge3A_1836 = vector.broadcast %ge3A_1835 : i32 to vector<16xi32>
      %ge3A_1837 = arith.cmpi sge, %get3A_1834, %ge3A_1836 : vector<16xi32>
      %lt3A_1838 = arith.constant 512 : i32
      %lt3A_1839 = vector.broadcast %lt3A_1838 : i32 to vector<16xi32>
      %lt3A_1840 = arith.cmpi slt, %get3A_1834, %lt3A_1839 : vector<16xi32>
      %and3A_1841 = arith.andi %ge3A_1837, %lt3A_1840 : vector<16xi1>
      %sub3A_1842 = arith.constant 256 : i32
      %sub3A_1843 = vector.broadcast %sub3A_1842 : i32 to vector<16xi32>
      %sub3A_1844 = arith.subi %get3A_1834, %sub3A_1843 : vector<16xi32>
      %add3A_1845 = arith.constant 32 : i32
      %add3A_1846 = vector.broadcast %add3A_1845 : i32 to vector<16xi32>
      %add3A_1847 = arith.addi %iota3A, %add3A_1846 : vector<16xi32>
      tpu.vector_store_idx %arg6[%sub3A_1844, %add3A_1847], %broadcast_in_dim3A_3 masked %and3A_1841 : memref<257x128xf32, #tpu.memory_space<vmem>>[vector<16xi32>, vector<16xi32>], vector<16xf32>, vector<16xi1>
      %get3A_1848 = arith.constant 16 : i32
      %get3A_1849 = arith.index_cast %get3A_1848 : i32 to index
      %get3A_1850 = arith.constant 48 : index
      %get3A_1851 = tpu.vector_load %arg4[%get3A_1849, %get3A_1850] {strides = array<i32>} : memref<24x128xi32, #tpu.memory_space<vmem>>, vector<16xi32>,
      %ge3A_1852 = arith.constant 256 : i32
      %ge3A_1853 = vector.broadcast %ge3A_1852 : i32 to vector<16xi32>
      %ge3A_1854 = arith.cmpi sge, %get3A_1851, %ge3A_1853 : vector<16xi32>
      %lt3A_1855 = arith.constant 512 : i32
      %lt3A_1856 = vector.broadcast %lt3A_1855 : i32 to vector<16xi32>
      %lt3A_1857 = arith.cmpi slt, %get3A_1851, %lt3A_1856 : vector<16xi32>
      %and3A_1858 = arith.andi %ge3A_1854, %lt3A_1857 : vector<16xi1>
      %sub3A_1859 = arith.constant 256 : i32
      %sub3A_1860 = vector.broadcast %sub3A_1859 : i32 to vector<16xi32>
      %sub3A_1861 = arith.subi %get3A_1851, %sub3A_1860 : vector<16xi32>
      %add3A_1862 = arith.constant 48 : i32
      %add3A_1863 = vector.broadcast %add3A_1862 : i32 to vector<16xi32>
      %add3A_1864 = arith.addi %iota3A, %add3A_1863 : vector<16xi32>
      tpu.vector_store_idx %arg6[%sub3A_1861, %add3A_1864], %broadcast_in_dim3A_3 masked %and3A_1858 : memref<257x128xf32, #tpu.memory_space<vmem>>[vector<16xi32>, vector<16xi32>], vector<16xf32>, vector<16xi1>
      %get3A_1865 = arith.constant 16 : i32
      %get3A_1866 = arith.index_cast %get3A_1865 : i32 to index
      %get3A_1867 = arith.constant 64 : index
      %get3A_1868 = tpu.vector_load %arg4[%get3A_1866, %get3A_1867] {strides = array<i32>} : memref<24x128xi32, #tpu.memory_space<vmem>>, vector<16xi32>,
      %ge3A_1869 = arith.constant 256 : i32
      %ge3A_1870 = vector.broadcast %ge3A_1869 : i32 to vector<16xi32>
      %ge3A_1871 = arith.cmpi sge, %get3A_1868, %ge3A_1870 : vector<16xi32>
      %lt3A_1872 = arith.constant 512 : i32
      %lt3A_1873 = vector.broadcast %lt3A_1872 : i32 to vector<16xi32>
      %lt3A_1874 = arith.cmpi slt, %get3A_1868, %lt3A_1873 : vector<16xi32>
      %and3A_1875 = arith.andi %ge3A_1871, %lt3A_1874 : vector<16xi1>
      %sub3A_1876 = arith.constant 256 : i32
      %sub3A_1877 = vector.broadcast %sub3A_1876 : i32 to vector<16xi32>
      %sub3A_1878 = arith.subi %get3A_1868, %sub3A_1877 : vector<16xi32>
      %add3A_1879 = arith.constant 64 : i32
      %add3A_1880 = vector.broadcast %add3A_1879 : i32 to vector<16xi32>
      %add3A_1881 = arith.addi %iota3A, %add3A_1880 : vector<16xi32>
      tpu.vector_store_idx %arg6[%sub3A_1878, %add3A_1881], %broadcast_in_dim3A_3 masked %and3A_1875 : memref<257x128xf32, #tpu.memory_space<vmem>>[vector<16xi32>, vector<16xi32>], vector<16xf32>, vector<16xi1>
      %get3A_1882 = arith.constant 16 : i32
      %get3A_1883 = arith.index_cast %get3A_1882 : i32 to index
      %get3A_1884 = arith.constant 80 : index
      %get3A_1885 = tpu.vector_load %arg4[%get3A_1883, %get3A_1884] {strides = array<i32>} : memref<24x128xi32, #tpu.memory_space<vmem>>, vector<16xi32>,
      %ge3A_1886 = arith.constant 256 : i32
      %ge3A_1887 = vector.broadcast %ge3A_1886 : i32 to vector<16xi32>
      %ge3A_1888 = arith.cmpi sge, %get3A_1885, %ge3A_1887 : vector<16xi32>
      %lt3A_1889 = arith.constant 512 : i32
      %lt3A_1890 = vector.broadcast %lt3A_1889 : i32 to vector<16xi32>
      %lt3A_1891 = arith.cmpi slt, %get3A_1885, %lt3A_1890 : vector<16xi32>
      %and3A_1892 = arith.andi %ge3A_1888, %lt3A_1891 : vector<16xi1>
      %sub3A_1893 = arith.constant 256 : i32
      %sub3A_1894 = vector.broadcast %sub3A_1893 : i32 to vector<16xi32>
      %sub3A_1895 = arith.subi %get3A_1885, %sub3A_1894 : vector<16xi32>
      %add3A_1896 = arith.constant 80 : i32
      %add3A_1897 = vector.broadcast %add3A_1896 : i32 to vector<16xi32>
      %add3A_1898 = arith.addi %iota3A, %add3A_1897 : vector<16xi32>
      tpu.vector_store_idx %arg6[%sub3A_1895, %add3A_1898], %broadcast_in_dim3A_3 masked %and3A_1892 : memref<257x128xf32, #tpu.memory_space<vmem>>[vector<16xi32>, vector<16xi32>], vector<16xf32>, vector<16xi1>
      %get3A_1899 = arith.constant 16 : i32
      %get3A_1900 = arith.index_cast %get3A_1899 : i32 to index
      %get3A_1901 = arith.constant 96 : index
      %get3A_1902 = tpu.vector_load %arg4[%get3A_1900, %get3A_1901] {strides = array<i32>} : memref<24x128xi32, #tpu.memory_space<vmem>>, vector<16xi32>,
      %ge3A_1903 = arith.constant 256 : i32
      %ge3A_1904 = vector.broadcast %ge3A_1903 : i32 to vector<16xi32>
      %ge3A_1905 = arith.cmpi sge, %get3A_1902, %ge3A_1904 : vector<16xi32>
      %lt3A_1906 = arith.constant 512 : i32
      %lt3A_1907 = vector.broadcast %lt3A_1906 : i32 to vector<16xi32>
      %lt3A_1908 = arith.cmpi slt, %get3A_1902, %lt3A_1907 : vector<16xi32>
      %and3A_1909 = arith.andi %ge3A_1905, %lt3A_1908 : vector<16xi1>
      %sub3A_1910 = arith.constant 256 : i32
      %sub3A_1911 = vector.broadcast %sub3A_1910 : i32 to vector<16xi32>
      %sub3A_1912 = arith.subi %get3A_1902, %sub3A_1911 : vector<16xi32>
      %add3A_1913 = arith.constant 96 : i32
      %add3A_1914 = vector.broadcast %add3A_1913 : i32 to vector<16xi32>
      %add3A_1915 = arith.addi %iota3A, %add3A_1914 : vector<16xi32>
      tpu.vector_store_idx %arg6[%sub3A_1912, %add3A_1915], %broadcast_in_dim3A_3 masked %and3A_1909 : memref<257x128xf32, #tpu.memory_space<vmem>>[vector<16xi32>, vector<16xi32>], vector<16xf32>, vector<16xi1>
      %get3A_1916 = arith.constant 16 : i32
      %get3A_1917 = arith.index_cast %get3A_1916 : i32 to index
      %get3A_1918 = arith.constant 112 : index
      %get3A_1919 = tpu.vector_load %arg4[%get3A_1917, %get3A_1918] {strides = array<i32>} : memref<24x128xi32, #tpu.memory_space<vmem>>, vector<16xi32>,
      %ge3A_1920 = arith.constant 256 : i32
      %ge3A_1921 = vector.broadcast %ge3A_1920 : i32 to vector<16xi32>
      %ge3A_1922 = arith.cmpi sge, %get3A_1919, %ge3A_1921 : vector<16xi32>
      %lt3A_1923 = arith.constant 512 : i32
      %lt3A_1924 = vector.broadcast %lt3A_1923 : i32 to vector<16xi32>
      %lt3A_1925 = arith.cmpi slt, %get3A_1919, %lt3A_1924 : vector<16xi32>
      %and3A_1926 = arith.andi %ge3A_1922, %lt3A_1925 : vector<16xi1>
      %sub3A_1927 = arith.constant 256 : i32
      %sub3A_1928 = vector.broadcast %sub3A_1927 : i32 to vector<16xi32>
      %sub3A_1929 = arith.subi %get3A_1919, %sub3A_1928 : vector<16xi32>
      %add3A_1930 = arith.constant 112 : i32
      %add3A_1931 = vector.broadcast %add3A_1930 : i32 to vector<16xi32>
      %add3A_1932 = arith.addi %iota3A, %add3A_1931 : vector<16xi32>
      tpu.vector_store_idx %arg6[%sub3A_1929, %add3A_1932], %broadcast_in_dim3A_3 masked %and3A_1926 : memref<257x128xf32, #tpu.memory_space<vmem>>[vector<16xi32>, vector<16xi32>], vector<16xf32>, vector<16xi1>
      %get3A_1933 = arith.constant 16 : i32
      %get3A_1934 = arith.index_cast %get3A_1933 : i32 to index
      %get3A_1935 = arith.constant 0 : index
      %get3A_1936 = tpu.vector_load %arg4[%get3A_1934, %get3A_1935] {strides = array<i32>} : memref<24x128xi32, #tpu.memory_space<vmem>>, vector<16xi32>,
      %ge3A_1937 = arith.constant 768 : i32
      %ge3A_1938 = vector.broadcast %ge3A_1937 : i32 to vector<16xi32>
      %ge3A_1939 = arith.cmpi sge, %get3A_1936, %ge3A_1938 : vector<16xi32>
      %lt3A_1940 = arith.constant 1025 : i32
      %lt3A_1941 = vector.broadcast %lt3A_1940 : i32 to vector<16xi32>
      %lt3A_1942 = arith.cmpi slt, %get3A_1936, %lt3A_1941 : vector<16xi32>
      %and3A_1943 = arith.andi %ge3A_1939, %lt3A_1942 : vector<16xi1>
      %sub3A_1944 = arith.constant 768 : i32
      %sub3A_1945 = vector.broadcast %sub3A_1944 : i32 to vector<16xi32>
      %sub3A_1946 = arith.subi %get3A_1936, %sub3A_1945 : vector<16xi32>
      %add3A_1947 = arith.constant 0 : i32
      %add3A_1948 = vector.broadcast %add3A_1947 : i32 to vector<16xi32>
      %add3A_1949 = arith.addi %iota3A, %add3A_1948 : vector<16xi32>
      tpu.vector_store_idx %arg6[%sub3A_1946, %add3A_1949], %broadcast_in_dim3A_1 masked %and3A_1943 : memref<257x128xf32, #tpu.memory_space<vmem>>[vector<16xi32>, vector<16xi32>], vector<16xf32>, vector<16xi1>
      %get3A_1950 = arith.constant 16 : i32
      %get3A_1951 = arith.index_cast %get3A_1950 : i32 to index
      %get3A_1952 = arith.constant 16 : index
      %get3A_1953 = tpu.vector_load %arg4[%get3A_1951, %get3A_1952] {strides = array<i32>} : memref<24x128xi32, #tpu.memory_space<vmem>>, vector<16xi32>,
      %ge3A_1954 = arith.constant 768 : i32
      %ge3A_1955 = vector.broadcast %ge3A_1954 : i32 to vector<16xi32>
      %ge3A_1956 = arith.cmpi sge, %get3A_1953, %ge3A_1955 : vector<16xi32>
      %lt3A_1957 = arith.constant 1025 : i32
      %lt3A_1958 = vector.broadcast %lt3A_1957 : i32 to vector<16xi32>
      %lt3A_1959 = arith.cmpi slt, %get3A_1953, %lt3A_1958 : vector<16xi32>
      %and3A_1960 = arith.andi %ge3A_1956, %lt3A_1959 : vector<16xi1>
      %sub3A_1961 = arith.constant 768 : i32
      %sub3A_1962 = vector.broadcast %sub3A_1961 : i32 to vector<16xi32>
      %sub3A_1963 = arith.subi %get3A_1953, %sub3A_1962 : vector<16xi32>
      %add3A_1964 = arith.constant 16 : i32
      %add3A_1965 = vector.broadcast %add3A_1964 : i32 to vector<16xi32>
      %add3A_1966 = arith.addi %iota3A, %add3A_1965 : vector<16xi32>
      tpu.vector_store_idx %arg6[%sub3A_1963, %add3A_1966], %broadcast_in_dim3A_1 masked %and3A_1960 : memref<257x128xf32, #tpu.memory_space<vmem>>[vector<16xi32>, vector<16xi32>], vector<16xf32>, vector<16xi1>
      %get3A_1967 = arith.constant 16 : i32
      %get3A_1968 = arith.index_cast %get3A_1967 : i32 to index
      %get3A_1969 = arith.constant 32 : index
      %get3A_1970 = tpu.vector_load %arg4[%get3A_1968, %get3A_1969] {strides = array<i32>} : memref<24x128xi32, #tpu.memory_space<vmem>>, vector<16xi32>,
      %ge3A_1971 = arith.constant 768 : i32
      %ge3A_1972 = vector.broadcast %ge3A_1971 : i32 to vector<16xi32>
      %ge3A_1973 = arith.cmpi sge, %get3A_1970, %ge3A_1972 : vector<16xi32>
      %lt3A_1974 = arith.constant 1025 : i32
      %lt3A_1975 = vector.broadcast %lt3A_1974 : i32 to vector<16xi32>
      %lt3A_1976 = arith.cmpi slt, %get3A_1970, %lt3A_1975 : vector<16xi32>
      %and3A_1977 = arith.andi %ge3A_1973, %lt3A_1976 : vector<16xi1>
      %sub3A_1978 = arith.constant 768 : i32
      %sub3A_1979 = vector.broadcast %sub3A_1978 : i32 to vector<16xi32>
      %sub3A_1980 = arith.subi %get3A_1970, %sub3A_1979 : vector<16xi32>
      %add3A_1981 = arith.constant 32 : i32
      %add3A_1982 = vector.broadcast %add3A_1981 : i32 to vector<16xi32>
      %add3A_1983 = arith.addi %iota3A, %add3A_1982 : vector<16xi32>
      tpu.vector_store_idx %arg6[%sub3A_1980, %add3A_1983], %broadcast_in_dim3A_1 masked %and3A_1977 : memref<257x128xf32, #tpu.memory_space<vmem>>[vector<16xi32>, vector<16xi32>], vector<16xf32>, vector<16xi1>
      %get3A_1984 = arith.constant 16 : i32
      %get3A_1985 = arith.index_cast %get3A_1984 : i32 to index
      %get3A_1986 = arith.constant 48 : index
      %get3A_1987 = tpu.vector_load %arg4[%get3A_1985, %get3A_1986] {strides = array<i32>} : memref<24x128xi32, #tpu.memory_space<vmem>>, vector<16xi32>,
      %ge3A_1988 = arith.constant 768 : i32
      %ge3A_1989 = vector.broadcast %ge3A_1988 : i32 to vector<16xi32>
      %ge3A_1990 = arith.cmpi sge, %get3A_1987, %ge3A_1989 : vector<16xi32>
      %lt3A_1991 = arith.constant 1025 : i32
      %lt3A_1992 = vector.broadcast %lt3A_1991 : i32 to vector<16xi32>
      %lt3A_1993 = arith.cmpi slt, %get3A_1987, %lt3A_1992 : vector<16xi32>
      %and3A_1994 = arith.andi %ge3A_1990, %lt3A_1993 : vector<16xi1>
      %sub3A_1995 = arith.constant 768 : i32
      %sub3A_1996 = vector.broadcast %sub3A_1995 : i32 to vector<16xi32>
      %sub3A_1997 = arith.subi %get3A_1987, %sub3A_1996 : vector<16xi32>
      %add3A_1998 = arith.constant 48 : i32
      %add3A_1999 = vector.broadcast %add3A_1998 : i32 to vector<16xi32>
      %add3A_2000 = arith.addi %iota3A, %add3A_1999 : vector<16xi32>
      tpu.vector_store_idx %arg6[%sub3A_1997, %add3A_2000], %broadcast_in_dim3A_1 masked %and3A_1994 : memref<257x128xf32, #tpu.memory_space<vmem>>[vector<16xi32>, vector<16xi32>], vector<16xf32>, vector<16xi1>
      %get3A_2001 = arith.constant 16 : i32
      %get3A_2002 = arith.index_cast %get3A_2001 : i32 to index
      %get3A_2003 = arith.constant 64 : index
      %get3A_2004 = tpu.vector_load %arg4[%get3A_2002, %get3A_2003] {strides = array<i32>} : memref<24x128xi32, #tpu.memory_space<vmem>>, vector<16xi32>,
      %ge3A_2005 = arith.constant 768 : i32
      %ge3A_2006 = vector.broadcast %ge3A_2005 : i32 to vector<16xi32>
      %ge3A_2007 = arith.cmpi sge, %get3A_2004, %ge3A_2006 : vector<16xi32>
      %lt3A_2008 = arith.constant 1025 : i32
      %lt3A_2009 = vector.broadcast %lt3A_2008 : i32 to vector<16xi32>
      %lt3A_2010 = arith.cmpi slt, %get3A_2004, %lt3A_2009 : vector<16xi32>
      %and3A_2011 = arith.andi %ge3A_2007, %lt3A_2010 : vector<16xi1>
      %sub3A_2012 = arith.constant 768 : i32
      %sub3A_2013 = vector.broadcast %sub3A_2012 : i32 to vector<16xi32>
      %sub3A_2014 = arith.subi %get3A_2004, %sub3A_2013 : vector<16xi32>
      %add3A_2015 = arith.constant 64 : i32
      %add3A_2016 = vector.broadcast %add3A_2015 : i32 to vector<16xi32>
      %add3A_2017 = arith.addi %iota3A, %add3A_2016 : vector<16xi32>
      tpu.vector_store_idx %arg6[%sub3A_2014, %add3A_2017], %broadcast_in_dim3A_1 masked %and3A_2011 : memref<257x128xf32, #tpu.memory_space<vmem>>[vector<16xi32>, vector<16xi32>], vector<16xf32>, vector<16xi1>
      %get3A_2018 = arith.constant 16 : i32
      %get3A_2019 = arith.index_cast %get3A_2018 : i32 to index
      %get3A_2020 = arith.constant 80 : index
      %get3A_2021 = tpu.vector_load %arg4[%get3A_2019, %get3A_2020] {strides = array<i32>} : memref<24x128xi32, #tpu.memory_space<vmem>>, vector<16xi32>,
      %ge3A_2022 = arith.constant 768 : i32
      %ge3A_2023 = vector.broadcast %ge3A_2022 : i32 to vector<16xi32>
      %ge3A_2024 = arith.cmpi sge, %get3A_2021, %ge3A_2023 : vector<16xi32>
      %lt3A_2025 = arith.constant 1025 : i32
      %lt3A_2026 = vector.broadcast %lt3A_2025 : i32 to vector<16xi32>
      %lt3A_2027 = arith.cmpi slt, %get3A_2021, %lt3A_2026 : vector<16xi32>
      %and3A_2028 = arith.andi %ge3A_2024, %lt3A_2027 : vector<16xi1>
      %sub3A_2029 = arith.constant 768 : i32
      %sub3A_2030 = vector.broadcast %sub3A_2029 : i32 to vector<16xi32>
      %sub3A_2031 = arith.subi %get3A_2021, %sub3A_2030 : vector<16xi32>
      %add3A_2032 = arith.constant 80 : i32
      %add3A_2033 = vector.broadcast %add3A_2032 : i32 to vector<16xi32>
      %add3A_2034 = arith.addi %iota3A, %add3A_2033 : vector<16xi32>
      tpu.vector_store_idx %arg6[%sub3A_2031, %add3A_2034], %broadcast_in_dim3A_1 masked %and3A_2028 : memref<257x128xf32, #tpu.memory_space<vmem>>[vector<16xi32>, vector<16xi32>], vector<16xf32>, vector<16xi1>
      %get3A_2035 = arith.constant 16 : i32
      %get3A_2036 = arith.index_cast %get3A_2035 : i32 to index
      %get3A_2037 = arith.constant 96 : index
      %get3A_2038 = tpu.vector_load %arg4[%get3A_2036, %get3A_2037] {strides = array<i32>} : memref<24x128xi32, #tpu.memory_space<vmem>>, vector<16xi32>,
      %ge3A_2039 = arith.constant 768 : i32
      %ge3A_2040 = vector.broadcast %ge3A_2039 : i32 to vector<16xi32>
      %ge3A_2041 = arith.cmpi sge, %get3A_2038, %ge3A_2040 : vector<16xi32>
      %lt3A_2042 = arith.constant 1025 : i32
      %lt3A_2043 = vector.broadcast %lt3A_2042 : i32 to vector<16xi32>
      %lt3A_2044 = arith.cmpi slt, %get3A_2038, %lt3A_2043 : vector<16xi32>
      %and3A_2045 = arith.andi %ge3A_2041, %lt3A_2044 : vector<16xi1>
      %sub3A_2046 = arith.constant 768 : i32
      %sub3A_2047 = vector.broadcast %sub3A_2046 : i32 to vector<16xi32>
      %sub3A_2048 = arith.subi %get3A_2038, %sub3A_2047 : vector<16xi32>
      %add3A_2049 = arith.constant 96 : i32
      %add3A_2050 = vector.broadcast %add3A_2049 : i32 to vector<16xi32>
      %add3A_2051 = arith.addi %iota3A, %add3A_2050 : vector<16xi32>
      tpu.vector_store_idx %arg6[%sub3A_2048, %add3A_2051], %broadcast_in_dim3A_1 masked %and3A_2045 : memref<257x128xf32, #tpu.memory_space<vmem>>[vector<16xi32>, vector<16xi32>], vector<16xf32>, vector<16xi1>
      %get3A_2052 = arith.constant 16 : i32
      %get3A_2053 = arith.index_cast %get3A_2052 : i32 to index
      %get3A_2054 = arith.constant 112 : index
      %get3A_2055 = tpu.vector_load %arg4[%get3A_2053, %get3A_2054] {strides = array<i32>} : memref<24x128xi32, #tpu.memory_space<vmem>>, vector<16xi32>,
      %ge3A_2056 = arith.constant 768 : i32
      %ge3A_2057 = vector.broadcast %ge3A_2056 : i32 to vector<16xi32>
      %ge3A_2058 = arith.cmpi sge, %get3A_2055, %ge3A_2057 : vector<16xi32>
      %lt3A_2059 = arith.constant 1025 : i32
      %lt3A_2060 = vector.broadcast %lt3A_2059 : i32 to vector<16xi32>
      %lt3A_2061 = arith.cmpi slt, %get3A_2055, %lt3A_2060 : vector<16xi32>
      %and3A_2062 = arith.andi %ge3A_2058, %lt3A_2061 : vector<16xi1>
      %sub3A_2063 = arith.constant 768 : i32
      %sub3A_2064 = vector.broadcast %sub3A_2063 : i32 to vector<16xi32>
      %sub3A_2065 = arith.subi %get3A_2055, %sub3A_2064 : vector<16xi32>
      %add3A_2066 = arith.constant 112 : i32
      %add3A_2067 = vector.broadcast %add3A_2066 : i32 to vector<16xi32>
      %add3A_2068 = arith.addi %iota3A, %add3A_2067 : vector<16xi32>
      tpu.vector_store_idx %arg6[%sub3A_2065, %add3A_2068], %broadcast_in_dim3A_1 masked %and3A_2062 : memref<257x128xf32, #tpu.memory_space<vmem>>[vector<16xi32>, vector<16xi32>], vector<16xf32>, vector<16xi1>
      %multiple_of3A_2069 = arith.constant 65536 : i32
      %multiple_of3A_2070 = tpu.assume_multiple %multiple_of3A_2069, 128 : i32
      %dma_start3A_2071 = arith.constant 768 : i32
      %dma_start3A_2072 = tpu.memref_slice %arg3[%dma_start3A_2071, %multiple_of3A_2070] : memref<1025x65664xf32, #tpu.memory_space<hbm>> -> memref<257x128xf32, #tpu.memory_space<hbm>>
      %dma_start3A_2073 = arith.constant 768 : i32
      %dma_start3A_2074 = tpu.memref_slice %arg3[%dma_start3A_2073, %multiple_of3A_2070] : memref<1025x65664xf32, #tpu.memory_space<hbm>> -> memref<257x128xf32, #tpu.memory_space<hbm>>
      tpu.enqueue_dma source(%arg6 : memref<257x128xf32, #tpu.memory_space<vmem>>) target(%dma_start3A_2074 : memref<257x128xf32, #tpu.memory_space<hbm>>) target_semaphore(%arg8 : memref<!tpu.dma_semaphore, #tpu.memory_space<semaphore_mem>>)
    } else {
    }
    %eq3A_897 = arith.constant 0 : i32
    %eq3A_898 = arith.cmpi eq, %add3A, %eq3A_897 : i32
    %add3A_899 = arith.constant 16 : i32
    %add3A_900 = arith.addi %mul3A_22, %add3A_899 : i32
    %sub3A_901 = arith.constant 1 : i32
    %sub3A_902 = arith.subi %add3A_900, %sub3A_901 : i32
    %jit3A = arith.constant 512 : i32
    %select_n3A = arith.select %eq3A_898, %jit3A, %sub3A_902 : i32
    %mul3A_903 = arith.constant 128 : i32
    %mul3A_904 = arith.muli %select_n3A, %mul3A_903 : i32
    %multiple_of3A_905 = tpu.assume_multiple %mul3A_904, 128 : i32
    %dma_wait3A_906 = arith.constant 512 : i32
    %dma_wait3A_907 = tpu.memref_slice %arg3[%dma_wait3A_906, %multiple_of3A_905] : memref<1025x65664xf32, #tpu.memory_space<hbm>> -> memref<256x128xf32, #tpu.memory_space<hbm>>
    %dma_wait3A_908 = arith.constant 512 : i32
    %dma_wait3A_909 = tpu.memref_slice %arg3[%dma_wait3A_908, %multiple_of3A_905] : memref<1025x65664xf32, #tpu.memory_space<hbm>> -> memref<256x128xf32, #tpu.memory_space<hbm>>
    tpu.wait_dma2 semaphore(%arg7 : memref<!tpu.dma_semaphore, #tpu.memory_space<semaphore_mem>>) src(%arg5 : memref<256x128xf32, #tpu.memory_space<vmem>>) dst(%dma_wait3A_909 : memref<256x128xf32, #tpu.memory_space<hbm>>)
    %mul3A_910 = arith.constant 128 : i32
    %mul3A_911 = arith.muli %select_n3A, %mul3A_910 : i32
    %multiple_of3A_912 = tpu.assume_multiple %mul3A_911, 128 : i32
    %dma_wait3A_913 = arith.constant 768 : i32
    %dma_wait3A_914 = tpu.memref_slice %arg3[%dma_wait3A_913, %multiple_of3A_912] : memref<1025x65664xf32, #tpu.memory_space<hbm>> -> memref<257x128xf32, #tpu.memory_space<hbm>>
    %dma_wait3A_915 = arith.constant 768 : i32
    %dma_wait3A_916 = tpu.memref_slice %arg3[%dma_wait3A_915, %multiple_of3A_912] : memref<1025x65664xf32, #tpu.memory_space<hbm>> -> memref<257x128xf32, #tpu.memory_space<hbm>>
    tpu.wait_dma2 semaphore(%arg8 : memref<!tpu.dma_semaphore, #tpu.memory_space<semaphore_mem>>) src(%arg6 : memref<257x128xf32, #tpu.memory_space<vmem>>) dst(%dma_wait3A_916 : memref<257x128xf32, #tpu.memory_space<hbm>>)
    return
  }
}

module attributes {stable_mosaic.version = 14 : i64} {
  func.func @body(%arg0: i32, %arg1: memref<1025x1024xf32, #tpu.memory_space<vmem>>, %arg2: memref<1025x1024xf32, #tpu.memory_space<vmem>>, %arg3: memref<1x1x1024xi32, #tpu.memory_space<vmem>>) attributes {dimension_semantics = [#tpu.dimension_semantics<arbitrary>], iteration_bounds = array<i64: 65>, scalar_prefetch = 0 : i64, scratch_operands = 0 : i64, tpu.core_type = #tpu.core_type<tc>, window_params = [{transform_indices = @transform_0, window_bounds = array<i64: 1025, 1024>}, {transform_indices = @transform_1, window_bounds = array<i64: 1025, 1024>}, {transform_indices = @transform_2, window_bounds = array<i64: 1, 1, 1024>}]} {
    %get3A = arith.constant 0 : index
    %get3A_0 = arith.constant 0 : index
    %get3A_1 = vector.load %arg1[%get3A, %get3A_0] : memref<1025x1024xf32, #tpu.memory_space<vmem>>, vector<1025x1024xf32>
    %get3A_2 = arith.constant 0 : index
    %get3A_3 = arith.constant 0 : index
    %get3A_4 = vector.load %arg2[%get3A_2, %get3A_3] : memref<1025x1024xf32, #tpu.memory_space<vmem>>, vector<1025x1024xf32>
    %add3A = arith.addf %get3A_1, %get3A_4 : vector<1025x1024xf32>
    %reduce_max3A = arith.constant dense<0xFF800000> : vector<1024xf32>
    %reduce_max3A_5 = vector.multi_reduction <maximumf>, %add3A, %reduce_max3A [0] : vector<1025x1024xf32> to vector<1024xf32>
    %broadcast_in_dim3A = vector.shape_cast %reduce_max3A_5 : vector<1024xf32> to vector<1x1024xf32>
    %iota3A = tpu.iota {dimensions = array<i32: 0>} : vector<1025x1024xi32>
    %eq3A = vector.broadcast %broadcast_in_dim3A : vector<1x1024xf32> to vector<1025x1024xf32>
    %eq3A_6 = arith.cmpf oeq, %add3A, %eq3A : vector<1025x1024xf32>
    %jit3A = arith.constant 1025 : i32
    %broadcast_in_dim3A_7 = vector.broadcast %jit3A : i32 to vector<1025x1024xi32>
    %select_n3A = arith.select %eq3A_6, %iota3A, %broadcast_in_dim3A_7 : vector<1025x1024xi1>, vector<1025x1024xi32>
    %reduce_min3A = arith.constant dense<2147483647> : vector<1024xi32>
    %reduce_min3A_8 = vector.multi_reduction <minsi>, %select_n3A, %reduce_min3A [0] : vector<1025x1024xi32> to vector<1024xi32>
    %broadcast_in_dim3A_9 = vector.shape_cast %reduce_min3A_8 : vector<1024xi32> to vector<1x1x1024xi32>
    %swap3A = arith.constant 0 : index
    %swap3A_10 = arith.constant 0 : index
    %swap3A_11 = arith.constant 0 : index
    %swap3A_12 = vector.load %arg3[%swap3A, %swap3A_10, %swap3A_11] : memref<1x1x1024xi32, #tpu.memory_space<vmem>>, vector<1x1x1024xi32>
    tpu.vector_store %arg3[%swap3A, %swap3A_10, %swap3A_11], %broadcast_in_dim3A_9 {strides = array<i32>} : memref<1x1x1024xi32, #tpu.memory_space<vmem>>, vector<1x1x1024xi32>,
    return
  }
  func.func @transform_0(%arg0: i32) -> (i32, i32) {
    %c0_i32 = arith.constant 0 : i32
    %c0_i32_0 = arith.constant 0 : i32
    return %c0_i32, %arg0 : i32, i32
  }
  func.func @transform_1(%arg0: i32) -> (i32, i32) {
    %c0_i32 = arith.constant 0 : i32
    %c0_i32_0 = arith.constant 0 : i32
    return %c0_i32, %arg0 : i32, i32
  }
  func.func @transform_2(%arg0: i32) -> (i32, i32, i32) {
    %c0_i32 = arith.constant 0 : i32
    %c0_i32_0 = arith.constant 0 : i32
    %c0_i32_1 = arith.constant 0 : i32
    return %arg0, %c0_i32, %c0_i32_0 : i32, i32, i32
  }
}

</mosaic_0001>

<sc_bundles>
// kernel: kernel.4.cloned.1.call-start
scs
__scs_entry_jumppad:
0x0: {  	(pc) =	sbr.rel $0x88, $3  }
0x1: {  	(tag) =	ssettag $0x0;
	lr =	simm.s32 $0x1  }
0x2: {  	[smem:$0x3F9F] =	sst lr;
	_ =	strace $0xD0000000  }
0x3: {  	_ = 	snop  }
0x4: {  	_ = 	snop  }
0x5: {  	_ = 	snop  }
0x6: {  	_ = 	snop  }
0x7: {  	_ = 	snop  }
__scs_overlays_trampoline_lowered:
0x8: {  	[smem:$0x3FAE] =	sst s0  }
0x9: {  	[smem:$0x3FAF] =	sst s1  }
0xa: {  	[smem:$0x3FB0] =	sst s2  }
0xb: {  	[smem:$0x3FB1] =	sst s3  }
0xc: {  	[smem:$0x3FB2] =	sst s4  }
0xd: {  	[smem:$0x3FB3] =	sst s5  }
0xe: {  	[smem:$0x3FB4] =	sst s6  }
0xf: {  	[smem:$0x3FB5] =	sst s7  }
0x10: {  	[smem:$0x3FB6] =	sst s8  }
0x11: {  	[smem:$0x3FB7] =	sst s9;
	s0 =	simm.s32 @!p0 $0x0  }
0x12: {  	s1 =	sld [smem:$0x3F9D];
	s0 =	simm.s32 @p0 $0x1  }
0x13: {  	[smem:$0x3FB8] =	sst s0;
	s0 =	simm.s32 @!p1 $0x0  }
0x14: {  	s2 =	sld [smem:$0x3F9C];
	s0 =	simm.s32 @p1 $0x1  }
0x15: {  	[smem:$0x3FB9] =	sst s0;
	s0 =	simm.s32 @!p2 $0x0  }
0x16: {  	s3 =	sld [smem:$0x3FDB];
	s0 =	simm.s32 @p2 $0x1  }
0x17: {  	s4 =	simm.s32 $0x1BF5;
	[smem:$0x3FBB] =	sst s0  }
0x18: {  	s0 =	sld [smem:$0x3F9E];
	_ =	swait.ge [sflag:s4], $0x0  }
0x19: {  	s7 =	sld [smem:$0x3F9F]  }
0x1a: {  	s8 =	sadd.s32 $0xFFFFE003, lr  }
0x1b: {  	s9 =	sadd.s32 $0xFFFFFEF7, lr;
	s5 =	simm.s32 $0xFFFFFFFF;
	p2 =	slt.u32 s8, $0xFFFFF086  }
0x1c: {  	p1 =	slt.u32 s9, $0xF7A;
	s5 =	simm.s32 @!p2 $0x0  }
0x1d: {  	s5 =	simm.s32 @p1 $0x1;
	p0 =	seq.s32 s7, s2  }
0x1e: {  	s7 =	smul.u32 @!p0 $0xF7A, s2;
	p2 =	seq.s32 @!p0 s5, $0x0  }
0x1f: {  	s9 =	smul.u32 $0xF7A, s1;
	s8 =	simm.s32 @!p0 $0x1BF5;
	p2 =	por !p2, p0  }
0x20: {  	[sflag:s8] =	ssyncset.s32 @!p0 $0xFFFFF086;
	s6 =	sadd.s32 @!p0 s3, s7;
	s7 =	simm.s32 @!p0 $0x108  }
0x21: {  	s3 =	sadd.s32 s3, s9;
	s6 =	sadd.s32 @!p0 $0x88, s6;
	s7 =	simm.s32 @p2 $0x1082  }
0x22: {  	[simem:s7], [sflag:s8] =	dma.local @!p0 [hbm:s6], $0xF7A  }
0x23: {  	s9 =	sor.u32 $0xD0000000, s2;
	s6 =	simm.s32 $0x108;
	_ =	swait.ge @!p0 [sflag:s8], $0x0  }
0x24: {  	s3 =	sadd.s32 $0x88, s3;
	s6 =	simm.s32 @!p1 $0x1082;
	[sflag:s4] =	ssyncset.s32 $0xFFFFF086  }
0x25: {  	[simem:s6], [sflag:s4] =	dma.local [hbm:s3], $0xF7A  }
0x26: {  	[smem:$0x3F9F] =	sst s1;
	(tag) =	ssettag s2;
	_ =	strace s9  }
0x27: {  	s1 =	sld [smem:$0x3FAF]  }
0x28: {  	s2 =	sld [smem:$0x3FB0]  }
0x29: {  	s4 =	sld [smem:$0x3FB2]  }
0x2a: {  	p0 =	seq.s32 s5, $0x0;
	s5 =	sld [smem:$0x3FB3]  }
0x2b: {  	s6 =	sld [smem:$0x3FB4]  }
0x2c: {  	s7 =	sld [smem:$0x3FB5]  }
0x2d: {  	s3 =	simm.s32 $0x108;
	s8 =	sld [smem:$0x3FB6]  }
0x2e: {  	s3 =	simm.s32 @!p0 $0x1082;
	s9 =	sld [smem:$0x3FB7]  }
0x2f: {  	lr =	sadd.s32 s0, s3;
	s0 =	sld [smem:$0x3FAE]  }
0x30: {  	s3 =	sld [smem:$0x3FB1]  }
0x31: {  	[smem:$0x3FBA] =	sst s10  }
0x32: {  	s10 =	sld [smem:$0x3FB8];
	_ =	sdelay $0x3  }
0x33: {  	p0 =	seq.s32 s10, $0x1;
	s10 =	sld [smem:$0x3FBA];
	_ =	sdelay $0x3  }
0x34: {  	[smem:$0x3FBA] =	sst s10  }
0x35: {  	s10 =	sld [smem:$0x3FB9];
	_ =	sdelay $0x3  }
0x36: {  	p1 =	seq.s32 s10, $0x1;
	s10 =	sld [smem:$0x3FBA];
	_ =	sdelay $0x3  }
0x37: {  	[smem:$0x3FBA] =	sst s10  }
0x38: {  	s10 =	sld [smem:$0x3FBB]  }
0x39: {  	_ = 	snop;
	(pc) =	sbr.ind lr, $3  }
0x3a: {  	_ = 	snop  }
0x3b: {  	_ = 	snop  }
0x3c: {  	p2 =	seq.s32 s10, $0x1;
	s10 =	sld [smem:$0x3FBA]  }
0x3d: {  	_ =	shalt  }
0x3e: {  	_ =	shalt  }
0x3f: {  	_ =	shalt  }
0x40: {  	_ =	shalt  }
0x41: {  	_ =	shalt  }
0x42: {  	_ =	shalt  }
0x43: {  	_ =	shalt  }
0x44: {  	_ =	shalt  }
0x45: {  	_ =	shalt  }
0x46: {  	_ =	shalt  }
0x47: {  	_ =	shalt  }
0x48: {  	_ =	shalt  }
0x49: {  	_ =	shalt  }
0x4a: {  	_ =	shalt  }
0x4b: {  	_ =	shalt  }
0x4c: {  	_ =	shalt  }
0x4d: {  	_ =	shalt  }
0x4e: {  	_ =	shalt  }
0x4f: {  	_ =	shalt  }
0x50: {  	_ =	shalt  }
0x51: {  	_ =	shalt  }
0x52: {  	_ =	shalt  }
0x53: {  	_ =	shalt  }
0x54: {  	_ =	shalt  }
0x55: {  	_ =	shalt  }
0x56: {  	_ =	shalt  }
0x57: {  	_ =	shalt  }
0x58: {  	_ =	shalt  }
0x59: {  	_ =	shalt  }
0x5a: {  	_ =	shalt  }
0x5b: {  	_ =	shalt  }
0x5c: {  	_ =	shalt  }
0x5d: {  	_ =	shalt  }
0x5e: {  	_ =	shalt  }
0x5f: {  	_ =	shalt  }
0x60: {  	_ =	shalt  }
0x61: {  	_ =	shalt  }
0x62: {  	_ =	shalt  }
0x63: {  	_ =	shalt  }
0x64: {  	_ =	shalt  }
0x65: {  	_ =	shalt  }
0x66: {  	_ =	shalt  }
0x67: {  	_ =	shalt  }
0x68: {  	_ =	shalt  }
0x69: {  	_ =	shalt  }
0x6a: {  	_ =	shalt  }
0x6b: {  	_ =	shalt  }
0x6c: {  	_ =	shalt  }
0x6d: {  	_ =	shalt  }
0x6e: {  	_ =	shalt  }
0x6f: {  	_ =	shalt  }
0x70: {  	_ =	shalt  }
0x71: {  	_ =	shalt  }
0x72: {  	_ =	shalt  }
0x73: {  	_ =	shalt  }
0x74: {  	_ =	shalt  }
0x75: {  	_ =	shalt  }
0x76: {  	_ =	shalt  }
0x77: {  	_ =	shalt  }
0x78: {  	_ =	shalt  }
0x79: {  	_ =	shalt  }
0x7a: {  	_ =	shalt  }
0x7b: {  	_ =	shalt  }
0x7c: {  	_ =	shalt  }
0x7d: {  	_ =	shalt  }
0x7e: {  	_ =	shalt  }
0x7f: {  	_ =	shalt  }
0x80: {  	_ =	shalt  }
0x81: {  	_ =	shalt  }
0x82: {  	_ =	shalt  }
0x83: {  	_ =	shalt  }
0x84: {  	_ =	shalt  }
0x85: {  	_ =	shalt  }
0x86: {  	_ =	shalt  }
0x87: {  	_ =	shalt  }
.Lfunc_end0:
.L_simem_size_0:
called_computation_lowered:
.L_overlay_start_0:
0x88: {  	s2 =	sld [smem:$0x3FD9]  }
0x89: {  	s3 =	sld [smem:$0x3FFE];
	_ =	sdelay $0x1  }
0x8a: {  	s1 =	srdreg.scid  }
0x8b: {  	s0 =	sand.u32 $0x1, s1  }
0x8c: {  	s17 =	sshll.u32 s0, $0xA;
	s2 =	sadd.s32 s3, s2  }
0x8d: {  	s2 =	sadd.s32 s2, s17  }
0x8e: {  	[smem:$0x3FC6] =	sst s2  }
0x8f: {  	_ = 	snop  }
0x90: {  	s2 =	sld [smem:$0x3FD0];
	(tm) =	ssettm $0x1  }
0x91: {  	s18 =	sld [smem:$0x3FFB];
	_ =	sdelay $0x3  }
0x92: {  	_ =	strace s18  }
0x93: {  	s3 =	sld [smem:$0x3FFC];
	_ =	sdelay $0x3  }
0x94: {  	_ =	strace s3  }
0x95: {  	s3 =	sld [smem:$0x3FFD];
	_ =	sdelay $0x3  }
0x96: {  	_ =	strace s3  }
0x97: {  	_ =	strace $0x8FFFFFFF  }
0x98: {  	s19 =	sld [smem:$0x3FDB];
	_ =	sdelay $0x1  }
0x99: {  	s4 =	simm.s32 $_scs_section_size  }
0x9a: {  	s5 =	simm.s32 $_size__tile_overlayer_lowered;
	s6 =	simm.s32 $_tile_overlayer_lowered  }
0x9b: {  	s22 =	simm.s32 $0x1BFF;
	s21 =	sshll.u32 s6, $0x1;
	s3 =	sadd.s32 s4, s19  }
0x9c: {  	s7 =	simm.s32 $0x0;
	s20 =	sshll.u32 s5, $0x1;
	s5 =	sadd.s32 s21, s3  }
0x9d: {  	[timem:s7], [sflag:s22] =	dma.local [hbm:s5], s20  }
0x9e: {  	_ =	swait.ge [sflag:s22], s20  }
0x9f: {  	s4 =	ssub.s32 $0x0, s20;
	[sflag:s22] =	ssyncset.done $0x0  }
0xa0: {  	[sflag:s22] =	ssyncadd.s32 s4;
	_ =	sdelay $0x1  }
0xa1: {  	s23 =	simm.s32 $0x1B8B  }
0xa2: {  	_ =	swait.ge [sflag:s23], $0x1  }
0xa3: {  	[sflag:s23] =	ssyncset.done $0x0  }
0xa4: {  	s25 =	simm.s32 $0x1B8E;
	s24 =	sld [smem:$0x3FFE];
	[sflag:s23] =	ssyncadd.s32 $0xFFFFFFFF  }
0xa5: {  	s26 =	simm.s32 $execute0_lowered;
	[smem:$0x3FD2] =	sst s25  }
0xa6: {  	s5 =	sshll.u32 s26, $0x1;
	_ =	strace $0x80000046;
	[dreg:$0x1] =	wrdreg $0xFFFFFFFF  }
0xa7: {  	s28 =	simm.s32 $_size_execute0_lowered;
	s3 =	sadd.s32 s3, s5;
	[dreg:$0x0] =	wrdreg $0x0  }
0xa8: {  	s5 =	sshll.u32 s28, $0x1;
	[dreg:$0x2] =	wrdreg s3  }
0xa9: {  	[dreg:$0x3] =	wrdreg s5  }
0xaa: {  	[dreg:$0x4] =	wrdreg $0xC0  }
0xab: {  	_ =	task [dreg:s7], $0x5FFFF  }
0xac: {  	[dreg:$0x1] =	wrdreg $0xFFFFFFFF  }
0xad: {  	[dreg:$0x0] =	wrdreg $0x60  }
0xae: {  	[dreg:$0x2] =	wrdreg s24  }
0xaf: {  	[dreg:$0x3] =	wrdreg s2  }
0xb0: {  	[dreg:$0x4] =	wrdreg $0x9  }
0xb1: {  	_ =	task.clear_ibuf [dreg:s7], $0x5FFFF;
	_ =	strace $0x90000046  }
0xb2: {  	s29 =	simm.s32 $0x9;
	_ =	strace $0x80000048  }
0xb3: {  	_ =	swait.ge [sflag:s29], $0x1  }
0xb4: {  	[sflag:s29] =	ssyncadd.s32 $0xFFFFFFFF  }
0xb5: {  	_ =	strace $0x90000048  }
0xb6: {  	_ =	sfence  }
0xb7: {  	s30 =	sld [smem:$0x0];
	_ =	sdelay $0x2  }
0xb8: {  	s31 =	sshll.u32 s1, $0xD;
	s1 =	sshrl.u32 s1, $0x2  }
0xb9: {  	s3 =	sand.u32 $0x4000, s31;
	s1 =	sadd.s32 s1, s30  }
0xba: {  	s0 =	sor.u32 s3, s0;
	s1 =	sshll.u32 s1, $0x11  }
0xbb: {  	s0 =	sor.u32 s1, s0  }
0xbc: {  	s0 =	sadd.s32 $0x8F2B, s0  }
0xbd: {  	[sflag:s0] =	ssyncadd.remote.s32 $0x1  }
0xbe: {  	_ =	sfence.sel $0xFFFF  }
0xbf: {  	[dreg:$0x0] =	wrdreg $0xFFFFFFFF;
	(pc) =	sbr.abs _section_cstart, $3  }
0xc0: {  	[dreg:$0x1] =	wrdreg $0xFFFFFFFF  }
0xc1: {  	_ =	task.clear_ibuf [dreg:s7], $0x2FFFF;
	_ =	strace $0x9FFFFFFF  }
0xc2: {  	(tm) =	ssettm $0x7FFFFFFF  }
0xc3: {  	_ =	shalt  }
tec
execute0_lowered:
.L_overlay_start_1:
0x0: {  	(tag) =	ssettag $0x1  }
0x1: {  	s5 =	rddreg [dreg:$0x0]  }
0x2: {  	s17 =	rddreg [dreg:$0x1];
	s1 =	srdreg.scid  }
0x3: {  	s0 =	rddreg [dreg:$0x2];
	s2 =	simm.s32 $0x0;
	s21 =	simm.s32 $0x80400  }
0x4: {  	s22 =	simm.s32 $0x8C00;
	s23 =	simm.s32 $0x1;
	s24 =	simm.s32 $0x2  }
0x5: {  	s25 =	simm.s32 $0x10C00;
	s26 =	simm.s32 $0x0;
	s11 =	sand.u32 $0x1, s1  }
0x6: {  	[smem:$0x7FF] =	sst s2;
	s1 =	stileid.u32;
	s9 =	sadd.s32 $0x10000, s17  }
0x7: {  	s10 =	sadd.s32 $0x211000, s17;
	s12 =	sadd.s32 $0x613000, s17;
	s3 =	sshll.u32 s11, $0x4  }
0x8: {  	v0 =	vlaneseq.u32;
	_ =	strace $0x80000047;
	s13 =	ssub.s32 $0x2, s11;
	s15 =	sshll.u32 s11, $0x12  }
0x9: {  	v1 =	vimm.f32 $0.0e+00;
	v3 =	vor.u32 $0x10, v0;
	v4 =	vor.u32 $0x20, v0;
	s16 =	sshll.u32 s1, $0xE;
	s11 =	sadd.s32 $0x412000, s17;
	s18 =	sor.u32 s1, s3  }
0xa: {  	v5 =	vor.u32 $0x30, v0;
	v6 =	vor.u32 $0x40, v0;
	v7 =	vor.u32 $0x50, v0;
	s14 =	sshrl.u32 s13, $0x1;
	s15 =	sor.u32 s16, s15;
	s3 =	sshll.u32 s18, $0x8  }
0xb: {  	v8 =	vor.u32 $0x60, v0;
	v9 =	vor.u32 $0x70, v0;
	v10 =	vor.u32 $0xFFFF8000, v0;
	s4 =	sshll.u32 s18, $0xB;
	s13 =	ssub.s32 s13, s14;
	s16 =	sadd.s32 $0x1008400, s15  }
0xc: {  	v2 =	vimm.f32 $1.000000000e+00;
	v11 =	vor.u32 $0xFFFF8010, v0;
	v12 =	vor.u32 $0xFFFF8020, v0;
	s29 =	sor.u32 $0x400, s15;
	s19 =	sadd.s32 $0x2010400, s15;
	s20 =	sadd.s32 $0x3018400, s15  }
0xd: {  	v13 =	vor.u32 $0xFFFF8030, v0;
	v14 =	vor.u32 $0xFFFF8040, v0;
	v15 =	vor.u32 $0xFFFF8050, v0;
	p0 =	sne.s32 s18, $0x0;
	s18 =	simm.s32 $0x3;
	s6 =	sadd.s32 s3, s5  }
0xe: {  	v16 =	vor.u32 $0xFFFF8060, v0;
	v17 =	vor.u32 $0xFFFF8070, v0;
	v18 =	vor.u32 $0xFFFF0000, v0;
	s3 =	sadd.s32 s17, s4;
	s5 =	sadd.s32 $0x2600, s5;
	s13 =	smax.u32 s13, $0x1  }
.Ltmp0:
0xf: {  	v19 =	vor.u32 $0xFFFF0010, v0;
	v20 =	vor.u32 $0xFFFF0020, v0;
	v21 =	vor.u32 $0xFFFF0030, v0;
	s14 =	sshrl.u32 s29, $0x3;
	s16 =	sshrl.u32 s16, $0x3;
	(pc) =	sbr.rel .LBB2_1-.Ltmp0, $4  }
0x10: {  	v22 =	vor.u32 $0xFFFF0040, v0;
	v23 =	vor.u32 $0xFFFF0050, v0;
	v24 =	vor.u32 $0xFFFF0060, v0;
	s30 =	sshrl.u32 s19, $0x3;
	s31 =	sshrl.u32 s20, $0x3;
	s19 =	simm.s32 $0xC00  }
0x11: {  	v25 =	vor.u32 $0xFFFF0070, v0;
	v26 =	vor.u32 $0xFFFE8000, v0;
	v27 =	vor.u32 $0xFFFE8010, v0;
	s20 =	simm.s32 $0x400;
	s4 =	sadd.s32 $0x600, s6;
	s6 =	sadd.s32 $0x201000, s3  }
0x12: {  	v28 =	vor.u32 $0xFFFE8020, v0;
	v29 =	vor.u32 $0xFFFE8030, v0;
	v30 =	vor.u32 $0xFFFE8040, v0;
	s7 =	sadd.s32 $0x402000, s3;
	s8 =	sadd.s32 $0x603000, s3;
	s14 =	sadd.s32 s14, s17  }
0x13: {  	v31 =	vor.u32 $0xFFFE8050, v0;
	v32 =	vor.u32 $0xFFFE8060, v0;
	v33 =	vor.u32 $0xFFFE8070, v0;
	s15 =	sadd.s32 s16, s17;
	s16 =	sadd.s32 s30, s17;
	s17 =	sadd.s32 s31, s17  }
.LBB2_9:
0x14: {  	s26 =	sadd.s32 $0x1, s26  }
0x15: {  	_ =	swait.ge [sflag:s23], $0x8000;
	p1 =	sne.s32 s26, s13  }
.Ltmp1:
0x16: {  	[sflag:s23] =	ssyncset.done $0x0;
	(pc) =	sbr.rel @!p1 .LBB2_10-.Ltmp1, $4  }
0x17: {  	[sflag:s23] =	ssyncadd.s32 $0xFFFF8000  }
0x18: {  	_ =	swait.ge [sflag:s24], $0x8080  }
0x19: {  	[sflag:s24] =	ssyncset.done $0x0  }
0x1a: {  	[sflag:s24] =	ssyncadd.s32 $0xFFFF7F80  }
.LBB2_1:
0x1b: {  	[tilespmem:s2], [sflag:$0x3] =	stream.linear.gather [hbm4b:s4+s2], $0x800, $0x38;
	[tilespmem:$0x11000] =	vst v63  }
0x1c: {  	_ =	swait.ge [sflag:s18], $0x800  }
0x1d: {  	[sflag:s18] =	ssyncset.done $0x0  }
0x1e: {  	s28 =	simm.s32 @!p0 $0x0;
	s29 =	simm.s32 @!p0 $0x800;
	[sflag:s18] =	ssyncadd.s32 $0xFFFFF800  }
0x1f: {  	[tilespmem:s29], [sflag:$0x3] =	stream.linear.gather @!p0 [hbm4b:s5+s28], $0x400, $0x38;
	[tilespmem:$0x11000] =	vst v63  }
0x20: {  	s28 =	simm.s32 @!p0 $0x3  }
0x21: {  	_ =	swait.ge @!p0 [sflag:s28], $0x400  }
0x22: {  	[sflag:s28] =	ssyncset.done @!p0 $0x0  }
0x23: {  	s29 =	simm.s32 $0x200;
	[sflag:s28] =	ssyncadd.s32 @!p0 $0xFFFFFC00;
	s28 =	simm.s32 $0x0  }
.LBB2_2:
0x24: {  	p1 =	sne.s32 s29, $0x1FE00;
	[tilespmem:s28+$0xC70] =	vst v1  }
0x25: {  	[tilespmem:s28+$0xC00] =	vst v1  }
0x26: {  	[tilespmem:s28+$0xC10] =	vst v1  }
.Ltmp2:
0x27: {  	[tilespmem:s28+$0xC20] =	vst v1;
	(pc) =	sbr.rel @p1 .LBB2_2-.Ltmp2, $4  }
0x28: {  	[tilespmem:s28+$0xC30] =	vst v1  }
0x29: {  	[tilespmem:s28+$0xC40] =	vst v1  }
0x2a: {  	[tilespmem:s28+$0xC50] =	vst v1  }
0x2b: {  	[tilespmem:s28+$0xC60] =	vst v1;
	s28 =	sshra.s32 s29, $0x2;
	s29 =	sadd.s32 $0x200, s29  }
0x2c: {  	[tilespmem:s28+$0xC70] =	vst v1  }
0x2d: {  	[tilespmem:s28+$0xC00] =	vst v1  }
0x2e: {  	[tilespmem:s28+$0xC10] =	vst v1  }
0x2f: {  	[tilespmem:s28+$0xC20] =	vst v1  }
0x30: {  	[tilespmem:s28+$0xC30] =	vst v1  }
0x31: {  	[tilespmem:s28+$0xC40] =	vst v1  }
0x32: {  	[tilespmem:s28+$0xC50] =	vst v1  }
0x33: {  	[tilespmem:s28+$0xC60] =	vst v1;
	s28 =	simm.s32 $0x0;
	s29 =	simm.s32 $0x200  }
.LBB2_4:
0x34: {  	p1 =	sne.s32 s29, $0x20000;
	[tilespmem:s28+$0x8C70] =	vst v1  }
0x35: {  	[tilespmem:s28+$0x8C00] =	vst v1  }
0x36: {  	[tilespmem:s28+$0x8C10] =	vst v1  }
.Ltmp3:
0x37: {  	[tilespmem:s28+$0x8C20] =	vst v1;
	(pc) =	sbr.rel @p1 .LBB2_4-.Ltmp3, $4  }
0x38: {  	[tilespmem:s28+$0x8C30] =	vst v1  }
0x39: {  	[tilespmem:s28+$0x8C40] =	vst v1  }
0x3a: {  	[tilespmem:s28+$0x8C50] =	vst v1  }
0x3b: {  	[tilespmem:s28+$0x8C60] =	vst v1;
	s28 =	sshra.s32 s29, $0x2;
	s29 =	sadd.s32 $0x200, s29  }
0x3c: {  	[tilespmem:s28+$0x8C70] =	vst v1  }
0x3d: {  	[tilespmem:s28+$0x8C00] =	vst v1  }
0x3e: {  	[tilespmem:s28+$0x8C10] =	vst v1  }
0x3f: {  	[tilespmem:s28+$0x8C20] =	vst v1  }
0x40: {  	[tilespmem:s28+$0x8C30] =	vst v1  }
0x41: {  	[tilespmem:s28+$0x8C40] =	vst v1  }
0x42: {  	[tilespmem:s28+$0x8C50] =	vst v1  }
0x43: {  	[tilespmem:s28+$0x8C60] =	vst v1  }
0x44: {  	v34 =	vld [tilespmem:$0x0];
	_ =	sdelay $0x4  }
0x45: {  	vm0 =	vlt.u32 v34, $0x100;
	v34 =	vshll.u32 v34, $0x7  }
0x46: {  	v34 =	vor.u32 v0, v34;
	_ =	sdelay $0x4  }
0x47: {  	[tilespmem:v34+s19+$0x0] =	vst.idx.msk vm0, v2  }
0x48: {  	v34 =	vld [tilespmem:$0x10];
	_ =	sdelay $0x4  }
0x49: {  	vm5 =	vlt.u32 v34, $0x100;
	v34 =	vshll.u32 v34, $0x7  }
0x4a: {  	v34 =	vor.u32 v3, v34;
	_ =	sdelay $0x4  }
0x4b: {  	[tilespmem:v34+s19+$0x0] =	vst.idx.msk vm5, v2  }
0x4c: {  	v34 =	vld [tilespmem:$0x20];
	_ =	sdelay $0x4  }
0x4d: {  	vm6 =	vlt.u32 v34, $0x100;
	v34 =	vshll.u32 v34, $0x7  }
0x4e: {  	v34 =	vor.u32 v4, v34;
	_ =	sdelay $0x4  }
0x4f: {  	[tilespmem:v34+s19+$0x0] =	vst.idx.msk vm6, v2  }
0x50: {  	v34 =	vld [tilespmem:$0x30];
	_ =	sdelay $0x4  }
0x51: {  	vm7 =	vlt.u32 v34, $0x100;
	v34 =	vshll.u32 v34, $0x7  }
0x52: {  	v34 =	vor.u32 v5, v34;
	_ =	sdelay $0x4  }
0x53: {  	[tilespmem:v34+s19+$0x0] =	vst.idx.msk vm7, v2  }
0x54: {  	v34 =	vld [tilespmem:$0x40];
	_ =	sdelay $0x4  }
0x55: {  	vm8 =	vlt.u32 v34, $0x100;
	v34 =	vshll.u32 v34, $0x7  }
0x56: {  	v34 =	vor.u32 v6, v34;
	_ =	sdelay $0x4  }
0x57: {  	[tilespmem:v34+s19+$0x0] =	vst.idx.msk vm8, v2  }
0x58: {  	v34 =	vld [tilespmem:$0x50];
	_ =	sdelay $0x4  }
0x59: {  	vm9 =	vlt.u32 v34, $0x100;
	v34 =	vshll.u32 v34, $0x7  }
0x5a: {  	v34 =	vor.u32 v7, v34;
	_ =	sdelay $0x4  }
0x5b: {  	[tilespmem:v34+s19+$0x0] =	vst.idx.msk vm9, v2  }
0x5c: {  	v34 =	vld [tilespmem:$0x60];
	_ =	sdelay $0x4  }
0x5d: {  	vm10 =	vlt.u32 v34, $0x100;
	v34 =	vshll.u32 v34, $0x7  }
0x5e: {  	v34 =	vor.u32 v8, v34;
	_ =	sdelay $0x4  }
0x5f: {  	[tilespmem:v34+s19+$0x0] =	vst.idx.msk vm10, v2  }
0x60: {  	v34 =	vld [tilespmem:$0x70];
	_ =	sdelay $0x4  }
0x61: {  	vm11 =	vlt.u32 v34, $0x100;
	v34 =	vshll.u32 v34, $0x7  }
0x62: {  	v34 =	vor.u32 v9, v34;
	_ =	sdelay $0x4  }
0x63: {  	[tilespmem:v34+s19+$0x0] =	vst.idx.msk vm11, v2  }
0x64: {  	[hbm4b:s3+s20] =	stream.strided.scatter [tilespmem:s19], [sflag:$0x1], $0x8000, s21, s20, $0x38;
	[tilespmem:$0x11000] =	vst v63  }
0x65: {  	v34 =	vld [tilespmem:$0x0];
	_ =	sdelay $0x4  }
0x66: {  	v35 =	vand.u32 $0xFFFFFF00, v34  }
0x67: {  	v34 =	vshll.u32 v34, $0x7;
	vm12 =	veq.s32 v35, $0x100  }
0x68: {  	v34 =	vadd.s32 v10, v34;
	_ =	sdelay $0x4  }
0x69: {  	[tilespmem:v34+s22+$0x0] =	vst.idx.msk vm12, v2  }
0x6a: {  	v34 =	vld [tilespmem:$0x10];
	_ =	sdelay $0x4  }
0x6b: {  	v59 =	vand.u32 $0xFFFFFF00, v34  }
0x6c: {  	v34 =	vshll.u32 v34, $0x7;
	vm13 =	veq.s32 v59, $0x100  }
0x6d: {  	v34 =	vadd.s32 v11, v34;
	_ =	sdelay $0x4  }
0x6e: {  	[tilespmem:v34+s22+$0x0] =	vst.idx.msk vm13, v2  }
0x6f: {  	v34 =	vld [tilespmem:$0x20];
	_ =	sdelay $0x4  }
0x70: {  	v60 =	vand.u32 $0xFFFFFF00, v34  }
0x71: {  	v34 =	vshll.u32 v34, $0x7;
	vm14 =	veq.s32 v60, $0x100  }
0x72: {  	v34 =	vadd.s32 v12, v34;
	_ =	sdelay $0x4  }
0x73: {  	[tilespmem:v34+s22+$0x0] =	vst.idx.msk vm14, v2  }
0x74: {  	v34 =	vld [tilespmem:$0x30];
	_ =	sdelay $0x4  }
0x75: {  	v61 =	vand.u32 $0xFFFFFF00, v34  }
0x76: {  	v34 =	vshll.u32 v34, $0x7;
	vm15 =	veq.s32 v61, $0x100  }
0x77: {  	v34 =	vadd.s32 v13, v34;
	_ =	sdelay $0x4  }
0x78: {  	[tilespmem:v34+s22+$0x0] =	vst.idx.msk vm15, v2  }
0x79: {  	v34 =	vld [tilespmem:$0x40];
	_ =	sdelay $0x4  }
0x7a: {  	v62 =	vand.u32 $0xFFFFFF00, v34  }
0x7b: {  	v34 =	vshll.u32 v34, $0x7;
	vm4 =	veq.s32 v62, $0x100  }
0x7c: {  	v34 =	vadd.s32 v14, v34;
	_ =	sdelay $0x4  }
0x7d: {  	[tilespmem:v34+s22+$0x0] =	vst.idx.msk vm4, v2  }
0x7e: {  	v34 =	vld [tilespmem:$0x50];
	_ =	sdelay $0x4  }
0x7f: {  	v63 =	vand.u32 $0xFFFFFF00, v34  }
0x80: {  	v34 =	vshll.u32 v34, $0x7;
	vm5 =	veq.s32 v63, $0x100  }
0x81: {  	v34 =	vadd.s32 v15, v34;
	_ =	sdelay $0x4  }
0x82: {  	[tilespmem:v34+s22+$0x0] =	vst.idx.msk vm5, v2  }
0x83: {  	v34 =	vld [tilespmem:$0x60];
	_ =	sdelay $0x4  }
0x84: {  	v36 =	vand.u32 $0xFFFFFF00, v34  }
0x85: {  	v34 =	vshll.u32 v34, $0x7;
	vm6 =	veq.s32 v36, $0x100  }
0x86: {  	v34 =	vadd.s32 v16, v34;
	_ =	sdelay $0x4  }
0x87: {  	[tilespmem:v34+s22+$0x0] =	vst.idx.msk vm6, v2  }
0x88: {  	v34 =	vld [tilespmem:$0x70];
	_ =	sdelay $0x4  }
0x89: {  	v37 =	vand.u32 $0xFFFFFF00, v34  }
0x8a: {  	v34 =	vshll.u32 v34, $0x7;
	vm7 =	veq.s32 v37, $0x100  }
0x8b: {  	v34 =	vadd.s32 v17, v34;
	_ =	sdelay $0x4  }
0x8c: {  	[tilespmem:v34+s22+$0x0] =	vst.idx.msk vm7, v2  }
0x8d: {  	[hbm4b:s6+s20] =	stream.strided.scatter [tilespmem:s22], [sflag:$0x2], $0x8000, s21, s20, $0x38;
	[tilespmem:$0x11000] =	vst v63  }
0x8e: {  	_ =	swait.ge [sflag:s23], $0x8000  }
0x8f: {  	[sflag:s23] =	ssyncset.done $0x0  }
0x90: {  	[sflag:s23] =	ssyncadd.s32 $0xFFFF8000  }
0x91: {  	v38 =	vld [tilespmem:$0x0];
	_ =	sdelay $0x4  }
0x92: {  	vm8 =	vlt.u32 v38, $0x100;
	v34 =	vshll.u32 v38, $0x7  }
0x93: {  	v34 =	vor.u32 v0, v34;
	_ =	sdelay $0x4  }
0x94: {  	[tilespmem:v34+s19+$0x0] =	vst.idx.msk vm8, v1  }
0x95: {  	v34 =	vld [tilespmem:$0x10];
	_ =	sdelay $0x4  }
0x96: {  	vm9 =	vlt.u32 v34, $0x100;
	v34 =	vshll.u32 v34, $0x7  }
0x97: {  	v34 =	vor.u32 v3, v34;
	_ =	sdelay $0x4  }
0x98: {  	[tilespmem:v34+s19+$0x0] =	vst.idx.msk vm9, v1  }
0x99: {  	v34 =	vld [tilespmem:$0x20];
	_ =	sdelay $0x4  }
0x9a: {  	vm10 =	vlt.u32 v34, $0x100;
	v34 =	vshll.u32 v34, $0x7  }
0x9b: {  	v34 =	vor.u32 v4, v34;
	_ =	sdelay $0x4  }
0x9c: {  	[tilespmem:v34+s19+$0x0] =	vst.idx.msk vm10, v1  }
0x9d: {  	v34 =	vld [tilespmem:$0x30];
	_ =	sdelay $0x4  }
0x9e: {  	vm11 =	vlt.u32 v34, $0x100;
	v34 =	vshll.u32 v34, $0x7  }
0x9f: {  	v34 =	vor.u32 v5, v34;
	_ =	sdelay $0x4  }
0xa0: {  	[tilespmem:v34+s19+$0x0] =	vst.idx.msk vm11, v1  }
0xa1: {  	v34 =	vld [tilespmem:$0x40];
	_ =	sdelay $0x4  }
0xa2: {  	vm12 =	vlt.u32 v34, $0x100;
	v34 =	vshll.u32 v34, $0x7  }
0xa3: {  	v34 =	vor.u32 v6, v34;
	_ =	sdelay $0x4  }
0xa4: {  	[tilespmem:v34+s19+$0x0] =	vst.idx.msk vm12, v1  }
0xa5: {  	v34 =	vld [tilespmem:$0x50];
	_ =	sdelay $0x4  }
0xa6: {  	vm13 =	vlt.u32 v34, $0x100;
	v34 =	vshll.u32 v34, $0x7  }
0xa7: {  	v34 =	vor.u32 v7, v34;
	_ =	sdelay $0x4  }
0xa8: {  	[tilespmem:v34+s19+$0x0] =	vst.idx.msk vm13, v1  }
0xa9: {  	v34 =	vld [tilespmem:$0x60];
	_ =	sdelay $0x4  }
0xaa: {  	vm14 =	vlt.u32 v34, $0x100;
	v34 =	vshll.u32 v34, $0x7  }
0xab: {  	v34 =	vor.u32 v8, v34;
	_ =	sdelay $0x4  }
0xac: {  	[tilespmem:v34+s19+$0x0] =	vst.idx.msk vm14, v1  }
0xad: {  	v34 =	vld [tilespmem:$0x70];
	_ =	sdelay $0x4  }
0xae: {  	vm15 =	vlt.u32 v34, $0x100;
	v34 =	vshll.u32 v34, $0x7  }
0xaf: {  	v34 =	vor.u32 v9, v34;
	_ =	sdelay $0x4  }
0xb0: {  	[tilespmem:v34+s19+$0x0] =	vst.idx.msk vm15, v1  }
0xb1: {  	v34 =	vld [tilespmem:$0x0];
	_ =	sdelay $0x4  }
0xb2: {  	v39 =	vand.u32 $0xFFFFFF00, v34  }
0xb3: {  	v34 =	vshll.u32 v34, $0x7;
	vm4 =	veq.s32 v39, $0x200  }
0xb4: {  	v34 =	vadd.s32 v18, v34;
	_ =	sdelay $0x4  }
0xb5: {  	[tilespmem:v34+s19+$0x0] =	vst.idx.msk vm4, v2  }
0xb6: {  	v34 =	vld [tilespmem:$0x10];
	_ =	sdelay $0x4  }
0xb7: {  	v40 =	vand.u32 $0xFFFFFF00, v34  }
0xb8: {  	v34 =	vshll.u32 v34, $0x7;
	vm5 =	veq.s32 v40, $0x200  }
0xb9: {  	v34 =	vadd.s32 v19, v34;
	_ =	sdelay $0x4  }
0xba: {  	[tilespmem:v34+s19+$0x0] =	vst.idx.msk vm5, v2  }
0xbb: {  	v34 =	vld [tilespmem:$0x20];
	_ =	sdelay $0x4  }
0xbc: {  	v41 =	vand.u32 $0xFFFFFF00, v34  }
0xbd: {  	v34 =	vshll.u32 v34, $0x7;
	vm6 =	veq.s32 v41, $0x200  }
0xbe: {  	v34 =	vadd.s32 v20, v34;
	_ =	sdelay $0x4  }
0xbf: {  	[tilespmem:v34+s19+$0x0] =	vst.idx.msk vm6, v2  }
0xc0: {  	v34 =	vld [tilespmem:$0x30];
	_ =	sdelay $0x4  }
0xc1: {  	v42 =	vand.u32 $0xFFFFFF00, v34  }
0xc2: {  	v34 =	vshll.u32 v34, $0x7;
	vm7 =	veq.s32 v42, $0x200  }
0xc3: {  	v34 =	vadd.s32 v21, v34;
	_ =	sdelay $0x4  }
0xc4: {  	[tilespmem:v34+s19+$0x0] =	vst.idx.msk vm7, v2  }
0xc5: {  	v34 =	vld [tilespmem:$0x40];
	_ =	sdelay $0x4  }
0xc6: {  	v43 =	vand.u32 $0xFFFFFF00, v34  }
0xc7: {  	v34 =	vshll.u32 v34, $0x7;
	vm8 =	veq.s32 v43, $0x200  }
0xc8: {  	v34 =	vadd.s32 v22, v34;
	_ =	sdelay $0x4  }
0xc9: {  	[tilespmem:v34+s19+$0x0] =	vst.idx.msk vm8, v2  }
0xca: {  	v34 =	vld [tilespmem:$0x50];
	_ =	sdelay $0x4  }
0xcb: {  	v44 =	vand.u32 $0xFFFFFF00, v34  }
0xcc: {  	v34 =	vshll.u32 v34, $0x7;
	vm9 =	veq.s32 v44, $0x200  }
0xcd: {  	v34 =	vadd.s32 v23, v34;
	_ =	sdelay $0x4  }
0xce: {  	[tilespmem:v34+s19+$0x0] =	vst.idx.msk vm9, v2  }
0xcf: {  	v34 =	vld [tilespmem:$0x60];
	_ =	sdelay $0x4  }
0xd0: {  	v45 =	vand.u32 $0xFFFFFF00, v34  }
0xd1: {  	v34 =	vshll.u32 v34, $0x7;
	vm10 =	veq.s32 v45, $0x200  }
0xd2: {  	v34 =	vadd.s32 v24, v34;
	_ =	sdelay $0x4  }
0xd3: {  	[tilespmem:v34+s19+$0x0] =	vst.idx.msk vm10, v2  }
0xd4: {  	v34 =	vld [tilespmem:$0x70];
	_ =	sdelay $0x4  }
0xd5: {  	v46 =	vand.u32 $0xFFFFFF00, v34  }
0xd6: {  	v34 =	vshll.u32 v34, $0x7;
	vm11 =	veq.s32 v46, $0x200  }
0xd7: {  	v34 =	vadd.s32 v25, v34;
	_ =	sdelay $0x4  }
0xd8: {  	[tilespmem:v34+s19+$0x0] =	vst.idx.msk vm11, v2  }
0xd9: {  	[hbm4b:s7+s20] =	stream.strided.scatter [tilespmem:s19], [sflag:$0x1], $0x8000, s21, s20, $0x38;
	[tilespmem:$0x11000] =	vst v63  }
0xda: {  	_ =	swait.ge [sflag:s24], $0x8000  }
0xdb: {  	[sflag:s24] =	ssyncset.done $0x0  }
0xdc: {  	[sflag:s24] =	ssyncadd.s32 $0xFFFF8000  }
0xdd: {  	v47 =	vld [tilespmem:$0x0];
	_ =	sdelay $0x4  }
0xde: {  	v48 =	vand.u32 $0xFFFFFF00, v47  }
0xdf: {  	v34 =	vshll.u32 v47, $0x7;
	vm12 =	veq.s32 v48, $0x100  }
0xe0: {  	v34 =	vadd.s32 v10, v34;
	_ =	sdelay $0x4  }
0xe1: {  	[tilespmem:v34+s22+$0x0] =	vst.idx.msk vm12, v1  }
0xe2: {  	v34 =	vld [tilespmem:$0x10];
	_ =	sdelay $0x4  }
0xe3: {  	v49 =	vand.u32 $0xFFFFFF00, v34  }
0xe4: {  	v34 =	vshll.u32 v34, $0x7;
	vm13 =	veq.s32 v49, $0x100  }
0xe5: {  	v34 =	vadd.s32 v11, v34;
	_ =	sdelay $0x4  }
0xe6: {  	[tilespmem:v34+s22+$0x0] =	vst.idx.msk vm13, v1  }
0xe7: {  	v34 =	vld [tilespmem:$0x20];
	_ =	sdelay $0x4  }
0xe8: {  	v50 =	vand.u32 $0xFFFFFF00, v34  }
0xe9: {  	v34 =	vshll.u32 v34, $0x7;
	vm14 =	veq.s32 v50, $0x100  }
0xea: {  	v34 =	vadd.s32 v12, v34;
	_ =	sdelay $0x4  }
0xeb: {  	[tilespmem:v34+s22+$0x0] =	vst.idx.msk vm14, v1  }
0xec: {  	v34 =	vld [tilespmem:$0x30];
	_ =	sdelay $0x4  }
0xed: {  	v51 =	vand.u32 $0xFFFFFF00, v34  }
0xee: {  	v34 =	vshll.u32 v34, $0x7;
	vm15 =	veq.s32 v51, $0x100  }
0xef: {  	v34 =	vadd.s32 v13, v34;
	_ =	sdelay $0x4  }
0xf0: {  	[tilespmem:v34+s22+$0x0] =	vst.idx.msk vm15, v1  }
0xf1: {  	v34 =	vld [tilespmem:$0x40];
	_ =	sdelay $0x4  }
0xf2: {  	v52 =	vand.u32 $0xFFFFFF00, v34  }
0xf3: {  	v34 =	vshll.u32 v34, $0x7;
	vm4 =	veq.s32 v52, $0x100  }
0xf4: {  	v34 =	vadd.s32 v14, v34;
	_ =	sdelay $0x4  }
0xf5: {  	[tilespmem:v34+s22+$0x0] =	vst.idx.msk vm4, v1  }
0xf6: {  	v34 =	vld [tilespmem:$0x50];
	_ =	sdelay $0x4  }
0xf7: {  	v53 =	vand.u32 $0xFFFFFF00, v34  }
0xf8: {  	v34 =	vshll.u32 v34, $0x7;
	vm5 =	veq.s32 v53, $0x100  }
0xf9: {  	v34 =	vadd.s32 v15, v34;
	_ =	sdelay $0x4  }
0xfa: {  	[tilespmem:v34+s22+$0x0] =	vst.idx.msk vm5, v1  }
0xfb: {  	v34 =	vld [tilespmem:$0x60];
	_ =	sdelay $0x4  }
0xfc: {  	v54 =	vand.u32 $0xFFFFFF00, v34  }
0xfd: {  	v34 =	vshll.u32 v34, $0x7;
	vm6 =	veq.s32 v54, $0x100  }
0xfe: {  	v34 =	vadd.s32 v16, v34;
	_ =	sdelay $0x4  }
0xff: {  	[tilespmem:v34+s22+$0x0] =	vst.idx.msk vm6, v1  }
0x100: {  	v34 =	vld [tilespmem:$0x70];
	_ =	sdelay $0x4  }
0x101: {  	v55 =	vand.u32 $0xFFFFFF00, v34  }
0x102: {  	v34 =	vshll.u32 v34, $0x7;
	vm7 =	veq.s32 v55, $0x100  }
0x103: {  	v34 =	vadd.s32 v17, v34;
	_ =	sdelay $0x4  }
0x104: {  	[tilespmem:v34+s22+$0x0] =	vst.idx.msk vm7, v1  }
0x105: {  	v34 =	vld [tilespmem:$0x0];
	_ =	sdelay $0x4  }
0x106: {  	v56 =	vadd.s32 $0xFFFFFD00, v34  }
0x107: {  	v34 =	vshll.u32 v34, $0x7;
	vm8 =	vlt.u32 v56, $0x101  }
0x108: {  	v34 =	vadd.s32 v26, v34;
	_ =	sdelay $0x4  }
0x109: {  	[tilespmem:v34+s22+$0x0] =	vst.idx.msk vm8, v2  }
0x10a: {  	v34 =	vld [tilespmem:$0x10];
	_ =	sdelay $0x4  }
0x10b: {  	v57 =	vadd.s32 $0xFFFFFD00, v34  }
0x10c: {  	v34 =	vshll.u32 v34, $0x7;
	vm9 =	vlt.u32 v57, $0x101  }
0x10d: {  	v34 =	vadd.s32 v27, v34;
	_ =	sdelay $0x4  }
0x10e: {  	[tilespmem:v34+s22+$0x0] =	vst.idx.msk vm9, v2  }
0x10f: {  	v34 =	vld [tilespmem:$0x20];
	_ =	sdelay $0x4  }
0x110: {  	v58 =	vadd.s32 $0xFFFFFD00, v34  }
0x111: {  	v34 =	vshll.u32 v34, $0x7;
	vm10 =	vlt.u32 v58, $0x101  }
0x112: {  	v34 =	vadd.s32 v28, v34;
	_ =	sdelay $0x4  }
0x113: {  	[tilespmem:v34+s22+$0x0] =	vst.idx.msk vm10, v2  }
0x114: {  	v34 =	vld [tilespmem:$0x30];
	_ =	sdelay $0x4  }
0x115: {  	v59 =	vadd.s32 $0xFFFFFD00, v34  }
0x116: {  	v34 =	vshll.u32 v34, $0x7;
	vm11 =	vlt.u32 v59, $0x101  }
0x117: {  	v34 =	vadd.s32 v29, v34;
	_ =	sdelay $0x4  }
0x118: {  	[tilespmem:v34+s22+$0x0] =	vst.idx.msk vm11, v2  }
0x119: {  	v34 =	vld [tilespmem:$0x40];
	_ =	sdelay $0x4  }
0x11a: {  	v60 =	vadd.s32 $0xFFFFFD00, v34  }
0x11b: {  	v34 =	vshll.u32 v34, $0x7;
	vm12 =	vlt.u32 v60, $0x101  }
0x11c: {  	v34 =	vadd.s32 v30, v34;
	_ =	sdelay $0x4  }
0x11d: {  	[tilespmem:v34+s22+$0x0] =	vst.idx.msk vm12, v2  }
0x11e: {  	v34 =	vld [tilespmem:$0x50];
	_ =	sdelay $0x4  }
0x11f: {  	v61 =	vadd.s32 $0xFFFFFD00, v34  }
0x120: {  	v34 =	vshll.u32 v34, $0x7;
	vm13 =	vlt.u32 v61, $0x101  }
0x121: {  	v34 =	vadd.s32 v31, v34;
	_ =	sdelay $0x4  }
0x122: {  	[tilespmem:v34+s22+$0x0] =	vst.idx.msk vm13, v2  }
0x123: {  	v34 =	vld [tilespmem:$0x60];
	_ =	sdelay $0x4  }
0x124: {  	v62 =	vadd.s32 $0xFFFFFD00, v34  }
0x125: {  	v34 =	vshll.u32 v34, $0x7;
	vm14 =	vlt.u32 v62, $0x101  }
0x126: {  	v34 =	vadd.s32 v32, v34;
	_ =	sdelay $0x4  }
0x127: {  	[tilespmem:v34+s22+$0x0] =	vst.idx.msk vm14, v2  }
0x128: {  	v34 =	vld [tilespmem:$0x70];
	_ =	sdelay $0x4  }
0x129: {  	v63 =	vadd.s32 $0xFFFFFD00, v34  }
0x12a: {  	v34 =	vshll.u32 v34, $0x7;
	vm15 =	vlt.u32 v63, $0x101  }
0x12b: {  	v34 =	vadd.s32 v33, v34;
	_ =	sdelay $0x4  }
0x12c: {  	[tilespmem:v34+s22+$0x0] =	vst.idx.msk vm15, v2  }
0x12d: {  	[hbm4b:s8+s20] =	stream.strided.scatter [tilespmem:s22], [sflag:$0x2], $0x8000, s21, s20, $0x38;
	[tilespmem:$0x11000] =	vst v63  }
0x12e: {  	s29 =	sadd.s32 $0x201000, s8;
	s28 =	simm.s32 $0x0  }
0x12f: {  	[hbm4b:s29+s28] =	stream.linear.scatter [tilespmem:s25], [sflag:$0x2], $0x80, $0x38;
	[tilespmem:$0x11000] =	vst v63  }
0x130: {  	s29 =	simm.s32 $0x80  }
.LBB2_6:
0x131: {  	_ =	swait.ge [sflag:s23], $0x8000  }
0x132: {  	[sflag:s23] =	ssyncset.done $0x0  }
0x133: {  	[sflag:s23] =	ssyncadd.s32 $0xFFFF8000  }
0x134: {  	v34 =	vld [tilespmem:s29+$0xFFFFFF80];
	_ =	sdelay $0x4  }
0x135: {  	v35 =	vand.u32 $0xFFFFFF00, v34  }
0x136: {  	v34 =	vshll.u32 v34, $0x7;
	vm0 =	veq.s32 v35, $0x200  }
0x137: {  	v34 =	vadd.s32 v18, v34;
	_ =	sdelay $0x4  }
0x138: {  	[tilespmem:v34+s19+$0x0] =	vst.idx.msk vm0, v1  }
0x139: {  	v34 =	vld [tilespmem:s29+$0xFFFFFF90];
	_ =	sdelay $0x4  }
0x13a: {  	v42 =	vand.u32 $0xFFFFFF00, v34  }
0x13b: {  	v34 =	vshll.u32 v34, $0x7;
	vm13 =	veq.s32 v42, $0x200  }
0x13c: {  	v34 =	vadd.s32 v19, v34;
	_ =	sdelay $0x4  }
0x13d: {  	[tilespmem:v34+s19+$0x0] =	vst.idx.msk vm13, v1  }
0x13e: {  	v34 =	vld [tilespmem:s29+$0xFFFFFFA0];
	_ =	sdelay $0x4  }
0x13f: {  	v43 =	vand.u32 $0xFFFFFF00, v34  }
0x140: {  	v34 =	vshll.u32 v34, $0x7;
	vm14 =	veq.s32 v43, $0x200  }
0x141: {  	v34 =	vadd.s32 v20, v34;
	_ =	sdelay $0x4  }
0x142: {  	[tilespmem:v34+s19+$0x0] =	vst.idx.msk vm14, v1  }
0x143: {  	v34 =	vld [tilespmem:s29+$0xFFFFFFB0];
	_ =	sdelay $0x4  }
0x144: {  	v44 =	vand.u32 $0xFFFFFF00, v34  }
0x145: {  	v34 =	vshll.u32 v34, $0x7;
	vm15 =	veq.s32 v44, $0x200  }
0x146: {  	v34 =	vadd.s32 v21, v34;
	_ =	sdelay $0x4  }
0x147: {  	[tilespmem:v34+s19+$0x0] =	vst.idx.msk vm15, v1  }
0x148: {  	v34 =	vld [tilespmem:s29+$0xFFFFFFC0];
	_ =	sdelay $0x4  }
0x149: {  	v45 =	vand.u32 $0xFFFFFF00, v34  }
0x14a: {  	v34 =	vshll.u32 v34, $0x7;
	vm4 =	veq.s32 v45, $0x200  }
0x14b: {  	v34 =	vadd.s32 v22, v34;
	_ =	sdelay $0x4  }
0x14c: {  	[tilespmem:v34+s19+$0x0] =	vst.idx.msk vm4, v1  }
0x14d: {  	v34 =	vld [tilespmem:s29+$0xFFFFFFD0];
	_ =	sdelay $0x4  }
0x14e: {  	v46 =	vand.u32 $0xFFFFFF00, v34  }
0x14f: {  	v34 =	vshll.u32 v34, $0x7;
	vm5 =	veq.s32 v46, $0x200  }
0x150: {  	v34 =	vadd.s32 v23, v34;
	_ =	sdelay $0x4  }
0x151: {  	[tilespmem:v34+s19+$0x0] =	vst.idx.msk vm5, v1  }
0x152: {  	v34 =	vld [tilespmem:s29+$0xFFFFFFE0];
	_ =	sdelay $0x4  }
0x153: {  	v47 =	vand.u32 $0xFFFFFF00, v34  }
0x154: {  	v34 =	vshll.u32 v34, $0x7;
	vm6 =	veq.s32 v47, $0x200  }
0x155: {  	v34 =	vadd.s32 v24, v34;
	_ =	sdelay $0x4  }
0x156: {  	[tilespmem:v34+s19+$0x0] =	vst.idx.msk vm6, v1  }
0x157: {  	v34 =	vld [tilespmem:s29+$0xFFFFFFF0];
	_ =	sdelay $0x4  }
0x158: {  	v48 =	vand.u32 $0xFFFFFF00, v34  }
0x159: {  	v34 =	vshll.u32 v34, $0x7;
	vm7 =	veq.s32 v48, $0x200  }
0x15a: {  	v34 =	vadd.s32 v25, v34;
	_ =	sdelay $0x4  }
0x15b: {  	[tilespmem:v34+s19+$0x0] =	vst.idx.msk vm7, v1  }
0x15c: {  	v34 =	vld [tilespmem:s29+$0x0];
	_ =	sdelay $0x4  }
0x15d: {  	vm8 =	vlt.u32 v34, $0x100;
	v34 =	vshll.u32 v34, $0x7  }
0x15e: {  	v34 =	vor.u32 v0, v34;
	_ =	sdelay $0x4  }
0x15f: {  	[tilespmem:v34+s19+$0x0] =	vst.idx.msk vm8, v2  }
0x160: {  	v34 =	vld [tilespmem:s29+$0x10];
	_ =	sdelay $0x4  }
0x161: {  	vm9 =	vlt.u32 v34, $0x100;
	v34 =	vshll.u32 v34, $0x7  }
0x162: {  	v34 =	vor.u32 v3, v34;
	_ =	sdelay $0x4  }
0x163: {  	[tilespmem:v34+s19+$0x0] =	vst.idx.msk vm9, v2  }
0x164: {  	v34 =	vld [tilespmem:s29+$0x20];
	_ =	sdelay $0x4  }
0x165: {  	vm10 =	vlt.u32 v34, $0x100;
	v34 =	vshll.u32 v34, $0x7  }
0x166: {  	v34 =	vor.u32 v4, v34;
	_ =	sdelay $0x4  }
0x167: {  	[tilespmem:v34+s19+$0x0] =	vst.idx.msk vm10, v2  }
0x168: {  	v34 =	vld [tilespmem:s29+$0x30];
	_ =	sdelay $0x4  }
0x169: {  	vm11 =	vlt.u32 v34, $0x100;
	v34 =	vshll.u32 v34, $0x7  }
0x16a: {  	v34 =	vor.u32 v5, v34;
	_ =	sdelay $0x4  }
0x16b: {  	[tilespmem:v34+s19+$0x0] =	vst.idx.msk vm11, v2  }
0x16c: {  	v34 =	vld [tilespmem:s29+$0x40];
	_ =	sdelay $0x4  }
0x16d: {  	vm12 =	vlt.u32 v34, $0x100;
	v34 =	vshll.u32 v34, $0x7  }
0x16e: {  	v34 =	vor.u32 v6, v34;
	_ =	sdelay $0x4  }
0x16f: {  	[tilespmem:v34+s19+$0x0] =	vst.idx.msk vm12, v2  }
0x170: {  	v34 =	vld [tilespmem:s29+$0x50];
	_ =	sdelay $0x4  }
0x171: {  	vm13 =	vlt.u32 v34, $0x100;
	v34 =	vshll.u32 v34, $0x7  }
0x172: {  	v34 =	vor.u32 v7, v34;
	_ =	sdelay $0x4  }
0x173: {  	[tilespmem:v34+s19+$0x0] =	vst.idx.msk vm13, v2  }
0x174: {  	v34 =	vld [tilespmem:s29+$0x60];
	_ =	sdelay $0x4  }
0x175: {  	vm14 =	vlt.u32 v34, $0x100;
	v34 =	vshll.u32 v34, $0x7  }
0x176: {  	v34 =	vor.u32 v8, v34;
	_ =	sdelay $0x4  }
0x177: {  	[tilespmem:v34+s19+$0x0] =	vst.idx.msk vm14, v2  }
0x178: {  	v34 =	vld [tilespmem:s29+$0x70];
	_ =	sdelay $0x4  }
0x179: {  	vm15 =	vlt.u32 v34, $0x100;
	v34 =	vshll.u32 v34, $0x7  }
0x17a: {  	v34 =	vor.u32 v9, v34;
	_ =	sdelay $0x4  }
0x17b: {  	s30 =	sadd.s32 s28, s14;
	[tilespmem:v34+s19+$0x0] =	vst.idx.msk vm15, v2  }
0x17c: {  	[hbm4b:s30+s20] =	stream.strided.scatter [tilespmem:s19], [sflag:$0x1], $0x8000, s21, s20, $0x38;
	[tilespmem:$0x11000] =	vst v63  }
0x17d: {  	_ =	swait.ge [sflag:s24], $0x8080  }
0x17e: {  	[sflag:s24] =	ssyncset.done $0x0  }
0x17f: {  	[sflag:s24] =	ssyncadd.s32 $0xFFFF7F80  }
0x180: {  	v49 =	vld [tilespmem:s29+$0xFFFFFF80];
	_ =	sdelay $0x4  }
0x181: {  	v50 =	vadd.s32 $0xFFFFFD00, v49  }
0x182: {  	v34 =	vshll.u32 v49, $0x7;
	vm4 =	vlt.u32 v50, $0x101  }
0x183: {  	v34 =	vadd.s32 v26, v34;
	_ =	sdelay $0x4  }
0x184: {  	[tilespmem:v34+s22+$0x0] =	vst.idx.msk vm4, v1  }
0x185: {  	v34 =	vld [tilespmem:s29+$0xFFFFFF90];
	_ =	sdelay $0x4  }
0x186: {  	v51 =	vadd.s32 $0xFFFFFD00, v34  }
0x187: {  	v34 =	vshll.u32 v34, $0x7;
	vm5 =	vlt.u32 v51, $0x101  }
0x188: {  	v34 =	vadd.s32 v27, v34;
	_ =	sdelay $0x4  }
0x189: {  	[tilespmem:v34+s22+$0x0] =	vst.idx.msk vm5, v1  }
0x18a: {  	v34 =	vld [tilespmem:s29+$0xFFFFFFA0];
	_ =	sdelay $0x4  }
0x18b: {  	v52 =	vadd.s32 $0xFFFFFD00, v34  }
0x18c: {  	v34 =	vshll.u32 v34, $0x7;
	vm6 =	vlt.u32 v52, $0x101  }
0x18d: {  	v34 =	vadd.s32 v28, v34;
	_ =	sdelay $0x4  }
0x18e: {  	[tilespmem:v34+s22+$0x0] =	vst.idx.msk vm6, v1  }
0x18f: {  	v34 =	vld [tilespmem:s29+$0xFFFFFFB0];
	_ =	sdelay $0x4  }
0x190: {  	v53 =	vadd.s32 $0xFFFFFD00, v34  }
0x191: {  	v34 =	vshll.u32 v34, $0x7;
	vm7 =	vlt.u32 v53, $0x101  }
0x192: {  	v34 =	vadd.s32 v29, v34;
	_ =	sdelay $0x4  }
0x193: {  	[tilespmem:v34+s22+$0x0] =	vst.idx.msk vm7, v1  }
0x194: {  	v34 =	vld [tilespmem:s29+$0xFFFFFFC0];
	_ =	sdelay $0x4  }
0x195: {  	v54 =	vadd.s32 $0xFFFFFD00, v34  }
0x196: {  	v34 =	vshll.u32 v34, $0x7;
	vm8 =	vlt.u32 v54, $0x101  }
0x197: {  	v34 =	vadd.s32 v30, v34;
	_ =	sdelay $0x4  }
0x198: {  	[tilespmem:v34+s22+$0x0] =	vst.idx.msk vm8, v1  }
0x199: {  	v34 =	vld [tilespmem:s29+$0xFFFFFFD0];
	_ =	sdelay $0x4  }
0x19a: {  	v55 =	vadd.s32 $0xFFFFFD00, v34  }
0x19b: {  	v34 =	vshll.u32 v34, $0x7;
	vm9 =	vlt.u32 v55, $0x101  }
0x19c: {  	v34 =	vadd.s32 v31, v34;
	_ =	sdelay $0x4  }
0x19d: {  	[tilespmem:v34+s22+$0x0] =	vst.idx.msk vm9, v1  }
0x19e: {  	v34 =	vld [tilespmem:s29+$0xFFFFFFE0];
	_ =	sdelay $0x4  }
0x19f: {  	v56 =	vadd.s32 $0xFFFFFD00, v34  }
0x1a0: {  	v34 =	vshll.u32 v34, $0x7;
	vm10 =	vlt.u32 v56, $0x101  }
0x1a1: {  	v34 =	vadd.s32 v32, v34;
	_ =	sdelay $0x4  }
0x1a2: {  	[tilespmem:v34+s22+$0x0] =	vst.idx.msk vm10, v1  }
0x1a3: {  	v34 =	vld [tilespmem:s29+$0xFFFFFFF0];
	_ =	sdelay $0x4  }
0x1a4: {  	v57 =	vadd.s32 $0xFFFFFD00, v34  }
0x1a5: {  	v34 =	vshll.u32 v34, $0x7;
	vm11 =	vlt.u32 v57, $0x101  }
0x1a6: {  	v34 =	vadd.s32 v33, v34;
	_ =	sdelay $0x4  }
0x1a7: {  	[tilespmem:v34+s22+$0x0] =	vst.idx.msk vm11, v1  }
0x1a8: {  	v34 =	vld [tilespmem:s29+$0x0];
	_ =	sdelay $0x4  }
0x1a9: {  	v58 =	vand.u32 $0xFFFFFF00, v34  }
0x1aa: {  	v34 =	vshll.u32 v34, $0x7;
	vm12 =	veq.s32 v58, $0x100  }
0x1ab: {  	v34 =	vadd.s32 v10, v34;
	_ =	sdelay $0x4  }
0x1ac: {  	[tilespmem:v34+s22+$0x0] =	vst.idx.msk vm12, v2  }
0x1ad: {  	v34 =	vld [tilespmem:s29+$0x10];
	_ =	sdelay $0x4  }
0x1ae: {  	v59 =	vand.u32 $0xFFFFFF00, v34  }
0x1af: {  	v34 =	vshll.u32 v34, $0x7;
	vm13 =	veq.s32 v59, $0x100  }
0x1b0: {  	v34 =	vadd.s32 v11, v34;
	_ =	sdelay $0x4  }
0x1b1: {  	[tilespmem:v34+s22+$0x0] =	vst.idx.msk vm13, v2  }
0x1b2: {  	v34 =	vld [tilespmem:s29+$0x20];
	_ =	sdelay $0x4  }
0x1b3: {  	v60 =	vand.u32 $0xFFFFFF00, v34  }
0x1b4: {  	v34 =	vshll.u32 v34, $0x7;
	vm14 =	veq.s32 v60, $0x100  }
0x1b5: {  	v34 =	vadd.s32 v12, v34;
	_ =	sdelay $0x4  }
0x1b6: {  	[tilespmem:v34+s22+$0x0] =	vst.idx.msk vm14, v2  }
0x1b7: {  	v34 =	vld [tilespmem:s29+$0x30];
	_ =	sdelay $0x4  }
0x1b8: {  	v61 =	vand.u32 $0xFFFFFF00, v34  }
0x1b9: {  	v34 =	vshll.u32 v34, $0x7;
	vm15 =	veq.s32 v61, $0x100  }
0x1ba: {  	v34 =	vadd.s32 v13, v34;
	_ =	sdelay $0x4  }
0x1bb: {  	[tilespmem:v34+s22+$0x0] =	vst.idx.msk vm15, v2  }
0x1bc: {  	v34 =	vld [tilespmem:s29+$0x40];
	_ =	sdelay $0x4  }
0x1bd: {  	v62 =	vand.u32 $0xFFFFFF00, v34  }
0x1be: {  	v34 =	vshll.u32 v34, $0x7;
	vm4 =	veq.s32 v62, $0x100  }
0x1bf: {  	v34 =	vadd.s32 v14, v34;
	_ =	sdelay $0x4  }
0x1c0: {  	[tilespmem:v34+s22+$0x0] =	vst.idx.msk vm4, v2  }
0x1c1: {  	v34 =	vld [tilespmem:s29+$0x50];
	_ =	sdelay $0x4  }
0x1c2: {  	v63 =	vand.u32 $0xFFFFFF00, v34  }
0x1c3: {  	v34 =	vshll.u32 v34, $0x7;
	vm5 =	veq.s32 v63, $0x100  }
0x1c4: {  	v34 =	vadd.s32 v15, v34;
	_ =	sdelay $0x4  }
0x1c5: {  	[tilespmem:v34+s22+$0x0] =	vst.idx.msk vm5, v2  }
0x1c6: {  	v34 =	vld [tilespmem:s29+$0x60];
	_ =	sdelay $0x4  }
0x1c7: {  	v36 =	vand.u32 $0xFFFFFF00, v34  }
0x1c8: {  	v34 =	vshll.u32 v34, $0x7;
	vm6 =	veq.s32 v36, $0x100  }
0x1c9: {  	v34 =	vadd.s32 v16, v34;
	_ =	sdelay $0x4  }
0x1ca: {  	[tilespmem:v34+s22+$0x0] =	vst.idx.msk vm6, v2  }
0x1cb: {  	v34 =	vld [tilespmem:s29+$0x70];
	_ =	sdelay $0x4  }
0x1cc: {  	v37 =	vand.u32 $0xFFFFFF00, v34  }
0x1cd: {  	v34 =	vshll.u32 v34, $0x7;
	vm7 =	veq.s32 v37, $0x100  }
0x1ce: {  	v34 =	vadd.s32 v17, v34;
	_ =	sdelay $0x4  }
0x1cf: {  	s31 =	sadd.s32 s28, s15;
	[tilespmem:v34+s22+$0x0] =	vst.idx.msk vm7, v2  }
0x1d0: {  	[hbm4b:s31+s20] =	stream.strided.scatter [tilespmem:s22], [sflag:$0x2], $0x8000, s21, s20, $0x38;
	[tilespmem:$0x11000] =	vst v63  }
0x1d1: {  	_ =	swait.ge [sflag:s23], $0x8000  }
0x1d2: {  	[sflag:s23] =	ssyncset.done $0x0  }
0x1d3: {  	[sflag:s23] =	ssyncadd.s32 $0xFFFF8000  }
0x1d4: {  	v38 =	vld [tilespmem:s29+$0x0];
	_ =	sdelay $0x4  }
0x1d5: {  	vm8 =	vlt.u32 v38, $0x100;
	v34 =	vshll.u32 v38, $0x7  }
0x1d6: {  	v34 =	vor.u32 v0, v34;
	_ =	sdelay $0x4  }
0x1d7: {  	[tilespmem:v34+s19+$0x0] =	vst.idx.msk vm8, v1  }
0x1d8: {  	v34 =	vld [tilespmem:s29+$0x10];
	_ =	sdelay $0x4  }
0x1d9: {  	vm9 =	vlt.u32 v34, $0x100;
	v34 =	vshll.u32 v34, $0x7  }
0x1da: {  	v34 =	vor.u32 v3, v34;
	_ =	sdelay $0x4  }
0x1db: {  	[tilespmem:v34+s19+$0x0] =	vst.idx.msk vm9, v1  }
0x1dc: {  	v34 =	vld [tilespmem:s29+$0x20];
	_ =	sdelay $0x4  }
0x1dd: {  	vm10 =	vlt.u32 v34, $0x100;
	v34 =	vshll.u32 v34, $0x7  }
0x1de: {  	v34 =	vor.u32 v4, v34;
	_ =	sdelay $0x4  }
0x1df: {  	[tilespmem:v34+s19+$0x0] =	vst.idx.msk vm10, v1  }
0x1e0: {  	v34 =	vld [tilespmem:s29+$0x30];
	_ =	sdelay $0x4  }
0x1e1: {  	vm11 =	vlt.u32 v34, $0x100;
	v34 =	vshll.u32 v34, $0x7  }
0x1e2: {  	v34 =	vor.u32 v5, v34;
	_ =	sdelay $0x4  }
0x1e3: {  	[tilespmem:v34+s19+$0x0] =	vst.idx.msk vm11, v1  }
0x1e4: {  	v34 =	vld [tilespmem:s29+$0x40];
	_ =	sdelay $0x4  }
0x1e5: {  	vm12 =	vlt.u32 v34, $0x100;
	v34 =	vshll.u32 v34, $0x7  }
0x1e6: {  	v34 =	vor.u32 v6, v34;
	_ =	sdelay $0x4  }
0x1e7: {  	[tilespmem:v34+s19+$0x0] =	vst.idx.msk vm12, v1  }
0x1e8: {  	v34 =	vld [tilespmem:s29+$0x50];
	_ =	sdelay $0x4  }
0x1e9: {  	vm13 =	vlt.u32 v34, $0x100;
	v34 =	vshll.u32 v34, $0x7  }
0x1ea: {  	v34 =	vor.u32 v7, v34;
	_ =	sdelay $0x4  }
0x1eb: {  	[tilespmem:v34+s19+$0x0] =	vst.idx.msk vm13, v1  }
0x1ec: {  	v34 =	vld [tilespmem:s29+$0x60];
	_ =	sdelay $0x4  }
0x1ed: {  	vm14 =	vlt.u32 v34, $0x100;
	v34 =	vshll.u32 v34, $0x7  }
0x1ee: {  	v34 =	vor.u32 v8, v34;
	_ =	sdelay $0x4  }
0x1ef: {  	[tilespmem:v34+s19+$0x0] =	vst.idx.msk vm14, v1  }
0x1f0: {  	v34 =	vld [tilespmem:s29+$0x70];
	_ =	sdelay $0x4  }
0x1f1: {  	vm15 =	vlt.u32 v34, $0x100;
	v34 =	vshll.u32 v34, $0x7  }
0x1f2: {  	v34 =	vor.u32 v9, v34;
	_ =	sdelay $0x4  }
0x1f3: {  	[tilespmem:v34+s19+$0x0] =	vst.idx.msk vm15, v1  }
0x1f4: {  	v34 =	vld [tilespmem:s29+$0x0];
	_ =	sdelay $0x4  }
0x1f5: {  	v39 =	vand.u32 $0xFFFFFF00, v34  }
0x1f6: {  	v34 =	vshll.u32 v34, $0x7;
	vm4 =	veq.s32 v39, $0x200  }
0x1f7: {  	v34 =	vadd.s32 v18, v34;
	_ =	sdelay $0x4  }
0x1f8: {  	[tilespmem:v34+s19+$0x0] =	vst.idx.msk vm4, v2  }
0x1f9: {  	v34 =	vld [tilespmem:s29+$0x10];
	_ =	sdelay $0x4  }
0x1fa: {  	v40 =	vand.u32 $0xFFFFFF00, v34  }
0x1fb: {  	v34 =	vshll.u32 v34, $0x7;
	vm5 =	veq.s32 v40, $0x200  }
0x1fc: {  	v34 =	vadd.s32 v19, v34;
	_ =	sdelay $0x4  }
0x1fd: {  	[tilespmem:v34+s19+$0x0] =	vst.idx.msk vm5, v2  }
0x1fe: {  	v34 =	vld [tilespmem:s29+$0x20];
	_ =	sdelay $0x4  }
0x1ff: {  	v41 =	vand.u32 $0xFFFFFF00, v34  }
0x200: {  	v34 =	vshll.u32 v34, $0x7;
	vm6 =	veq.s32 v41, $0x200  }
0x201: {  	v34 =	vadd.s32 v20, v34;
	_ =	sdelay $0x4  }
0x202: {  	[tilespmem:v34+s19+$0x0] =	vst.idx.msk vm6, v2  }
0x203: {  	v34 =	vld [tilespmem:s29+$0x30];
	_ =	sdelay $0x4  }
0x204: {  	v42 =	vand.u32 $0xFFFFFF00, v34  }
0x205: {  	v34 =	vshll.u32 v34, $0x7;
	vm7 =	veq.s32 v42, $0x200  }
0x206: {  	v34 =	vadd.s32 v21, v34;
	_ =	sdelay $0x4  }
0x207: {  	[tilespmem:v34+s19+$0x0] =	vst.idx.msk vm7, v2  }
0x208: {  	v34 =	vld [tilespmem:s29+$0x40];
	_ =	sdelay $0x4  }
0x209: {  	v43 =	vand.u32 $0xFFFFFF00, v34  }
0x20a: {  	v34 =	vshll.u32 v34, $0x7;
	vm8 =	veq.s32 v43, $0x200  }
0x20b: {  	v34 =	vadd.s32 v22, v34;
	_ =	sdelay $0x4  }
0x20c: {  	[tilespmem:v34+s19+$0x0] =	vst.idx.msk vm8, v2  }
0x20d: {  	v34 =	vld [tilespmem:s29+$0x50];
	_ =	sdelay $0x4  }
0x20e: {  	v44 =	vand.u32 $0xFFFFFF00, v34  }
0x20f: {  	v34 =	vshll.u32 v34, $0x7;
	vm9 =	veq.s32 v44, $0x200  }
0x210: {  	v34 =	vadd.s32 v23, v34;
	_ =	sdelay $0x4  }
0x211: {  	[tilespmem:v34+s19+$0x0] =	vst.idx.msk vm9, v2  }
0x212: {  	v34 =	vld [tilespmem:s29+$0x60];
	_ =	sdelay $0x4  }
0x213: {  	v45 =	vand.u32 $0xFFFFFF00, v34  }
0x214: {  	v34 =	vshll.u32 v34, $0x7;
	vm10 =	veq.s32 v45, $0x200  }
0x215: {  	v34 =	vadd.s32 v24, v34;
	_ =	sdelay $0x4  }
0x216: {  	[tilespmem:v34+s19+$0x0] =	vst.idx.msk vm10, v2  }
0x217: {  	v34 =	vld [tilespmem:s29+$0x70];
	_ =	sdelay $0x4  }
0x218: {  	v46 =	vand.u32 $0xFFFFFF00, v34  }
0x219: {  	v34 =	vshll.u32 v34, $0x7;
	vm11 =	veq.s32 v46, $0x200  }
0x21a: {  	v34 =	vadd.s32 v25, v34;
	_ =	sdelay $0x4  }
0x21b: {  	s31 =	sadd.s32 s28, s16;
	[tilespmem:v34+s19+$0x0] =	vst.idx.msk vm11, v2  }
0x21c: {  	[hbm4b:s31+s20] =	stream.strided.scatter [tilespmem:s19], [sflag:$0x1], $0x8000, s21, s20, $0x38;
	[tilespmem:$0x11000] =	vst v63  }
0x21d: {  	_ =	swait.ge [sflag:s24], $0x8000  }
0x21e: {  	[sflag:s24] =	ssyncset.done $0x0  }
0x21f: {  	[sflag:s24] =	ssyncadd.s32 $0xFFFF8000  }
0x220: {  	v47 =	vld [tilespmem:s29+$0x0];
	_ =	sdelay $0x4  }
0x221: {  	v48 =	vand.u32 $0xFFFFFF00, v47  }
0x222: {  	v34 =	vshll.u32 v47, $0x7;
	vm12 =	veq.s32 v48, $0x100  }
0x223: {  	v34 =	vadd.s32 v10, v34;
	_ =	sdelay $0x4  }
0x224: {  	[tilespmem:v34+s22+$0x0] =	vst.idx.msk vm12, v1  }
0x225: {  	v34 =	vld [tilespmem:s29+$0x10];
	_ =	sdelay $0x4  }
0x226: {  	v49 =	vand.u32 $0xFFFFFF00, v34  }
0x227: {  	v34 =	vshll.u32 v34, $0x7;
	vm13 =	veq.s32 v49, $0x100  }
0x228: {  	v34 =	vadd.s32 v11, v34;
	_ =	sdelay $0x4  }
0x229: {  	[tilespmem:v34+s22+$0x0] =	vst.idx.msk vm13, v1  }
0x22a: {  	v34 =	vld [tilespmem:s29+$0x20];
	_ =	sdelay $0x4  }
0x22b: {  	v50 =	vand.u32 $0xFFFFFF00, v34  }
0x22c: {  	v34 =	vshll.u32 v34, $0x7;
	vm14 =	veq.s32 v50, $0x100  }
0x22d: {  	v34 =	vadd.s32 v12, v34;
	_ =	sdelay $0x4  }
0x22e: {  	[tilespmem:v34+s22+$0x0] =	vst.idx.msk vm14, v1  }
0x22f: {  	v34 =	vld [tilespmem:s29+$0x30];
	_ =	sdelay $0x4  }
0x230: {  	v51 =	vand.u32 $0xFFFFFF00, v34  }
0x231: {  	v34 =	vshll.u32 v34, $0x7;
	vm15 =	veq.s32 v51, $0x100  }
0x232: {  	v34 =	vadd.s32 v13, v34;
	_ =	sdelay $0x4  }
0x233: {  	[tilespmem:v34+s22+$0x0] =	vst.idx.msk vm15, v1  }
0x234: {  	v34 =	vld [tilespmem:s29+$0x40];
	_ =	sdelay $0x4  }
0x235: {  	v52 =	vand.u32 $0xFFFFFF00, v34  }
0x236: {  	v34 =	vshll.u32 v34, $0x7;
	vm4 =	veq.s32 v52, $0x100  }
0x237: {  	v34 =	vadd.s32 v14, v34;
	_ =	sdelay $0x4  }
0x238: {  	[tilespmem:v34+s22+$0x0] =	vst.idx.msk vm4, v1  }
0x239: {  	v34 =	vld [tilespmem:s29+$0x50];
	_ =	sdelay $0x4  }
0x23a: {  	v53 =	vand.u32 $0xFFFFFF00, v34  }
0x23b: {  	v34 =	vshll.u32 v34, $0x7;
	vm5 =	veq.s32 v53, $0x100  }
0x23c: {  	v34 =	vadd.s32 v15, v34;
	_ =	sdelay $0x4  }
0x23d: {  	[tilespmem:v34+s22+$0x0] =	vst.idx.msk vm5, v1  }
0x23e: {  	v34 =	vld [tilespmem:s29+$0x60];
	_ =	sdelay $0x4  }
0x23f: {  	v54 =	vand.u32 $0xFFFFFF00, v34  }
0x240: {  	v34 =	vshll.u32 v34, $0x7;
	vm6 =	veq.s32 v54, $0x100  }
0x241: {  	v34 =	vadd.s32 v16, v34;
	_ =	sdelay $0x4  }
0x242: {  	[tilespmem:v34+s22+$0x0] =	vst.idx.msk vm6, v1  }
0x243: {  	v34 =	vld [tilespmem:s29+$0x70];
	_ =	sdelay $0x4  }
0x244: {  	v55 =	vand.u32 $0xFFFFFF00, v34  }
0x245: {  	v34 =	vshll.u32 v34, $0x7;
	vm7 =	veq.s32 v55, $0x100  }
0x246: {  	v34 =	vadd.s32 v17, v34;
	_ =	sdelay $0x4  }
0x247: {  	[tilespmem:v34+s22+$0x0] =	vst.idx.msk vm7, v1  }
0x248: {  	v34 =	vld [tilespmem:s29+$0x0];
	_ =	sdelay $0x4  }
0x249: {  	v56 =	vadd.s32 $0xFFFFFD00, v34  }
0x24a: {  	v34 =	vshll.u32 v34, $0x7;
	vm8 =	vlt.u32 v56, $0x101  }
0x24b: {  	v34 =	vadd.s32 v26, v34;
	_ =	sdelay $0x4  }
0x24c: {  	[tilespmem:v34+s22+$0x0] =	vst.idx.msk vm8, v2  }
0x24d: {  	v34 =	vld [tilespmem:s29+$0x10];
	_ =	sdelay $0x4  }
0x24e: {  	v57 =	vadd.s32 $0xFFFFFD00, v34  }
0x24f: {  	v34 =	vshll.u32 v34, $0x7;
	vm9 =	vlt.u32 v57, $0x101  }
0x250: {  	v34 =	vadd.s32 v27, v34;
	_ =	sdelay $0x4  }
0x251: {  	[tilespmem:v34+s22+$0x0] =	vst.idx.msk vm9, v2  }
0x252: {  	v34 =	vld [tilespmem:s29+$0x20];
	_ =	sdelay $0x4  }
0x253: {  	v58 =	vadd.s32 $0xFFFFFD00, v34  }
0x254: {  	v34 =	vshll.u32 v34, $0x7;
	vm10 =	vlt.u32 v58, $0x101  }
0x255: {  	v34 =	vadd.s32 v28, v34;
	_ =	sdelay $0x4  }
0x256: {  	[tilespmem:v34+s22+$0x0] =	vst.idx.msk vm10, v2  }
0x257: {  	v34 =	vld [tilespmem:s29+$0x30];
	_ =	sdelay $0x4  }
0x258: {  	v59 =	vadd.s32 $0xFFFFFD00, v34  }
0x259: {  	v34 =	vshll.u32 v34, $0x7;
	vm11 =	vlt.u32 v59, $0x101  }
0x25a: {  	v34 =	vadd.s32 v29, v34;
	_ =	sdelay $0x4  }
0x25b: {  	[tilespmem:v34+s22+$0x0] =	vst.idx.msk vm11, v2  }
0x25c: {  	v34 =	vld [tilespmem:s29+$0x40];
	_ =	sdelay $0x4  }
0x25d: {  	v60 =	vadd.s32 $0xFFFFFD00, v34  }
0x25e: {  	v34 =	vshll.u32 v34, $0x7;
	vm12 =	vlt.u32 v60, $0x101  }
0x25f: {  	v34 =	vadd.s32 v30, v34;
	_ =	sdelay $0x4  }
0x260: {  	[tilespmem:v34+s22+$0x0] =	vst.idx.msk vm12, v2  }
0x261: {  	v34 =	vld [tilespmem:s29+$0x50];
	_ =	sdelay $0x4  }
0x262: {  	v61 =	vadd.s32 $0xFFFFFD00, v34  }
0x263: {  	v34 =	vshll.u32 v34, $0x7;
	vm13 =	vlt.u32 v61, $0x101  }
0x264: {  	v34 =	vadd.s32 v31, v34;
	_ =	sdelay $0x4  }
0x265: {  	[tilespmem:v34+s22+$0x0] =	vst.idx.msk vm13, v2  }
0x266: {  	v34 =	vld [tilespmem:s29+$0x60];
	_ =	sdelay $0x4  }
0x267: {  	v62 =	vadd.s32 $0xFFFFFD00, v34  }
0x268: {  	v34 =	vshll.u32 v34, $0x7;
	vm14 =	vlt.u32 v62, $0x101  }
0x269: {  	v34 =	vadd.s32 v32, v34;
	_ =	sdelay $0x4  }
0x26a: {  	[tilespmem:v34+s22+$0x0] =	vst.idx.msk vm14, v2  }
0x26b: {  	v34 =	vld [tilespmem:s29+$0x70];
	_ =	sdelay $0x4  }
0x26c: {  	v63 =	vadd.s32 $0xFFFFFD00, v34  }
0x26d: {  	v34 =	vshll.u32 v34, $0x7;
	vm15 =	vlt.u32 v63, $0x101  }
0x26e: {  	v34 =	vadd.s32 v33, v34;
	_ =	sdelay $0x2  }
0x26f: {  	p1 =	sne.s32 s28, $0x700  }
.Ltmp4:
0x270: {  	_ = 	snop;
	(pc) =	sbr.rel @p1 .LBB2_6-.Ltmp4, $4  }
0x271: {  	s31 =	sadd.s32 s28, s17;
	[tilespmem:v34+s22+$0x0] =	vst.idx.msk vm15, v2  }
0x272: {  	[hbm4b:s31+s20] =	stream.strided.scatter [tilespmem:s22], [sflag:$0x2], $0x8000, s21, s20, $0x38;
	[tilespmem:$0x11000] =	vst v63  }
0x273: {  	s28 =	sadd.s32 $0x80, s28;
	s30 =	sadd.s32 $0x201000, s31;
	s29 =	sadd.s32 $0x80, s29  }
0x274: {  	[hbm4b:s30+s2] =	stream.linear.scatter [tilespmem:s25], [sflag:$0x2], $0x80, $0x38;
	[tilespmem:$0x11000] =	vst v63  }
.Ltmp5:
0x275: {  	(pc) =	sbr.rel @p0 .LBB2_9-.Ltmp5, $1  }
0x276: {  	_ =	sdelay $0x3  }
0x277: {  	_ =	swait.ge [sflag:s23], $0x8000  }
0x278: {  	[sflag:s23] =	ssyncset.done $0x0  }
0x279: {  	[sflag:s23] =	ssyncadd.s32 $0xFFFF8000  }
0x27a: {  	v34 =	vld [tilespmem:$0x780];
	_ =	sdelay $0x4  }
0x27b: {  	v35 =	vand.u32 $0xFFFFFF00, v34  }
0x27c: {  	v34 =	vshll.u32 v34, $0x7;
	vm0 =	veq.s32 v35, $0x200  }
0x27d: {  	v34 =	vadd.s32 v18, v34;
	_ =	sdelay $0x4  }
0x27e: {  	[tilespmem:v34+s19+$0x0] =	vst.idx.msk vm0, v1  }
0x27f: {  	v34 =	vld [tilespmem:$0x790];
	_ =	sdelay $0x4  }
0x280: {  	v42 =	vand.u32 $0xFFFFFF00, v34  }
0x281: {  	v34 =	vshll.u32 v34, $0x7;
	vm13 =	veq.s32 v42, $0x200  }
0x282: {  	v34 =	vadd.s32 v19, v34;
	_ =	sdelay $0x4  }
0x283: {  	[tilespmem:v34+s19+$0x0] =	vst.idx.msk vm13, v1  }
0x284: {  	v34 =	vld [tilespmem:$0x7A0];
	_ =	sdelay $0x4  }
0x285: {  	v43 =	vand.u32 $0xFFFFFF00, v34  }
0x286: {  	v34 =	vshll.u32 v34, $0x7;
	vm14 =	veq.s32 v43, $0x200  }
0x287: {  	v34 =	vadd.s32 v20, v34;
	_ =	sdelay $0x4  }
0x288: {  	[tilespmem:v34+s19+$0x0] =	vst.idx.msk vm14, v1  }
0x289: {  	v34 =	vld [tilespmem:$0x7B0];
	_ =	sdelay $0x4  }
0x28a: {  	v44 =	vand.u32 $0xFFFFFF00, v34  }
0x28b: {  	v34 =	vshll.u32 v34, $0x7;
	vm15 =	veq.s32 v44, $0x200  }
0x28c: {  	v34 =	vadd.s32 v21, v34;
	_ =	sdelay $0x4  }
0x28d: {  	[tilespmem:v34+s19+$0x0] =	vst.idx.msk vm15, v1  }
0x28e: {  	v34 =	vld [tilespmem:$0x7C0];
	_ =	sdelay $0x4  }
0x28f: {  	v45 =	vand.u32 $0xFFFFFF00, v34  }
0x290: {  	v34 =	vshll.u32 v34, $0x7;
	vm4 =	veq.s32 v45, $0x200  }
0x291: {  	v34 =	vadd.s32 v22, v34;
	_ =	sdelay $0x4  }
0x292: {  	[tilespmem:v34+s19+$0x0] =	vst.idx.msk vm4, v1  }
0x293: {  	v34 =	vld [tilespmem:$0x7D0];
	_ =	sdelay $0x4  }
0x294: {  	v46 =	vand.u32 $0xFFFFFF00, v34  }
0x295: {  	v34 =	vshll.u32 v34, $0x7;
	vm5 =	veq.s32 v46, $0x200  }
0x296: {  	v34 =	vadd.s32 v23, v34;
	_ =	sdelay $0x4  }
0x297: {  	[tilespmem:v34+s19+$0x0] =	vst.idx.msk vm5, v1  }
0x298: {  	v34 =	vld [tilespmem:$0x7E0];
	_ =	sdelay $0x4  }
0x299: {  	v47 =	vand.u32 $0xFFFFFF00, v34  }
0x29a: {  	v34 =	vshll.u32 v34, $0x7;
	vm6 =	veq.s32 v47, $0x200  }
0x29b: {  	v34 =	vadd.s32 v24, v34;
	_ =	sdelay $0x4  }
0x29c: {  	[tilespmem:v34+s19+$0x0] =	vst.idx.msk vm6, v1  }
0x29d: {  	v34 =	vld [tilespmem:$0x7F0];
	_ =	sdelay $0x4  }
0x29e: {  	v48 =	vand.u32 $0xFFFFFF00, v34  }
0x29f: {  	v34 =	vshll.u32 v34, $0x7;
	vm7 =	veq.s32 v48, $0x200  }
0x2a0: {  	v34 =	vadd.s32 v25, v34;
	_ =	sdelay $0x4  }
0x2a1: {  	[tilespmem:v34+s19+$0x0] =	vst.idx.msk vm7, v1  }
0x2a2: {  	v34 =	vld [tilespmem:$0x800];
	_ =	sdelay $0x4  }
0x2a3: {  	vm8 =	vlt.u32 v34, $0x100;
	v34 =	vshll.u32 v34, $0x7  }
0x2a4: {  	v34 =	vor.u32 v0, v34;
	_ =	sdelay $0x4  }
0x2a5: {  	[tilespmem:v34+s19+$0x0] =	vst.idx.msk vm8, v2  }
0x2a6: {  	v34 =	vld [tilespmem:$0x810];
	_ =	sdelay $0x4  }
0x2a7: {  	vm9 =	vlt.u32 v34, $0x100;
	v34 =	vshll.u32 v34, $0x7  }
0x2a8: {  	v34 =	vor.u32 v3, v34;
	_ =	sdelay $0x4  }
0x2a9: {  	[tilespmem:v34+s19+$0x0] =	vst.idx.msk vm9, v2  }
0x2aa: {  	v34 =	vld [tilespmem:$0x820];
	_ =	sdelay $0x4  }
0x2ab: {  	vm10 =	vlt.u32 v34, $0x100;
	v34 =	vshll.u32 v34, $0x7  }
0x2ac: {  	v34 =	vor.u32 v4, v34;
	_ =	sdelay $0x4  }
0x2ad: {  	[tilespmem:v34+s19+$0x0] =	vst.idx.msk vm10, v2  }
0x2ae: {  	v34 =	vld [tilespmem:$0x830];
	_ =	sdelay $0x4  }
0x2af: {  	vm11 =	vlt.u32 v34, $0x100;
	v34 =	vshll.u32 v34, $0x7  }
0x2b0: {  	v34 =	vor.u32 v5, v34;
	_ =	sdelay $0x4  }
0x2b1: {  	[tilespmem:v34+s19+$0x0] =	vst.idx.msk vm11, v2  }
0x2b2: {  	v34 =	vld [tilespmem:$0x840];
	_ =	sdelay $0x4  }
0x2b3: {  	vm12 =	vlt.u32 v34, $0x100;
	v34 =	vshll.u32 v34, $0x7  }
0x2b4: {  	v34 =	vor.u32 v6, v34;
	_ =	sdelay $0x4  }
0x2b5: {  	[tilespmem:v34+s19+$0x0] =	vst.idx.msk vm12, v2  }
0x2b6: {  	v34 =	vld [tilespmem:$0x850];
	_ =	sdelay $0x4  }
0x2b7: {  	vm13 =	vlt.u32 v34, $0x100;
	v34 =	vshll.u32 v34, $0x7  }
0x2b8: {  	v34 =	vor.u32 v7, v34;
	_ =	sdelay $0x4  }
0x2b9: {  	[tilespmem:v34+s19+$0x0] =	vst.idx.msk vm13, v2  }
0x2ba: {  	v34 =	vld [tilespmem:$0x860];
	_ =	sdelay $0x4  }
0x2bb: {  	vm14 =	vlt.u32 v34, $0x100;
	v34 =	vshll.u32 v34, $0x7  }
0x2bc: {  	v34 =	vor.u32 v8, v34;
	_ =	sdelay $0x4  }
0x2bd: {  	[tilespmem:v34+s19+$0x0] =	vst.idx.msk vm14, v2  }
0x2be: {  	v34 =	vld [tilespmem:$0x870];
	_ =	sdelay $0x4  }
0x2bf: {  	vm15 =	vlt.u32 v34, $0x100;
	v34 =	vshll.u32 v34, $0x7  }
0x2c0: {  	v34 =	vor.u32 v9, v34;
	_ =	sdelay $0x4  }
0x2c1: {  	[tilespmem:v34+s19+$0x0] =	vst.idx.msk vm15, v2  }
0x2c2: {  	[hbm4b:s9+s20] =	stream.strided.scatter [tilespmem:s19], [sflag:$0x1], $0x8000, s21, s20, $0x38;
	[tilespmem:$0x11000] =	vst v63  }
0x2c3: {  	_ =	swait.ge [sflag:s24], $0x8080  }
0x2c4: {  	[sflag:s24] =	ssyncset.done $0x0  }
0x2c5: {  	[sflag:s24] =	ssyncadd.s32 $0xFFFF7F80  }
0x2c6: {  	v49 =	vld [tilespmem:$0x780];
	_ =	sdelay $0x4  }
0x2c7: {  	v50 =	vadd.s32 $0xFFFFFD00, v49  }
0x2c8: {  	v34 =	vshll.u32 v49, $0x7;
	vm4 =	vlt.u32 v50, $0x101  }
0x2c9: {  	v34 =	vadd.s32 v26, v34;
	_ =	sdelay $0x4  }
0x2ca: {  	[tilespmem:v34+s22+$0x0] =	vst.idx.msk vm4, v1  }
0x2cb: {  	v34 =	vld [tilespmem:$0x790];
	_ =	sdelay $0x4  }
0x2cc: {  	v51 =	vadd.s32 $0xFFFFFD00, v34  }
0x2cd: {  	v34 =	vshll.u32 v34, $0x7;
	vm5 =	vlt.u32 v51, $0x101  }
0x2ce: {  	v34 =	vadd.s32 v27, v34;
	_ =	sdelay $0x4  }
0x2cf: {  	[tilespmem:v34+s22+$0x0] =	vst.idx.msk vm5, v1  }
0x2d0: {  	v34 =	vld [tilespmem:$0x7A0];
	_ =	sdelay $0x4  }
0x2d1: {  	v52 =	vadd.s32 $0xFFFFFD00, v34  }
0x2d2: {  	v34 =	vshll.u32 v34, $0x7;
	vm6 =	vlt.u32 v52, $0x101  }
0x2d3: {  	v34 =	vadd.s32 v28, v34;
	_ =	sdelay $0x4  }
0x2d4: {  	[tilespmem:v34+s22+$0x0] =	vst.idx.msk vm6, v1  }
0x2d5: {  	v34 =	vld [tilespmem:$0x7B0];
	_ =	sdelay $0x4  }
0x2d6: {  	v53 =	vadd.s32 $0xFFFFFD00, v34  }
0x2d7: {  	v34 =	vshll.u32 v34, $0x7;
	vm7 =	vlt.u32 v53, $0x101  }
0x2d8: {  	v34 =	vadd.s32 v29, v34;
	_ =	sdelay $0x4  }
0x2d9: {  	[tilespmem:v34+s22+$0x0] =	vst.idx.msk vm7, v1  }
0x2da: {  	v34 =	vld [tilespmem:$0x7C0];
	_ =	sdelay $0x4  }
0x2db: {  	v54 =	vadd.s32 $0xFFFFFD00, v34  }
0x2dc: {  	v34 =	vshll.u32 v34, $0x7;
	vm8 =	vlt.u32 v54, $0x101  }
0x2dd: {  	v34 =	vadd.s32 v30, v34;
	_ =	sdelay $0x4  }
0x2de: {  	[tilespmem:v34+s22+$0x0] =	vst.idx.msk vm8, v1  }
0x2df: {  	v34 =	vld [tilespmem:$0x7D0];
	_ =	sdelay $0x4  }
0x2e0: {  	v55 =	vadd.s32 $0xFFFFFD00, v34  }
0x2e1: {  	v34 =	vshll.u32 v34, $0x7;
	vm9 =	vlt.u32 v55, $0x101  }
0x2e2: {  	v34 =	vadd.s32 v31, v34;
	_ =	sdelay $0x4  }
0x2e3: {  	[tilespmem:v34+s22+$0x0] =	vst.idx.msk vm9, v1  }
0x2e4: {  	v34 =	vld [tilespmem:$0x7E0];
	_ =	sdelay $0x4  }
0x2e5: {  	v56 =	vadd.s32 $0xFFFFFD00, v34  }
0x2e6: {  	v34 =	vshll.u32 v34, $0x7;
	vm10 =	vlt.u32 v56, $0x101  }
0x2e7: {  	v34 =	vadd.s32 v32, v34;
	_ =	sdelay $0x4  }
0x2e8: {  	[tilespmem:v34+s22+$0x0] =	vst.idx.msk vm10, v1  }
0x2e9: {  	v34 =	vld [tilespmem:$0x7F0];
	_ =	sdelay $0x4  }
0x2ea: {  	v57 =	vadd.s32 $0xFFFFFD00, v34  }
0x2eb: {  	v34 =	vshll.u32 v34, $0x7;
	vm11 =	vlt.u32 v57, $0x101  }
0x2ec: {  	v34 =	vadd.s32 v33, v34;
	_ =	sdelay $0x4  }
0x2ed: {  	[tilespmem:v34+s22+$0x0] =	vst.idx.msk vm11, v1  }
0x2ee: {  	v34 =	vld [tilespmem:$0x800];
	_ =	sdelay $0x4  }
0x2ef: {  	v58 =	vand.u32 $0xFFFFFF00, v34  }
0x2f0: {  	v34 =	vshll.u32 v34, $0x7;
	vm12 =	veq.s32 v58, $0x100  }
0x2f1: {  	v34 =	vadd.s32 v10, v34;
	_ =	sdelay $0x4  }
0x2f2: {  	[tilespmem:v34+s22+$0x0] =	vst.idx.msk vm12, v2  }
0x2f3: {  	v34 =	vld [tilespmem:$0x810];
	_ =	sdelay $0x4  }
0x2f4: {  	v59 =	vand.u32 $0xFFFFFF00, v34  }
0x2f5: {  	v34 =	vshll.u32 v34, $0x7;
	vm13 =	veq.s32 v59, $0x100  }
0x2f6: {  	v34 =	vadd.s32 v11, v34;
	_ =	sdelay $0x4  }
0x2f7: {  	[tilespmem:v34+s22+$0x0] =	vst.idx.msk vm13, v2  }
0x2f8: {  	v34 =	vld [tilespmem:$0x820];
	_ =	sdelay $0x4  }
0x2f9: {  	v60 =	vand.u32 $0xFFFFFF00, v34  }
0x2fa: {  	v34 =	vshll.u32 v34, $0x7;
	vm14 =	veq.s32 v60, $0x100  }
0x2fb: {  	v34 =	vadd.s32 v12, v34;
	_ =	sdelay $0x4  }
0x2fc: {  	[tilespmem:v34+s22+$0x0] =	vst.idx.msk vm14, v2  }
0x2fd: {  	v34 =	vld [tilespmem:$0x830];
	_ =	sdelay $0x4  }
0x2fe: {  	v61 =	vand.u32 $0xFFFFFF00, v34  }
0x2ff: {  	v34 =	vshll.u32 v34, $0x7;
	vm15 =	veq.s32 v61, $0x100  }
0x300: {  	v34 =	vadd.s32 v13, v34;
	_ =	sdelay $0x4  }
0x301: {  	[tilespmem:v34+s22+$0x0] =	vst.idx.msk vm15, v2  }
0x302: {  	v34 =	vld [tilespmem:$0x840];
	_ =	sdelay $0x4  }
0x303: {  	v62 =	vand.u32 $0xFFFFFF00, v34  }
0x304: {  	v34 =	vshll.u32 v34, $0x7;
	vm4 =	veq.s32 v62, $0x100  }
0x305: {  	v34 =	vadd.s32 v14, v34;
	_ =	sdelay $0x4  }
0x306: {  	[tilespmem:v34+s22+$0x0] =	vst.idx.msk vm4, v2  }
0x307: {  	v34 =	vld [tilespmem:$0x850];
	_ =	sdelay $0x4  }
0x308: {  	v63 =	vand.u32 $0xFFFFFF00, v34  }
0x309: {  	v34 =	vshll.u32 v34, $0x7;
	vm5 =	veq.s32 v63, $0x100  }
0x30a: {  	v34 =	vadd.s32 v15, v34;
	_ =	sdelay $0x4  }
0x30b: {  	[tilespmem:v34+s22+$0x0] =	vst.idx.msk vm5, v2  }
0x30c: {  	v34 =	vld [tilespmem:$0x860];
	_ =	sdelay $0x4  }
0x30d: {  	v36 =	vand.u32 $0xFFFFFF00, v34  }
0x30e: {  	v34 =	vshll.u32 v34, $0x7;
	vm6 =	veq.s32 v36, $0x100  }
0x30f: {  	v34 =	vadd.s32 v16, v34;
	_ =	sdelay $0x4  }
0x310: {  	[tilespmem:v34+s22+$0x0] =	vst.idx.msk vm6, v2  }
0x311: {  	v34 =	vld [tilespmem:$0x870];
	_ =	sdelay $0x4  }
0x312: {  	v37 =	vand.u32 $0xFFFFFF00, v34  }
0x313: {  	v34 =	vshll.u32 v34, $0x7;
	vm7 =	veq.s32 v37, $0x100  }
0x314: {  	v34 =	vadd.s32 v17, v34;
	_ =	sdelay $0x4  }
0x315: {  	[tilespmem:v34+s22+$0x0] =	vst.idx.msk vm7, v2  }
0x316: {  	[hbm4b:s10+s20] =	stream.strided.scatter [tilespmem:s22], [sflag:$0x2], $0x8000, s21, s20, $0x38;
	[tilespmem:$0x11000] =	vst v63  }
0x317: {  	_ =	swait.ge [sflag:s23], $0x8000  }
0x318: {  	[sflag:s23] =	ssyncset.done $0x0  }
0x319: {  	[sflag:s23] =	ssyncadd.s32 $0xFFFF8000  }
0x31a: {  	v38 =	vld [tilespmem:$0x800];
	_ =	sdelay $0x4  }
0x31b: {  	vm8 =	vlt.u32 v38, $0x100;
	v34 =	vshll.u32 v38, $0x7  }
0x31c: {  	v34 =	vor.u32 v0, v34;
	_ =	sdelay $0x4  }
0x31d: {  	[tilespmem:v34+s19+$0x0] =	vst.idx.msk vm8, v1  }
0x31e: {  	v34 =	vld [tilespmem:$0x810];
	_ =	sdelay $0x4  }
0x31f: {  	vm9 =	vlt.u32 v34, $0x100;
	v34 =	vshll.u32 v34, $0x7  }
0x320: {  	v34 =	vor.u32 v3, v34;
	_ =	sdelay $0x4  }
0x321: {  	[tilespmem:v34+s19+$0x0] =	vst.idx.msk vm9, v1  }
0x322: {  	v34 =	vld [tilespmem:$0x820];
	_ =	sdelay $0x4  }
0x323: {  	vm10 =	vlt.u32 v34, $0x100;
	v34 =	vshll.u32 v34, $0x7  }
0x324: {  	v34 =	vor.u32 v4, v34;
	_ =	sdelay $0x4  }
0x325: {  	[tilespmem:v34+s19+$0x0] =	vst.idx.msk vm10, v1  }
0x326: {  	v34 =	vld [tilespmem:$0x830];
	_ =	sdelay $0x4  }
0x327: {  	vm11 =	vlt.u32 v34, $0x100;
	v34 =	vshll.u32 v34, $0x7  }
0x328: {  	v34 =	vor.u32 v5, v34;
	_ =	sdelay $0x4  }
0x329: {  	[tilespmem:v34+s19+$0x0] =	vst.idx.msk vm11, v1  }
0x32a: {  	v34 =	vld [tilespmem:$0x840];
	_ =	sdelay $0x4  }
0x32b: {  	vm12 =	vlt.u32 v34, $0x100;
	v34 =	vshll.u32 v34, $0x7  }
0x32c: {  	v34 =	vor.u32 v6, v34;
	_ =	sdelay $0x4  }
0x32d: {  	[tilespmem:v34+s19+$0x0] =	vst.idx.msk vm12, v1  }
0x32e: {  	v34 =	vld [tilespmem:$0x850];
	_ =	sdelay $0x4  }
0x32f: {  	vm13 =	vlt.u32 v34, $0x100;
	v34 =	vshll.u32 v34, $0x7  }
0x330: {  	v34 =	vor.u32 v7, v34;
	_ =	sdelay $0x4  }
0x331: {  	[tilespmem:v34+s19+$0x0] =	vst.idx.msk vm13, v1  }
0x332: {  	v34 =	vld [tilespmem:$0x860];
	_ =	sdelay $0x4  }
0x333: {  	vm14 =	vlt.u32 v34, $0x100;
	v34 =	vshll.u32 v34, $0x7  }
0x334: {  	v34 =	vor.u32 v8, v34;
	_ =	sdelay $0x4  }
0x335: {  	[tilespmem:v34+s19+$0x0] =	vst.idx.msk vm14, v1  }
0x336: {  	v34 =	vld [tilespmem:$0x870];
	_ =	sdelay $0x4  }
0x337: {  	vm15 =	vlt.u32 v34, $0x100;
	v34 =	vshll.u32 v34, $0x7  }
0x338: {  	v34 =	vor.u32 v9, v34;
	_ =	sdelay $0x4  }
0x339: {  	[tilespmem:v34+s19+$0x0] =	vst.idx.msk vm15, v1  }
0x33a: {  	v34 =	vld [tilespmem:$0x800];
	_ =	sdelay $0x4  }
0x33b: {  	v39 =	vand.u32 $0xFFFFFF00, v34  }
0x33c: {  	v34 =	vshll.u32 v34, $0x7;
	vm4 =	veq.s32 v39, $0x200  }
0x33d: {  	v34 =	vadd.s32 v18, v34;
	_ =	sdelay $0x4  }
0x33e: {  	[tilespmem:v34+s19+$0x0] =	vst.idx.msk vm4, v2  }
0x33f: {  	v34 =	vld [tilespmem:$0x810];
	_ =	sdelay $0x4  }
0x340: {  	v40 =	vand.u32 $0xFFFFFF00, v34  }
0x341: {  	v34 =	vshll.u32 v34, $0x7;
	vm5 =	veq.s32 v40, $0x200  }
0x342: {  	v34 =	vadd.s32 v19, v34;
	_ =	sdelay $0x4  }
0x343: {  	[tilespmem:v34+s19+$0x0] =	vst.idx.msk vm5, v2  }
0x344: {  	v34 =	vld [tilespmem:$0x820];
	_ =	sdelay $0x4  }
0x345: {  	v41 =	vand.u32 $0xFFFFFF00, v34  }
0x346: {  	v34 =	vshll.u32 v34, $0x7;
	vm6 =	veq.s32 v41, $0x200  }
0x347: {  	v34 =	vadd.s32 v20, v34;
	_ =	sdelay $0x4  }
0x348: {  	[tilespmem:v34+s19+$0x0] =	vst.idx.msk vm6, v2  }
0x349: {  	v34 =	vld [tilespmem:$0x830];
	_ =	sdelay $0x4  }
0x34a: {  	v42 =	vand.u32 $0xFFFFFF00, v34  }
0x34b: {  	v34 =	vshll.u32 v34, $0x7;
	vm7 =	veq.s32 v42, $0x200  }
0x34c: {  	v34 =	vadd.s32 v21, v34;
	_ =	sdelay $0x4  }
0x34d: {  	[tilespmem:v34+s19+$0x0] =	vst.idx.msk vm7, v2  }
0x34e: {  	v34 =	vld [tilespmem:$0x840];
	_ =	sdelay $0x4  }
0x34f: {  	v43 =	vand.u32 $0xFFFFFF00, v34  }
0x350: {  	v34 =	vshll.u32 v34, $0x7;
	vm8 =	veq.s32 v43, $0x200  }
0x351: {  	v34 =	vadd.s32 v22, v34;
	_ =	sdelay $0x4  }
0x352: {  	[tilespmem:v34+s19+$0x0] =	vst.idx.msk vm8, v2  }
0x353: {  	v34 =	vld [tilespmem:$0x850];
	_ =	sdelay $0x4  }
0x354: {  	v44 =	vand.u32 $0xFFFFFF00, v34  }
0x355: {  	v34 =	vshll.u32 v34, $0x7;
	vm9 =	veq.s32 v44, $0x200  }
0x356: {  	v34 =	vadd.s32 v23, v34;
	_ =	sdelay $0x4  }
0x357: {  	[tilespmem:v34+s19+$0x0] =	vst.idx.msk vm9, v2  }
0x358: {  	v34 =	vld [tilespmem:$0x860];
	_ =	sdelay $0x4  }
0x359: {  	v45 =	vand.u32 $0xFFFFFF00, v34  }
0x35a: {  	v34 =	vshll.u32 v34, $0x7;
	vm10 =	veq.s32 v45, $0x200  }
0x35b: {  	v34 =	vadd.s32 v24, v34;
	_ =	sdelay $0x4  }
0x35c: {  	[tilespmem:v34+s19+$0x0] =	vst.idx.msk vm10, v2  }
0x35d: {  	v34 =	vld [tilespmem:$0x870];
	_ =	sdelay $0x4  }
0x35e: {  	v46 =	vand.u32 $0xFFFFFF00, v34  }
0x35f: {  	v34 =	vshll.u32 v34, $0x7;
	vm11 =	veq.s32 v46, $0x200  }
0x360: {  	v34 =	vadd.s32 v25, v34;
	_ =	sdelay $0x4  }
0x361: {  	[tilespmem:v34+s19+$0x0] =	vst.idx.msk vm11, v2  }
0x362: {  	[hbm4b:s11+s20] =	stream.strided.scatter [tilespmem:s19], [sflag:$0x1], $0x8000, s21, s20, $0x38;
	[tilespmem:$0x11000] =	vst v63  }
0x363: {  	_ =	swait.ge [sflag:s24], $0x8000  }
0x364: {  	[sflag:s24] =	ssyncset.done $0x0  }
0x365: {  	[sflag:s24] =	ssyncadd.s32 $0xFFFF8000  }
0x366: {  	v47 =	vld [tilespmem:$0x800];
	_ =	sdelay $0x4  }
0x367: {  	v48 =	vand.u32 $0xFFFFFF00, v47  }
0x368: {  	v34 =	vshll.u32 v47, $0x7;
	vm12 =	veq.s32 v48, $0x100  }
0x369: {  	v34 =	vadd.s32 v10, v34;
	_ =	sdelay $0x4  }
0x36a: {  	[tilespmem:v34+s22+$0x0] =	vst.idx.msk vm12, v1  }
0x36b: {  	v34 =	vld [tilespmem:$0x810];
	_ =	sdelay $0x4  }
0x36c: {  	v49 =	vand.u32 $0xFFFFFF00, v34  }
0x36d: {  	v34 =	vshll.u32 v34, $0x7;
	vm13 =	veq.s32 v49, $0x100  }
0x36e: {  	v34 =	vadd.s32 v11, v34;
	_ =	sdelay $0x4  }
0x36f: {  	[tilespmem:v34+s22+$0x0] =	vst.idx.msk vm13, v1  }
0x370: {  	v34 =	vld [tilespmem:$0x820];
	_ =	sdelay $0x4  }
0x371: {  	v50 =	vand.u32 $0xFFFFFF00, v34  }
0x372: {  	v34 =	vshll.u32 v34, $0x7;
	vm14 =	veq.s32 v50, $0x100  }
0x373: {  	v34 =	vadd.s32 v12, v34;
	_ =	sdelay $0x4  }
0x374: {  	[tilespmem:v34+s22+$0x0] =	vst.idx.msk vm14, v1  }
0x375: {  	v34 =	vld [tilespmem:$0x830];
	_ =	sdelay $0x4  }
0x376: {  	v51 =	vand.u32 $0xFFFFFF00, v34  }
0x377: {  	v34 =	vshll.u32 v34, $0x7;
	vm15 =	veq.s32 v51, $0x100  }
0x378: {  	v34 =	vadd.s32 v13, v34;
	_ =	sdelay $0x4  }
0x379: {  	[tilespmem:v34+s22+$0x0] =	vst.idx.msk vm15, v1  }
0x37a: {  	v34 =	vld [tilespmem:$0x840];
	_ =	sdelay $0x4  }
0x37b: {  	v52 =	vand.u32 $0xFFFFFF00, v34  }
0x37c: {  	v34 =	vshll.u32 v34, $0x7;
	vm4 =	veq.s32 v52, $0x100  }
0x37d: {  	v34 =	vadd.s32 v14, v34;
	_ =	sdelay $0x4  }
0x37e: {  	[tilespmem:v34+s22+$0x0] =	vst.idx.msk vm4, v1  }
0x37f: {  	v34 =	vld [tilespmem:$0x850];
	_ =	sdelay $0x4  }
0x380: {  	v53 =	vand.u32 $0xFFFFFF00, v34  }
0x381: {  	v34 =	vshll.u32 v34, $0x7;
	vm5 =	veq.s32 v53, $0x100  }
0x382: {  	v34 =	vadd.s32 v15, v34;
	_ =	sdelay $0x4  }
0x383: {  	[tilespmem:v34+s22+$0x0] =	vst.idx.msk vm5, v1  }
0x384: {  	v34 =	vld [tilespmem:$0x860];
	_ =	sdelay $0x4  }
0x385: {  	v54 =	vand.u32 $0xFFFFFF00, v34  }
0x386: {  	v34 =	vshll.u32 v34, $0x7;
	vm6 =	veq.s32 v54, $0x100  }
0x387: {  	v34 =	vadd.s32 v16, v34;
	_ =	sdelay $0x4  }
0x388: {  	[tilespmem:v34+s22+$0x0] =	vst.idx.msk vm6, v1  }
0x389: {  	v34 =	vld [tilespmem:$0x870];
	_ =	sdelay $0x4  }
0x38a: {  	v55 =	vand.u32 $0xFFFFFF00, v34  }
0x38b: {  	v34 =	vshll.u32 v34, $0x7;
	vm7 =	veq.s32 v55, $0x100  }
0x38c: {  	v34 =	vadd.s32 v17, v34;
	_ =	sdelay $0x4  }
0x38d: {  	[tilespmem:v34+s22+$0x0] =	vst.idx.msk vm7, v1  }
0x38e: {  	v34 =	vld [tilespmem:$0x800];
	_ =	sdelay $0x4  }
0x38f: {  	v56 =	vadd.s32 $0xFFFFFD00, v34  }
0x390: {  	v34 =	vshll.u32 v34, $0x7;
	vm8 =	vlt.u32 v56, $0x101  }
0x391: {  	v34 =	vadd.s32 v26, v34;
	_ =	sdelay $0x4  }
0x392: {  	[tilespmem:v34+s22+$0x0] =	vst.idx.msk vm8, v2  }
0x393: {  	v34 =	vld [tilespmem:$0x810];
	_ =	sdelay $0x4  }
0x394: {  	v57 =	vadd.s32 $0xFFFFFD00, v34  }
0x395: {  	v34 =	vshll.u32 v34, $0x7;
	vm9 =	vlt.u32 v57, $0x101  }
0x396: {  	v34 =	vadd.s32 v27, v34;
	_ =	sdelay $0x4  }
0x397: {  	[tilespmem:v34+s22+$0x0] =	vst.idx.msk vm9, v2  }
0x398: {  	v34 =	vld [tilespmem:$0x820];
	_ =	sdelay $0x4  }
0x399: {  	v58 =	vadd.s32 $0xFFFFFD00, v34  }
0x39a: {  	v34 =	vshll.u32 v34, $0x7;
	vm10 =	vlt.u32 v58, $0x101  }
0x39b: {  	v34 =	vadd.s32 v28, v34;
	_ =	sdelay $0x4  }
0x39c: {  	[tilespmem:v34+s22+$0x0] =	vst.idx.msk vm10, v2  }
0x39d: {  	v34 =	vld [tilespmem:$0x830];
	_ =	sdelay $0x4  }
0x39e: {  	v59 =	vadd.s32 $0xFFFFFD00, v34  }
0x39f: {  	v34 =	vshll.u32 v34, $0x7;
	vm11 =	vlt.u32 v59, $0x101  }
0x3a0: {  	v34 =	vadd.s32 v29, v34;
	_ =	sdelay $0x4  }
0x3a1: {  	[tilespmem:v34+s22+$0x0] =	vst.idx.msk vm11, v2  }
0x3a2: {  	v34 =	vld [tilespmem:$0x840];
	_ =	sdelay $0x4  }
0x3a3: {  	v60 =	vadd.s32 $0xFFFFFD00, v34  }
0x3a4: {  	v34 =	vshll.u32 v34, $0x7;
	vm12 =	vlt.u32 v60, $0x101  }
0x3a5: {  	v34 =	vadd.s32 v30, v34;
	_ =	sdelay $0x4  }
0x3a6: {  	[tilespmem:v34+s22+$0x0] =	vst.idx.msk vm12, v2  }
0x3a7: {  	v34 =	vld [tilespmem:$0x850];
	_ =	sdelay $0x4  }
0x3a8: {  	v61 =	vadd.s32 $0xFFFFFD00, v34  }
0x3a9: {  	v34 =	vshll.u32 v34, $0x7;
	vm13 =	vlt.u32 v61, $0x101  }
0x3aa: {  	v34 =	vadd.s32 v31, v34;
	_ =	sdelay $0x4  }
0x3ab: {  	[tilespmem:v34+s22+$0x0] =	vst.idx.msk vm13, v2  }
0x3ac: {  	v34 =	vld [tilespmem:$0x860];
	_ =	sdelay $0x4  }
0x3ad: {  	v62 =	vadd.s32 $0xFFFFFD00, v34  }
0x3ae: {  	v34 =	vshll.u32 v34, $0x7;
	vm14 =	vlt.u32 v62, $0x101  }
0x3af: {  	v34 =	vadd.s32 v32, v34;
	_ =	sdelay $0x4  }
0x3b0: {  	[tilespmem:v34+s22+$0x0] =	vst.idx.msk vm14, v2  }
0x3b1: {  	v34 =	vld [tilespmem:$0x870];
	_ =	sdelay $0x4  }
0x3b2: {  	v63 =	vadd.s32 $0xFFFFFD00, v34  }
0x3b3: {  	v34 =	vshll.u32 v34, $0x7;
	vm15 =	vlt.u32 v63, $0x101  }
0x3b4: {  	v34 =	vadd.s32 v33, v34;
	_ =	sdelay $0x3  }
.Ltmp6:
0x3b5: {  	_ = 	snop;
	(pc) =	sbr.rel .LBB2_9-.Ltmp6, $4  }
0x3b6: {  	[tilespmem:v34+s22+$0x0] =	vst.idx.msk vm15, v2  }
0x3b7: {  	[hbm4b:s12+s20] =	stream.strided.scatter [tilespmem:s22], [sflag:$0x2], $0x8000, s21, s20, $0x38;
	[tilespmem:$0x11000] =	vst v63  }
0x3b8: {  	s28 =	sadd.s32 $0x201000, s12  }
0x3b9: {  	[hbm4b:s28+s2] =	stream.linear.scatter [tilespmem:s25], [sflag:$0x2], $0x80, $0x38;
	[tilespmem:$0x11000] =	vst v63  }
.LBB2_10:
0x3ba: {  	_ =	sfence.sel $0x180000  }
0x3bb: {  	[bflag:$0x0] =	sbarrier.arrive $0xFFFF  }
0x3bc: {  	p0 =	sne.s32 s1, $0x0;
	_ =	strace $0x90000047  }
0x3bd: {  	s0 =	sadd.s32 @!p0 $0x100000, s0;
	[bflag:$0x2] =	sbarrier.arrive $0xFFFF  }
0x3be: {  	[sflag:s0] =	ssyncadd.tile.s32 @!p0 $0x1;
	_ =	shalt  }
.Lfunc_end2:
_tile_overlayer_lowered:
.L_overlay_start_2:
0x3bf: {  	(tag) =	ssettag $0x2  }
0x3c0: {  	s0 =	rddreg [dreg:$0x0];
	s2 =	stileid.u32  }
0x3c1: {  	s1 =	rddreg [dreg:$0x1];
	p0 =	sne.s32 s2, $0x0  }
0x3c2: {  	s3 =	rddreg [dreg:$0x2];
	[bflag:$0x3] =	sbarrier.arrive $0xFFFF;
	s2 =	simm.s32 @!p0 $0x1C03  }
0x3c3: {  	[timem:s3], [sflag:s2] =	dma.local @!p0 [hbm:s0], s1  }
0x3c4: {  	s0 =	simm.s32 @!p0 $0x3  }
0x3c5: {  	_ =	swait.ge @!p0 [sflag:s0], s1  }
0x3c6: {  	s1 =	ssub.s32 @!p0 $0x0, s1;
	[sflag:s0] =	ssyncset.done @!p0 $0x0  }
0x3c7: {  	[sflag:s0] =	ssyncadd.s32 @!p0 s1  }
0x3c8: {  	[bflag:$0x3] =	sbarrier.arrive $0xFFFF  }
0x3c9: {  	_ =	shalt  }

</sc_bundles>
